<compile_context>
chip_gen: v7x
topology: tpu7x:2x2x1
jax: 0.10.2.dev20260603
libtpu: 0.0.44.dev20260713+nightly
codegen_flags: <defaults>
</compile_context>

<pallas_src>
import functools

import jax
import jax.numpy as jnp
from jax import lax
from jax.experimental import pallas as pl
from jax.experimental.pallas import tpu as pltpu
from jax.experimental.pallas import tpu_sc as plsc

BATCH = 16
SEQ = 2048
FEAT = 256
TOTAL = BATCH * SEQ * FEAT
NNZ = 1000000

NW = 32
WR = TOTAL // NW
ZBUF = 32768
W = 2048
ROWS = W // 128
LANES = 16
NP = 490 * W


def _scatter_body(flat_hbm, vals_hbm, woffs_hbm, out_hbm,
                  zbuf, idxbuf, valbuf, sidx, offrow):
    cid = lax.axis_index("c")
    sid = lax.axis_index("s")
    wid = sid * 2 + cid
    wbase = wid * WR
    wend = wbase + WR

    pltpu.sync_copy(woffs_hbm.at[wid], offrow)
    ov = offrow[...]
    lo = ov[0]
    hi = ov[1]

    zeros16 = jnp.zeros((LANES,), jnp.float32)

    def zb(t, c):
        zbuf[pl.ds(t * LANES, LANES)] = zeros16
        return c
    lax.fori_loop(0, ZBUF // LANES, zb, 0, unroll=8)

    for b in range(WR // ZBUF):
        pltpu.sync_copy(
            zbuf,
            out_hbm.at[pl.ds(pl.multiple_of(wbase + b * ZBUF, ZBUF), ZBUF)])

    lo_al = jnp.bitwise_and(lo, -W)
    nwin = (hi - lo_al + (W - 1)) // W

    def wbody(w, c):
        start = pl.multiple_of(lo_al + w * W, W)
        pltpu.sync_copy(flat_hbm.at[pl.ds(start, W)], idxbuf)
        pltpu.sync_copy(vals_hbm.at[pl.ds(start, W)], valbuf)
        for t in range(W // LANES):
            fv = idxbuf[pl.ds(t * LANES, LANES)]
            keep = (fv >= wbase) & (fv < wend)
            sidx[pl.ds(t * LANES, LANES)] = jnp.where(keep, fv, TOTAL)
        pltpu.sync_copy(valbuf, out_hbm.at[sidx])
        return c
    lax.fori_loop(0, nwin, wbody, 0)


@jax.jit
def _to_dense(flat2, vals2, woffs):
    mesh = plsc.VectorSubcoreMesh(core_axis_name="c", subcore_axis_name="s")
    f = functools.partial(
        pl.kernel,
        mesh=mesh,
        out_type=jax.ShapeDtypeStruct((TOTAL + 128,), jnp.float32),
        scratch_types=[
            pltpu.VMEM((ZBUF,), jnp.float32),
            pltpu.VMEM((W,), jnp.int32),
            pltpu.VMEM((W,), jnp.float32),
            pltpu.VMEM((W,), jnp.int32),
            pltpu.VMEM((LANES,), jnp.int32),
        ],
    )(_scatter_body)
    return f(flat2, vals2, woffs)


def kernel(indices, values):
    idx32 = indices.astype(jnp.int32)
    flat = (idx32[:, 0] * SEQ + idx32[:, 1]) * FEAT + idx32[:, 2]
    bounds = jnp.arange(NW + 1, dtype=jnp.int32) * WR
    offs = jnp.searchsorted(flat, bounds, side="left").astype(jnp.int32)
    woffs = jnp.zeros((NW, LANES), jnp.int32)
    woffs = woffs.at[:, 0].set(offs[:-1]).at[:, 1].set(offs[1:])
    flat_p = jnp.concatenate([flat, jnp.full((NP - NNZ,), TOTAL, jnp.int32)])
    vals_p = jnp.concatenate([values, jnp.zeros((NP - NNZ,), jnp.float32)])
    out = _to_dense(flat_p, vals_p, woffs)
    return out[:TOTAL].reshape(BATCH, SEQ, FEAT)

# --- scband reference (transcript-rebuilt; emitter-appended) ---
"""Pipeline reference for scband-to-dense-layer-11879879541446 (READ-ONLY COPY).

The authoritative reference and input builder live on the scoring server;
editing this copy changes nothing except your own understanding.
"""

import jax, jax.numpy as jnp
import numpy as np

BATCH = 16
SEQ = 2048
OUT_SHAPE = 256
NNZ = 1000000


def setup_inputs(seed: int = 0) -> dict:
    # Build a valid SparseTensor representation: unique 3-D indices + float values.
    rng = np.random.default_rng(0)
    total = BATCH * SEQ * OUT_SHAPE
    flat = rng.choice(total, size=NNZ, replace=False)
    flat = np.sort(flat)  # tf.sparse requires lexicographically ordered indices
    i0, i1, i2 = np.unravel_index(flat, (BATCH, SEQ, OUT_SHAPE))
    indices = jnp.asarray(np.stack([i0, i1, i2], axis=1).astype(np.int64))
    key = jax.random.key(seed)
    values = jax.random.normal(key, (NNZ,), dtype=jnp.float32)
    return {"indices": indices, "values": values}


def reference(indices, values):
    # Faithful translation of tf.sparse.to_dense followed by
    # tf.ensure_shape(dense, [None, None, OUT_SHAPE]).
    dense = jnp.zeros((BATCH, SEQ, OUT_SHAPE), dtype=values.dtype)
    dense = dense.at[indices[:, 0], indices[:, 1], indices[:, 2]].set(values)
    # ensure_shape is a static-shape assertion; shapes are static in jax.
    assert dense.shape[-1] == OUT_SHAPE
    return dense

if __name__ == "__main__":
    import jax
    _d = setup_inputs()
    print(jax.jit(kernel)(*tuple(_d.values())))

</pallas_src>

<mosaic_0001>
#map = affine_map<(d0, d1) -> (0)>
#map1 = affine_map<(d0, d1) -> (0, 0)>
module attributes {stable_mosaic.version = 14 : i64} {
  func.func @_scatter_body(%arg0: i32, %arg1: i32, %arg2: memref<1003520xi32, #tpu.memory_space<hbm>>, %arg3: memref<1003520xf32, #tpu.memory_space<hbm>>, %arg4: memref<32x16xi32, #tpu.memory_space<hbm>>, %arg5: memref<8388736xf32, #tpu.memory_space<hbm>>, %arg6: memref<32768xf32, #tpu.memory_space<vmem>>, %arg7: memref<2048xi32, #tpu.memory_space<vmem>>, %arg8: memref<2048xf32, #tpu.memory_space<vmem>>, %arg9: memref<2048xi32, #tpu.memory_space<vmem>>, %arg10: memref<16xi32, #tpu.memory_space<vmem>>) attributes {dimension_semantics = [#tpu.dimension_semantics<core_parallel>, #tpu.dimension_semantics<subcore_parallel>], iteration_bounds = array<i64: 2, 16>, scalar_prefetch = 0 : i64, scratch_operands = 5 : i64, tpu.core_type = #tpu.core_type<sc_vector_subcore>, window_params = [{transform_indices = #map}, {transform_indices = #map}, {transform_indices = #map1}, {transform_indices = #map}]} {
    %mul3A = arith.constant 2 : i32
    %mul3A_0 = arith.muli %arg1, %mul3A : i32
    %add3A = arith.addi %mul3A_0, %arg0 : i32
    %mul3A_1 = arith.constant 262144 : i32
    %mul3A_2 = arith.muli %add3A, %mul3A_1 : i32
    %add3A_3 = arith.constant 262144 : i32
    %add3A_4 = arith.addi %mul3A_2, %add3A_3 : i32
    "tpu.region"() ({
      %run_scoped3A = tpu.sem_alloc : memref<!tpu.dma_semaphore, #tpu.memory_space<semaphore_mem>>
      %dma_start3A = arith.constant 0 : i32
      %dma_start3A_68 = tpu.memref_slice %arg4[%add3A, %dma_start3A] : memref<32x16xi32, #tpu.memory_space<hbm>> -> memref<1x16xi32, #tpu.memory_space<hbm>>
      %dma_start3A_69 = tpu.memref_squeeze %dma_start3A_68 : memref<1x16xi32, #tpu.memory_space<hbm>> -> memref<16xi32, #tpu.memory_space<hbm>>
      %dma_start3A_70 = arith.constant 0 : i32
      %dma_start3A_71 = tpu.memref_slice %arg4[%add3A, %dma_start3A_70] : memref<32x16xi32, #tpu.memory_space<hbm>> -> memref<1x16xi32, #tpu.memory_space<hbm>>
      %dma_start3A_72 = tpu.memref_squeeze %dma_start3A_71 : memref<1x16xi32, #tpu.memory_space<hbm>> -> memref<16xi32, #tpu.memory_space<hbm>>
      tpu.enqueue_dma source(%dma_start3A_72 : memref<16xi32, #tpu.memory_space<hbm>>) target(%arg10 : memref<16xi32, #tpu.memory_space<vmem>>) target_semaphore(%run_scoped3A : memref<!tpu.dma_semaphore, #tpu.memory_space<semaphore_mem>>)
      %dma_wait3A = arith.constant 0 : i32
      %dma_wait3A_73 = tpu.memref_slice %arg4[%add3A, %dma_wait3A] : memref<32x16xi32, #tpu.memory_space<hbm>> -> memref<1x16xi32, #tpu.memory_space<hbm>>
      %dma_wait3A_74 = tpu.memref_squeeze %dma_wait3A_73 : memref<1x16xi32, #tpu.memory_space<hbm>> -> memref<16xi32, #tpu.memory_space<hbm>>
      %dma_wait3A_75 = arith.constant 0 : i32
      %dma_wait3A_76 = tpu.memref_slice %arg4[%add3A, %dma_wait3A_75] : memref<32x16xi32, #tpu.memory_space<hbm>> -> memref<1x16xi32, #tpu.memory_space<hbm>>
      %dma_wait3A_77 = tpu.memref_squeeze %dma_wait3A_76 : memref<1x16xi32, #tpu.memory_space<hbm>> -> memref<16xi32, #tpu.memory_space<hbm>>
      tpu.wait_dma2 semaphore(%run_scoped3A : memref<!tpu.dma_semaphore, #tpu.memory_space<semaphore_mem>>) src(%dma_wait3A_77 : memref<16xi32, #tpu.memory_space<hbm>>) dst(%arg10 : memref<16xi32, #tpu.memory_space<vmem>>)
      tpu.yield
    }) : () -> ()
    %get3A = arith.constant 0 : index
    %get3A_5 = tpu.vector_load %arg10[%get3A] {strides = array<i32>} : memref<16xi32, #tpu.memory_space<vmem>>, vector<16xi32>,
    %get3A_6 = vector.shape_cast %get3A_5 : vector<16xi32> to vector<16xi32>
    %slice3A = vector.extract_strided_slice %get3A_6 {offsets = [0], sizes = [1], strides = [1]} : vector<16xi32> to vector<1xi32>
    %squeeze3A = vector.extract %slice3A[0] : i32 from vector<1xi32>
    %slice3A_7 = vector.extract_strided_slice %get3A_6 {offsets = [1], sizes = [1], strides = [1]} : vector<16xi32> to vector<1xi32>
    %squeeze3A_8 = vector.extract %slice3A_7[0] : i32 from vector<1xi32>
    %broadcast_in_dim3A = arith.constant 0.000000e+00 : f32
    %broadcast_in_dim3A_9 = vector.broadcast %broadcast_in_dim3A : f32 to vector<16xf32>
    %scan3A = arith.constant 0 : i32
    %scan3A_10 = arith.constant 0 : i32
    %scan3A_11 = arith.constant 2048 : i32
    %scan3A_12 = arith.addi %scan3A_10, %scan3A_11 : i32
    %scan3A_13 = arith.constant 8 : i32
    scf.for %scan3A_68 = %scan3A_10 to %scan3A_12 step %scan3A_13  : i32 {
      %mul3A_69 = arith.constant 16 : i32
      %mul3A_70 = arith.muli %scan3A_68, %mul3A_69 : i32
      %swap3A = arith.index_cast %mul3A_70 : i32 to index
      %swap3A_71 = tpu.vector_load %arg6[%swap3A] {strides = array<i32>} : memref<32768xf32, #tpu.memory_space<vmem>>, vector<16xf32>,
      %swap3A_72 = vector.shape_cast %swap3A_71 : vector<16xf32> to vector<16xf32>
      %swap3A_73 = vector.shape_cast %broadcast_in_dim3A_9 : vector<16xf32> to vector<16xf32>
      tpu.vector_store %arg6[%swap3A], %swap3A_73 {strides = array<i32>} : memref<32768xf32, #tpu.memory_space<vmem>>, vector<16xf32>,
      %scan3A_74 = arith.constant 1 : i32
      %scan3A_75 = arith.addi %scan3A_68, %scan3A_74 : i32
      %mul3A_76 = arith.constant 16 : i32
      %mul3A_77 = arith.muli %scan3A_75, %mul3A_76 : i32
      %swap3A_78 = arith.index_cast %mul3A_77 : i32 to index
      %swap3A_79 = tpu.vector_load %arg6[%swap3A_78] {strides = array<i32>} : memref<32768xf32, #tpu.memory_space<vmem>>, vector<16xf32>,
      %swap3A_80 = vector.shape_cast %swap3A_79 : vector<16xf32> to vector<16xf32>
      %swap3A_81 = vector.shape_cast %broadcast_in_dim3A_9 : vector<16xf32> to vector<16xf32>
      tpu.vector_store %arg6[%swap3A_78], %swap3A_81 {strides = array<i32>} : memref<32768xf32, #tpu.memory_space<vmem>>, vector<16xf32>,
      %scan3A_82 = arith.constant 2 : i32
      %scan3A_83 = arith.addi %scan3A_68, %scan3A_82 : i32
      %mul3A_84 = arith.constant 16 : i32
      %mul3A_85 = arith.muli %scan3A_83, %mul3A_84 : i32
      %swap3A_86 = arith.index_cast %mul3A_85 : i32 to index
      %swap3A_87 = tpu.vector_load %arg6[%swap3A_86] {strides = array<i32>} : memref<32768xf32, #tpu.memory_space<vmem>>, vector<16xf32>,
      %swap3A_88 = vector.shape_cast %swap3A_87 : vector<16xf32> to vector<16xf32>
      %swap3A_89 = vector.shape_cast %broadcast_in_dim3A_9 : vector<16xf32> to vector<16xf32>
      tpu.vector_store %arg6[%swap3A_86], %swap3A_89 {strides = array<i32>} : memref<32768xf32, #tpu.memory_space<vmem>>, vector<16xf32>,
      %scan3A_90 = arith.constant 3 : i32
      %scan3A_91 = arith.addi %scan3A_68, %scan3A_90 : i32
      %mul3A_92 = arith.constant 16 : i32
      %mul3A_93 = arith.muli %scan3A_91, %mul3A_92 : i32
      %swap3A_94 = arith.index_cast %mul3A_93 : i32 to index
      %swap3A_95 = tpu.vector_load %arg6[%swap3A_94] {strides = array<i32>} : memref<32768xf32, #tpu.memory_space<vmem>>, vector<16xf32>,
      %swap3A_96 = vector.shape_cast %swap3A_95 : vector<16xf32> to vector<16xf32>
      %swap3A_97 = vector.shape_cast %broadcast_in_dim3A_9 : vector<16xf32> to vector<16xf32>
      tpu.vector_store %arg6[%swap3A_94], %swap3A_97 {strides = array<i32>} : memref<32768xf32, #tpu.memory_space<vmem>>, vector<16xf32>,
      %scan3A_98 = arith.constant 4 : i32
      %scan3A_99 = arith.addi %scan3A_68, %scan3A_98 : i32
      %mul3A_100 = arith.constant 16 : i32
      %mul3A_101 = arith.muli %scan3A_99, %mul3A_100 : i32
      %swap3A_102 = arith.index_cast %mul3A_101 : i32 to index
      %swap3A_103 = tpu.vector_load %arg6[%swap3A_102] {strides = array<i32>} : memref<32768xf32, #tpu.memory_space<vmem>>, vector<16xf32>,
      %swap3A_104 = vector.shape_cast %swap3A_103 : vector<16xf32> to vector<16xf32>
      %swap3A_105 = vector.shape_cast %broadcast_in_dim3A_9 : vector<16xf32> to vector<16xf32>
      tpu.vector_store %arg6[%swap3A_102], %swap3A_105 {strides = array<i32>} : memref<32768xf32, #tpu.memory_space<vmem>>, vector<16xf32>,
      %scan3A_106 = arith.constant 5 : i32
      %scan3A_107 = arith.addi %scan3A_68, %scan3A_106 : i32
      %mul3A_108 = arith.constant 16 : i32
      %mul3A_109 = arith.muli %scan3A_107, %mul3A_108 : i32
      %swap3A_110 = arith.index_cast %mul3A_109 : i32 to index
      %swap3A_111 = tpu.vector_load %arg6[%swap3A_110] {strides = array<i32>} : memref<32768xf32, #tpu.memory_space<vmem>>, vector<16xf32>,
      %swap3A_112 = vector.shape_cast %swap3A_111 : vector<16xf32> to vector<16xf32>
      %swap3A_113 = vector.shape_cast %broadcast_in_dim3A_9 : vector<16xf32> to vector<16xf32>
      tpu.vector_store %arg6[%swap3A_110], %swap3A_113 {strides = array<i32>} : memref<32768xf32, #tpu.memory_space<vmem>>, vector<16xf32>,
      %scan3A_114 = arith.constant 6 : i32
      %scan3A_115 = arith.addi %scan3A_68, %scan3A_114 : i32
      %mul3A_116 = arith.constant 16 : i32
      %mul3A_117 = arith.muli %scan3A_115, %mul3A_116 : i32
      %swap3A_118 = arith.index_cast %mul3A_117 : i32 to index
      %swap3A_119 = tpu.vector_load %arg6[%swap3A_118] {strides = array<i32>} : memref<32768xf32, #tpu.memory_space<vmem>>, vector<16xf32>,
      %swap3A_120 = vector.shape_cast %swap3A_119 : vector<16xf32> to vector<16xf32>
      %swap3A_121 = vector.shape_cast %broadcast_in_dim3A_9 : vector<16xf32> to vector<16xf32>
      tpu.vector_store %arg6[%swap3A_118], %swap3A_121 {strides = array<i32>} : memref<32768xf32, #tpu.memory_space<vmem>>, vector<16xf32>,
      %scan3A_122 = arith.constant 7 : i32
      %scan3A_123 = arith.addi %scan3A_68, %scan3A_122 : i32
      %mul3A_124 = arith.constant 16 : i32
      %mul3A_125 = arith.muli %scan3A_123, %mul3A_124 : i32
      %swap3A_126 = arith.index_cast %mul3A_125 : i32 to index
      %swap3A_127 = tpu.vector_load %arg6[%swap3A_126] {strides = array<i32>} : memref<32768xf32, #tpu.memory_space<vmem>>, vector<16xf32>,
      %swap3A_128 = vector.shape_cast %swap3A_127 : vector<16xf32> to vector<16xf32>
      %swap3A_129 = vector.shape_cast %broadcast_in_dim3A_9 : vector<16xf32> to vector<16xf32>
      tpu.vector_store %arg6[%swap3A_126], %swap3A_129 {strides = array<i32>} : memref<32768xf32, #tpu.memory_space<vmem>>, vector<16xf32>,
    }
    %scan3A_14 = arith.constant 2048 : i32
    %add3A_15 = arith.constant 0 : i32
    %add3A_16 = arith.addi %mul3A_2, %add3A_15 : i32
    %multiple_of3A = tpu.assume_multiple %add3A_16, 32768 : i32
    "tpu.region"() ({
      %run_scoped3A = tpu.sem_alloc : memref<!tpu.dma_semaphore, #tpu.memory_space<semaphore_mem>>
      %dma_start3A = tpu.memref_slice %arg5[%multiple_of3A] : memref<8388736xf32, #tpu.memory_space<hbm>> -> memref<32768xf32, #tpu.memory_space<hbm>>
      %dma_start3A_68 = tpu.memref_slice %arg5[%multiple_of3A] : memref<8388736xf32, #tpu.memory_space<hbm>> -> memref<32768xf32, #tpu.memory_space<hbm>>
      tpu.enqueue_dma source(%arg6 : memref<32768xf32, #tpu.memory_space<vmem>>) target(%dma_start3A_68 : memref<32768xf32, #tpu.memory_space<hbm>>) target_semaphore(%run_scoped3A : memref<!tpu.dma_semaphore, #tpu.memory_space<semaphore_mem>>)
      %dma_wait3A = tpu.memref_slice %arg5[%multiple_of3A] : memref<8388736xf32, #tpu.memory_space<hbm>> -> memref<32768xf32, #tpu.memory_space<hbm>>
      %dma_wait3A_69 = tpu.memref_slice %arg5[%multiple_of3A] : memref<8388736xf32, #tpu.memory_space<hbm>> -> memref<32768xf32, #tpu.memory_space<hbm>>
      tpu.wait_dma2 semaphore(%run_scoped3A : memref<!tpu.dma_semaphore, #tpu.memory_space<semaphore_mem>>) src(%arg6 : memref<32768xf32, #tpu.memory_space<vmem>>) dst(%dma_wait3A_69 : memref<32768xf32, #tpu.memory_space<hbm>>)
      tpu.yield
    }) : () -> ()
    %add3A_17 = arith.constant 32768 : i32
    %add3A_18 = arith.addi %mul3A_2, %add3A_17 : i32
    %multiple_of3A_19 = tpu.assume_multiple %add3A_18, 32768 : i32
    "tpu.region"() ({
      %run_scoped3A = tpu.sem_alloc : memref<!tpu.dma_semaphore, #tpu.memory_space<semaphore_mem>>
      %dma_start3A = tpu.memref_slice %arg5[%multiple_of3A_19] : memref<8388736xf32, #tpu.memory_space<hbm>> -> memref<32768xf32, #tpu.memory_space<hbm>>
      %dma_start3A_68 = tpu.memref_slice %arg5[%multiple_of3A_19] : memref<8388736xf32, #tpu.memory_space<hbm>> -> memref<32768xf32, #tpu.memory_space<hbm>>
      tpu.enqueue_dma source(%arg6 : memref<32768xf32, #tpu.memory_space<vmem>>) target(%dma_start3A_68 : memref<32768xf32, #tpu.memory_space<hbm>>) target_semaphore(%run_scoped3A : memref<!tpu.dma_semaphore, #tpu.memory_space<semaphore_mem>>)
      %dma_wait3A = tpu.memref_slice %arg5[%multiple_of3A_19] : memref<8388736xf32, #tpu.memory_space<hbm>> -> memref<32768xf32, #tpu.memory_space<hbm>>
      %dma_wait3A_69 = tpu.memref_slice %arg5[%multiple_of3A_19] : memref<8388736xf32, #tpu.memory_space<hbm>> -> memref<32768xf32, #tpu.memory_space<hbm>>
      tpu.wait_dma2 semaphore(%run_scoped3A : memref<!tpu.dma_semaphore, #tpu.memory_space<semaphore_mem>>) src(%arg6 : memref<32768xf32, #tpu.memory_space<vmem>>) dst(%dma_wait3A_69 : memref<32768xf32, #tpu.memory_space<hbm>>)
      tpu.yield
    }) : () -> ()
    %add3A_20 = arith.constant 65536 : i32
    %add3A_21 = arith.addi %mul3A_2, %add3A_20 : i32
    %multiple_of3A_22 = tpu.assume_multiple %add3A_21, 32768 : i32
    "tpu.region"() ({
      %run_scoped3A = tpu.sem_alloc : memref<!tpu.dma_semaphore, #tpu.memory_space<semaphore_mem>>
      %dma_start3A = tpu.memref_slice %arg5[%multiple_of3A_22] : memref<8388736xf32, #tpu.memory_space<hbm>> -> memref<32768xf32, #tpu.memory_space<hbm>>
      %dma_start3A_68 = tpu.memref_slice %arg5[%multiple_of3A_22] : memref<8388736xf32, #tpu.memory_space<hbm>> -> memref<32768xf32, #tpu.memory_space<hbm>>
      tpu.enqueue_dma source(%arg6 : memref<32768xf32, #tpu.memory_space<vmem>>) target(%dma_start3A_68 : memref<32768xf32, #tpu.memory_space<hbm>>) target_semaphore(%run_scoped3A : memref<!tpu.dma_semaphore, #tpu.memory_space<semaphore_mem>>)
      %dma_wait3A = tpu.memref_slice %arg5[%multiple_of3A_22] : memref<8388736xf32, #tpu.memory_space<hbm>> -> memref<32768xf32, #tpu.memory_space<hbm>>
      %dma_wait3A_69 = tpu.memref_slice %arg5[%multiple_of3A_22] : memref<8388736xf32, #tpu.memory_space<hbm>> -> memref<32768xf32, #tpu.memory_space<hbm>>
      tpu.wait_dma2 semaphore(%run_scoped3A : memref<!tpu.dma_semaphore, #tpu.memory_space<semaphore_mem>>) src(%arg6 : memref<32768xf32, #tpu.memory_space<vmem>>) dst(%dma_wait3A_69 : memref<32768xf32, #tpu.memory_space<hbm>>)
      tpu.yield
    }) : () -> ()
    %add3A_23 = arith.constant 98304 : i32
    %add3A_24 = arith.addi %mul3A_2, %add3A_23 : i32
    %multiple_of3A_25 = tpu.assume_multiple %add3A_24, 32768 : i32
    "tpu.region"() ({
      %run_scoped3A = tpu.sem_alloc : memref<!tpu.dma_semaphore, #tpu.memory_space<semaphore_mem>>
      %dma_start3A = tpu.memref_slice %arg5[%multiple_of3A_25] : memref<8388736xf32, #tpu.memory_space<hbm>> -> memref<32768xf32, #tpu.memory_space<hbm>>
      %dma_start3A_68 = tpu.memref_slice %arg5[%multiple_of3A_25] : memref<8388736xf32, #tpu.memory_space<hbm>> -> memref<32768xf32, #tpu.memory_space<hbm>>
      tpu.enqueue_dma source(%arg6 : memref<32768xf32, #tpu.memory_space<vmem>>) target(%dma_start3A_68 : memref<32768xf32, #tpu.memory_space<hbm>>) target_semaphore(%run_scoped3A : memref<!tpu.dma_semaphore, #tpu.memory_space<semaphore_mem>>)
      %dma_wait3A = tpu.memref_slice %arg5[%multiple_of3A_25] : memref<8388736xf32, #tpu.memory_space<hbm>> -> memref<32768xf32, #tpu.memory_space<hbm>>
      %dma_wait3A_69 = tpu.memref_slice %arg5[%multiple_of3A_25] : memref<8388736xf32, #tpu.memory_space<hbm>> -> memref<32768xf32, #tpu.memory_space<hbm>>
      tpu.wait_dma2 semaphore(%run_scoped3A : memref<!tpu.dma_semaphore, #tpu.memory_space<semaphore_mem>>) src(%arg6 : memref<32768xf32, #tpu.memory_space<vmem>>) dst(%dma_wait3A_69 : memref<32768xf32, #tpu.memory_space<hbm>>)
      tpu.yield
    }) : () -> ()
    %add3A_26 = arith.constant 131072 : i32
    %add3A_27 = arith.addi %mul3A_2, %add3A_26 : i32
    %multiple_of3A_28 = tpu.assume_multiple %add3A_27, 32768 : i32
    "tpu.region"() ({
      %run_scoped3A = tpu.sem_alloc : memref<!tpu.dma_semaphore, #tpu.memory_space<semaphore_mem>>
      %dma_start3A = tpu.memref_slice %arg5[%multiple_of3A_28] : memref<8388736xf32, #tpu.memory_space<hbm>> -> memref<32768xf32, #tpu.memory_space<hbm>>
      %dma_start3A_68 = tpu.memref_slice %arg5[%multiple_of3A_28] : memref<8388736xf32, #tpu.memory_space<hbm>> -> memref<32768xf32, #tpu.memory_space<hbm>>
      tpu.enqueue_dma source(%arg6 : memref<32768xf32, #tpu.memory_space<vmem>>) target(%dma_start3A_68 : memref<32768xf32, #tpu.memory_space<hbm>>) target_semaphore(%run_scoped3A : memref<!tpu.dma_semaphore, #tpu.memory_space<semaphore_mem>>)
      %dma_wait3A = tpu.memref_slice %arg5[%multiple_of3A_28] : memref<8388736xf32, #tpu.memory_space<hbm>> -> memref<32768xf32, #tpu.memory_space<hbm>>
      %dma_wait3A_69 = tpu.memref_slice %arg5[%multiple_of3A_28] : memref<8388736xf32, #tpu.memory_space<hbm>> -> memref<32768xf32, #tpu.memory_space<hbm>>
      tpu.wait_dma2 semaphore(%run_scoped3A : memref<!tpu.dma_semaphore, #tpu.memory_space<semaphore_mem>>) src(%arg6 : memref<32768xf32, #tpu.memory_space<vmem>>) dst(%dma_wait3A_69 : memref<32768xf32, #tpu.memory_space<hbm>>)
      tpu.yield
    }) : () -> ()
    %add3A_29 = arith.constant 163840 : i32
    %add3A_30 = arith.addi %mul3A_2, %add3A_29 : i32
    %multiple_of3A_31 = tpu.assume_multiple %add3A_30, 32768 : i32
    "tpu.region"() ({
      %run_scoped3A = tpu.sem_alloc : memref<!tpu.dma_semaphore, #tpu.memory_space<semaphore_mem>>
      %dma_start3A = tpu.memref_slice %arg5[%multiple_of3A_31] : memref<8388736xf32, #tpu.memory_space<hbm>> -> memref<32768xf32, #tpu.memory_space<hbm>>
      %dma_start3A_68 = tpu.memref_slice %arg5[%multiple_of3A_31] : memref<8388736xf32, #tpu.memory_space<hbm>> -> memref<32768xf32, #tpu.memory_space<hbm>>
      tpu.enqueue_dma source(%arg6 : memref<32768xf32, #tpu.memory_space<vmem>>) target(%dma_start3A_68 : memref<32768xf32, #tpu.memory_space<hbm>>) target_semaphore(%run_scoped3A : memref<!tpu.dma_semaphore, #tpu.memory_space<semaphore_mem>>)
      %dma_wait3A = tpu.memref_slice %arg5[%multiple_of3A_31] : memref<8388736xf32, #tpu.memory_space<hbm>> -> memref<32768xf32, #tpu.memory_space<hbm>>
      %dma_wait3A_69 = tpu.memref_slice %arg5[%multiple_of3A_31] : memref<8388736xf32, #tpu.memory_space<hbm>> -> memref<32768xf32, #tpu.memory_space<hbm>>
      tpu.wait_dma2 semaphore(%run_scoped3A : memref<!tpu.dma_semaphore, #tpu.memory_space<semaphore_mem>>) src(%arg6 : memref<32768xf32, #tpu.memory_space<vmem>>) dst(%dma_wait3A_69 : memref<32768xf32, #tpu.memory_space<hbm>>)
      tpu.yield
    }) : () -> ()
    %add3A_32 = arith.constant 196608 : i32
    %add3A_33 = arith.addi %mul3A_2, %add3A_32 : i32
    %multiple_of3A_34 = tpu.assume_multiple %add3A_33, 32768 : i32
    "tpu.region"() ({
      %run_scoped3A = tpu.sem_alloc : memref<!tpu.dma_semaphore, #tpu.memory_space<semaphore_mem>>
      %dma_start3A = tpu.memref_slice %arg5[%multiple_of3A_34] : memref<8388736xf32, #tpu.memory_space<hbm>> -> memref<32768xf32, #tpu.memory_space<hbm>>
      %dma_start3A_68 = tpu.memref_slice %arg5[%multiple_of3A_34] : memref<8388736xf32, #tpu.memory_space<hbm>> -> memref<32768xf32, #tpu.memory_space<hbm>>
      tpu.enqueue_dma source(%arg6 : memref<32768xf32, #tpu.memory_space<vmem>>) target(%dma_start3A_68 : memref<32768xf32, #tpu.memory_space<hbm>>) target_semaphore(%run_scoped3A : memref<!tpu.dma_semaphore, #tpu.memory_space<semaphore_mem>>)
      %dma_wait3A = tpu.memref_slice %arg5[%multiple_of3A_34] : memref<8388736xf32, #tpu.memory_space<hbm>> -> memref<32768xf32, #tpu.memory_space<hbm>>
      %dma_wait3A_69 = tpu.memref_slice %arg5[%multiple_of3A_34] : memref<8388736xf32, #tpu.memory_space<hbm>> -> memref<32768xf32, #tpu.memory_space<hbm>>
      tpu.wait_dma2 semaphore(%run_scoped3A : memref<!tpu.dma_semaphore, #tpu.memory_space<semaphore_mem>>) src(%arg6 : memref<32768xf32, #tpu.memory_space<vmem>>) dst(%dma_wait3A_69 : memref<32768xf32, #tpu.memory_space<hbm>>)
      tpu.yield
    }) : () -> ()
    %add3A_35 = arith.constant 229376 : i32
    %add3A_36 = arith.addi %mul3A_2, %add3A_35 : i32
    %multiple_of3A_37 = tpu.assume_multiple %add3A_36, 32768 : i32
    "tpu.region"() ({
      %run_scoped3A = tpu.sem_alloc : memref<!tpu.dma_semaphore, #tpu.memory_space<semaphore_mem>>
      %dma_start3A = tpu.memref_slice %arg5[%multiple_of3A_37] : memref<8388736xf32, #tpu.memory_space<hbm>> -> memref<32768xf32, #tpu.memory_space<hbm>>
      %dma_start3A_68 = tpu.memref_slice %arg5[%multiple_of3A_37] : memref<8388736xf32, #tpu.memory_space<hbm>> -> memref<32768xf32, #tpu.memory_space<hbm>>
      tpu.enqueue_dma source(%arg6 : memref<32768xf32, #tpu.memory_space<vmem>>) target(%dma_start3A_68 : memref<32768xf32, #tpu.memory_space<hbm>>) target_semaphore(%run_scoped3A : memref<!tpu.dma_semaphore, #tpu.memory_space<semaphore_mem>>)
      %dma_wait3A = tpu.memref_slice %arg5[%multiple_of3A_37] : memref<8388736xf32, #tpu.memory_space<hbm>> -> memref<32768xf32, #tpu.memory_space<hbm>>
      %dma_wait3A_69 = tpu.memref_slice %arg5[%multiple_of3A_37] : memref<8388736xf32, #tpu.memory_space<hbm>> -> memref<32768xf32, #tpu.memory_space<hbm>>
      tpu.wait_dma2 semaphore(%run_scoped3A : memref<!tpu.dma_semaphore, #tpu.memory_space<semaphore_mem>>) src(%arg6 : memref<32768xf32, #tpu.memory_space<vmem>>) dst(%dma_wait3A_69 : memref<32768xf32, #tpu.memory_space<hbm>>)
      tpu.yield
    }) : () -> ()
    %and3A = arith.constant -2048 : i32
    %and3A_38 = arith.andi %squeeze3A, %and3A : i32
    %sub3A = arith.subi %squeeze3A_8, %and3A_38 : i32
    %add3A_39 = arith.constant 2047 : i32
    %add3A_40 = arith.addi %sub3A, %add3A_39 : i32
    %jit3A = arith.constant 2048 : i32
    %div3A = arith.divsi %add3A_40, %jit3A : i32
    %sign3A = arith.constant 0 : i32
    %sign3A_41 = arith.cmpi sgt, %add3A_40, %sign3A : i32
    %sign3A_42 = arith.extui %sign3A_41 : i1 to i32
    %sign3A_43 = arith.constant 0 : i32
    %sign3A_44 = arith.cmpi slt, %add3A_40, %sign3A_43 : i32
    %sign3A_45 = arith.extui %sign3A_44 : i1 to i32
    %sign3A_46 = arith.subi %sign3A_42, %sign3A_45 : i32
    %sign3A_47 = arith.constant 0 : i32
    %sign3A_48 = arith.cmpi sgt, %jit3A, %sign3A_47 : i32
    %sign3A_49 = arith.extui %sign3A_48 : i1 to i32
    %sign3A_50 = arith.constant 0 : i32
    %sign3A_51 = arith.cmpi slt, %jit3A, %sign3A_50 : i32
    %sign3A_52 = arith.extui %sign3A_51 : i1 to i32
    %sign3A_53 = arith.subi %sign3A_49, %sign3A_52 : i32
    %ne3A = arith.cmpi ne, %sign3A_46, %sign3A_53 : i32
    %rem3A = arith.remsi %add3A_40, %jit3A : i32
    %ne3A_54 = arith.constant 0 : i32
    %ne3A_55 = arith.cmpi ne, %rem3A, %ne3A_54 : i32
    %and3A_56 = arith.andi %ne3A, %ne3A_55 : i1
    %sub3A_57 = arith.constant 1 : i32
    %sub3A_58 = arith.subi %div3A, %sub3A_57 : i32
    %select_n3A = arith.select %and3A_56, %sub3A_58, %div3A : i32
    %while3A = arith.constant 0 : i32
    %while3A_59 = arith.constant 0 : i32
    %while3A_60 = arith.subi %select_n3A, %while3A_59 : i32
    %while3A_61 = arith.addi %while3A_59, %while3A_60 : i32
    %while3A_62 = arith.constant 1 : i32
    %while3A_63 = arith.divsi %while3A_60, %while3A_62 : i32
    %while3A_64 = arith.muli %while3A_63, %while3A_62 : i32
    %while3A_65 = arith.addi %while3A_59, %while3A_64 : i32
    %while3A_66 = arith.constant 1 : i32
    scf.for %while3A_68 = %while3A_59 to %while3A_65 step %while3A_66  : i32 {
      %mul3A_69 = arith.constant 2048 : i32
      %mul3A_70 = arith.muli %while3A_68, %mul3A_69 : i32
      %add3A_71 = arith.addi %and3A_38, %mul3A_70 : i32
      %multiple_of3A_72 = tpu.assume_multiple %add3A_71, 2048 : i32
      "tpu.region"() ({
        %run_scoped3A = tpu.sem_alloc : memref<!tpu.dma_semaphore, #tpu.memory_space<semaphore_mem>>
        %dma_start3A = tpu.memref_slice %arg2[%multiple_of3A_72] : memref<1003520xi32, #tpu.memory_space<hbm>> -> memref<2048xi32, #tpu.memory_space<hbm>>
        %dma_start3A_1990 = tpu.memref_slice %arg2[%multiple_of3A_72] : memref<1003520xi32, #tpu.memory_space<hbm>> -> memref<2048xi32, #tpu.memory_space<hbm>>
        tpu.enqueue_dma source(%dma_start3A_1990 : memref<2048xi32, #tpu.memory_space<hbm>>) target(%arg7 : memref<2048xi32, #tpu.memory_space<vmem>>) target_semaphore(%run_scoped3A : memref<!tpu.dma_semaphore, #tpu.memory_space<semaphore_mem>>)
        %dma_wait3A = tpu.memref_slice %arg2[%multiple_of3A_72] : memref<1003520xi32, #tpu.memory_space<hbm>> -> memref<2048xi32, #tpu.memory_space<hbm>>
        %dma_wait3A_1991 = tpu.memref_slice %arg2[%multiple_of3A_72] : memref<1003520xi32, #tpu.memory_space<hbm>> -> memref<2048xi32, #tpu.memory_space<hbm>>
        tpu.wait_dma2 semaphore(%run_scoped3A : memref<!tpu.dma_semaphore, #tpu.memory_space<semaphore_mem>>) src(%dma_wait3A_1991 : memref<2048xi32, #tpu.memory_space<hbm>>) dst(%arg7 : memref<2048xi32, #tpu.memory_space<vmem>>)
        tpu.yield
      }) : () -> ()
      "tpu.region"() ({
        %run_scoped3A = tpu.sem_alloc : memref<!tpu.dma_semaphore, #tpu.memory_space<semaphore_mem>>
        %dma_start3A = tpu.memref_slice %arg3[%multiple_of3A_72] : memref<1003520xf32, #tpu.memory_space<hbm>> -> memref<2048xf32, #tpu.memory_space<hbm>>
        %dma_start3A_1990 = tpu.memref_slice %arg3[%multiple_of3A_72] : memref<1003520xf32, #tpu.memory_space<hbm>> -> memref<2048xf32, #tpu.memory_space<hbm>>
        tpu.enqueue_dma source(%dma_start3A_1990 : memref<2048xf32, #tpu.memory_space<hbm>>) target(%arg8 : memref<2048xf32, #tpu.memory_space<vmem>>) target_semaphore(%run_scoped3A : memref<!tpu.dma_semaphore, #tpu.memory_space<semaphore_mem>>)
        %dma_wait3A = tpu.memref_slice %arg3[%multiple_of3A_72] : memref<1003520xf32, #tpu.memory_space<hbm>> -> memref<2048xf32, #tpu.memory_space<hbm>>
        %dma_wait3A_1991 = tpu.memref_slice %arg3[%multiple_of3A_72] : memref<1003520xf32, #tpu.memory_space<hbm>> -> memref<2048xf32, #tpu.memory_space<hbm>>
        tpu.wait_dma2 semaphore(%run_scoped3A : memref<!tpu.dma_semaphore, #tpu.memory_space<semaphore_mem>>) src(%dma_wait3A_1991 : memref<2048xf32, #tpu.memory_space<hbm>>) dst(%arg8 : memref<2048xf32, #tpu.memory_space<vmem>>)
        tpu.yield
      }) : () -> ()
      %get3A_73 = arith.constant 0 : index
      %get3A_74 = tpu.vector_load %arg7[%get3A_73] {strides = array<i32>} : memref<2048xi32, #tpu.memory_space<vmem>>, vector<16xi32>,
      %get3A_75 = vector.shape_cast %get3A_74 : vector<16xi32> to vector<16xi32>
      %ge3A = vector.broadcast %mul3A_2 : i32 to vector<16xi32>
      %ge3A_76 = arith.cmpi sge, %get3A_75, %ge3A : vector<16xi32>
      %lt3A = vector.broadcast %add3A_4 : i32 to vector<16xi32>
      %lt3A_77 = arith.cmpi slt, %get3A_75, %lt3A : vector<16xi32>
      %and3A_78 = arith.andi %ge3A_76, %lt3A_77 : vector<16xi1>
      %jit3A_79 = arith.constant 8388608 : i32
      %broadcast_in_dim3A_80 = vector.broadcast %jit3A_79 : i32 to vector<16xi32>
      %select_n3A_81 = arith.select %and3A_78, %get3A_75, %broadcast_in_dim3A_80 : vector<16xi1>, vector<16xi32>
      %swap3A = arith.constant 0 : index
      %swap3A_82 = tpu.vector_load %arg9[%swap3A] {strides = array<i32>} : memref<2048xi32, #tpu.memory_space<vmem>>, vector<16xi32>,
      %swap3A_83 = vector.shape_cast %swap3A_82 : vector<16xi32> to vector<16xi32>
      %swap3A_84 = vector.shape_cast %select_n3A_81 : vector<16xi32> to vector<16xi32>
      tpu.vector_store %arg9[%swap3A], %swap3A_84 {strides = array<i32>} : memref<2048xi32, #tpu.memory_space<vmem>>, vector<16xi32>,
      %get3A_85 = arith.constant 16 : index
      %get3A_86 = tpu.vector_load %arg7[%get3A_85] {strides = array<i32>} : memref<2048xi32, #tpu.memory_space<vmem>>, vector<16xi32>,
      %get3A_87 = vector.shape_cast %get3A_86 : vector<16xi32> to vector<16xi32>
      %ge3A_88 = vector.broadcast %mul3A_2 : i32 to vector<16xi32>
      %ge3A_89 = arith.cmpi sge, %get3A_87, %ge3A_88 : vector<16xi32>
      %lt3A_90 = vector.broadcast %add3A_4 : i32 to vector<16xi32>
      %lt3A_91 = arith.cmpi slt, %get3A_87, %lt3A_90 : vector<16xi32>
      %and3A_92 = arith.andi %ge3A_89, %lt3A_91 : vector<16xi1>
      %jit3A_93 = arith.constant 8388608 : i32
      %broadcast_in_dim3A_94 = vector.broadcast %jit3A_93 : i32 to vector<16xi32>
      %select_n3A_95 = arith.select %and3A_92, %get3A_87, %broadcast_in_dim3A_94 : vector<16xi1>, vector<16xi32>
      %swap3A_96 = arith.constant 16 : index
      %swap3A_97 = tpu.vector_load %arg9[%swap3A_96] {strides = array<i32>} : memref<2048xi32, #tpu.memory_space<vmem>>, vector<16xi32>,
      %swap3A_98 = vector.shape_cast %swap3A_97 : vector<16xi32> to vector<16xi32>
      %swap3A_99 = vector.shape_cast %select_n3A_95 : vector<16xi32> to vector<16xi32>
      tpu.vector_store %arg9[%swap3A_96], %swap3A_99 {strides = array<i32>} : memref<2048xi32, #tpu.memory_space<vmem>>, vector<16xi32>,
      %get3A_100 = arith.constant 32 : index
      %get3A_101 = tpu.vector_load %arg7[%get3A_100] {strides = array<i32>} : memref<2048xi32, #tpu.memory_space<vmem>>, vector<16xi32>,
      %get3A_102 = vector.shape_cast %get3A_101 : vector<16xi32> to vector<16xi32>
      %ge3A_103 = vector.broadcast %mul3A_2 : i32 to vector<16xi32>
      %ge3A_104 = arith.cmpi sge, %get3A_102, %ge3A_103 : vector<16xi32>
      %lt3A_105 = vector.broadcast %add3A_4 : i32 to vector<16xi32>
      %lt3A_106 = arith.cmpi slt, %get3A_102, %lt3A_105 : vector<16xi32>
      %and3A_107 = arith.andi %ge3A_104, %lt3A_106 : vector<16xi1>
      %jit3A_108 = arith.constant 8388608 : i32
      %broadcast_in_dim3A_109 = vector.broadcast %jit3A_108 : i32 to vector<16xi32>
      %select_n3A_110 = arith.select %and3A_107, %get3A_102, %broadcast_in_dim3A_109 : vector<16xi1>, vector<16xi32>
      %swap3A_111 = arith.constant 32 : index
      %swap3A_112 = tpu.vector_load %arg9[%swap3A_111] {strides = array<i32>} : memref<2048xi32, #tpu.memory_space<vmem>>, vector<16xi32>,
      %swap3A_113 = vector.shape_cast %swap3A_112 : vector<16xi32> to vector<16xi32>
      %swap3A_114 = vector.shape_cast %select_n3A_110 : vector<16xi32> to vector<16xi32>
      tpu.vector_store %arg9[%swap3A_111], %swap3A_114 {strides = array<i32>} : memref<2048xi32, #tpu.memory_space<vmem>>, vector<16xi32>,
      %get3A_115 = arith.constant 48 : index
      %get3A_116 = tpu.vector_load %arg7[%get3A_115] {strides = array<i32>} : memref<2048xi32, #tpu.memory_space<vmem>>, vector<16xi32>,
      %get3A_117 = vector.shape_cast %get3A_116 : vector<16xi32> to vector<16xi32>
      %ge3A_118 = vector.broadcast %mul3A_2 : i32 to vector<16xi32>
      %ge3A_119 = arith.cmpi sge, %get3A_117, %ge3A_118 : vector<16xi32>
      %lt3A_120 = vector.broadcast %add3A_4 : i32 to vector<16xi32>
      %lt3A_121 = arith.cmpi slt, %get3A_117, %lt3A_120 : vector<16xi32>
      %and3A_122 = arith.andi %ge3A_119, %lt3A_121 : vector<16xi1>
      %jit3A_123 = arith.constant 8388608 : i32
      %broadcast_in_dim3A_124 = vector.broadcast %jit3A_123 : i32 to vector<16xi32>
      %select_n3A_125 = arith.select %and3A_122, %get3A_117, %broadcast_in_dim3A_124 : vector<16xi1>, vector<16xi32>
      %swap3A_126 = arith.constant 48 : index
      %swap3A_127 = tpu.vector_load %arg9[%swap3A_126] {strides = array<i32>} : memref<2048xi32, #tpu.memory_space<vmem>>, vector<16xi32>,
      %swap3A_128 = vector.shape_cast %swap3A_127 : vector<16xi32> to vector<16xi32>
      %swap3A_129 = vector.shape_cast %select_n3A_125 : vector<16xi32> to vector<16xi32>
      tpu.vector_store %arg9[%swap3A_126], %swap3A_129 {strides = array<i32>} : memref<2048xi32, #tpu.memory_space<vmem>>, vector<16xi32>,
      %get3A_130 = arith.constant 64 : index
      %get3A_131 = tpu.vector_load %arg7[%get3A_130] {strides = array<i32>} : memref<2048xi32, #tpu.memory_space<vmem>>, vector<16xi32>,
      %get3A_132 = vector.shape_cast %get3A_131 : vector<16xi32> to vector<16xi32>
      %ge3A_133 = vector.broadcast %mul3A_2 : i32 to vector<16xi32>
      %ge3A_134 = arith.cmpi sge, %get3A_132, %ge3A_133 : vector<16xi32>
      %lt3A_135 = vector.broadcast %add3A_4 : i32 to vector<16xi32>
      %lt3A_136 = arith.cmpi slt, %get3A_132, %lt3A_135 : vector<16xi32>
      %and3A_137 = arith.andi %ge3A_134, %lt3A_136 : vector<16xi1>
      %jit3A_138 = arith.constant 8388608 : i32
      %broadcast_in_dim3A_139 = vector.broadcast %jit3A_138 : i32 to vector<16xi32>
      %select_n3A_140 = arith.select %and3A_137, %get3A_132, %broadcast_in_dim3A_139 : vector<16xi1>, vector<16xi32>
      %swap3A_141 = arith.constant 64 : index
      %swap3A_142 = tpu.vector_load %arg9[%swap3A_141] {strides = array<i32>} : memref<2048xi32, #tpu.memory_space<vmem>>, vector<16xi32>,
      %swap3A_143 = vector.shape_cast %swap3A_142 : vector<16xi32> to vector<16xi32>
      %swap3A_144 = vector.shape_cast %select_n3A_140 : vector<16xi32> to vector<16xi32>
      tpu.vector_store %arg9[%swap3A_141], %swap3A_144 {strides = array<i32>} : memref<2048xi32, #tpu.memory_space<vmem>>, vector<16xi32>,
      %get3A_145 = arith.constant 80 : index
      %get3A_146 = tpu.vector_load %arg7[%get3A_145] {strides = array<i32>} : memref<2048xi32, #tpu.memory_space<vmem>>, vector<16xi32>,
      %get3A_147 = vector.shape_cast %get3A_146 : vector<16xi32> to vector<16xi32>
      %ge3A_148 = vector.broadcast %mul3A_2 : i32 to vector<16xi32>
      %ge3A_149 = arith.cmpi sge, %get3A_147, %ge3A_148 : vector<16xi32>
      %lt3A_150 = vector.broadcast %add3A_4 : i32 to vector<16xi32>
      %lt3A_151 = arith.cmpi slt, %get3A_147, %lt3A_150 : vector<16xi32>
      %and3A_152 = arith.andi %ge3A_149, %lt3A_151 : vector<16xi1>
      %jit3A_153 = arith.constant 8388608 : i32
      %broadcast_in_dim3A_154 = vector.broadcast %jit3A_153 : i32 to vector<16xi32>
      %select_n3A_155 = arith.select %and3A_152, %get3A_147, %broadcast_in_dim3A_154 : vector<16xi1>, vector<16xi32>
      %swap3A_156 = arith.constant 80 : index
      %swap3A_157 = tpu.vector_load %arg9[%swap3A_156] {strides = array<i32>} : memref<2048xi32, #tpu.memory_space<vmem>>, vector<16xi32>,
      %swap3A_158 = vector.shape_cast %swap3A_157 : vector<16xi32> to vector<16xi32>
      %swap3A_159 = vector.shape_cast %select_n3A_155 : vector<16xi32> to vector<16xi32>
      tpu.vector_store %arg9[%swap3A_156], %swap3A_159 {strides = array<i32>} : memref<2048xi32, #tpu.memory_space<vmem>>, vector<16xi32>,
      %get3A_160 = arith.constant 96 : index
      %get3A_161 = tpu.vector_load %arg7[%get3A_160] {strides = array<i32>} : memref<2048xi32, #tpu.memory_space<vmem>>, vector<16xi32>,
      %get3A_162 = vector.shape_cast %get3A_161 : vector<16xi32> to vector<16xi32>
      %ge3A_163 = vector.broadcast %mul3A_2 : i32 to vector<16xi32>
      %ge3A_164 = arith.cmpi sge, %get3A_162, %ge3A_163 : vector<16xi32>
      %lt3A_165 = vector.broadcast %add3A_4 : i32 to vector<16xi32>
      %lt3A_166 = arith.cmpi slt, %get3A_162, %lt3A_165 : vector<16xi32>
      %and3A_167 = arith.andi %ge3A_164, %lt3A_166 : vector<16xi1>
      %jit3A_168 = arith.constant 8388608 : i32
      %broadcast_in_dim3A_169 = vector.broadcast %jit3A_168 : i32 to vector<16xi32>
      %select_n3A_170 = arith.select %and3A_167, %get3A_162, %broadcast_in_dim3A_169 : vector<16xi1>, vector<16xi32>
      %swap3A_171 = arith.constant 96 : index
      %swap3A_172 = tpu.vector_load %arg9[%swap3A_171] {strides = array<i32>} : memref<2048xi32, #tpu.memory_space<vmem>>, vector<16xi32>,
      %swap3A_173 = vector.shape_cast %swap3A_172 : vector<16xi32> to vector<16xi32>
      %swap3A_174 = vector.shape_cast %select_n3A_170 : vector<16xi32> to vector<16xi32>
      tpu.vector_store %arg9[%swap3A_171], %swap3A_174 {strides = array<i32>} : memref<2048xi32, #tpu.memory_space<vmem>>, vector<16xi32>,
      %get3A_175 = arith.constant 112 : index
      %get3A_176 = tpu.vector_load %arg7[%get3A_175] {strides = array<i32>} : memref<2048xi32, #tpu.memory_space<vmem>>, vector<16xi32>,
      %get3A_177 = vector.shape_cast %get3A_176 : vector<16xi32> to vector<16xi32>
      %ge3A_178 = vector.broadcast %mul3A_2 : i32 to vector<16xi32>
      %ge3A_179 = arith.cmpi sge, %get3A_177, %ge3A_178 : vector<16xi32>
      %lt3A_180 = vector.broadcast %add3A_4 : i32 to vector<16xi32>
      %lt3A_181 = arith.cmpi slt, %get3A_177, %lt3A_180 : vector<16xi32>
      %and3A_182 = arith.andi %ge3A_179, %lt3A_181 : vector<16xi1>
      %jit3A_183 = arith.constant 8388608 : i32
      %broadcast_in_dim3A_184 = vector.broadcast %jit3A_183 : i32 to vector<16xi32>
      %select_n3A_185 = arith.select %and3A_182, %get3A_177, %broadcast_in_dim3A_184 : vector<16xi1>, vector<16xi32>
      %swap3A_186 = arith.constant 112 : index
      %swap3A_187 = tpu.vector_load %arg9[%swap3A_186] {strides = array<i32>} : memref<2048xi32, #tpu.memory_space<vmem>>, vector<16xi32>,
      %swap3A_188 = vector.shape_cast %swap3A_187 : vector<16xi32> to vector<16xi32>
      %swap3A_189 = vector.shape_cast %select_n3A_185 : vector<16xi32> to vector<16xi32>
      tpu.vector_store %arg9[%swap3A_186], %swap3A_189 {strides = array<i32>} : memref<2048xi32, #tpu.memory_space<vmem>>, vector<16xi32>,
      %get3A_190 = arith.constant 128 : index
      %get3A_191 = tpu.vector_load %arg7[%get3A_190] {strides = array<i32>} : memref<2048xi32, #tpu.memory_space<vmem>>, vector<16xi32>,
      %get3A_192 = vector.shape_cast %get3A_191 : vector<16xi32> to vector<16xi32>
      %ge3A_193 = vector.broadcast %mul3A_2 : i32 to vector<16xi32>
      %ge3A_194 = arith.cmpi sge, %get3A_192, %ge3A_193 : vector<16xi32>
      %lt3A_195 = vector.broadcast %add3A_4 : i32 to vector<16xi32>
      %lt3A_196 = arith.cmpi slt, %get3A_192, %lt3A_195 : vector<16xi32>
      %and3A_197 = arith.andi %ge3A_194, %lt3A_196 : vector<16xi1>
      %jit3A_198 = arith.constant 8388608 : i32
      %broadcast_in_dim3A_199 = vector.broadcast %jit3A_198 : i32 to vector<16xi32>
      %select_n3A_200 = arith.select %and3A_197, %get3A_192, %broadcast_in_dim3A_199 : vector<16xi1>, vector<16xi32>
      %swap3A_201 = arith.constant 128 : index
      %swap3A_202 = tpu.vector_load %arg9[%swap3A_201] {strides = array<i32>} : memref<2048xi32, #tpu.memory_space<vmem>>, vector<16xi32>,
      %swap3A_203 = vector.shape_cast %swap3A_202 : vector<16xi32> to vector<16xi32>
      %swap3A_204 = vector.shape_cast %select_n3A_200 : vector<16xi32> to vector<16xi32>
      tpu.vector_store %arg9[%swap3A_201], %swap3A_204 {strides = array<i32>} : memref<2048xi32, #tpu.memory_space<vmem>>, vector<16xi32>,
      %get3A_205 = arith.constant 144 : index
      %get3A_206 = tpu.vector_load %arg7[%get3A_205] {strides = array<i32>} : memref<2048xi32, #tpu.memory_space<vmem>>, vector<16xi32>,
      %get3A_207 = vector.shape_cast %get3A_206 : vector<16xi32> to vector<16xi32>
      %ge3A_208 = vector.broadcast %mul3A_2 : i32 to vector<16xi32>
      %ge3A_209 = arith.cmpi sge, %get3A_207, %ge3A_208 : vector<16xi32>
      %lt3A_210 = vector.broadcast %add3A_4 : i32 to vector<16xi32>
      %lt3A_211 = arith.cmpi slt, %get3A_207, %lt3A_210 : vector<16xi32>
      %and3A_212 = arith.andi %ge3A_209, %lt3A_211 : vector<16xi1>
      %jit3A_213 = arith.constant 8388608 : i32
      %broadcast_in_dim3A_214 = vector.broadcast %jit3A_213 : i32 to vector<16xi32>
      %select_n3A_215 = arith.select %and3A_212, %get3A_207, %broadcast_in_dim3A_214 : vector<16xi1>, vector<16xi32>
      %swap3A_216 = arith.constant 144 : index
      %swap3A_217 = tpu.vector_load %arg9[%swap3A_216] {strides = array<i32>} : memref<2048xi32, #tpu.memory_space<vmem>>, vector<16xi32>,
      %swap3A_218 = vector.shape_cast %swap3A_217 : vector<16xi32> to vector<16xi32>
      %swap3A_219 = vector.shape_cast %select_n3A_215 : vector<16xi32> to vector<16xi32>
      tpu.vector_store %arg9[%swap3A_216], %swap3A_219 {strides = array<i32>} : memref<2048xi32, #tpu.memory_space<vmem>>, vector<16xi32>,
      %get3A_220 = arith.constant 160 : index
      %get3A_221 = tpu.vector_load %arg7[%get3A_220] {strides = array<i32>} : memref<2048xi32, #tpu.memory_space<vmem>>, vector<16xi32>,
      %get3A_222 = vector.shape_cast %get3A_221 : vector<16xi32> to vector<16xi32>
      %ge3A_223 = vector.broadcast %mul3A_2 : i32 to vector<16xi32>
      %ge3A_224 = arith.cmpi sge, %get3A_222, %ge3A_223 : vector<16xi32>
      %lt3A_225 = vector.broadcast %add3A_4 : i32 to vector<16xi32>
      %lt3A_226 = arith.cmpi slt, %get3A_222, %lt3A_225 : vector<16xi32>
      %and3A_227 = arith.andi %ge3A_224, %lt3A_226 : vector<16xi1>
      %jit3A_228 = arith.constant 8388608 : i32
      %broadcast_in_dim3A_229 = vector.broadcast %jit3A_228 : i32 to vector<16xi32>
      %select_n3A_230 = arith.select %and3A_227, %get3A_222, %broadcast_in_dim3A_229 : vector<16xi1>, vector<16xi32>
      %swap3A_231 = arith.constant 160 : index
      %swap3A_232 = tpu.vector_load %arg9[%swap3A_231] {strides = array<i32>} : memref<2048xi32, #tpu.memory_space<vmem>>, vector<16xi32>,
      %swap3A_233 = vector.shape_cast %swap3A_232 : vector<16xi32> to vector<16xi32>
      %swap3A_234 = vector.shape_cast %select_n3A_230 : vector<16xi32> to vector<16xi32>
      tpu.vector_store %arg9[%swap3A_231], %swap3A_234 {strides = array<i32>} : memref<2048xi32, #tpu.memory_space<vmem>>, vector<16xi32>,
      %get3A_235 = arith.constant 176 : index
      %get3A_236 = tpu.vector_load %arg7[%get3A_235] {strides = array<i32>} : memref<2048xi32, #tpu.memory_space<vmem>>, vector<16xi32>,
      %get3A_237 = vector.shape_cast %get3A_236 : vector<16xi32> to vector<16xi32>
      %ge3A_238 = vector.broadcast %mul3A_2 : i32 to vector<16xi32>
      %ge3A_239 = arith.cmpi sge, %get3A_237, %ge3A_238 : vector<16xi32>
      %lt3A_240 = vector.broadcast %add3A_4 : i32 to vector<16xi32>
      %lt3A_241 = arith.cmpi slt, %get3A_237, %lt3A_240 : vector<16xi32>
      %and3A_242 = arith.andi %ge3A_239, %lt3A_241 : vector<16xi1>
      %jit3A_243 = arith.constant 8388608 : i32
      %broadcast_in_dim3A_244 = vector.broadcast %jit3A_243 : i32 to vector<16xi32>
      %select_n3A_245 = arith.select %and3A_242, %get3A_237, %broadcast_in_dim3A_244 : vector<16xi1>, vector<16xi32>
      %swap3A_246 = arith.constant 176 : index
      %swap3A_247 = tpu.vector_load %arg9[%swap3A_246] {strides = array<i32>} : memref<2048xi32, #tpu.memory_space<vmem>>, vector<16xi32>,
      %swap3A_248 = vector.shape_cast %swap3A_247 : vector<16xi32> to vector<16xi32>
      %swap3A_249 = vector.shape_cast %select_n3A_245 : vector<16xi32> to vector<16xi32>
      tpu.vector_store %arg9[%swap3A_246], %swap3A_249 {strides = array<i32>} : memref<2048xi32, #tpu.memory_space<vmem>>, vector<16xi32>,
      %get3A_250 = arith.constant 192 : index
      %get3A_251 = tpu.vector_load %arg7[%get3A_250] {strides = array<i32>} : memref<2048xi32, #tpu.memory_space<vmem>>, vector<16xi32>,
      %get3A_252 = vector.shape_cast %get3A_251 : vector<16xi32> to vector<16xi32>
      %ge3A_253 = vector.broadcast %mul3A_2 : i32 to vector<16xi32>
      %ge3A_254 = arith.cmpi sge, %get3A_252, %ge3A_253 : vector<16xi32>
      %lt3A_255 = vector.broadcast %add3A_4 : i32 to vector<16xi32>
      %lt3A_256 = arith.cmpi slt, %get3A_252, %lt3A_255 : vector<16xi32>
      %and3A_257 = arith.andi %ge3A_254, %lt3A_256 : vector<16xi1>
      %jit3A_258 = arith.constant 8388608 : i32
      %broadcast_in_dim3A_259 = vector.broadcast %jit3A_258 : i32 to vector<16xi32>
      %select_n3A_260 = arith.select %and3A_257, %get3A_252, %broadcast_in_dim3A_259 : vector<16xi1>, vector<16xi32>
      %swap3A_261 = arith.constant 192 : index
      %swap3A_262 = tpu.vector_load %arg9[%swap3A_261] {strides = array<i32>} : memref<2048xi32, #tpu.memory_space<vmem>>, vector<16xi32>,
      %swap3A_263 = vector.shape_cast %swap3A_262 : vector<16xi32> to vector<16xi32>
      %swap3A_264 = vector.shape_cast %select_n3A_260 : vector<16xi32> to vector<16xi32>
      tpu.vector_store %arg9[%swap3A_261], %swap3A_264 {strides = array<i32>} : memref<2048xi32, #tpu.memory_space<vmem>>, vector<16xi32>,
      %get3A_265 = arith.constant 208 : index
      %get3A_266 = tpu.vector_load %arg7[%get3A_265] {strides = array<i32>} : memref<2048xi32, #tpu.memory_space<vmem>>, vector<16xi32>,
      %get3A_267 = vector.shape_cast %get3A_266 : vector<16xi32> to vector<16xi32>
      %ge3A_268 = vector.broadcast %mul3A_2 : i32 to vector<16xi32>
      %ge3A_269 = arith.cmpi sge, %get3A_267, %ge3A_268 : vector<16xi32>
      %lt3A_270 = vector.broadcast %add3A_4 : i32 to vector<16xi32>
      %lt3A_271 = arith.cmpi slt, %get3A_267, %lt3A_270 : vector<16xi32>
      %and3A_272 = arith.andi %ge3A_269, %lt3A_271 : vector<16xi1>
      %jit3A_273 = arith.constant 8388608 : i32
      %broadcast_in_dim3A_274 = vector.broadcast %jit3A_273 : i32 to vector<16xi32>
      %select_n3A_275 = arith.select %and3A_272, %get3A_267, %broadcast_in_dim3A_274 : vector<16xi1>, vector<16xi32>
      %swap3A_276 = arith.constant 208 : index
      %swap3A_277 = tpu.vector_load %arg9[%swap3A_276] {strides = array<i32>} : memref<2048xi32, #tpu.memory_space<vmem>>, vector<16xi32>,
      %swap3A_278 = vector.shape_cast %swap3A_277 : vector<16xi32> to vector<16xi32>
      %swap3A_279 = vector.shape_cast %select_n3A_275 : vector<16xi32> to vector<16xi32>
      tpu.vector_store %arg9[%swap3A_276], %swap3A_279 {strides = array<i32>} : memref<2048xi32, #tpu.memory_space<vmem>>, vector<16xi32>,
      %get3A_280 = arith.constant 224 : index
      %get3A_281 = tpu.vector_load %arg7[%get3A_280] {strides = array<i32>} : memref<2048xi32, #tpu.memory_space<vmem>>, vector<16xi32>,
      %get3A_282 = vector.shape_cast %get3A_281 : vector<16xi32> to vector<16xi32>
      %ge3A_283 = vector.broadcast %mul3A_2 : i32 to vector<16xi32>
      %ge3A_284 = arith.cmpi sge, %get3A_282, %ge3A_283 : vector<16xi32>
      %lt3A_285 = vector.broadcast %add3A_4 : i32 to vector<16xi32>
      %lt3A_286 = arith.cmpi slt, %get3A_282, %lt3A_285 : vector<16xi32>
      %and3A_287 = arith.andi %ge3A_284, %lt3A_286 : vector<16xi1>
      %jit3A_288 = arith.constant 8388608 : i32
      %broadcast_in_dim3A_289 = vector.broadcast %jit3A_288 : i32 to vector<16xi32>
      %select_n3A_290 = arith.select %and3A_287, %get3A_282, %broadcast_in_dim3A_289 : vector<16xi1>, vector<16xi32>
      %swap3A_291 = arith.constant 224 : index
      %swap3A_292 = tpu.vector_load %arg9[%swap3A_291] {strides = array<i32>} : memref<2048xi32, #tpu.memory_space<vmem>>, vector<16xi32>,
      %swap3A_293 = vector.shape_cast %swap3A_292 : vector<16xi32> to vector<16xi32>
      %swap3A_294 = vector.shape_cast %select_n3A_290 : vector<16xi32> to vector<16xi32>
      tpu.vector_store %arg9[%swap3A_291], %swap3A_294 {strides = array<i32>} : memref<2048xi32, #tpu.memory_space<vmem>>, vector<16xi32>,
      %get3A_295 = arith.constant 240 : index
      %get3A_296 = tpu.vector_load %arg7[%get3A_295] {strides = array<i32>} : memref<2048xi32, #tpu.memory_space<vmem>>, vector<16xi32>,
      %get3A_297 = vector.shape_cast %get3A_296 : vector<16xi32> to vector<16xi32>
      %ge3A_298 = vector.broadcast %mul3A_2 : i32 to vector<16xi32>
      %ge3A_299 = arith.cmpi sge, %get3A_297, %ge3A_298 : vector<16xi32>
      %lt3A_300 = vector.broadcast %add3A_4 : i32 to vector<16xi32>
      %lt3A_301 = arith.cmpi slt, %get3A_297, %lt3A_300 : vector<16xi32>
      %and3A_302 = arith.andi %ge3A_299, %lt3A_301 : vector<16xi1>
      %jit3A_303 = arith.constant 8388608 : i32
      %broadcast_in_dim3A_304 = vector.broadcast %jit3A_303 : i32 to vector<16xi32>
      %select_n3A_305 = arith.select %and3A_302, %get3A_297, %broadcast_in_dim3A_304 : vector<16xi1>, vector<16xi32>
      %swap3A_306 = arith.constant 240 : index
      %swap3A_307 = tpu.vector_load %arg9[%swap3A_306] {strides = array<i32>} : memref<2048xi32, #tpu.memory_space<vmem>>, vector<16xi32>,
      %swap3A_308 = vector.shape_cast %swap3A_307 : vector<16xi32> to vector<16xi32>
      %swap3A_309 = vector.shape_cast %select_n3A_305 : vector<16xi32> to vector<16xi32>
      tpu.vector_store %arg9[%swap3A_306], %swap3A_309 {strides = array<i32>} : memref<2048xi32, #tpu.memory_space<vmem>>, vector<16xi32>,
      %get3A_310 = arith.constant 256 : index
      %get3A_311 = tpu.vector_load %arg7[%get3A_310] {strides = array<i32>} : memref<2048xi32, #tpu.memory_space<vmem>>, vector<16xi32>,
      %get3A_312 = vector.shape_cast %get3A_311 : vector<16xi32> to vector<16xi32>
      %ge3A_313 = vector.broadcast %mul3A_2 : i32 to vector<16xi32>
      %ge3A_314 = arith.cmpi sge, %get3A_312, %ge3A_313 : vector<16xi32>
      %lt3A_315 = vector.broadcast %add3A_4 : i32 to vector<16xi32>
      %lt3A_316 = arith.cmpi slt, %get3A_312, %lt3A_315 : vector<16xi32>
      %and3A_317 = arith.andi %ge3A_314, %lt3A_316 : vector<16xi1>
      %jit3A_318 = arith.constant 8388608 : i32
      %broadcast_in_dim3A_319 = vector.broadcast %jit3A_318 : i32 to vector<16xi32>
      %select_n3A_320 = arith.select %and3A_317, %get3A_312, %broadcast_in_dim3A_319 : vector<16xi1>, vector<16xi32>
      %swap3A_321 = arith.constant 256 : index
      %swap3A_322 = tpu.vector_load %arg9[%swap3A_321] {strides = array<i32>} : memref<2048xi32, #tpu.memory_space<vmem>>, vector<16xi32>,
      %swap3A_323 = vector.shape_cast %swap3A_322 : vector<16xi32> to vector<16xi32>
      %swap3A_324 = vector.shape_cast %select_n3A_320 : vector<16xi32> to vector<16xi32>
      tpu.vector_store %arg9[%swap3A_321], %swap3A_324 {strides = array<i32>} : memref<2048xi32, #tpu.memory_space<vmem>>, vector<16xi32>,
      %get3A_325 = arith.constant 272 : index
      %get3A_326 = tpu.vector_load %arg7[%get3A_325] {strides = array<i32>} : memref<2048xi32, #tpu.memory_space<vmem>>, vector<16xi32>,
      %get3A_327 = vector.shape_cast %get3A_326 : vector<16xi32> to vector<16xi32>
      %ge3A_328 = vector.broadcast %mul3A_2 : i32 to vector<16xi32>
      %ge3A_329 = arith.cmpi sge, %get3A_327, %ge3A_328 : vector<16xi32>
      %lt3A_330 = vector.broadcast %add3A_4 : i32 to vector<16xi32>
      %lt3A_331 = arith.cmpi slt, %get3A_327, %lt3A_330 : vector<16xi32>
      %and3A_332 = arith.andi %ge3A_329, %lt3A_331 : vector<16xi1>
      %jit3A_333 = arith.constant 8388608 : i32
      %broadcast_in_dim3A_334 = vector.broadcast %jit3A_333 : i32 to vector<16xi32>
      %select_n3A_335 = arith.select %and3A_332, %get3A_327, %broadcast_in_dim3A_334 : vector<16xi1>, vector<16xi32>
      %swap3A_336 = arith.constant 272 : index
      %swap3A_337 = tpu.vector_load %arg9[%swap3A_336] {strides = array<i32>} : memref<2048xi32, #tpu.memory_space<vmem>>, vector<16xi32>,
      %swap3A_338 = vector.shape_cast %swap3A_337 : vector<16xi32> to vector<16xi32>
      %swap3A_339 = vector.shape_cast %select_n3A_335 : vector<16xi32> to vector<16xi32>
      tpu.vector_store %arg9[%swap3A_336], %swap3A_339 {strides = array<i32>} : memref<2048xi32, #tpu.memory_space<vmem>>, vector<16xi32>,
      %get3A_340 = arith.constant 288 : index
      %get3A_341 = tpu.vector_load %arg7[%get3A_340] {strides = array<i32>} : memref<2048xi32, #tpu.memory_space<vmem>>, vector<16xi32>,
      %get3A_342 = vector.shape_cast %get3A_341 : vector<16xi32> to vector<16xi32>
      %ge3A_343 = vector.broadcast %mul3A_2 : i32 to vector<16xi32>
      %ge3A_344 = arith.cmpi sge, %get3A_342, %ge3A_343 : vector<16xi32>
      %lt3A_345 = vector.broadcast %add3A_4 : i32 to vector<16xi32>
      %lt3A_346 = arith.cmpi slt, %get3A_342, %lt3A_345 : vector<16xi32>
      %and3A_347 = arith.andi %ge3A_344, %lt3A_346 : vector<16xi1>
      %jit3A_348 = arith.constant 8388608 : i32
      %broadcast_in_dim3A_349 = vector.broadcast %jit3A_348 : i32 to vector<16xi32>
      %select_n3A_350 = arith.select %and3A_347, %get3A_342, %broadcast_in_dim3A_349 : vector<16xi1>, vector<16xi32>
      %swap3A_351 = arith.constant 288 : index
      %swap3A_352 = tpu.vector_load %arg9[%swap3A_351] {strides = array<i32>} : memref<2048xi32, #tpu.memory_space<vmem>>, vector<16xi32>,
      %swap3A_353 = vector.shape_cast %swap3A_352 : vector<16xi32> to vector<16xi32>
      %swap3A_354 = vector.shape_cast %select_n3A_350 : vector<16xi32> to vector<16xi32>
      tpu.vector_store %arg9[%swap3A_351], %swap3A_354 {strides = array<i32>} : memref<2048xi32, #tpu.memory_space<vmem>>, vector<16xi32>,
      %get3A_355 = arith.constant 304 : index
      %get3A_356 = tpu.vector_load %arg7[%get3A_355] {strides = array<i32>} : memref<2048xi32, #tpu.memory_space<vmem>>, vector<16xi32>,
      %get3A_357 = vector.shape_cast %get3A_356 : vector<16xi32> to vector<16xi32>
      %ge3A_358 = vector.broadcast %mul3A_2 : i32 to vector<16xi32>
      %ge3A_359 = arith.cmpi sge, %get3A_357, %ge3A_358 : vector<16xi32>
      %lt3A_360 = vector.broadcast %add3A_4 : i32 to vector<16xi32>
      %lt3A_361 = arith.cmpi slt, %get3A_357, %lt3A_360 : vector<16xi32>
      %and3A_362 = arith.andi %ge3A_359, %lt3A_361 : vector<16xi1>
      %jit3A_363 = arith.constant 8388608 : i32
      %broadcast_in_dim3A_364 = vector.broadcast %jit3A_363 : i32 to vector<16xi32>
      %select_n3A_365 = arith.select %and3A_362, %get3A_357, %broadcast_in_dim3A_364 : vector<16xi1>, vector<16xi32>
      %swap3A_366 = arith.constant 304 : index
      %swap3A_367 = tpu.vector_load %arg9[%swap3A_366] {strides = array<i32>} : memref<2048xi32, #tpu.memory_space<vmem>>, vector<16xi32>,
      %swap3A_368 = vector.shape_cast %swap3A_367 : vector<16xi32> to vector<16xi32>
      %swap3A_369 = vector.shape_cast %select_n3A_365 : vector<16xi32> to vector<16xi32>
      tpu.vector_store %arg9[%swap3A_366], %swap3A_369 {strides = array<i32>} : memref<2048xi32, #tpu.memory_space<vmem>>, vector<16xi32>,
      %get3A_370 = arith.constant 320 : index
      %get3A_371 = tpu.vector_load %arg7[%get3A_370] {strides = array<i32>} : memref<2048xi32, #tpu.memory_space<vmem>>, vector<16xi32>,
      %get3A_372 = vector.shape_cast %get3A_371 : vector<16xi32> to vector<16xi32>
      %ge3A_373 = vector.broadcast %mul3A_2 : i32 to vector<16xi32>
      %ge3A_374 = arith.cmpi sge, %get3A_372, %ge3A_373 : vector<16xi32>
      %lt3A_375 = vector.broadcast %add3A_4 : i32 to vector<16xi32>
      %lt3A_376 = arith.cmpi slt, %get3A_372, %lt3A_375 : vector<16xi32>
      %and3A_377 = arith.andi %ge3A_374, %lt3A_376 : vector<16xi1>
      %jit3A_378 = arith.constant 8388608 : i32
      %broadcast_in_dim3A_379 = vector.broadcast %jit3A_378 : i32 to vector<16xi32>
      %select_n3A_380 = arith.select %and3A_377, %get3A_372, %broadcast_in_dim3A_379 : vector<16xi1>, vector<16xi32>
      %swap3A_381 = arith.constant 320 : index
      %swap3A_382 = tpu.vector_load %arg9[%swap3A_381] {strides = array<i32>} : memref<2048xi32, #tpu.memory_space<vmem>>, vector<16xi32>,
      %swap3A_383 = vector.shape_cast %swap3A_382 : vector<16xi32> to vector<16xi32>
      %swap3A_384 = vector.shape_cast %select_n3A_380 : vector<16xi32> to vector<16xi32>
      tpu.vector_store %arg9[%swap3A_381], %swap3A_384 {strides = array<i32>} : memref<2048xi32, #tpu.memory_space<vmem>>, vector<16xi32>,
      %get3A_385 = arith.constant 336 : index
      %get3A_386 = tpu.vector_load %arg7[%get3A_385] {strides = array<i32>} : memref<2048xi32, #tpu.memory_space<vmem>>, vector<16xi32>,
      %get3A_387 = vector.shape_cast %get3A_386 : vector<16xi32> to vector<16xi32>
      %ge3A_388 = vector.broadcast %mul3A_2 : i32 to vector<16xi32>
      %ge3A_389 = arith.cmpi sge, %get3A_387, %ge3A_388 : vector<16xi32>
      %lt3A_390 = vector.broadcast %add3A_4 : i32 to vector<16xi32>
      %lt3A_391 = arith.cmpi slt, %get3A_387, %lt3A_390 : vector<16xi32>
      %and3A_392 = arith.andi %ge3A_389, %lt3A_391 : vector<16xi1>
      %jit3A_393 = arith.constant 8388608 : i32
      %broadcast_in_dim3A_394 = vector.broadcast %jit3A_393 : i32 to vector<16xi32>
      %select_n3A_395 = arith.select %and3A_392, %get3A_387, %broadcast_in_dim3A_394 : vector<16xi1>, vector<16xi32>
      %swap3A_396 = arith.constant 336 : index
      %swap3A_397 = tpu.vector_load %arg9[%swap3A_396] {strides = array<i32>} : memref<2048xi32, #tpu.memory_space<vmem>>, vector<16xi32>,
      %swap3A_398 = vector.shape_cast %swap3A_397 : vector<16xi32> to vector<16xi32>
      %swap3A_399 = vector.shape_cast %select_n3A_395 : vector<16xi32> to vector<16xi32>
      tpu.vector_store %arg9[%swap3A_396], %swap3A_399 {strides = array<i32>} : memref<2048xi32, #tpu.memory_space<vmem>>, vector<16xi32>,
      %get3A_400 = arith.constant 352 : index
      %get3A_401 = tpu.vector_load %arg7[%get3A_400] {strides = array<i32>} : memref<2048xi32, #tpu.memory_space<vmem>>, vector<16xi32>,
      %get3A_402 = vector.shape_cast %get3A_401 : vector<16xi32> to vector<16xi32>
      %ge3A_403 = vector.broadcast %mul3A_2 : i32 to vector<16xi32>
      %ge3A_404 = arith.cmpi sge, %get3A_402, %ge3A_403 : vector<16xi32>
      %lt3A_405 = vector.broadcast %add3A_4 : i32 to vector<16xi32>
      %lt3A_406 = arith.cmpi slt, %get3A_402, %lt3A_405 : vector<16xi32>
      %and3A_407 = arith.andi %ge3A_404, %lt3A_406 : vector<16xi1>
      %jit3A_408 = arith.constant 8388608 : i32
      %broadcast_in_dim3A_409 = vector.broadcast %jit3A_408 : i32 to vector<16xi32>
      %select_n3A_410 = arith.select %and3A_407, %get3A_402, %broadcast_in_dim3A_409 : vector<16xi1>, vector<16xi32>
      %swap3A_411 = arith.constant 352 : index
      %swap3A_412 = tpu.vector_load %arg9[%swap3A_411] {strides = array<i32>} : memref<2048xi32, #tpu.memory_space<vmem>>, vector<16xi32>,
      %swap3A_413 = vector.shape_cast %swap3A_412 : vector<16xi32> to vector<16xi32>
      %swap3A_414 = vector.shape_cast %select_n3A_410 : vector<16xi32> to vector<16xi32>
      tpu.vector_store %arg9[%swap3A_411], %swap3A_414 {strides = array<i32>} : memref<2048xi32, #tpu.memory_space<vmem>>, vector<16xi32>,
      %get3A_415 = arith.constant 368 : index
      %get3A_416 = tpu.vector_load %arg7[%get3A_415] {strides = array<i32>} : memref<2048xi32, #tpu.memory_space<vmem>>, vector<16xi32>,
      %get3A_417 = vector.shape_cast %get3A_416 : vector<16xi32> to vector<16xi32>
      %ge3A_418 = vector.broadcast %mul3A_2 : i32 to vector<16xi32>
      %ge3A_419 = arith.cmpi sge, %get3A_417, %ge3A_418 : vector<16xi32>
      %lt3A_420 = vector.broadcast %add3A_4 : i32 to vector<16xi32>
      %lt3A_421 = arith.cmpi slt, %get3A_417, %lt3A_420 : vector<16xi32>
      %and3A_422 = arith.andi %ge3A_419, %lt3A_421 : vector<16xi1>
      %jit3A_423 = arith.constant 8388608 : i32
      %broadcast_in_dim3A_424 = vector.broadcast %jit3A_423 : i32 to vector<16xi32>
      %select_n3A_425 = arith.select %and3A_422, %get3A_417, %broadcast_in_dim3A_424 : vector<16xi1>, vector<16xi32>
      %swap3A_426 = arith.constant 368 : index
      %swap3A_427 = tpu.vector_load %arg9[%swap3A_426] {strides = array<i32>} : memref<2048xi32, #tpu.memory_space<vmem>>, vector<16xi32>,
      %swap3A_428 = vector.shape_cast %swap3A_427 : vector<16xi32> to vector<16xi32>
      %swap3A_429 = vector.shape_cast %select_n3A_425 : vector<16xi32> to vector<16xi32>
      tpu.vector_store %arg9[%swap3A_426], %swap3A_429 {strides = array<i32>} : memref<2048xi32, #tpu.memory_space<vmem>>, vector<16xi32>,
      %get3A_430 = arith.constant 384 : index
      %get3A_431 = tpu.vector_load %arg7[%get3A_430] {strides = array<i32>} : memref<2048xi32, #tpu.memory_space<vmem>>, vector<16xi32>,
      %get3A_432 = vector.shape_cast %get3A_431 : vector<16xi32> to vector<16xi32>
      %ge3A_433 = vector.broadcast %mul3A_2 : i32 to vector<16xi32>
      %ge3A_434 = arith.cmpi sge, %get3A_432, %ge3A_433 : vector<16xi32>
      %lt3A_435 = vector.broadcast %add3A_4 : i32 to vector<16xi32>
      %lt3A_436 = arith.cmpi slt, %get3A_432, %lt3A_435 : vector<16xi32>
      %and3A_437 = arith.andi %ge3A_434, %lt3A_436 : vector<16xi1>
      %jit3A_438 = arith.constant 8388608 : i32
      %broadcast_in_dim3A_439 = vector.broadcast %jit3A_438 : i32 to vector<16xi32>
      %select_n3A_440 = arith.select %and3A_437, %get3A_432, %broadcast_in_dim3A_439 : vector<16xi1>, vector<16xi32>
      %swap3A_441 = arith.constant 384 : index
      %swap3A_442 = tpu.vector_load %arg9[%swap3A_441] {strides = array<i32>} : memref<2048xi32, #tpu.memory_space<vmem>>, vector<16xi32>,
      %swap3A_443 = vector.shape_cast %swap3A_442 : vector<16xi32> to vector<16xi32>
      %swap3A_444 = vector.shape_cast %select_n3A_440 : vector<16xi32> to vector<16xi32>
      tpu.vector_store %arg9[%swap3A_441], %swap3A_444 {strides = array<i32>} : memref<2048xi32, #tpu.memory_space<vmem>>, vector<16xi32>,
      %get3A_445 = arith.constant 400 : index
      %get3A_446 = tpu.vector_load %arg7[%get3A_445] {strides = array<i32>} : memref<2048xi32, #tpu.memory_space<vmem>>, vector<16xi32>,
      %get3A_447 = vector.shape_cast %get3A_446 : vector<16xi32> to vector<16xi32>
      %ge3A_448 = vector.broadcast %mul3A_2 : i32 to vector<16xi32>
      %ge3A_449 = arith.cmpi sge, %get3A_447, %ge3A_448 : vector<16xi32>
      %lt3A_450 = vector.broadcast %add3A_4 : i32 to vector<16xi32>
      %lt3A_451 = arith.cmpi slt, %get3A_447, %lt3A_450 : vector<16xi32>
      %and3A_452 = arith.andi %ge3A_449, %lt3A_451 : vector<16xi1>
      %jit3A_453 = arith.constant 8388608 : i32
      %broadcast_in_dim3A_454 = vector.broadcast %jit3A_453 : i32 to vector<16xi32>
      %select_n3A_455 = arith.select %and3A_452, %get3A_447, %broadcast_in_dim3A_454 : vector<16xi1>, vector<16xi32>
      %swap3A_456 = arith.constant 400 : index
      %swap3A_457 = tpu.vector_load %arg9[%swap3A_456] {strides = array<i32>} : memref<2048xi32, #tpu.memory_space<vmem>>, vector<16xi32>,
      %swap3A_458 = vector.shape_cast %swap3A_457 : vector<16xi32> to vector<16xi32>
      %swap3A_459 = vector.shape_cast %select_n3A_455 : vector<16xi32> to vector<16xi32>
      tpu.vector_store %arg9[%swap3A_456], %swap3A_459 {strides = array<i32>} : memref<2048xi32, #tpu.memory_space<vmem>>, vector<16xi32>,
      %get3A_460 = arith.constant 416 : index
      %get3A_461 = tpu.vector_load %arg7[%get3A_460] {strides = array<i32>} : memref<2048xi32, #tpu.memory_space<vmem>>, vector<16xi32>,
      %get3A_462 = vector.shape_cast %get3A_461 : vector<16xi32> to vector<16xi32>
      %ge3A_463 = vector.broadcast %mul3A_2 : i32 to vector<16xi32>
      %ge3A_464 = arith.cmpi sge, %get3A_462, %ge3A_463 : vector<16xi32>
      %lt3A_465 = vector.broadcast %add3A_4 : i32 to vector<16xi32>
      %lt3A_466 = arith.cmpi slt, %get3A_462, %lt3A_465 : vector<16xi32>
      %and3A_467 = arith.andi %ge3A_464, %lt3A_466 : vector<16xi1>
      %jit3A_468 = arith.constant 8388608 : i32
      %broadcast_in_dim3A_469 = vector.broadcast %jit3A_468 : i32 to vector<16xi32>
      %select_n3A_470 = arith.select %and3A_467, %get3A_462, %broadcast_in_dim3A_469 : vector<16xi1>, vector<16xi32>
      %swap3A_471 = arith.constant 416 : index
      %swap3A_472 = tpu.vector_load %arg9[%swap3A_471] {strides = array<i32>} : memref<2048xi32, #tpu.memory_space<vmem>>, vector<16xi32>,
      %swap3A_473 = vector.shape_cast %swap3A_472 : vector<16xi32> to vector<16xi32>
      %swap3A_474 = vector.shape_cast %select_n3A_470 : vector<16xi32> to vector<16xi32>
      tpu.vector_store %arg9[%swap3A_471], %swap3A_474 {strides = array<i32>} : memref<2048xi32, #tpu.memory_space<vmem>>, vector<16xi32>,
      %get3A_475 = arith.constant 432 : index
      %get3A_476 = tpu.vector_load %arg7[%get3A_475] {strides = array<i32>} : memref<2048xi32, #tpu.memory_space<vmem>>, vector<16xi32>,
      %get3A_477 = vector.shape_cast %get3A_476 : vector<16xi32> to vector<16xi32>
      %ge3A_478 = vector.broadcast %mul3A_2 : i32 to vector<16xi32>
      %ge3A_479 = arith.cmpi sge, %get3A_477, %ge3A_478 : vector<16xi32>
      %lt3A_480 = vector.broadcast %add3A_4 : i32 to vector<16xi32>
      %lt3A_481 = arith.cmpi slt, %get3A_477, %lt3A_480 : vector<16xi32>
      %and3A_482 = arith.andi %ge3A_479, %lt3A_481 : vector<16xi1>
      %jit3A_483 = arith.constant 8388608 : i32
      %broadcast_in_dim3A_484 = vector.broadcast %jit3A_483 : i32 to vector<16xi32>
      %select_n3A_485 = arith.select %and3A_482, %get3A_477, %broadcast_in_dim3A_484 : vector<16xi1>, vector<16xi32>
      %swap3A_486 = arith.constant 432 : index
      %swap3A_487 = tpu.vector_load %arg9[%swap3A_486] {strides = array<i32>} : memref<2048xi32, #tpu.memory_space<vmem>>, vector<16xi32>,
      %swap3A_488 = vector.shape_cast %swap3A_487 : vector<16xi32> to vector<16xi32>
      %swap3A_489 = vector.shape_cast %select_n3A_485 : vector<16xi32> to vector<16xi32>
      tpu.vector_store %arg9[%swap3A_486], %swap3A_489 {strides = array<i32>} : memref<2048xi32, #tpu.memory_space<vmem>>, vector<16xi32>,
      %get3A_490 = arith.constant 448 : index
      %get3A_491 = tpu.vector_load %arg7[%get3A_490] {strides = array<i32>} : memref<2048xi32, #tpu.memory_space<vmem>>, vector<16xi32>,
      %get3A_492 = vector.shape_cast %get3A_491 : vector<16xi32> to vector<16xi32>
      %ge3A_493 = vector.broadcast %mul3A_2 : i32 to vector<16xi32>
      %ge3A_494 = arith.cmpi sge, %get3A_492, %ge3A_493 : vector<16xi32>
      %lt3A_495 = vector.broadcast %add3A_4 : i32 to vector<16xi32>
      %lt3A_496 = arith.cmpi slt, %get3A_492, %lt3A_495 : vector<16xi32>
      %and3A_497 = arith.andi %ge3A_494, %lt3A_496 : vector<16xi1>
      %jit3A_498 = arith.constant 8388608 : i32
      %broadcast_in_dim3A_499 = vector.broadcast %jit3A_498 : i32 to vector<16xi32>
      %select_n3A_500 = arith.select %and3A_497, %get3A_492, %broadcast_in_dim3A_499 : vector<16xi1>, vector<16xi32>
      %swap3A_501 = arith.constant 448 : index
      %swap3A_502 = tpu.vector_load %arg9[%swap3A_501] {strides = array<i32>} : memref<2048xi32, #tpu.memory_space<vmem>>, vector<16xi32>,
      %swap3A_503 = vector.shape_cast %swap3A_502 : vector<16xi32> to vector<16xi32>
      %swap3A_504 = vector.shape_cast %select_n3A_500 : vector<16xi32> to vector<16xi32>
      tpu.vector_store %arg9[%swap3A_501], %swap3A_504 {strides = array<i32>} : memref<2048xi32, #tpu.memory_space<vmem>>, vector<16xi32>,
      %get3A_505 = arith.constant 464 : index
      %get3A_506 = tpu.vector_load %arg7[%get3A_505] {strides = array<i32>} : memref<2048xi32, #tpu.memory_space<vmem>>, vector<16xi32>,
      %get3A_507 = vector.shape_cast %get3A_506 : vector<16xi32> to vector<16xi32>
      %ge3A_508 = vector.broadcast %mul3A_2 : i32 to vector<16xi32>
      %ge3A_509 = arith.cmpi sge, %get3A_507, %ge3A_508 : vector<16xi32>
      %lt3A_510 = vector.broadcast %add3A_4 : i32 to vector<16xi32>
      %lt3A_511 = arith.cmpi slt, %get3A_507, %lt3A_510 : vector<16xi32>
      %and3A_512 = arith.andi %ge3A_509, %lt3A_511 : vector<16xi1>
      %jit3A_513 = arith.constant 8388608 : i32
      %broadcast_in_dim3A_514 = vector.broadcast %jit3A_513 : i32 to vector<16xi32>
      %select_n3A_515 = arith.select %and3A_512, %get3A_507, %broadcast_in_dim3A_514 : vector<16xi1>, vector<16xi32>
      %swap3A_516 = arith.constant 464 : index
      %swap3A_517 = tpu.vector_load %arg9[%swap3A_516] {strides = array<i32>} : memref<2048xi32, #tpu.memory_space<vmem>>, vector<16xi32>,
      %swap3A_518 = vector.shape_cast %swap3A_517 : vector<16xi32> to vector<16xi32>
      %swap3A_519 = vector.shape_cast %select_n3A_515 : vector<16xi32> to vector<16xi32>
      tpu.vector_store %arg9[%swap3A_516], %swap3A_519 {strides = array<i32>} : memref<2048xi32, #tpu.memory_space<vmem>>, vector<16xi32>,
      %get3A_520 = arith.constant 480 : index
      %get3A_521 = tpu.vector_load %arg7[%get3A_520] {strides = array<i32>} : memref<2048xi32, #tpu.memory_space<vmem>>, vector<16xi32>,
      %get3A_522 = vector.shape_cast %get3A_521 : vector<16xi32> to vector<16xi32>
      %ge3A_523 = vector.broadcast %mul3A_2 : i32 to vector<16xi32>
      %ge3A_524 = arith.cmpi sge, %get3A_522, %ge3A_523 : vector<16xi32>
      %lt3A_525 = vector.broadcast %add3A_4 : i32 to vector<16xi32>
      %lt3A_526 = arith.cmpi slt, %get3A_522, %lt3A_525 : vector<16xi32>
      %and3A_527 = arith.andi %ge3A_524, %lt3A_526 : vector<16xi1>
      %jit3A_528 = arith.constant 8388608 : i32
      %broadcast_in_dim3A_529 = vector.broadcast %jit3A_528 : i32 to vector<16xi32>
      %select_n3A_530 = arith.select %and3A_527, %get3A_522, %broadcast_in_dim3A_529 : vector<16xi1>, vector<16xi32>
      %swap3A_531 = arith.constant 480 : index
      %swap3A_532 = tpu.vector_load %arg9[%swap3A_531] {strides = array<i32>} : memref<2048xi32, #tpu.memory_space<vmem>>, vector<16xi32>,
      %swap3A_533 = vector.shape_cast %swap3A_532 : vector<16xi32> to vector<16xi32>
      %swap3A_534 = vector.shape_cast %select_n3A_530 : vector<16xi32> to vector<16xi32>
      tpu.vector_store %arg9[%swap3A_531], %swap3A_534 {strides = array<i32>} : memref<2048xi32, #tpu.memory_space<vmem>>, vector<16xi32>,
      %get3A_535 = arith.constant 496 : index
      %get3A_536 = tpu.vector_load %arg7[%get3A_535] {strides = array<i32>} : memref<2048xi32, #tpu.memory_space<vmem>>, vector<16xi32>,
      %get3A_537 = vector.shape_cast %get3A_536 : vector<16xi32> to vector<16xi32>
      %ge3A_538 = vector.broadcast %mul3A_2 : i32 to vector<16xi32>
      %ge3A_539 = arith.cmpi sge, %get3A_537, %ge3A_538 : vector<16xi32>
      %lt3A_540 = vector.broadcast %add3A_4 : i32 to vector<16xi32>
      %lt3A_541 = arith.cmpi slt, %get3A_537, %lt3A_540 : vector<16xi32>
      %and3A_542 = arith.andi %ge3A_539, %lt3A_541 : vector<16xi1>
      %jit3A_543 = arith.constant 8388608 : i32
      %broadcast_in_dim3A_544 = vector.broadcast %jit3A_543 : i32 to vector<16xi32>
      %select_n3A_545 = arith.select %and3A_542, %get3A_537, %broadcast_in_dim3A_544 : vector<16xi1>, vector<16xi32>
      %swap3A_546 = arith.constant 496 : index
      %swap3A_547 = tpu.vector_load %arg9[%swap3A_546] {strides = array<i32>} : memref<2048xi32, #tpu.memory_space<vmem>>, vector<16xi32>,
      %swap3A_548 = vector.shape_cast %swap3A_547 : vector<16xi32> to vector<16xi32>
      %swap3A_549 = vector.shape_cast %select_n3A_545 : vector<16xi32> to vector<16xi32>
      tpu.vector_store %arg9[%swap3A_546], %swap3A_549 {strides = array<i32>} : memref<2048xi32, #tpu.memory_space<vmem>>, vector<16xi32>,
      %get3A_550 = arith.constant 512 : index
      %get3A_551 = tpu.vector_load %arg7[%get3A_550] {strides = array<i32>} : memref<2048xi32, #tpu.memory_space<vmem>>, vector<16xi32>,
      %get3A_552 = vector.shape_cast %get3A_551 : vector<16xi32> to vector<16xi32>
      %ge3A_553 = vector.broadcast %mul3A_2 : i32 to vector<16xi32>
      %ge3A_554 = arith.cmpi sge, %get3A_552, %ge3A_553 : vector<16xi32>
      %lt3A_555 = vector.broadcast %add3A_4 : i32 to vector<16xi32>
      %lt3A_556 = arith.cmpi slt, %get3A_552, %lt3A_555 : vector<16xi32>
      %and3A_557 = arith.andi %ge3A_554, %lt3A_556 : vector<16xi1>
      %jit3A_558 = arith.constant 8388608 : i32
      %broadcast_in_dim3A_559 = vector.broadcast %jit3A_558 : i32 to vector<16xi32>
      %select_n3A_560 = arith.select %and3A_557, %get3A_552, %broadcast_in_dim3A_559 : vector<16xi1>, vector<16xi32>
      %swap3A_561 = arith.constant 512 : index
      %swap3A_562 = tpu.vector_load %arg9[%swap3A_561] {strides = array<i32>} : memref<2048xi32, #tpu.memory_space<vmem>>, vector<16xi32>,
      %swap3A_563 = vector.shape_cast %swap3A_562 : vector<16xi32> to vector<16xi32>
      %swap3A_564 = vector.shape_cast %select_n3A_560 : vector<16xi32> to vector<16xi32>
      tpu.vector_store %arg9[%swap3A_561], %swap3A_564 {strides = array<i32>} : memref<2048xi32, #tpu.memory_space<vmem>>, vector<16xi32>,
      %get3A_565 = arith.constant 528 : index
      %get3A_566 = tpu.vector_load %arg7[%get3A_565] {strides = array<i32>} : memref<2048xi32, #tpu.memory_space<vmem>>, vector<16xi32>,
      %get3A_567 = vector.shape_cast %get3A_566 : vector<16xi32> to vector<16xi32>
      %ge3A_568 = vector.broadcast %mul3A_2 : i32 to vector<16xi32>
      %ge3A_569 = arith.cmpi sge, %get3A_567, %ge3A_568 : vector<16xi32>
      %lt3A_570 = vector.broadcast %add3A_4 : i32 to vector<16xi32>
      %lt3A_571 = arith.cmpi slt, %get3A_567, %lt3A_570 : vector<16xi32>
      %and3A_572 = arith.andi %ge3A_569, %lt3A_571 : vector<16xi1>
      %jit3A_573 = arith.constant 8388608 : i32
      %broadcast_in_dim3A_574 = vector.broadcast %jit3A_573 : i32 to vector<16xi32>
      %select_n3A_575 = arith.select %and3A_572, %get3A_567, %broadcast_in_dim3A_574 : vector<16xi1>, vector<16xi32>
      %swap3A_576 = arith.constant 528 : index
      %swap3A_577 = tpu.vector_load %arg9[%swap3A_576] {strides = array<i32>} : memref<2048xi32, #tpu.memory_space<vmem>>, vector<16xi32>,
      %swap3A_578 = vector.shape_cast %swap3A_577 : vector<16xi32> to vector<16xi32>
      %swap3A_579 = vector.shape_cast %select_n3A_575 : vector<16xi32> to vector<16xi32>
      tpu.vector_store %arg9[%swap3A_576], %swap3A_579 {strides = array<i32>} : memref<2048xi32, #tpu.memory_space<vmem>>, vector<16xi32>,
      %get3A_580 = arith.constant 544 : index
      %get3A_581 = tpu.vector_load %arg7[%get3A_580] {strides = array<i32>} : memref<2048xi32, #tpu.memory_space<vmem>>, vector<16xi32>,
      %get3A_582 = vector.shape_cast %get3A_581 : vector<16xi32> to vector<16xi32>
      %ge3A_583 = vector.broadcast %mul3A_2 : i32 to vector<16xi32>
      %ge3A_584 = arith.cmpi sge, %get3A_582, %ge3A_583 : vector<16xi32>
      %lt3A_585 = vector.broadcast %add3A_4 : i32 to vector<16xi32>
      %lt3A_586 = arith.cmpi slt, %get3A_582, %lt3A_585 : vector<16xi32>
      %and3A_587 = arith.andi %ge3A_584, %lt3A_586 : vector<16xi1>
      %jit3A_588 = arith.constant 8388608 : i32
      %broadcast_in_dim3A_589 = vector.broadcast %jit3A_588 : i32 to vector<16xi32>
      %select_n3A_590 = arith.select %and3A_587, %get3A_582, %broadcast_in_dim3A_589 : vector<16xi1>, vector<16xi32>
      %swap3A_591 = arith.constant 544 : index
      %swap3A_592 = tpu.vector_load %arg9[%swap3A_591] {strides = array<i32>} : memref<2048xi32, #tpu.memory_space<vmem>>, vector<16xi32>,
      %swap3A_593 = vector.shape_cast %swap3A_592 : vector<16xi32> to vector<16xi32>
      %swap3A_594 = vector.shape_cast %select_n3A_590 : vector<16xi32> to vector<16xi32>
      tpu.vector_store %arg9[%swap3A_591], %swap3A_594 {strides = array<i32>} : memref<2048xi32, #tpu.memory_space<vmem>>, vector<16xi32>,
      %get3A_595 = arith.constant 560 : index
      %get3A_596 = tpu.vector_load %arg7[%get3A_595] {strides = array<i32>} : memref<2048xi32, #tpu.memory_space<vmem>>, vector<16xi32>,
      %get3A_597 = vector.shape_cast %get3A_596 : vector<16xi32> to vector<16xi32>
      %ge3A_598 = vector.broadcast %mul3A_2 : i32 to vector<16xi32>
      %ge3A_599 = arith.cmpi sge, %get3A_597, %ge3A_598 : vector<16xi32>
      %lt3A_600 = vector.broadcast %add3A_4 : i32 to vector<16xi32>
      %lt3A_601 = arith.cmpi slt, %get3A_597, %lt3A_600 : vector<16xi32>
      %and3A_602 = arith.andi %ge3A_599, %lt3A_601 : vector<16xi1>
      %jit3A_603 = arith.constant 8388608 : i32
      %broadcast_in_dim3A_604 = vector.broadcast %jit3A_603 : i32 to vector<16xi32>
      %select_n3A_605 = arith.select %and3A_602, %get3A_597, %broadcast_in_dim3A_604 : vector<16xi1>, vector<16xi32>
      %swap3A_606 = arith.constant 560 : index
      %swap3A_607 = tpu.vector_load %arg9[%swap3A_606] {strides = array<i32>} : memref<2048xi32, #tpu.memory_space<vmem>>, vector<16xi32>,
      %swap3A_608 = vector.shape_cast %swap3A_607 : vector<16xi32> to vector<16xi32>
      %swap3A_609 = vector.shape_cast %select_n3A_605 : vector<16xi32> to vector<16xi32>
      tpu.vector_store %arg9[%swap3A_606], %swap3A_609 {strides = array<i32>} : memref<2048xi32, #tpu.memory_space<vmem>>, vector<16xi32>,
      %get3A_610 = arith.constant 576 : index
      %get3A_611 = tpu.vector_load %arg7[%get3A_610] {strides = array<i32>} : memref<2048xi32, #tpu.memory_space<vmem>>, vector<16xi32>,
      %get3A_612 = vector.shape_cast %get3A_611 : vector<16xi32> to vector<16xi32>
      %ge3A_613 = vector.broadcast %mul3A_2 : i32 to vector<16xi32>
      %ge3A_614 = arith.cmpi sge, %get3A_612, %ge3A_613 : vector<16xi32>
      %lt3A_615 = vector.broadcast %add3A_4 : i32 to vector<16xi32>
      %lt3A_616 = arith.cmpi slt, %get3A_612, %lt3A_615 : vector<16xi32>
      %and3A_617 = arith.andi %ge3A_614, %lt3A_616 : vector<16xi1>
      %jit3A_618 = arith.constant 8388608 : i32
      %broadcast_in_dim3A_619 = vector.broadcast %jit3A_618 : i32 to vector<16xi32>
      %select_n3A_620 = arith.select %and3A_617, %get3A_612, %broadcast_in_dim3A_619 : vector<16xi1>, vector<16xi32>
      %swap3A_621 = arith.constant 576 : index
      %swap3A_622 = tpu.vector_load %arg9[%swap3A_621] {strides = array<i32>} : memref<2048xi32, #tpu.memory_space<vmem>>, vector<16xi32>,
      %swap3A_623 = vector.shape_cast %swap3A_622 : vector<16xi32> to vector<16xi32>
      %swap3A_624 = vector.shape_cast %select_n3A_620 : vector<16xi32> to vector<16xi32>
      tpu.vector_store %arg9[%swap3A_621], %swap3A_624 {strides = array<i32>} : memref<2048xi32, #tpu.memory_space<vmem>>, vector<16xi32>,
      %get3A_625 = arith.constant 592 : index
      %get3A_626 = tpu.vector_load %arg7[%get3A_625] {strides = array<i32>} : memref<2048xi32, #tpu.memory_space<vmem>>, vector<16xi32>,
      %get3A_627 = vector.shape_cast %get3A_626 : vector<16xi32> to vector<16xi32>
      %ge3A_628 = vector.broadcast %mul3A_2 : i32 to vector<16xi32>
      %ge3A_629 = arith.cmpi sge, %get3A_627, %ge3A_628 : vector<16xi32>
      %lt3A_630 = vector.broadcast %add3A_4 : i32 to vector<16xi32>
      %lt3A_631 = arith.cmpi slt, %get3A_627, %lt3A_630 : vector<16xi32>
      %and3A_632 = arith.andi %ge3A_629, %lt3A_631 : vector<16xi1>
      %jit3A_633 = arith.constant 8388608 : i32
      %broadcast_in_dim3A_634 = vector.broadcast %jit3A_633 : i32 to vector<16xi32>
      %select_n3A_635 = arith.select %and3A_632, %get3A_627, %broadcast_in_dim3A_634 : vector<16xi1>, vector<16xi32>
      %swap3A_636 = arith.constant 592 : index
      %swap3A_637 = tpu.vector_load %arg9[%swap3A_636] {strides = array<i32>} : memref<2048xi32, #tpu.memory_space<vmem>>, vector<16xi32>,
      %swap3A_638 = vector.shape_cast %swap3A_637 : vector<16xi32> to vector<16xi32>
      %swap3A_639 = vector.shape_cast %select_n3A_635 : vector<16xi32> to vector<16xi32>
      tpu.vector_store %arg9[%swap3A_636], %swap3A_639 {strides = array<i32>} : memref<2048xi32, #tpu.memory_space<vmem>>, vector<16xi32>,
      %get3A_640 = arith.constant 608 : index
      %get3A_641 = tpu.vector_load %arg7[%get3A_640] {strides = array<i32>} : memref<2048xi32, #tpu.memory_space<vmem>>, vector<16xi32>,
      %get3A_642 = vector.shape_cast %get3A_641 : vector<16xi32> to vector<16xi32>
      %ge3A_643 = vector.broadcast %mul3A_2 : i32 to vector<16xi32>
      %ge3A_644 = arith.cmpi sge, %get3A_642, %ge3A_643 : vector<16xi32>
      %lt3A_645 = vector.broadcast %add3A_4 : i32 to vector<16xi32>
      %lt3A_646 = arith.cmpi slt, %get3A_642, %lt3A_645 : vector<16xi32>
      %and3A_647 = arith.andi %ge3A_644, %lt3A_646 : vector<16xi1>
      %jit3A_648 = arith.constant 8388608 : i32
      %broadcast_in_dim3A_649 = vector.broadcast %jit3A_648 : i32 to vector<16xi32>
      %select_n3A_650 = arith.select %and3A_647, %get3A_642, %broadcast_in_dim3A_649 : vector<16xi1>, vector<16xi32>
      %swap3A_651 = arith.constant 608 : index
      %swap3A_652 = tpu.vector_load %arg9[%swap3A_651] {strides = array<i32>} : memref<2048xi32, #tpu.memory_space<vmem>>, vector<16xi32>,
      %swap3A_653 = vector.shape_cast %swap3A_652 : vector<16xi32> to vector<16xi32>
      %swap3A_654 = vector.shape_cast %select_n3A_650 : vector<16xi32> to vector<16xi32>
      tpu.vector_store %arg9[%swap3A_651], %swap3A_654 {strides = array<i32>} : memref<2048xi32, #tpu.memory_space<vmem>>, vector<16xi32>,
      %get3A_655 = arith.constant 624 : index
      %get3A_656 = tpu.vector_load %arg7[%get3A_655] {strides = array<i32>} : memref<2048xi32, #tpu.memory_space<vmem>>, vector<16xi32>,
      %get3A_657 = vector.shape_cast %get3A_656 : vector<16xi32> to vector<16xi32>
      %ge3A_658 = vector.broadcast %mul3A_2 : i32 to vector<16xi32>
      %ge3A_659 = arith.cmpi sge, %get3A_657, %ge3A_658 : vector<16xi32>
      %lt3A_660 = vector.broadcast %add3A_4 : i32 to vector<16xi32>
      %lt3A_661 = arith.cmpi slt, %get3A_657, %lt3A_660 : vector<16xi32>
      %and3A_662 = arith.andi %ge3A_659, %lt3A_661 : vector<16xi1>
      %jit3A_663 = arith.constant 8388608 : i32
      %broadcast_in_dim3A_664 = vector.broadcast %jit3A_663 : i32 to vector<16xi32>
      %select_n3A_665 = arith.select %and3A_662, %get3A_657, %broadcast_in_dim3A_664 : vector<16xi1>, vector<16xi32>
      %swap3A_666 = arith.constant 624 : index
      %swap3A_667 = tpu.vector_load %arg9[%swap3A_666] {strides = array<i32>} : memref<2048xi32, #tpu.memory_space<vmem>>, vector<16xi32>,
      %swap3A_668 = vector.shape_cast %swap3A_667 : vector<16xi32> to vector<16xi32>
      %swap3A_669 = vector.shape_cast %select_n3A_665 : vector<16xi32> to vector<16xi32>
      tpu.vector_store %arg9[%swap3A_666], %swap3A_669 {strides = array<i32>} : memref<2048xi32, #tpu.memory_space<vmem>>, vector<16xi32>,
      %get3A_670 = arith.constant 640 : index
      %get3A_671 = tpu.vector_load %arg7[%get3A_670] {strides = array<i32>} : memref<2048xi32, #tpu.memory_space<vmem>>, vector<16xi32>,
      %get3A_672 = vector.shape_cast %get3A_671 : vector<16xi32> to vector<16xi32>
      %ge3A_673 = vector.broadcast %mul3A_2 : i32 to vector<16xi32>
      %ge3A_674 = arith.cmpi sge, %get3A_672, %ge3A_673 : vector<16xi32>
      %lt3A_675 = vector.broadcast %add3A_4 : i32 to vector<16xi32>
      %lt3A_676 = arith.cmpi slt, %get3A_672, %lt3A_675 : vector<16xi32>
      %and3A_677 = arith.andi %ge3A_674, %lt3A_676 : vector<16xi1>
      %jit3A_678 = arith.constant 8388608 : i32
      %broadcast_in_dim3A_679 = vector.broadcast %jit3A_678 : i32 to vector<16xi32>
      %select_n3A_680 = arith.select %and3A_677, %get3A_672, %broadcast_in_dim3A_679 : vector<16xi1>, vector<16xi32>
      %swap3A_681 = arith.constant 640 : index
      %swap3A_682 = tpu.vector_load %arg9[%swap3A_681] {strides = array<i32>} : memref<2048xi32, #tpu.memory_space<vmem>>, vector<16xi32>,
      %swap3A_683 = vector.shape_cast %swap3A_682 : vector<16xi32> to vector<16xi32>
      %swap3A_684 = vector.shape_cast %select_n3A_680 : vector<16xi32> to vector<16xi32>
      tpu.vector_store %arg9[%swap3A_681], %swap3A_684 {strides = array<i32>} : memref<2048xi32, #tpu.memory_space<vmem>>, vector<16xi32>,
      %get3A_685 = arith.constant 656 : index
      %get3A_686 = tpu.vector_load %arg7[%get3A_685] {strides = array<i32>} : memref<2048xi32, #tpu.memory_space<vmem>>, vector<16xi32>,
      %get3A_687 = vector.shape_cast %get3A_686 : vector<16xi32> to vector<16xi32>
      %ge3A_688 = vector.broadcast %mul3A_2 : i32 to vector<16xi32>
      %ge3A_689 = arith.cmpi sge, %get3A_687, %ge3A_688 : vector<16xi32>
      %lt3A_690 = vector.broadcast %add3A_4 : i32 to vector<16xi32>
      %lt3A_691 = arith.cmpi slt, %get3A_687, %lt3A_690 : vector<16xi32>
      %and3A_692 = arith.andi %ge3A_689, %lt3A_691 : vector<16xi1>
      %jit3A_693 = arith.constant 8388608 : i32
      %broadcast_in_dim3A_694 = vector.broadcast %jit3A_693 : i32 to vector<16xi32>
      %select_n3A_695 = arith.select %and3A_692, %get3A_687, %broadcast_in_dim3A_694 : vector<16xi1>, vector<16xi32>
      %swap3A_696 = arith.constant 656 : index
      %swap3A_697 = tpu.vector_load %arg9[%swap3A_696] {strides = array<i32>} : memref<2048xi32, #tpu.memory_space<vmem>>, vector<16xi32>,
      %swap3A_698 = vector.shape_cast %swap3A_697 : vector<16xi32> to vector<16xi32>
      %swap3A_699 = vector.shape_cast %select_n3A_695 : vector<16xi32> to vector<16xi32>
      tpu.vector_store %arg9[%swap3A_696], %swap3A_699 {strides = array<i32>} : memref<2048xi32, #tpu.memory_space<vmem>>, vector<16xi32>,
      %get3A_700 = arith.constant 672 : index
      %get3A_701 = tpu.vector_load %arg7[%get3A_700] {strides = array<i32>} : memref<2048xi32, #tpu.memory_space<vmem>>, vector<16xi32>,
      %get3A_702 = vector.shape_cast %get3A_701 : vector<16xi32> to vector<16xi32>
      %ge3A_703 = vector.broadcast %mul3A_2 : i32 to vector<16xi32>
      %ge3A_704 = arith.cmpi sge, %get3A_702, %ge3A_703 : vector<16xi32>
      %lt3A_705 = vector.broadcast %add3A_4 : i32 to vector<16xi32>
      %lt3A_706 = arith.cmpi slt, %get3A_702, %lt3A_705 : vector<16xi32>
      %and3A_707 = arith.andi %ge3A_704, %lt3A_706 : vector<16xi1>
      %jit3A_708 = arith.constant 8388608 : i32
      %broadcast_in_dim3A_709 = vector.broadcast %jit3A_708 : i32 to vector<16xi32>
      %select_n3A_710 = arith.select %and3A_707, %get3A_702, %broadcast_in_dim3A_709 : vector<16xi1>, vector<16xi32>
      %swap3A_711 = arith.constant 672 : index
      %swap3A_712 = tpu.vector_load %arg9[%swap3A_711] {strides = array<i32>} : memref<2048xi32, #tpu.memory_space<vmem>>, vector<16xi32>,
      %swap3A_713 = vector.shape_cast %swap3A_712 : vector<16xi32> to vector<16xi32>
      %swap3A_714 = vector.shape_cast %select_n3A_710 : vector<16xi32> to vector<16xi32>
      tpu.vector_store %arg9[%swap3A_711], %swap3A_714 {strides = array<i32>} : memref<2048xi32, #tpu.memory_space<vmem>>, vector<16xi32>,
      %get3A_715 = arith.constant 688 : index
      %get3A_716 = tpu.vector_load %arg7[%get3A_715] {strides = array<i32>} : memref<2048xi32, #tpu.memory_space<vmem>>, vector<16xi32>,
      %get3A_717 = vector.shape_cast %get3A_716 : vector<16xi32> to vector<16xi32>
      %ge3A_718 = vector.broadcast %mul3A_2 : i32 to vector<16xi32>
      %ge3A_719 = arith.cmpi sge, %get3A_717, %ge3A_718 : vector<16xi32>
      %lt3A_720 = vector.broadcast %add3A_4 : i32 to vector<16xi32>
      %lt3A_721 = arith.cmpi slt, %get3A_717, %lt3A_720 : vector<16xi32>
      %and3A_722 = arith.andi %ge3A_719, %lt3A_721 : vector<16xi1>
      %jit3A_723 = arith.constant 8388608 : i32
      %broadcast_in_dim3A_724 = vector.broadcast %jit3A_723 : i32 to vector<16xi32>
      %select_n3A_725 = arith.select %and3A_722, %get3A_717, %broadcast_in_dim3A_724 : vector<16xi1>, vector<16xi32>
      %swap3A_726 = arith.constant 688 : index
      %swap3A_727 = tpu.vector_load %arg9[%swap3A_726] {strides = array<i32>} : memref<2048xi32, #tpu.memory_space<vmem>>, vector<16xi32>,
      %swap3A_728 = vector.shape_cast %swap3A_727 : vector<16xi32> to vector<16xi32>
      %swap3A_729 = vector.shape_cast %select_n3A_725 : vector<16xi32> to vector<16xi32>
      tpu.vector_store %arg9[%swap3A_726], %swap3A_729 {strides = array<i32>} : memref<2048xi32, #tpu.memory_space<vmem>>, vector<16xi32>,
      %get3A_730 = arith.constant 704 : index
      %get3A_731 = tpu.vector_load %arg7[%get3A_730] {strides = array<i32>} : memref<2048xi32, #tpu.memory_space<vmem>>, vector<16xi32>,
      %get3A_732 = vector.shape_cast %get3A_731 : vector<16xi32> to vector<16xi32>
      %ge3A_733 = vector.broadcast %mul3A_2 : i32 to vector<16xi32>
      %ge3A_734 = arith.cmpi sge, %get3A_732, %ge3A_733 : vector<16xi32>
      %lt3A_735 = vector.broadcast %add3A_4 : i32 to vector<16xi32>
      %lt3A_736 = arith.cmpi slt, %get3A_732, %lt3A_735 : vector<16xi32>
      %and3A_737 = arith.andi %ge3A_734, %lt3A_736 : vector<16xi1>
      %jit3A_738 = arith.constant 8388608 : i32
      %broadcast_in_dim3A_739 = vector.broadcast %jit3A_738 : i32 to vector<16xi32>
      %select_n3A_740 = arith.select %and3A_737, %get3A_732, %broadcast_in_dim3A_739 : vector<16xi1>, vector<16xi32>
      %swap3A_741 = arith.constant 704 : index
      %swap3A_742 = tpu.vector_load %arg9[%swap3A_741] {strides = array<i32>} : memref<2048xi32, #tpu.memory_space<vmem>>, vector<16xi32>,
      %swap3A_743 = vector.shape_cast %swap3A_742 : vector<16xi32> to vector<16xi32>
      %swap3A_744 = vector.shape_cast %select_n3A_740 : vector<16xi32> to vector<16xi32>
      tpu.vector_store %arg9[%swap3A_741], %swap3A_744 {strides = array<i32>} : memref<2048xi32, #tpu.memory_space<vmem>>, vector<16xi32>,
      %get3A_745 = arith.constant 720 : index
      %get3A_746 = tpu.vector_load %arg7[%get3A_745] {strides = array<i32>} : memref<2048xi32, #tpu.memory_space<vmem>>, vector<16xi32>,
      %get3A_747 = vector.shape_cast %get3A_746 : vector<16xi32> to vector<16xi32>
      %ge3A_748 = vector.broadcast %mul3A_2 : i32 to vector<16xi32>
      %ge3A_749 = arith.cmpi sge, %get3A_747, %ge3A_748 : vector<16xi32>
      %lt3A_750 = vector.broadcast %add3A_4 : i32 to vector<16xi32>
      %lt3A_751 = arith.cmpi slt, %get3A_747, %lt3A_750 : vector<16xi32>
      %and3A_752 = arith.andi %ge3A_749, %lt3A_751 : vector<16xi1>
      %jit3A_753 = arith.constant 8388608 : i32
      %broadcast_in_dim3A_754 = vector.broadcast %jit3A_753 : i32 to vector<16xi32>
      %select_n3A_755 = arith.select %and3A_752, %get3A_747, %broadcast_in_dim3A_754 : vector<16xi1>, vector<16xi32>
      %swap3A_756 = arith.constant 720 : index
      %swap3A_757 = tpu.vector_load %arg9[%swap3A_756] {strides = array<i32>} : memref<2048xi32, #tpu.memory_space<vmem>>, vector<16xi32>,
      %swap3A_758 = vector.shape_cast %swap3A_757 : vector<16xi32> to vector<16xi32>
      %swap3A_759 = vector.shape_cast %select_n3A_755 : vector<16xi32> to vector<16xi32>
      tpu.vector_store %arg9[%swap3A_756], %swap3A_759 {strides = array<i32>} : memref<2048xi32, #tpu.memory_space<vmem>>, vector<16xi32>,
      %get3A_760 = arith.constant 736 : index
      %get3A_761 = tpu.vector_load %arg7[%get3A_760] {strides = array<i32>} : memref<2048xi32, #tpu.memory_space<vmem>>, vector<16xi32>,
      %get3A_762 = vector.shape_cast %get3A_761 : vector<16xi32> to vector<16xi32>
      %ge3A_763 = vector.broadcast %mul3A_2 : i32 to vector<16xi32>
      %ge3A_764 = arith.cmpi sge, %get3A_762, %ge3A_763 : vector<16xi32>
      %lt3A_765 = vector.broadcast %add3A_4 : i32 to vector<16xi32>
      %lt3A_766 = arith.cmpi slt, %get3A_762, %lt3A_765 : vector<16xi32>
      %and3A_767 = arith.andi %ge3A_764, %lt3A_766 : vector<16xi1>
      %jit3A_768 = arith.constant 8388608 : i32
      %broadcast_in_dim3A_769 = vector.broadcast %jit3A_768 : i32 to vector<16xi32>
      %select_n3A_770 = arith.select %and3A_767, %get3A_762, %broadcast_in_dim3A_769 : vector<16xi1>, vector<16xi32>
      %swap3A_771 = arith.constant 736 : index
      %swap3A_772 = tpu.vector_load %arg9[%swap3A_771] {strides = array<i32>} : memref<2048xi32, #tpu.memory_space<vmem>>, vector<16xi32>,
      %swap3A_773 = vector.shape_cast %swap3A_772 : vector<16xi32> to vector<16xi32>
      %swap3A_774 = vector.shape_cast %select_n3A_770 : vector<16xi32> to vector<16xi32>
      tpu.vector_store %arg9[%swap3A_771], %swap3A_774 {strides = array<i32>} : memref<2048xi32, #tpu.memory_space<vmem>>, vector<16xi32>,
      %get3A_775 = arith.constant 752 : index
      %get3A_776 = tpu.vector_load %arg7[%get3A_775] {strides = array<i32>} : memref<2048xi32, #tpu.memory_space<vmem>>, vector<16xi32>,
      %get3A_777 = vector.shape_cast %get3A_776 : vector<16xi32> to vector<16xi32>
      %ge3A_778 = vector.broadcast %mul3A_2 : i32 to vector<16xi32>
      %ge3A_779 = arith.cmpi sge, %get3A_777, %ge3A_778 : vector<16xi32>
      %lt3A_780 = vector.broadcast %add3A_4 : i32 to vector<16xi32>
      %lt3A_781 = arith.cmpi slt, %get3A_777, %lt3A_780 : vector<16xi32>
      %and3A_782 = arith.andi %ge3A_779, %lt3A_781 : vector<16xi1>
      %jit3A_783 = arith.constant 8388608 : i32
      %broadcast_in_dim3A_784 = vector.broadcast %jit3A_783 : i32 to vector<16xi32>
      %select_n3A_785 = arith.select %and3A_782, %get3A_777, %broadcast_in_dim3A_784 : vector<16xi1>, vector<16xi32>
      %swap3A_786 = arith.constant 752 : index
      %swap3A_787 = tpu.vector_load %arg9[%swap3A_786] {strides = array<i32>} : memref<2048xi32, #tpu.memory_space<vmem>>, vector<16xi32>,
      %swap3A_788 = vector.shape_cast %swap3A_787 : vector<16xi32> to vector<16xi32>
      %swap3A_789 = vector.shape_cast %select_n3A_785 : vector<16xi32> to vector<16xi32>
      tpu.vector_store %arg9[%swap3A_786], %swap3A_789 {strides = array<i32>} : memref<2048xi32, #tpu.memory_space<vmem>>, vector<16xi32>,
      %get3A_790 = arith.constant 768 : index
      %get3A_791 = tpu.vector_load %arg7[%get3A_790] {strides = array<i32>} : memref<2048xi32, #tpu.memory_space<vmem>>, vector<16xi32>,
      %get3A_792 = vector.shape_cast %get3A_791 : vector<16xi32> to vector<16xi32>
      %ge3A_793 = vector.broadcast %mul3A_2 : i32 to vector<16xi32>
      %ge3A_794 = arith.cmpi sge, %get3A_792, %ge3A_793 : vector<16xi32>
      %lt3A_795 = vector.broadcast %add3A_4 : i32 to vector<16xi32>
      %lt3A_796 = arith.cmpi slt, %get3A_792, %lt3A_795 : vector<16xi32>
      %and3A_797 = arith.andi %ge3A_794, %lt3A_796 : vector<16xi1>
      %jit3A_798 = arith.constant 8388608 : i32
      %broadcast_in_dim3A_799 = vector.broadcast %jit3A_798 : i32 to vector<16xi32>
      %select_n3A_800 = arith.select %and3A_797, %get3A_792, %broadcast_in_dim3A_799 : vector<16xi1>, vector<16xi32>
      %swap3A_801 = arith.constant 768 : index
      %swap3A_802 = tpu.vector_load %arg9[%swap3A_801] {strides = array<i32>} : memref<2048xi32, #tpu.memory_space<vmem>>, vector<16xi32>,
      %swap3A_803 = vector.shape_cast %swap3A_802 : vector<16xi32> to vector<16xi32>
      %swap3A_804 = vector.shape_cast %select_n3A_800 : vector<16xi32> to vector<16xi32>
      tpu.vector_store %arg9[%swap3A_801], %swap3A_804 {strides = array<i32>} : memref<2048xi32, #tpu.memory_space<vmem>>, vector<16xi32>,
      %get3A_805 = arith.constant 784 : index
      %get3A_806 = tpu.vector_load %arg7[%get3A_805] {strides = array<i32>} : memref<2048xi32, #tpu.memory_space<vmem>>, vector<16xi32>,
      %get3A_807 = vector.shape_cast %get3A_806 : vector<16xi32> to vector<16xi32>
      %ge3A_808 = vector.broadcast %mul3A_2 : i32 to vector<16xi32>
      %ge3A_809 = arith.cmpi sge, %get3A_807, %ge3A_808 : vector<16xi32>
      %lt3A_810 = vector.broadcast %add3A_4 : i32 to vector<16xi32>
      %lt3A_811 = arith.cmpi slt, %get3A_807, %lt3A_810 : vector<16xi32>
      %and3A_812 = arith.andi %ge3A_809, %lt3A_811 : vector<16xi1>
      %jit3A_813 = arith.constant 8388608 : i32
      %broadcast_in_dim3A_814 = vector.broadcast %jit3A_813 : i32 to vector<16xi32>
      %select_n3A_815 = arith.select %and3A_812, %get3A_807, %broadcast_in_dim3A_814 : vector<16xi1>, vector<16xi32>
      %swap3A_816 = arith.constant 784 : index
      %swap3A_817 = tpu.vector_load %arg9[%swap3A_816] {strides = array<i32>} : memref<2048xi32, #tpu.memory_space<vmem>>, vector<16xi32>,
      %swap3A_818 = vector.shape_cast %swap3A_817 : vector<16xi32> to vector<16xi32>
      %swap3A_819 = vector.shape_cast %select_n3A_815 : vector<16xi32> to vector<16xi32>
      tpu.vector_store %arg9[%swap3A_816], %swap3A_819 {strides = array<i32>} : memref<2048xi32, #tpu.memory_space<vmem>>, vector<16xi32>,
      %get3A_820 = arith.constant 800 : index
      %get3A_821 = tpu.vector_load %arg7[%get3A_820] {strides = array<i32>} : memref<2048xi32, #tpu.memory_space<vmem>>, vector<16xi32>,
      %get3A_822 = vector.shape_cast %get3A_821 : vector<16xi32> to vector<16xi32>
      %ge3A_823 = vector.broadcast %mul3A_2 : i32 to vector<16xi32>
      %ge3A_824 = arith.cmpi sge, %get3A_822, %ge3A_823 : vector<16xi32>
      %lt3A_825 = vector.broadcast %add3A_4 : i32 to vector<16xi32>
      %lt3A_826 = arith.cmpi slt, %get3A_822, %lt3A_825 : vector<16xi32>
      %and3A_827 = arith.andi %ge3A_824, %lt3A_826 : vector<16xi1>
      %jit3A_828 = arith.constant 8388608 : i32
      %broadcast_in_dim3A_829 = vector.broadcast %jit3A_828 : i32 to vector<16xi32>
      %select_n3A_830 = arith.select %and3A_827, %get3A_822, %broadcast_in_dim3A_829 : vector<16xi1>, vector<16xi32>
      %swap3A_831 = arith.constant 800 : index
      %swap3A_832 = tpu.vector_load %arg9[%swap3A_831] {strides = array<i32>} : memref<2048xi32, #tpu.memory_space<vmem>>, vector<16xi32>,
      %swap3A_833 = vector.shape_cast %swap3A_832 : vector<16xi32> to vector<16xi32>
      %swap3A_834 = vector.shape_cast %select_n3A_830 : vector<16xi32> to vector<16xi32>
      tpu.vector_store %arg9[%swap3A_831], %swap3A_834 {strides = array<i32>} : memref<2048xi32, #tpu.memory_space<vmem>>, vector<16xi32>,
      %get3A_835 = arith.constant 816 : index
      %get3A_836 = tpu.vector_load %arg7[%get3A_835] {strides = array<i32>} : memref<2048xi32, #tpu.memory_space<vmem>>, vector<16xi32>,
      %get3A_837 = vector.shape_cast %get3A_836 : vector<16xi32> to vector<16xi32>
      %ge3A_838 = vector.broadcast %mul3A_2 : i32 to vector<16xi32>
      %ge3A_839 = arith.cmpi sge, %get3A_837, %ge3A_838 : vector<16xi32>
      %lt3A_840 = vector.broadcast %add3A_4 : i32 to vector<16xi32>
      %lt3A_841 = arith.cmpi slt, %get3A_837, %lt3A_840 : vector<16xi32>
      %and3A_842 = arith.andi %ge3A_839, %lt3A_841 : vector<16xi1>
      %jit3A_843 = arith.constant 8388608 : i32
      %broadcast_in_dim3A_844 = vector.broadcast %jit3A_843 : i32 to vector<16xi32>
      %select_n3A_845 = arith.select %and3A_842, %get3A_837, %broadcast_in_dim3A_844 : vector<16xi1>, vector<16xi32>
      %swap3A_846 = arith.constant 816 : index
      %swap3A_847 = tpu.vector_load %arg9[%swap3A_846] {strides = array<i32>} : memref<2048xi32, #tpu.memory_space<vmem>>, vector<16xi32>,
      %swap3A_848 = vector.shape_cast %swap3A_847 : vector<16xi32> to vector<16xi32>
      %swap3A_849 = vector.shape_cast %select_n3A_845 : vector<16xi32> to vector<16xi32>
      tpu.vector_store %arg9[%swap3A_846], %swap3A_849 {strides = array<i32>} : memref<2048xi32, #tpu.memory_space<vmem>>, vector<16xi32>,
      %get3A_850 = arith.constant 832 : index
      %get3A_851 = tpu.vector_load %arg7[%get3A_850] {strides = array<i32>} : memref<2048xi32, #tpu.memory_space<vmem>>, vector<16xi32>,
      %get3A_852 = vector.shape_cast %get3A_851 : vector<16xi32> to vector<16xi32>
      %ge3A_853 = vector.broadcast %mul3A_2 : i32 to vector<16xi32>
      %ge3A_854 = arith.cmpi sge, %get3A_852, %ge3A_853 : vector<16xi32>
      %lt3A_855 = vector.broadcast %add3A_4 : i32 to vector<16xi32>
      %lt3A_856 = arith.cmpi slt, %get3A_852, %lt3A_855 : vector<16xi32>
      %and3A_857 = arith.andi %ge3A_854, %lt3A_856 : vector<16xi1>
      %jit3A_858 = arith.constant 8388608 : i32
      %broadcast_in_dim3A_859 = vector.broadcast %jit3A_858 : i32 to vector<16xi32>
      %select_n3A_860 = arith.select %and3A_857, %get3A_852, %broadcast_in_dim3A_859 : vector<16xi1>, vector<16xi32>
      %swap3A_861 = arith.constant 832 : index
      %swap3A_862 = tpu.vector_load %arg9[%swap3A_861] {strides = array<i32>} : memref<2048xi32, #tpu.memory_space<vmem>>, vector<16xi32>,
      %swap3A_863 = vector.shape_cast %swap3A_862 : vector<16xi32> to vector<16xi32>
      %swap3A_864 = vector.shape_cast %select_n3A_860 : vector<16xi32> to vector<16xi32>
      tpu.vector_store %arg9[%swap3A_861], %swap3A_864 {strides = array<i32>} : memref<2048xi32, #tpu.memory_space<vmem>>, vector<16xi32>,
      %get3A_865 = arith.constant 848 : index
      %get3A_866 = tpu.vector_load %arg7[%get3A_865] {strides = array<i32>} : memref<2048xi32, #tpu.memory_space<vmem>>, vector<16xi32>,
      %get3A_867 = vector.shape_cast %get3A_866 : vector<16xi32> to vector<16xi32>
      %ge3A_868 = vector.broadcast %mul3A_2 : i32 to vector<16xi32>
      %ge3A_869 = arith.cmpi sge, %get3A_867, %ge3A_868 : vector<16xi32>
      %lt3A_870 = vector.broadcast %add3A_4 : i32 to vector<16xi32>
      %lt3A_871 = arith.cmpi slt, %get3A_867, %lt3A_870 : vector<16xi32>
      %and3A_872 = arith.andi %ge3A_869, %lt3A_871 : vector<16xi1>
      %jit3A_873 = arith.constant 8388608 : i32
      %broadcast_in_dim3A_874 = vector.broadcast %jit3A_873 : i32 to vector<16xi32>
      %select_n3A_875 = arith.select %and3A_872, %get3A_867, %broadcast_in_dim3A_874 : vector<16xi1>, vector<16xi32>
      %swap3A_876 = arith.constant 848 : index
      %swap3A_877 = tpu.vector_load %arg9[%swap3A_876] {strides = array<i32>} : memref<2048xi32, #tpu.memory_space<vmem>>, vector<16xi32>,
      %swap3A_878 = vector.shape_cast %swap3A_877 : vector<16xi32> to vector<16xi32>
      %swap3A_879 = vector.shape_cast %select_n3A_875 : vector<16xi32> to vector<16xi32>
      tpu.vector_store %arg9[%swap3A_876], %swap3A_879 {strides = array<i32>} : memref<2048xi32, #tpu.memory_space<vmem>>, vector<16xi32>,
      %get3A_880 = arith.constant 864 : index
      %get3A_881 = tpu.vector_load %arg7[%get3A_880] {strides = array<i32>} : memref<2048xi32, #tpu.memory_space<vmem>>, vector<16xi32>,
      %get3A_882 = vector.shape_cast %get3A_881 : vector<16xi32> to vector<16xi32>
      %ge3A_883 = vector.broadcast %mul3A_2 : i32 to vector<16xi32>
      %ge3A_884 = arith.cmpi sge, %get3A_882, %ge3A_883 : vector<16xi32>
      %lt3A_885 = vector.broadcast %add3A_4 : i32 to vector<16xi32>
      %lt3A_886 = arith.cmpi slt, %get3A_882, %lt3A_885 : vector<16xi32>
      %and3A_887 = arith.andi %ge3A_884, %lt3A_886 : vector<16xi1>
      %jit3A_888 = arith.constant 8388608 : i32
      %broadcast_in_dim3A_889 = vector.broadcast %jit3A_888 : i32 to vector<16xi32>
      %select_n3A_890 = arith.select %and3A_887, %get3A_882, %broadcast_in_dim3A_889 : vector<16xi1>, vector<16xi32>
      %swap3A_891 = arith.constant 864 : index
      %swap3A_892 = tpu.vector_load %arg9[%swap3A_891] {strides = array<i32>} : memref<2048xi32, #tpu.memory_space<vmem>>, vector<16xi32>,
      %swap3A_893 = vector.shape_cast %swap3A_892 : vector<16xi32> to vector<16xi32>
      %swap3A_894 = vector.shape_cast %select_n3A_890 : vector<16xi32> to vector<16xi32>
      tpu.vector_store %arg9[%swap3A_891], %swap3A_894 {strides = array<i32>} : memref<2048xi32, #tpu.memory_space<vmem>>, vector<16xi32>,
      %get3A_895 = arith.constant 880 : index
      %get3A_896 = tpu.vector_load %arg7[%get3A_895] {strides = array<i32>} : memref<2048xi32, #tpu.memory_space<vmem>>, vector<16xi32>,
      %get3A_897 = vector.shape_cast %get3A_896 : vector<16xi32> to vector<16xi32>
      %ge3A_898 = vector.broadcast %mul3A_2 : i32 to vector<16xi32>
      %ge3A_899 = arith.cmpi sge, %get3A_897, %ge3A_898 : vector<16xi32>
      %lt3A_900 = vector.broadcast %add3A_4 : i32 to vector<16xi32>
      %lt3A_901 = arith.cmpi slt, %get3A_897, %lt3A_900 : vector<16xi32>
      %and3A_902 = arith.andi %ge3A_899, %lt3A_901 : vector<16xi1>
      %jit3A_903 = arith.constant 8388608 : i32
      %broadcast_in_dim3A_904 = vector.broadcast %jit3A_903 : i32 to vector<16xi32>
      %select_n3A_905 = arith.select %and3A_902, %get3A_897, %broadcast_in_dim3A_904 : vector<16xi1>, vector<16xi32>
      %swap3A_906 = arith.constant 880 : index
      %swap3A_907 = tpu.vector_load %arg9[%swap3A_906] {strides = array<i32>} : memref<2048xi32, #tpu.memory_space<vmem>>, vector<16xi32>,
      %swap3A_908 = vector.shape_cast %swap3A_907 : vector<16xi32> to vector<16xi32>
      %swap3A_909 = vector.shape_cast %select_n3A_905 : vector<16xi32> to vector<16xi32>
      tpu.vector_store %arg9[%swap3A_906], %swap3A_909 {strides = array<i32>} : memref<2048xi32, #tpu.memory_space<vmem>>, vector<16xi32>,
      %get3A_910 = arith.constant 896 : index
      %get3A_911 = tpu.vector_load %arg7[%get3A_910] {strides = array<i32>} : memref<2048xi32, #tpu.memory_space<vmem>>, vector<16xi32>,
      %get3A_912 = vector.shape_cast %get3A_911 : vector<16xi32> to vector<16xi32>
      %ge3A_913 = vector.broadcast %mul3A_2 : i32 to vector<16xi32>
      %ge3A_914 = arith.cmpi sge, %get3A_912, %ge3A_913 : vector<16xi32>
      %lt3A_915 = vector.broadcast %add3A_4 : i32 to vector<16xi32>
      %lt3A_916 = arith.cmpi slt, %get3A_912, %lt3A_915 : vector<16xi32>
      %and3A_917 = arith.andi %ge3A_914, %lt3A_916 : vector<16xi1>
      %jit3A_918 = arith.constant 8388608 : i32
      %broadcast_in_dim3A_919 = vector.broadcast %jit3A_918 : i32 to vector<16xi32>
      %select_n3A_920 = arith.select %and3A_917, %get3A_912, %broadcast_in_dim3A_919 : vector<16xi1>, vector<16xi32>
      %swap3A_921 = arith.constant 896 : index
      %swap3A_922 = tpu.vector_load %arg9[%swap3A_921] {strides = array<i32>} : memref<2048xi32, #tpu.memory_space<vmem>>, vector<16xi32>,
      %swap3A_923 = vector.shape_cast %swap3A_922 : vector<16xi32> to vector<16xi32>
      %swap3A_924 = vector.shape_cast %select_n3A_920 : vector<16xi32> to vector<16xi32>
      tpu.vector_store %arg9[%swap3A_921], %swap3A_924 {strides = array<i32>} : memref<2048xi32, #tpu.memory_space<vmem>>, vector<16xi32>,
      %get3A_925 = arith.constant 912 : index
      %get3A_926 = tpu.vector_load %arg7[%get3A_925] {strides = array<i32>} : memref<2048xi32, #tpu.memory_space<vmem>>, vector<16xi32>,
      %get3A_927 = vector.shape_cast %get3A_926 : vector<16xi32> to vector<16xi32>
      %ge3A_928 = vector.broadcast %mul3A_2 : i32 to vector<16xi32>
      %ge3A_929 = arith.cmpi sge, %get3A_927, %ge3A_928 : vector<16xi32>
      %lt3A_930 = vector.broadcast %add3A_4 : i32 to vector<16xi32>
      %lt3A_931 = arith.cmpi slt, %get3A_927, %lt3A_930 : vector<16xi32>
      %and3A_932 = arith.andi %ge3A_929, %lt3A_931 : vector<16xi1>
      %jit3A_933 = arith.constant 8388608 : i32
      %broadcast_in_dim3A_934 = vector.broadcast %jit3A_933 : i32 to vector<16xi32>
      %select_n3A_935 = arith.select %and3A_932, %get3A_927, %broadcast_in_dim3A_934 : vector<16xi1>, vector<16xi32>
      %swap3A_936 = arith.constant 912 : index
      %swap3A_937 = tpu.vector_load %arg9[%swap3A_936] {strides = array<i32>} : memref<2048xi32, #tpu.memory_space<vmem>>, vector<16xi32>,
      %swap3A_938 = vector.shape_cast %swap3A_937 : vector<16xi32> to vector<16xi32>
      %swap3A_939 = vector.shape_cast %select_n3A_935 : vector<16xi32> to vector<16xi32>
      tpu.vector_store %arg9[%swap3A_936], %swap3A_939 {strides = array<i32>} : memref<2048xi32, #tpu.memory_space<vmem>>, vector<16xi32>,
      %get3A_940 = arith.constant 928 : index
      %get3A_941 = tpu.vector_load %arg7[%get3A_940] {strides = array<i32>} : memref<2048xi32, #tpu.memory_space<vmem>>, vector<16xi32>,
      %get3A_942 = vector.shape_cast %get3A_941 : vector<16xi32> to vector<16xi32>
      %ge3A_943 = vector.broadcast %mul3A_2 : i32 to vector<16xi32>
      %ge3A_944 = arith.cmpi sge, %get3A_942, %ge3A_943 : vector<16xi32>
      %lt3A_945 = vector.broadcast %add3A_4 : i32 to vector<16xi32>
      %lt3A_946 = arith.cmpi slt, %get3A_942, %lt3A_945 : vector<16xi32>
      %and3A_947 = arith.andi %ge3A_944, %lt3A_946 : vector<16xi1>
      %jit3A_948 = arith.constant 8388608 : i32
      %broadcast_in_dim3A_949 = vector.broadcast %jit3A_948 : i32 to vector<16xi32>
      %select_n3A_950 = arith.select %and3A_947, %get3A_942, %broadcast_in_dim3A_949 : vector<16xi1>, vector<16xi32>
      %swap3A_951 = arith.constant 928 : index
      %swap3A_952 = tpu.vector_load %arg9[%swap3A_951] {strides = array<i32>} : memref<2048xi32, #tpu.memory_space<vmem>>, vector<16xi32>,
      %swap3A_953 = vector.shape_cast %swap3A_952 : vector<16xi32> to vector<16xi32>
      %swap3A_954 = vector.shape_cast %select_n3A_950 : vector<16xi32> to vector<16xi32>
      tpu.vector_store %arg9[%swap3A_951], %swap3A_954 {strides = array<i32>} : memref<2048xi32, #tpu.memory_space<vmem>>, vector<16xi32>,
      %get3A_955 = arith.constant 944 : index
      %get3A_956 = tpu.vector_load %arg7[%get3A_955] {strides = array<i32>} : memref<2048xi32, #tpu.memory_space<vmem>>, vector<16xi32>,
      %get3A_957 = vector.shape_cast %get3A_956 : vector<16xi32> to vector<16xi32>
      %ge3A_958 = vector.broadcast %mul3A_2 : i32 to vector<16xi32>
      %ge3A_959 = arith.cmpi sge, %get3A_957, %ge3A_958 : vector<16xi32>
      %lt3A_960 = vector.broadcast %add3A_4 : i32 to vector<16xi32>
      %lt3A_961 = arith.cmpi slt, %get3A_957, %lt3A_960 : vector<16xi32>
      %and3A_962 = arith.andi %ge3A_959, %lt3A_961 : vector<16xi1>
      %jit3A_963 = arith.constant 8388608 : i32
      %broadcast_in_dim3A_964 = vector.broadcast %jit3A_963 : i32 to vector<16xi32>
      %select_n3A_965 = arith.select %and3A_962, %get3A_957, %broadcast_in_dim3A_964 : vector<16xi1>, vector<16xi32>
      %swap3A_966 = arith.constant 944 : index
      %swap3A_967 = tpu.vector_load %arg9[%swap3A_966] {strides = array<i32>} : memref<2048xi32, #tpu.memory_space<vmem>>, vector<16xi32>,
      %swap3A_968 = vector.shape_cast %swap3A_967 : vector<16xi32> to vector<16xi32>
      %swap3A_969 = vector.shape_cast %select_n3A_965 : vector<16xi32> to vector<16xi32>
      tpu.vector_store %arg9[%swap3A_966], %swap3A_969 {strides = array<i32>} : memref<2048xi32, #tpu.memory_space<vmem>>, vector<16xi32>,
      %get3A_970 = arith.constant 960 : index
      %get3A_971 = tpu.vector_load %arg7[%get3A_970] {strides = array<i32>} : memref<2048xi32, #tpu.memory_space<vmem>>, vector<16xi32>,
      %get3A_972 = vector.shape_cast %get3A_971 : vector<16xi32> to vector<16xi32>
      %ge3A_973 = vector.broadcast %mul3A_2 : i32 to vector<16xi32>
      %ge3A_974 = arith.cmpi sge, %get3A_972, %ge3A_973 : vector<16xi32>
      %lt3A_975 = vector.broadcast %add3A_4 : i32 to vector<16xi32>
      %lt3A_976 = arith.cmpi slt, %get3A_972, %lt3A_975 : vector<16xi32>
      %and3A_977 = arith.andi %ge3A_974, %lt3A_976 : vector<16xi1>
      %jit3A_978 = arith.constant 8388608 : i32
      %broadcast_in_dim3A_979 = vector.broadcast %jit3A_978 : i32 to vector<16xi32>
      %select_n3A_980 = arith.select %and3A_977, %get3A_972, %broadcast_in_dim3A_979 : vector<16xi1>, vector<16xi32>
      %swap3A_981 = arith.constant 960 : index
      %swap3A_982 = tpu.vector_load %arg9[%swap3A_981] {strides = array<i32>} : memref<2048xi32, #tpu.memory_space<vmem>>, vector<16xi32>,
      %swap3A_983 = vector.shape_cast %swap3A_982 : vector<16xi32> to vector<16xi32>
      %swap3A_984 = vector.shape_cast %select_n3A_980 : vector<16xi32> to vector<16xi32>
      tpu.vector_store %arg9[%swap3A_981], %swap3A_984 {strides = array<i32>} : memref<2048xi32, #tpu.memory_space<vmem>>, vector<16xi32>,
      %get3A_985 = arith.constant 976 : index
      %get3A_986 = tpu.vector_load %arg7[%get3A_985] {strides = array<i32>} : memref<2048xi32, #tpu.memory_space<vmem>>, vector<16xi32>,
      %get3A_987 = vector.shape_cast %get3A_986 : vector<16xi32> to vector<16xi32>
      %ge3A_988 = vector.broadcast %mul3A_2 : i32 to vector<16xi32>
      %ge3A_989 = arith.cmpi sge, %get3A_987, %ge3A_988 : vector<16xi32>
      %lt3A_990 = vector.broadcast %add3A_4 : i32 to vector<16xi32>
      %lt3A_991 = arith.cmpi slt, %get3A_987, %lt3A_990 : vector<16xi32>
      %and3A_992 = arith.andi %ge3A_989, %lt3A_991 : vector<16xi1>
      %jit3A_993 = arith.constant 8388608 : i32
      %broadcast_in_dim3A_994 = vector.broadcast %jit3A_993 : i32 to vector<16xi32>
      %select_n3A_995 = arith.select %and3A_992, %get3A_987, %broadcast_in_dim3A_994 : vector<16xi1>, vector<16xi32>
      %swap3A_996 = arith.constant 976 : index
      %swap3A_997 = tpu.vector_load %arg9[%swap3A_996] {strides = array<i32>} : memref<2048xi32, #tpu.memory_space<vmem>>, vector<16xi32>,
      %swap3A_998 = vector.shape_cast %swap3A_997 : vector<16xi32> to vector<16xi32>
      %swap3A_999 = vector.shape_cast %select_n3A_995 : vector<16xi32> to vector<16xi32>
      tpu.vector_store %arg9[%swap3A_996], %swap3A_999 {strides = array<i32>} : memref<2048xi32, #tpu.memory_space<vmem>>, vector<16xi32>,
      %get3A_1000 = arith.constant 992 : index
      %get3A_1001 = tpu.vector_load %arg7[%get3A_1000] {strides = array<i32>} : memref<2048xi32, #tpu.memory_space<vmem>>, vector<16xi32>,
      %get3A_1002 = vector.shape_cast %get3A_1001 : vector<16xi32> to vector<16xi32>
      %ge3A_1003 = vector.broadcast %mul3A_2 : i32 to vector<16xi32>
      %ge3A_1004 = arith.cmpi sge, %get3A_1002, %ge3A_1003 : vector<16xi32>
      %lt3A_1005 = vector.broadcast %add3A_4 : i32 to vector<16xi32>
      %lt3A_1006 = arith.cmpi slt, %get3A_1002, %lt3A_1005 : vector<16xi32>
      %and3A_1007 = arith.andi %ge3A_1004, %lt3A_1006 : vector<16xi1>
      %jit3A_1008 = arith.constant 8388608 : i32
      %broadcast_in_dim3A_1009 = vector.broadcast %jit3A_1008 : i32 to vector<16xi32>
      %select_n3A_1010 = arith.select %and3A_1007, %get3A_1002, %broadcast_in_dim3A_1009 : vector<16xi1>, vector<16xi32>
      %swap3A_1011 = arith.constant 992 : index
      %swap3A_1012 = tpu.vector_load %arg9[%swap3A_1011] {strides = array<i32>} : memref<2048xi32, #tpu.memory_space<vmem>>, vector<16xi32>,
      %swap3A_1013 = vector.shape_cast %swap3A_1012 : vector<16xi32> to vector<16xi32>
      %swap3A_1014 = vector.shape_cast %select_n3A_1010 : vector<16xi32> to vector<16xi32>
      tpu.vector_store %arg9[%swap3A_1011], %swap3A_1014 {strides = array<i32>} : memref<2048xi32, #tpu.memory_space<vmem>>, vector<16xi32>,
      %get3A_1015 = arith.constant 1008 : index
      %get3A_1016 = tpu.vector_load %arg7[%get3A_1015] {strides = array<i32>} : memref<2048xi32, #tpu.memory_space<vmem>>, vector<16xi32>,
      %get3A_1017 = vector.shape_cast %get3A_1016 : vector<16xi32> to vector<16xi32>
      %ge3A_1018 = vector.broadcast %mul3A_2 : i32 to vector<16xi32>
      %ge3A_1019 = arith.cmpi sge, %get3A_1017, %ge3A_1018 : vector<16xi32>
      %lt3A_1020 = vector.broadcast %add3A_4 : i32 to vector<16xi32>
      %lt3A_1021 = arith.cmpi slt, %get3A_1017, %lt3A_1020 : vector<16xi32>
      %and3A_1022 = arith.andi %ge3A_1019, %lt3A_1021 : vector<16xi1>
      %jit3A_1023 = arith.constant 8388608 : i32
      %broadcast_in_dim3A_1024 = vector.broadcast %jit3A_1023 : i32 to vector<16xi32>
      %select_n3A_1025 = arith.select %and3A_1022, %get3A_1017, %broadcast_in_dim3A_1024 : vector<16xi1>, vector<16xi32>
      %swap3A_1026 = arith.constant 1008 : index
      %swap3A_1027 = tpu.vector_load %arg9[%swap3A_1026] {strides = array<i32>} : memref<2048xi32, #tpu.memory_space<vmem>>, vector<16xi32>,
      %swap3A_1028 = vector.shape_cast %swap3A_1027 : vector<16xi32> to vector<16xi32>
      %swap3A_1029 = vector.shape_cast %select_n3A_1025 : vector<16xi32> to vector<16xi32>
      tpu.vector_store %arg9[%swap3A_1026], %swap3A_1029 {strides = array<i32>} : memref<2048xi32, #tpu.memory_space<vmem>>, vector<16xi32>,
      %get3A_1030 = arith.constant 1024 : index
      %get3A_1031 = tpu.vector_load %arg7[%get3A_1030] {strides = array<i32>} : memref<2048xi32, #tpu.memory_space<vmem>>, vector<16xi32>,
      %get3A_1032 = vector.shape_cast %get3A_1031 : vector<16xi32> to vector<16xi32>
      %ge3A_1033 = vector.broadcast %mul3A_2 : i32 to vector<16xi32>
      %ge3A_1034 = arith.cmpi sge, %get3A_1032, %ge3A_1033 : vector<16xi32>
      %lt3A_1035 = vector.broadcast %add3A_4 : i32 to vector<16xi32>
      %lt3A_1036 = arith.cmpi slt, %get3A_1032, %lt3A_1035 : vector<16xi32>
      %and3A_1037 = arith.andi %ge3A_1034, %lt3A_1036 : vector<16xi1>
      %jit3A_1038 = arith.constant 8388608 : i32
      %broadcast_in_dim3A_1039 = vector.broadcast %jit3A_1038 : i32 to vector<16xi32>
      %select_n3A_1040 = arith.select %and3A_1037, %get3A_1032, %broadcast_in_dim3A_1039 : vector<16xi1>, vector<16xi32>
      %swap3A_1041 = arith.constant 1024 : index
      %swap3A_1042 = tpu.vector_load %arg9[%swap3A_1041] {strides = array<i32>} : memref<2048xi32, #tpu.memory_space<vmem>>, vector<16xi32>,
      %swap3A_1043 = vector.shape_cast %swap3A_1042 : vector<16xi32> to vector<16xi32>
      %swap3A_1044 = vector.shape_cast %select_n3A_1040 : vector<16xi32> to vector<16xi32>
      tpu.vector_store %arg9[%swap3A_1041], %swap3A_1044 {strides = array<i32>} : memref<2048xi32, #tpu.memory_space<vmem>>, vector<16xi32>,
      %get3A_1045 = arith.constant 1040 : index
      %get3A_1046 = tpu.vector_load %arg7[%get3A_1045] {strides = array<i32>} : memref<2048xi32, #tpu.memory_space<vmem>>, vector<16xi32>,
      %get3A_1047 = vector.shape_cast %get3A_1046 : vector<16xi32> to vector<16xi32>
      %ge3A_1048 = vector.broadcast %mul3A_2 : i32 to vector<16xi32>
      %ge3A_1049 = arith.cmpi sge, %get3A_1047, %ge3A_1048 : vector<16xi32>
      %lt3A_1050 = vector.broadcast %add3A_4 : i32 to vector<16xi32>
      %lt3A_1051 = arith.cmpi slt, %get3A_1047, %lt3A_1050 : vector<16xi32>
      %and3A_1052 = arith.andi %ge3A_1049, %lt3A_1051 : vector<16xi1>
      %jit3A_1053 = arith.constant 8388608 : i32
      %broadcast_in_dim3A_1054 = vector.broadcast %jit3A_1053 : i32 to vector<16xi32>
      %select_n3A_1055 = arith.select %and3A_1052, %get3A_1047, %broadcast_in_dim3A_1054 : vector<16xi1>, vector<16xi32>
      %swap3A_1056 = arith.constant 1040 : index
      %swap3A_1057 = tpu.vector_load %arg9[%swap3A_1056] {strides = array<i32>} : memref<2048xi32, #tpu.memory_space<vmem>>, vector<16xi32>,
      %swap3A_1058 = vector.shape_cast %swap3A_1057 : vector<16xi32> to vector<16xi32>
      %swap3A_1059 = vector.shape_cast %select_n3A_1055 : vector<16xi32> to vector<16xi32>
      tpu.vector_store %arg9[%swap3A_1056], %swap3A_1059 {strides = array<i32>} : memref<2048xi32, #tpu.memory_space<vmem>>, vector<16xi32>,
      %get3A_1060 = arith.constant 1056 : index
      %get3A_1061 = tpu.vector_load %arg7[%get3A_1060] {strides = array<i32>} : memref<2048xi32, #tpu.memory_space<vmem>>, vector<16xi32>,
      %get3A_1062 = vector.shape_cast %get3A_1061 : vector<16xi32> to vector<16xi32>
      %ge3A_1063 = vector.broadcast %mul3A_2 : i32 to vector<16xi32>
      %ge3A_1064 = arith.cmpi sge, %get3A_1062, %ge3A_1063 : vector<16xi32>
      %lt3A_1065 = vector.broadcast %add3A_4 : i32 to vector<16xi32>
      %lt3A_1066 = arith.cmpi slt, %get3A_1062, %lt3A_1065 : vector<16xi32>
      %and3A_1067 = arith.andi %ge3A_1064, %lt3A_1066 : vector<16xi1>
      %jit3A_1068 = arith.constant 8388608 : i32
      %broadcast_in_dim3A_1069 = vector.broadcast %jit3A_1068 : i32 to vector<16xi32>
      %select_n3A_1070 = arith.select %and3A_1067, %get3A_1062, %broadcast_in_dim3A_1069 : vector<16xi1>, vector<16xi32>
      %swap3A_1071 = arith.constant 1056 : index
      %swap3A_1072 = tpu.vector_load %arg9[%swap3A_1071] {strides = array<i32>} : memref<2048xi32, #tpu.memory_space<vmem>>, vector<16xi32>,
      %swap3A_1073 = vector.shape_cast %swap3A_1072 : vector<16xi32> to vector<16xi32>
      %swap3A_1074 = vector.shape_cast %select_n3A_1070 : vector<16xi32> to vector<16xi32>
      tpu.vector_store %arg9[%swap3A_1071], %swap3A_1074 {strides = array<i32>} : memref<2048xi32, #tpu.memory_space<vmem>>, vector<16xi32>,
      %get3A_1075 = arith.constant 1072 : index
      %get3A_1076 = tpu.vector_load %arg7[%get3A_1075] {strides = array<i32>} : memref<2048xi32, #tpu.memory_space<vmem>>, vector<16xi32>,
      %get3A_1077 = vector.shape_cast %get3A_1076 : vector<16xi32> to vector<16xi32>
      %ge3A_1078 = vector.broadcast %mul3A_2 : i32 to vector<16xi32>
      %ge3A_1079 = arith.cmpi sge, %get3A_1077, %ge3A_1078 : vector<16xi32>
      %lt3A_1080 = vector.broadcast %add3A_4 : i32 to vector<16xi32>
      %lt3A_1081 = arith.cmpi slt, %get3A_1077, %lt3A_1080 : vector<16xi32>
      %and3A_1082 = arith.andi %ge3A_1079, %lt3A_1081 : vector<16xi1>
      %jit3A_1083 = arith.constant 8388608 : i32
      %broadcast_in_dim3A_1084 = vector.broadcast %jit3A_1083 : i32 to vector<16xi32>
      %select_n3A_1085 = arith.select %and3A_1082, %get3A_1077, %broadcast_in_dim3A_1084 : vector<16xi1>, vector<16xi32>
      %swap3A_1086 = arith.constant 1072 : index
      %swap3A_1087 = tpu.vector_load %arg9[%swap3A_1086] {strides = array<i32>} : memref<2048xi32, #tpu.memory_space<vmem>>, vector<16xi32>,
      %swap3A_1088 = vector.shape_cast %swap3A_1087 : vector<16xi32> to vector<16xi32>
      %swap3A_1089 = vector.shape_cast %select_n3A_1085 : vector<16xi32> to vector<16xi32>
      tpu.vector_store %arg9[%swap3A_1086], %swap3A_1089 {strides = array<i32>} : memref<2048xi32, #tpu.memory_space<vmem>>, vector<16xi32>,
      %get3A_1090 = arith.constant 1088 : index
      %get3A_1091 = tpu.vector_load %arg7[%get3A_1090] {strides = array<i32>} : memref<2048xi32, #tpu.memory_space<vmem>>, vector<16xi32>,
      %get3A_1092 = vector.shape_cast %get3A_1091 : vector<16xi32> to vector<16xi32>
      %ge3A_1093 = vector.broadcast %mul3A_2 : i32 to vector<16xi32>
      %ge3A_1094 = arith.cmpi sge, %get3A_1092, %ge3A_1093 : vector<16xi32>
      %lt3A_1095 = vector.broadcast %add3A_4 : i32 to vector<16xi32>
      %lt3A_1096 = arith.cmpi slt, %get3A_1092, %lt3A_1095 : vector<16xi32>
      %and3A_1097 = arith.andi %ge3A_1094, %lt3A_1096 : vector<16xi1>
      %jit3A_1098 = arith.constant 8388608 : i32
      %broadcast_in_dim3A_1099 = vector.broadcast %jit3A_1098 : i32 to vector<16xi32>
      %select_n3A_1100 = arith.select %and3A_1097, %get3A_1092, %broadcast_in_dim3A_1099 : vector<16xi1>, vector<16xi32>
      %swap3A_1101 = arith.constant 1088 : index
      %swap3A_1102 = tpu.vector_load %arg9[%swap3A_1101] {strides = array<i32>} : memref<2048xi32, #tpu.memory_space<vmem>>, vector<16xi32>,
      %swap3A_1103 = vector.shape_cast %swap3A_1102 : vector<16xi32> to vector<16xi32>
      %swap3A_1104 = vector.shape_cast %select_n3A_1100 : vector<16xi32> to vector<16xi32>
      tpu.vector_store %arg9[%swap3A_1101], %swap3A_1104 {strides = array<i32>} : memref<2048xi32, #tpu.memory_space<vmem>>, vector<16xi32>,
      %get3A_1105 = arith.constant 1104 : index
      %get3A_1106 = tpu.vector_load %arg7[%get3A_1105] {strides = array<i32>} : memref<2048xi32, #tpu.memory_space<vmem>>, vector<16xi32>,
      %get3A_1107 = vector.shape_cast %get3A_1106 : vector<16xi32> to vector<16xi32>
      %ge3A_1108 = vector.broadcast %mul3A_2 : i32 to vector<16xi32>
      %ge3A_1109 = arith.cmpi sge, %get3A_1107, %ge3A_1108 : vector<16xi32>
      %lt3A_1110 = vector.broadcast %add3A_4 : i32 to vector<16xi32>
      %lt3A_1111 = arith.cmpi slt, %get3A_1107, %lt3A_1110 : vector<16xi32>
      %and3A_1112 = arith.andi %ge3A_1109, %lt3A_1111 : vector<16xi1>
      %jit3A_1113 = arith.constant 8388608 : i32
      %broadcast_in_dim3A_1114 = vector.broadcast %jit3A_1113 : i32 to vector<16xi32>
      %select_n3A_1115 = arith.select %and3A_1112, %get3A_1107, %broadcast_in_dim3A_1114 : vector<16xi1>, vector<16xi32>
      %swap3A_1116 = arith.constant 1104 : index
      %swap3A_1117 = tpu.vector_load %arg9[%swap3A_1116] {strides = array<i32>} : memref<2048xi32, #tpu.memory_space<vmem>>, vector<16xi32>,
      %swap3A_1118 = vector.shape_cast %swap3A_1117 : vector<16xi32> to vector<16xi32>
      %swap3A_1119 = vector.shape_cast %select_n3A_1115 : vector<16xi32> to vector<16xi32>
      tpu.vector_store %arg9[%swap3A_1116], %swap3A_1119 {strides = array<i32>} : memref<2048xi32, #tpu.memory_space<vmem>>, vector<16xi32>,
      %get3A_1120 = arith.constant 1120 : index
      %get3A_1121 = tpu.vector_load %arg7[%get3A_1120] {strides = array<i32>} : memref<2048xi32, #tpu.memory_space<vmem>>, vector<16xi32>,
      %get3A_1122 = vector.shape_cast %get3A_1121 : vector<16xi32> to vector<16xi32>
      %ge3A_1123 = vector.broadcast %mul3A_2 : i32 to vector<16xi32>
      %ge3A_1124 = arith.cmpi sge, %get3A_1122, %ge3A_1123 : vector<16xi32>
      %lt3A_1125 = vector.broadcast %add3A_4 : i32 to vector<16xi32>
      %lt3A_1126 = arith.cmpi slt, %get3A_1122, %lt3A_1125 : vector<16xi32>
      %and3A_1127 = arith.andi %ge3A_1124, %lt3A_1126 : vector<16xi1>
      %jit3A_1128 = arith.constant 8388608 : i32
      %broadcast_in_dim3A_1129 = vector.broadcast %jit3A_1128 : i32 to vector<16xi32>
      %select_n3A_1130 = arith.select %and3A_1127, %get3A_1122, %broadcast_in_dim3A_1129 : vector<16xi1>, vector<16xi32>
      %swap3A_1131 = arith.constant 1120 : index
      %swap3A_1132 = tpu.vector_load %arg9[%swap3A_1131] {strides = array<i32>} : memref<2048xi32, #tpu.memory_space<vmem>>, vector<16xi32>,
      %swap3A_1133 = vector.shape_cast %swap3A_1132 : vector<16xi32> to vector<16xi32>
      %swap3A_1134 = vector.shape_cast %select_n3A_1130 : vector<16xi32> to vector<16xi32>
      tpu.vector_store %arg9[%swap3A_1131], %swap3A_1134 {strides = array<i32>} : memref<2048xi32, #tpu.memory_space<vmem>>, vector<16xi32>,
      %get3A_1135 = arith.constant 1136 : index
      %get3A_1136 = tpu.vector_load %arg7[%get3A_1135] {strides = array<i32>} : memref<2048xi32, #tpu.memory_space<vmem>>, vector<16xi32>,
      %get3A_1137 = vector.shape_cast %get3A_1136 : vector<16xi32> to vector<16xi32>
      %ge3A_1138 = vector.broadcast %mul3A_2 : i32 to vector<16xi32>
      %ge3A_1139 = arith.cmpi sge, %get3A_1137, %ge3A_1138 : vector<16xi32>
      %lt3A_1140 = vector.broadcast %add3A_4 : i32 to vector<16xi32>
      %lt3A_1141 = arith.cmpi slt, %get3A_1137, %lt3A_1140 : vector<16xi32>
      %and3A_1142 = arith.andi %ge3A_1139, %lt3A_1141 : vector<16xi1>
      %jit3A_1143 = arith.constant 8388608 : i32
      %broadcast_in_dim3A_1144 = vector.broadcast %jit3A_1143 : i32 to vector<16xi32>
      %select_n3A_1145 = arith.select %and3A_1142, %get3A_1137, %broadcast_in_dim3A_1144 : vector<16xi1>, vector<16xi32>
      %swap3A_1146 = arith.constant 1136 : index
      %swap3A_1147 = tpu.vector_load %arg9[%swap3A_1146] {strides = array<i32>} : memref<2048xi32, #tpu.memory_space<vmem>>, vector<16xi32>,
      %swap3A_1148 = vector.shape_cast %swap3A_1147 : vector<16xi32> to vector<16xi32>
      %swap3A_1149 = vector.shape_cast %select_n3A_1145 : vector<16xi32> to vector<16xi32>
      tpu.vector_store %arg9[%swap3A_1146], %swap3A_1149 {strides = array<i32>} : memref<2048xi32, #tpu.memory_space<vmem>>, vector<16xi32>,
      %get3A_1150 = arith.constant 1152 : index
      %get3A_1151 = tpu.vector_load %arg7[%get3A_1150] {strides = array<i32>} : memref<2048xi32, #tpu.memory_space<vmem>>, vector<16xi32>,
      %get3A_1152 = vector.shape_cast %get3A_1151 : vector<16xi32> to vector<16xi32>
      %ge3A_1153 = vector.broadcast %mul3A_2 : i32 to vector<16xi32>
      %ge3A_1154 = arith.cmpi sge, %get3A_1152, %ge3A_1153 : vector<16xi32>
      %lt3A_1155 = vector.broadcast %add3A_4 : i32 to vector<16xi32>
      %lt3A_1156 = arith.cmpi slt, %get3A_1152, %lt3A_1155 : vector<16xi32>
      %and3A_1157 = arith.andi %ge3A_1154, %lt3A_1156 : vector<16xi1>
      %jit3A_1158 = arith.constant 8388608 : i32
      %broadcast_in_dim3A_1159 = vector.broadcast %jit3A_1158 : i32 to vector<16xi32>
      %select_n3A_1160 = arith.select %and3A_1157, %get3A_1152, %broadcast_in_dim3A_1159 : vector<16xi1>, vector<16xi32>
      %swap3A_1161 = arith.constant 1152 : index
      %swap3A_1162 = tpu.vector_load %arg9[%swap3A_1161] {strides = array<i32>} : memref<2048xi32, #tpu.memory_space<vmem>>, vector<16xi32>,
      %swap3A_1163 = vector.shape_cast %swap3A_1162 : vector<16xi32> to vector<16xi32>
      %swap3A_1164 = vector.shape_cast %select_n3A_1160 : vector<16xi32> to vector<16xi32>
      tpu.vector_store %arg9[%swap3A_1161], %swap3A_1164 {strides = array<i32>} : memref<2048xi32, #tpu.memory_space<vmem>>, vector<16xi32>,
      %get3A_1165 = arith.constant 1168 : index
      %get3A_1166 = tpu.vector_load %arg7[%get3A_1165] {strides = array<i32>} : memref<2048xi32, #tpu.memory_space<vmem>>, vector<16xi32>,
      %get3A_1167 = vector.shape_cast %get3A_1166 : vector<16xi32> to vector<16xi32>
      %ge3A_1168 = vector.broadcast %mul3A_2 : i32 to vector<16xi32>
      %ge3A_1169 = arith.cmpi sge, %get3A_1167, %ge3A_1168 : vector<16xi32>
      %lt3A_1170 = vector.broadcast %add3A_4 : i32 to vector<16xi32>
      %lt3A_1171 = arith.cmpi slt, %get3A_1167, %lt3A_1170 : vector<16xi32>
      %and3A_1172 = arith.andi %ge3A_1169, %lt3A_1171 : vector<16xi1>
      %jit3A_1173 = arith.constant 8388608 : i32
      %broadcast_in_dim3A_1174 = vector.broadcast %jit3A_1173 : i32 to vector<16xi32>
      %select_n3A_1175 = arith.select %and3A_1172, %get3A_1167, %broadcast_in_dim3A_1174 : vector<16xi1>, vector<16xi32>
      %swap3A_1176 = arith.constant 1168 : index
      %swap3A_1177 = tpu.vector_load %arg9[%swap3A_1176] {strides = array<i32>} : memref<2048xi32, #tpu.memory_space<vmem>>, vector<16xi32>,
      %swap3A_1178 = vector.shape_cast %swap3A_1177 : vector<16xi32> to vector<16xi32>
      %swap3A_1179 = vector.shape_cast %select_n3A_1175 : vector<16xi32> to vector<16xi32>
      tpu.vector_store %arg9[%swap3A_1176], %swap3A_1179 {strides = array<i32>} : memref<2048xi32, #tpu.memory_space<vmem>>, vector<16xi32>,
      %get3A_1180 = arith.constant 1184 : index
      %get3A_1181 = tpu.vector_load %arg7[%get3A_1180] {strides = array<i32>} : memref<2048xi32, #tpu.memory_space<vmem>>, vector<16xi32>,
      %get3A_1182 = vector.shape_cast %get3A_1181 : vector<16xi32> to vector<16xi32>
      %ge3A_1183 = vector.broadcast %mul3A_2 : i32 to vector<16xi32>
      %ge3A_1184 = arith.cmpi sge, %get3A_1182, %ge3A_1183 : vector<16xi32>
      %lt3A_1185 = vector.broadcast %add3A_4 : i32 to vector<16xi32>
      %lt3A_1186 = arith.cmpi slt, %get3A_1182, %lt3A_1185 : vector<16xi32>
      %and3A_1187 = arith.andi %ge3A_1184, %lt3A_1186 : vector<16xi1>
      %jit3A_1188 = arith.constant 8388608 : i32
      %broadcast_in_dim3A_1189 = vector.broadcast %jit3A_1188 : i32 to vector<16xi32>
      %select_n3A_1190 = arith.select %and3A_1187, %get3A_1182, %broadcast_in_dim3A_1189 : vector<16xi1>, vector<16xi32>
      %swap3A_1191 = arith.constant 1184 : index
      %swap3A_1192 = tpu.vector_load %arg9[%swap3A_1191] {strides = array<i32>} : memref<2048xi32, #tpu.memory_space<vmem>>, vector<16xi32>,
      %swap3A_1193 = vector.shape_cast %swap3A_1192 : vector<16xi32> to vector<16xi32>
      %swap3A_1194 = vector.shape_cast %select_n3A_1190 : vector<16xi32> to vector<16xi32>
      tpu.vector_store %arg9[%swap3A_1191], %swap3A_1194 {strides = array<i32>} : memref<2048xi32, #tpu.memory_space<vmem>>, vector<16xi32>,
      %get3A_1195 = arith.constant 1200 : index
      %get3A_1196 = tpu.vector_load %arg7[%get3A_1195] {strides = array<i32>} : memref<2048xi32, #tpu.memory_space<vmem>>, vector<16xi32>,
      %get3A_1197 = vector.shape_cast %get3A_1196 : vector<16xi32> to vector<16xi32>
      %ge3A_1198 = vector.broadcast %mul3A_2 : i32 to vector<16xi32>
      %ge3A_1199 = arith.cmpi sge, %get3A_1197, %ge3A_1198 : vector<16xi32>
      %lt3A_1200 = vector.broadcast %add3A_4 : i32 to vector<16xi32>
      %lt3A_1201 = arith.cmpi slt, %get3A_1197, %lt3A_1200 : vector<16xi32>
      %and3A_1202 = arith.andi %ge3A_1199, %lt3A_1201 : vector<16xi1>
      %jit3A_1203 = arith.constant 8388608 : i32
      %broadcast_in_dim3A_1204 = vector.broadcast %jit3A_1203 : i32 to vector<16xi32>
      %select_n3A_1205 = arith.select %and3A_1202, %get3A_1197, %broadcast_in_dim3A_1204 : vector<16xi1>, vector<16xi32>
      %swap3A_1206 = arith.constant 1200 : index
      %swap3A_1207 = tpu.vector_load %arg9[%swap3A_1206] {strides = array<i32>} : memref<2048xi32, #tpu.memory_space<vmem>>, vector<16xi32>,
      %swap3A_1208 = vector.shape_cast %swap3A_1207 : vector<16xi32> to vector<16xi32>
      %swap3A_1209 = vector.shape_cast %select_n3A_1205 : vector<16xi32> to vector<16xi32>
      tpu.vector_store %arg9[%swap3A_1206], %swap3A_1209 {strides = array<i32>} : memref<2048xi32, #tpu.memory_space<vmem>>, vector<16xi32>,
      %get3A_1210 = arith.constant 1216 : index
      %get3A_1211 = tpu.vector_load %arg7[%get3A_1210] {strides = array<i32>} : memref<2048xi32, #tpu.memory_space<vmem>>, vector<16xi32>,
      %get3A_1212 = vector.shape_cast %get3A_1211 : vector<16xi32> to vector<16xi32>
      %ge3A_1213 = vector.broadcast %mul3A_2 : i32 to vector<16xi32>
      %ge3A_1214 = arith.cmpi sge, %get3A_1212, %ge3A_1213 : vector<16xi32>
      %lt3A_1215 = vector.broadcast %add3A_4 : i32 to vector<16xi32>
      %lt3A_1216 = arith.cmpi slt, %get3A_1212, %lt3A_1215 : vector<16xi32>
      %and3A_1217 = arith.andi %ge3A_1214, %lt3A_1216 : vector<16xi1>
      %jit3A_1218 = arith.constant 8388608 : i32
      %broadcast_in_dim3A_1219 = vector.broadcast %jit3A_1218 : i32 to vector<16xi32>
      %select_n3A_1220 = arith.select %and3A_1217, %get3A_1212, %broadcast_in_dim3A_1219 : vector<16xi1>, vector<16xi32>
      %swap3A_1221 = arith.constant 1216 : index
      %swap3A_1222 = tpu.vector_load %arg9[%swap3A_1221] {strides = array<i32>} : memref<2048xi32, #tpu.memory_space<vmem>>, vector<16xi32>,
      %swap3A_1223 = vector.shape_cast %swap3A_1222 : vector<16xi32> to vector<16xi32>
      %swap3A_1224 = vector.shape_cast %select_n3A_1220 : vector<16xi32> to vector<16xi32>
      tpu.vector_store %arg9[%swap3A_1221], %swap3A_1224 {strides = array<i32>} : memref<2048xi32, #tpu.memory_space<vmem>>, vector<16xi32>,
      %get3A_1225 = arith.constant 1232 : index
      %get3A_1226 = tpu.vector_load %arg7[%get3A_1225] {strides = array<i32>} : memref<2048xi32, #tpu.memory_space<vmem>>, vector<16xi32>,
      %get3A_1227 = vector.shape_cast %get3A_1226 : vector<16xi32> to vector<16xi32>
      %ge3A_1228 = vector.broadcast %mul3A_2 : i32 to vector<16xi32>
      %ge3A_1229 = arith.cmpi sge, %get3A_1227, %ge3A_1228 : vector<16xi32>
      %lt3A_1230 = vector.broadcast %add3A_4 : i32 to vector<16xi32>
      %lt3A_1231 = arith.cmpi slt, %get3A_1227, %lt3A_1230 : vector<16xi32>
      %and3A_1232 = arith.andi %ge3A_1229, %lt3A_1231 : vector<16xi1>
      %jit3A_1233 = arith.constant 8388608 : i32
      %broadcast_in_dim3A_1234 = vector.broadcast %jit3A_1233 : i32 to vector<16xi32>
      %select_n3A_1235 = arith.select %and3A_1232, %get3A_1227, %broadcast_in_dim3A_1234 : vector<16xi1>, vector<16xi32>
      %swap3A_1236 = arith.constant 1232 : index
      %swap3A_1237 = tpu.vector_load %arg9[%swap3A_1236] {strides = array<i32>} : memref<2048xi32, #tpu.memory_space<vmem>>, vector<16xi32>,
      %swap3A_1238 = vector.shape_cast %swap3A_1237 : vector<16xi32> to vector<16xi32>
      %swap3A_1239 = vector.shape_cast %select_n3A_1235 : vector<16xi32> to vector<16xi32>
      tpu.vector_store %arg9[%swap3A_1236], %swap3A_1239 {strides = array<i32>} : memref<2048xi32, #tpu.memory_space<vmem>>, vector<16xi32>,
      %get3A_1240 = arith.constant 1248 : index
      %get3A_1241 = tpu.vector_load %arg7[%get3A_1240] {strides = array<i32>} : memref<2048xi32, #tpu.memory_space<vmem>>, vector<16xi32>,
      %get3A_1242 = vector.shape_cast %get3A_1241 : vector<16xi32> to vector<16xi32>
      %ge3A_1243 = vector.broadcast %mul3A_2 : i32 to vector<16xi32>
      %ge3A_1244 = arith.cmpi sge, %get3A_1242, %ge3A_1243 : vector<16xi32>
      %lt3A_1245 = vector.broadcast %add3A_4 : i32 to vector<16xi32>
      %lt3A_1246 = arith.cmpi slt, %get3A_1242, %lt3A_1245 : vector<16xi32>
      %and3A_1247 = arith.andi %ge3A_1244, %lt3A_1246 : vector<16xi1>
      %jit3A_1248 = arith.constant 8388608 : i32
      %broadcast_in_dim3A_1249 = vector.broadcast %jit3A_1248 : i32 to vector<16xi32>
      %select_n3A_1250 = arith.select %and3A_1247, %get3A_1242, %broadcast_in_dim3A_1249 : vector<16xi1>, vector<16xi32>
      %swap3A_1251 = arith.constant 1248 : index
      %swap3A_1252 = tpu.vector_load %arg9[%swap3A_1251] {strides = array<i32>} : memref<2048xi32, #tpu.memory_space<vmem>>, vector<16xi32>,
      %swap3A_1253 = vector.shape_cast %swap3A_1252 : vector<16xi32> to vector<16xi32>
      %swap3A_1254 = vector.shape_cast %select_n3A_1250 : vector<16xi32> to vector<16xi32>
      tpu.vector_store %arg9[%swap3A_1251], %swap3A_1254 {strides = array<i32>} : memref<2048xi32, #tpu.memory_space<vmem>>, vector<16xi32>,
      %get3A_1255 = arith.constant 1264 : index
      %get3A_1256 = tpu.vector_load %arg7[%get3A_1255] {strides = array<i32>} : memref<2048xi32, #tpu.memory_space<vmem>>, vector<16xi32>,
      %get3A_1257 = vector.shape_cast %get3A_1256 : vector<16xi32> to vector<16xi32>
      %ge3A_1258 = vector.broadcast %mul3A_2 : i32 to vector<16xi32>
      %ge3A_1259 = arith.cmpi sge, %get3A_1257, %ge3A_1258 : vector<16xi32>
      %lt3A_1260 = vector.broadcast %add3A_4 : i32 to vector<16xi32>
      %lt3A_1261 = arith.cmpi slt, %get3A_1257, %lt3A_1260 : vector<16xi32>
      %and3A_1262 = arith.andi %ge3A_1259, %lt3A_1261 : vector<16xi1>
      %jit3A_1263 = arith.constant 8388608 : i32
      %broadcast_in_dim3A_1264 = vector.broadcast %jit3A_1263 : i32 to vector<16xi32>
      %select_n3A_1265 = arith.select %and3A_1262, %get3A_1257, %broadcast_in_dim3A_1264 : vector<16xi1>, vector<16xi32>
      %swap3A_1266 = arith.constant 1264 : index
      %swap3A_1267 = tpu.vector_load %arg9[%swap3A_1266] {strides = array<i32>} : memref<2048xi32, #tpu.memory_space<vmem>>, vector<16xi32>,
      %swap3A_1268 = vector.shape_cast %swap3A_1267 : vector<16xi32> to vector<16xi32>
      %swap3A_1269 = vector.shape_cast %select_n3A_1265 : vector<16xi32> to vector<16xi32>
      tpu.vector_store %arg9[%swap3A_1266], %swap3A_1269 {strides = array<i32>} : memref<2048xi32, #tpu.memory_space<vmem>>, vector<16xi32>,
      %get3A_1270 = arith.constant 1280 : index
      %get3A_1271 = tpu.vector_load %arg7[%get3A_1270] {strides = array<i32>} : memref<2048xi32, #tpu.memory_space<vmem>>, vector<16xi32>,
      %get3A_1272 = vector.shape_cast %get3A_1271 : vector<16xi32> to vector<16xi32>
      %ge3A_1273 = vector.broadcast %mul3A_2 : i32 to vector<16xi32>
      %ge3A_1274 = arith.cmpi sge, %get3A_1272, %ge3A_1273 : vector<16xi32>
      %lt3A_1275 = vector.broadcast %add3A_4 : i32 to vector<16xi32>
      %lt3A_1276 = arith.cmpi slt, %get3A_1272, %lt3A_1275 : vector<16xi32>
      %and3A_1277 = arith.andi %ge3A_1274, %lt3A_1276 : vector<16xi1>
      %jit3A_1278 = arith.constant 8388608 : i32
      %broadcast_in_dim3A_1279 = vector.broadcast %jit3A_1278 : i32 to vector<16xi32>
      %select_n3A_1280 = arith.select %and3A_1277, %get3A_1272, %broadcast_in_dim3A_1279 : vector<16xi1>, vector<16xi32>
      %swap3A_1281 = arith.constant 1280 : index
      %swap3A_1282 = tpu.vector_load %arg9[%swap3A_1281] {strides = array<i32>} : memref<2048xi32, #tpu.memory_space<vmem>>, vector<16xi32>,
      %swap3A_1283 = vector.shape_cast %swap3A_1282 : vector<16xi32> to vector<16xi32>
      %swap3A_1284 = vector.shape_cast %select_n3A_1280 : vector<16xi32> to vector<16xi32>
      tpu.vector_store %arg9[%swap3A_1281], %swap3A_1284 {strides = array<i32>} : memref<2048xi32, #tpu.memory_space<vmem>>, vector<16xi32>,
      %get3A_1285 = arith.constant 1296 : index
      %get3A_1286 = tpu.vector_load %arg7[%get3A_1285] {strides = array<i32>} : memref<2048xi32, #tpu.memory_space<vmem>>, vector<16xi32>,
      %get3A_1287 = vector.shape_cast %get3A_1286 : vector<16xi32> to vector<16xi32>
      %ge3A_1288 = vector.broadcast %mul3A_2 : i32 to vector<16xi32>
      %ge3A_1289 = arith.cmpi sge, %get3A_1287, %ge3A_1288 : vector<16xi32>
      %lt3A_1290 = vector.broadcast %add3A_4 : i32 to vector<16xi32>
      %lt3A_1291 = arith.cmpi slt, %get3A_1287, %lt3A_1290 : vector<16xi32>
      %and3A_1292 = arith.andi %ge3A_1289, %lt3A_1291 : vector<16xi1>
      %jit3A_1293 = arith.constant 8388608 : i32
      %broadcast_in_dim3A_1294 = vector.broadcast %jit3A_1293 : i32 to vector<16xi32>
      %select_n3A_1295 = arith.select %and3A_1292, %get3A_1287, %broadcast_in_dim3A_1294 : vector<16xi1>, vector<16xi32>
      %swap3A_1296 = arith.constant 1296 : index
      %swap3A_1297 = tpu.vector_load %arg9[%swap3A_1296] {strides = array<i32>} : memref<2048xi32, #tpu.memory_space<vmem>>, vector<16xi32>,
      %swap3A_1298 = vector.shape_cast %swap3A_1297 : vector<16xi32> to vector<16xi32>
      %swap3A_1299 = vector.shape_cast %select_n3A_1295 : vector<16xi32> to vector<16xi32>
      tpu.vector_store %arg9[%swap3A_1296], %swap3A_1299 {strides = array<i32>} : memref<2048xi32, #tpu.memory_space<vmem>>, vector<16xi32>,
      %get3A_1300 = arith.constant 1312 : index
      %get3A_1301 = tpu.vector_load %arg7[%get3A_1300] {strides = array<i32>} : memref<2048xi32, #tpu.memory_space<vmem>>, vector<16xi32>,
      %get3A_1302 = vector.shape_cast %get3A_1301 : vector<16xi32> to vector<16xi32>
      %ge3A_1303 = vector.broadcast %mul3A_2 : i32 to vector<16xi32>
      %ge3A_1304 = arith.cmpi sge, %get3A_1302, %ge3A_1303 : vector<16xi32>
      %lt3A_1305 = vector.broadcast %add3A_4 : i32 to vector<16xi32>
      %lt3A_1306 = arith.cmpi slt, %get3A_1302, %lt3A_1305 : vector<16xi32>
      %and3A_1307 = arith.andi %ge3A_1304, %lt3A_1306 : vector<16xi1>
      %jit3A_1308 = arith.constant 8388608 : i32
      %broadcast_in_dim3A_1309 = vector.broadcast %jit3A_1308 : i32 to vector<16xi32>
      %select_n3A_1310 = arith.select %and3A_1307, %get3A_1302, %broadcast_in_dim3A_1309 : vector<16xi1>, vector<16xi32>
      %swap3A_1311 = arith.constant 1312 : index
      %swap3A_1312 = tpu.vector_load %arg9[%swap3A_1311] {strides = array<i32>} : memref<2048xi32, #tpu.memory_space<vmem>>, vector<16xi32>,
      %swap3A_1313 = vector.shape_cast %swap3A_1312 : vector<16xi32> to vector<16xi32>
      %swap3A_1314 = vector.shape_cast %select_n3A_1310 : vector<16xi32> to vector<16xi32>
      tpu.vector_store %arg9[%swap3A_1311], %swap3A_1314 {strides = array<i32>} : memref<2048xi32, #tpu.memory_space<vmem>>, vector<16xi32>,
      %get3A_1315 = arith.constant 1328 : index
      %get3A_1316 = tpu.vector_load %arg7[%get3A_1315] {strides = array<i32>} : memref<2048xi32, #tpu.memory_space<vmem>>, vector<16xi32>,
      %get3A_1317 = vector.shape_cast %get3A_1316 : vector<16xi32> to vector<16xi32>
      %ge3A_1318 = vector.broadcast %mul3A_2 : i32 to vector<16xi32>
      %ge3A_1319 = arith.cmpi sge, %get3A_1317, %ge3A_1318 : vector<16xi32>
      %lt3A_1320 = vector.broadcast %add3A_4 : i32 to vector<16xi32>
      %lt3A_1321 = arith.cmpi slt, %get3A_1317, %lt3A_1320 : vector<16xi32>
      %and3A_1322 = arith.andi %ge3A_1319, %lt3A_1321 : vector<16xi1>
      %jit3A_1323 = arith.constant 8388608 : i32
      %broadcast_in_dim3A_1324 = vector.broadcast %jit3A_1323 : i32 to vector<16xi32>
      %select_n3A_1325 = arith.select %and3A_1322, %get3A_1317, %broadcast_in_dim3A_1324 : vector<16xi1>, vector<16xi32>
      %swap3A_1326 = arith.constant 1328 : index
      %swap3A_1327 = tpu.vector_load %arg9[%swap3A_1326] {strides = array<i32>} : memref<2048xi32, #tpu.memory_space<vmem>>, vector<16xi32>,
      %swap3A_1328 = vector.shape_cast %swap3A_1327 : vector<16xi32> to vector<16xi32>
      %swap3A_1329 = vector.shape_cast %select_n3A_1325 : vector<16xi32> to vector<16xi32>
      tpu.vector_store %arg9[%swap3A_1326], %swap3A_1329 {strides = array<i32>} : memref<2048xi32, #tpu.memory_space<vmem>>, vector<16xi32>,
      %get3A_1330 = arith.constant 1344 : index
      %get3A_1331 = tpu.vector_load %arg7[%get3A_1330] {strides = array<i32>} : memref<2048xi32, #tpu.memory_space<vmem>>, vector<16xi32>,
      %get3A_1332 = vector.shape_cast %get3A_1331 : vector<16xi32> to vector<16xi32>
      %ge3A_1333 = vector.broadcast %mul3A_2 : i32 to vector<16xi32>
      %ge3A_1334 = arith.cmpi sge, %get3A_1332, %ge3A_1333 : vector<16xi32>
      %lt3A_1335 = vector.broadcast %add3A_4 : i32 to vector<16xi32>
      %lt3A_1336 = arith.cmpi slt, %get3A_1332, %lt3A_1335 : vector<16xi32>
      %and3A_1337 = arith.andi %ge3A_1334, %lt3A_1336 : vector<16xi1>
      %jit3A_1338 = arith.constant 8388608 : i32
      %broadcast_in_dim3A_1339 = vector.broadcast %jit3A_1338 : i32 to vector<16xi32>
      %select_n3A_1340 = arith.select %and3A_1337, %get3A_1332, %broadcast_in_dim3A_1339 : vector<16xi1>, vector<16xi32>
      %swap3A_1341 = arith.constant 1344 : index
      %swap3A_1342 = tpu.vector_load %arg9[%swap3A_1341] {strides = array<i32>} : memref<2048xi32, #tpu.memory_space<vmem>>, vector<16xi32>,
      %swap3A_1343 = vector.shape_cast %swap3A_1342 : vector<16xi32> to vector<16xi32>
      %swap3A_1344 = vector.shape_cast %select_n3A_1340 : vector<16xi32> to vector<16xi32>
      tpu.vector_store %arg9[%swap3A_1341], %swap3A_1344 {strides = array<i32>} : memref<2048xi32, #tpu.memory_space<vmem>>, vector<16xi32>,
      %get3A_1345 = arith.constant 1360 : index
      %get3A_1346 = tpu.vector_load %arg7[%get3A_1345] {strides = array<i32>} : memref<2048xi32, #tpu.memory_space<vmem>>, vector<16xi32>,
      %get3A_1347 = vector.shape_cast %get3A_1346 : vector<16xi32> to vector<16xi32>
      %ge3A_1348 = vector.broadcast %mul3A_2 : i32 to vector<16xi32>
      %ge3A_1349 = arith.cmpi sge, %get3A_1347, %ge3A_1348 : vector<16xi32>
      %lt3A_1350 = vector.broadcast %add3A_4 : i32 to vector<16xi32>
      %lt3A_1351 = arith.cmpi slt, %get3A_1347, %lt3A_1350 : vector<16xi32>
      %and3A_1352 = arith.andi %ge3A_1349, %lt3A_1351 : vector<16xi1>
      %jit3A_1353 = arith.constant 8388608 : i32
      %broadcast_in_dim3A_1354 = vector.broadcast %jit3A_1353 : i32 to vector<16xi32>
      %select_n3A_1355 = arith.select %and3A_1352, %get3A_1347, %broadcast_in_dim3A_1354 : vector<16xi1>, vector<16xi32>
      %swap3A_1356 = arith.constant 1360 : index
      %swap3A_1357 = tpu.vector_load %arg9[%swap3A_1356] {strides = array<i32>} : memref<2048xi32, #tpu.memory_space<vmem>>, vector<16xi32>,
      %swap3A_1358 = vector.shape_cast %swap3A_1357 : vector<16xi32> to vector<16xi32>
      %swap3A_1359 = vector.shape_cast %select_n3A_1355 : vector<16xi32> to vector<16xi32>
      tpu.vector_store %arg9[%swap3A_1356], %swap3A_1359 {strides = array<i32>} : memref<2048xi32, #tpu.memory_space<vmem>>, vector<16xi32>,
      %get3A_1360 = arith.constant 1376 : index
      %get3A_1361 = tpu.vector_load %arg7[%get3A_1360] {strides = array<i32>} : memref<2048xi32, #tpu.memory_space<vmem>>, vector<16xi32>,
      %get3A_1362 = vector.shape_cast %get3A_1361 : vector<16xi32> to vector<16xi32>
      %ge3A_1363 = vector.broadcast %mul3A_2 : i32 to vector<16xi32>
      %ge3A_1364 = arith.cmpi sge, %get3A_1362, %ge3A_1363 : vector<16xi32>
      %lt3A_1365 = vector.broadcast %add3A_4 : i32 to vector<16xi32>
      %lt3A_1366 = arith.cmpi slt, %get3A_1362, %lt3A_1365 : vector<16xi32>
      %and3A_1367 = arith.andi %ge3A_1364, %lt3A_1366 : vector<16xi1>
      %jit3A_1368 = arith.constant 8388608 : i32
      %broadcast_in_dim3A_1369 = vector.broadcast %jit3A_1368 : i32 to vector<16xi32>
      %select_n3A_1370 = arith.select %and3A_1367, %get3A_1362, %broadcast_in_dim3A_1369 : vector<16xi1>, vector<16xi32>
      %swap3A_1371 = arith.constant 1376 : index
      %swap3A_1372 = tpu.vector_load %arg9[%swap3A_1371] {strides = array<i32>} : memref<2048xi32, #tpu.memory_space<vmem>>, vector<16xi32>,
      %swap3A_1373 = vector.shape_cast %swap3A_1372 : vector<16xi32> to vector<16xi32>
      %swap3A_1374 = vector.shape_cast %select_n3A_1370 : vector<16xi32> to vector<16xi32>
      tpu.vector_store %arg9[%swap3A_1371], %swap3A_1374 {strides = array<i32>} : memref<2048xi32, #tpu.memory_space<vmem>>, vector<16xi32>,
      %get3A_1375 = arith.constant 1392 : index
      %get3A_1376 = tpu.vector_load %arg7[%get3A_1375] {strides = array<i32>} : memref<2048xi32, #tpu.memory_space<vmem>>, vector<16xi32>,
      %get3A_1377 = vector.shape_cast %get3A_1376 : vector<16xi32> to vector<16xi32>
      %ge3A_1378 = vector.broadcast %mul3A_2 : i32 to vector<16xi32>
      %ge3A_1379 = arith.cmpi sge, %get3A_1377, %ge3A_1378 : vector<16xi32>
      %lt3A_1380 = vector.broadcast %add3A_4 : i32 to vector<16xi32>
      %lt3A_1381 = arith.cmpi slt, %get3A_1377, %lt3A_1380 : vector<16xi32>
      %and3A_1382 = arith.andi %ge3A_1379, %lt3A_1381 : vector<16xi1>
      %jit3A_1383 = arith.constant 8388608 : i32
      %broadcast_in_dim3A_1384 = vector.broadcast %jit3A_1383 : i32 to vector<16xi32>
      %select_n3A_1385 = arith.select %and3A_1382, %get3A_1377, %broadcast_in_dim3A_1384 : vector<16xi1>, vector<16xi32>
      %swap3A_1386 = arith.constant 1392 : index
      %swap3A_1387 = tpu.vector_load %arg9[%swap3A_1386] {strides = array<i32>} : memref<2048xi32, #tpu.memory_space<vmem>>, vector<16xi32>,
      %swap3A_1388 = vector.shape_cast %swap3A_1387 : vector<16xi32> to vector<16xi32>
      %swap3A_1389 = vector.shape_cast %select_n3A_1385 : vector<16xi32> to vector<16xi32>
      tpu.vector_store %arg9[%swap3A_1386], %swap3A_1389 {strides = array<i32>} : memref<2048xi32, #tpu.memory_space<vmem>>, vector<16xi32>,
      %get3A_1390 = arith.constant 1408 : index
      %get3A_1391 = tpu.vector_load %arg7[%get3A_1390] {strides = array<i32>} : memref<2048xi32, #tpu.memory_space<vmem>>, vector<16xi32>,
      %get3A_1392 = vector.shape_cast %get3A_1391 : vector<16xi32> to vector<16xi32>
      %ge3A_1393 = vector.broadcast %mul3A_2 : i32 to vector<16xi32>
      %ge3A_1394 = arith.cmpi sge, %get3A_1392, %ge3A_1393 : vector<16xi32>
      %lt3A_1395 = vector.broadcast %add3A_4 : i32 to vector<16xi32>
      %lt3A_1396 = arith.cmpi slt, %get3A_1392, %lt3A_1395 : vector<16xi32>
      %and3A_1397 = arith.andi %ge3A_1394, %lt3A_1396 : vector<16xi1>
      %jit3A_1398 = arith.constant 8388608 : i32
      %broadcast_in_dim3A_1399 = vector.broadcast %jit3A_1398 : i32 to vector<16xi32>
      %select_n3A_1400 = arith.select %and3A_1397, %get3A_1392, %broadcast_in_dim3A_1399 : vector<16xi1>, vector<16xi32>
      %swap3A_1401 = arith.constant 1408 : index
      %swap3A_1402 = tpu.vector_load %arg9[%swap3A_1401] {strides = array<i32>} : memref<2048xi32, #tpu.memory_space<vmem>>, vector<16xi32>,
      %swap3A_1403 = vector.shape_cast %swap3A_1402 : vector<16xi32> to vector<16xi32>
      %swap3A_1404 = vector.shape_cast %select_n3A_1400 : vector<16xi32> to vector<16xi32>
      tpu.vector_store %arg9[%swap3A_1401], %swap3A_1404 {strides = array<i32>} : memref<2048xi32, #tpu.memory_space<vmem>>, vector<16xi32>,
      %get3A_1405 = arith.constant 1424 : index
      %get3A_1406 = tpu.vector_load %arg7[%get3A_1405] {strides = array<i32>} : memref<2048xi32, #tpu.memory_space<vmem>>, vector<16xi32>,
      %get3A_1407 = vector.shape_cast %get3A_1406 : vector<16xi32> to vector<16xi32>
      %ge3A_1408 = vector.broadcast %mul3A_2 : i32 to vector<16xi32>
      %ge3A_1409 = arith.cmpi sge, %get3A_1407, %ge3A_1408 : vector<16xi32>
      %lt3A_1410 = vector.broadcast %add3A_4 : i32 to vector<16xi32>
      %lt3A_1411 = arith.cmpi slt, %get3A_1407, %lt3A_1410 : vector<16xi32>
      %and3A_1412 = arith.andi %ge3A_1409, %lt3A_1411 : vector<16xi1>
      %jit3A_1413 = arith.constant 8388608 : i32
      %broadcast_in_dim3A_1414 = vector.broadcast %jit3A_1413 : i32 to vector<16xi32>
      %select_n3A_1415 = arith.select %and3A_1412, %get3A_1407, %broadcast_in_dim3A_1414 : vector<16xi1>, vector<16xi32>
      %swap3A_1416 = arith.constant 1424 : index
      %swap3A_1417 = tpu.vector_load %arg9[%swap3A_1416] {strides = array<i32>} : memref<2048xi32, #tpu.memory_space<vmem>>, vector<16xi32>,
      %swap3A_1418 = vector.shape_cast %swap3A_1417 : vector<16xi32> to vector<16xi32>
      %swap3A_1419 = vector.shape_cast %select_n3A_1415 : vector<16xi32> to vector<16xi32>
      tpu.vector_store %arg9[%swap3A_1416], %swap3A_1419 {strides = array<i32>} : memref<2048xi32, #tpu.memory_space<vmem>>, vector<16xi32>,
      %get3A_1420 = arith.constant 1440 : index
      %get3A_1421 = tpu.vector_load %arg7[%get3A_1420] {strides = array<i32>} : memref<2048xi32, #tpu.memory_space<vmem>>, vector<16xi32>,
      %get3A_1422 = vector.shape_cast %get3A_1421 : vector<16xi32> to vector<16xi32>
      %ge3A_1423 = vector.broadcast %mul3A_2 : i32 to vector<16xi32>
      %ge3A_1424 = arith.cmpi sge, %get3A_1422, %ge3A_1423 : vector<16xi32>
      %lt3A_1425 = vector.broadcast %add3A_4 : i32 to vector<16xi32>
      %lt3A_1426 = arith.cmpi slt, %get3A_1422, %lt3A_1425 : vector<16xi32>
      %and3A_1427 = arith.andi %ge3A_1424, %lt3A_1426 : vector<16xi1>
      %jit3A_1428 = arith.constant 8388608 : i32
      %broadcast_in_dim3A_1429 = vector.broadcast %jit3A_1428 : i32 to vector<16xi32>
      %select_n3A_1430 = arith.select %and3A_1427, %get3A_1422, %broadcast_in_dim3A_1429 : vector<16xi1>, vector<16xi32>
      %swap3A_1431 = arith.constant 1440 : index
      %swap3A_1432 = tpu.vector_load %arg9[%swap3A_1431] {strides = array<i32>} : memref<2048xi32, #tpu.memory_space<vmem>>, vector<16xi32>,
      %swap3A_1433 = vector.shape_cast %swap3A_1432 : vector<16xi32> to vector<16xi32>
      %swap3A_1434 = vector.shape_cast %select_n3A_1430 : vector<16xi32> to vector<16xi32>
      tpu.vector_store %arg9[%swap3A_1431], %swap3A_1434 {strides = array<i32>} : memref<2048xi32, #tpu.memory_space<vmem>>, vector<16xi32>,
      %get3A_1435 = arith.constant 1456 : index
      %get3A_1436 = tpu.vector_load %arg7[%get3A_1435] {strides = array<i32>} : memref<2048xi32, #tpu.memory_space<vmem>>, vector<16xi32>,
      %get3A_1437 = vector.shape_cast %get3A_1436 : vector<16xi32> to vector<16xi32>
      %ge3A_1438 = vector.broadcast %mul3A_2 : i32 to vector<16xi32>
      %ge3A_1439 = arith.cmpi sge, %get3A_1437, %ge3A_1438 : vector<16xi32>
      %lt3A_1440 = vector.broadcast %add3A_4 : i32 to vector<16xi32>
      %lt3A_1441 = arith.cmpi slt, %get3A_1437, %lt3A_1440 : vector<16xi32>
      %and3A_1442 = arith.andi %ge3A_1439, %lt3A_1441 : vector<16xi1>
      %jit3A_1443 = arith.constant 8388608 : i32
      %broadcast_in_dim3A_1444 = vector.broadcast %jit3A_1443 : i32 to vector<16xi32>
      %select_n3A_1445 = arith.select %and3A_1442, %get3A_1437, %broadcast_in_dim3A_1444 : vector<16xi1>, vector<16xi32>
      %swap3A_1446 = arith.constant 1456 : index
      %swap3A_1447 = tpu.vector_load %arg9[%swap3A_1446] {strides = array<i32>} : memref<2048xi32, #tpu.memory_space<vmem>>, vector<16xi32>,
      %swap3A_1448 = vector.shape_cast %swap3A_1447 : vector<16xi32> to vector<16xi32>
      %swap3A_1449 = vector.shape_cast %select_n3A_1445 : vector<16xi32> to vector<16xi32>
      tpu.vector_store %arg9[%swap3A_1446], %swap3A_1449 {strides = array<i32>} : memref<2048xi32, #tpu.memory_space<vmem>>, vector<16xi32>,
      %get3A_1450 = arith.constant 1472 : index
      %get3A_1451 = tpu.vector_load %arg7[%get3A_1450] {strides = array<i32>} : memref<2048xi32, #tpu.memory_space<vmem>>, vector<16xi32>,
      %get3A_1452 = vector.shape_cast %get3A_1451 : vector<16xi32> to vector<16xi32>
      %ge3A_1453 = vector.broadcast %mul3A_2 : i32 to vector<16xi32>
      %ge3A_1454 = arith.cmpi sge, %get3A_1452, %ge3A_1453 : vector<16xi32>
      %lt3A_1455 = vector.broadcast %add3A_4 : i32 to vector<16xi32>
      %lt3A_1456 = arith.cmpi slt, %get3A_1452, %lt3A_1455 : vector<16xi32>
      %and3A_1457 = arith.andi %ge3A_1454, %lt3A_1456 : vector<16xi1>
      %jit3A_1458 = arith.constant 8388608 : i32
      %broadcast_in_dim3A_1459 = vector.broadcast %jit3A_1458 : i32 to vector<16xi32>
      %select_n3A_1460 = arith.select %and3A_1457, %get3A_1452, %broadcast_in_dim3A_1459 : vector<16xi1>, vector<16xi32>
      %swap3A_1461 = arith.constant 1472 : index
      %swap3A_1462 = tpu.vector_load %arg9[%swap3A_1461] {strides = array<i32>} : memref<2048xi32, #tpu.memory_space<vmem>>, vector<16xi32>,
      %swap3A_1463 = vector.shape_cast %swap3A_1462 : vector<16xi32> to vector<16xi32>
      %swap3A_1464 = vector.shape_cast %select_n3A_1460 : vector<16xi32> to vector<16xi32>
      tpu.vector_store %arg9[%swap3A_1461], %swap3A_1464 {strides = array<i32>} : memref<2048xi32, #tpu.memory_space<vmem>>, vector<16xi32>,
      %get3A_1465 = arith.constant 1488 : index
      %get3A_1466 = tpu.vector_load %arg7[%get3A_1465] {strides = array<i32>} : memref<2048xi32, #tpu.memory_space<vmem>>, vector<16xi32>,
      %get3A_1467 = vector.shape_cast %get3A_1466 : vector<16xi32> to vector<16xi32>
      %ge3A_1468 = vector.broadcast %mul3A_2 : i32 to vector<16xi32>
      %ge3A_1469 = arith.cmpi sge, %get3A_1467, %ge3A_1468 : vector<16xi32>
      %lt3A_1470 = vector.broadcast %add3A_4 : i32 to vector<16xi32>
      %lt3A_1471 = arith.cmpi slt, %get3A_1467, %lt3A_1470 : vector<16xi32>
      %and3A_1472 = arith.andi %ge3A_1469, %lt3A_1471 : vector<16xi1>
      %jit3A_1473 = arith.constant 8388608 : i32
      %broadcast_in_dim3A_1474 = vector.broadcast %jit3A_1473 : i32 to vector<16xi32>
      %select_n3A_1475 = arith.select %and3A_1472, %get3A_1467, %broadcast_in_dim3A_1474 : vector<16xi1>, vector<16xi32>
      %swap3A_1476 = arith.constant 1488 : index
      %swap3A_1477 = tpu.vector_load %arg9[%swap3A_1476] {strides = array<i32>} : memref<2048xi32, #tpu.memory_space<vmem>>, vector<16xi32>,
      %swap3A_1478 = vector.shape_cast %swap3A_1477 : vector<16xi32> to vector<16xi32>
      %swap3A_1479 = vector.shape_cast %select_n3A_1475 : vector<16xi32> to vector<16xi32>
      tpu.vector_store %arg9[%swap3A_1476], %swap3A_1479 {strides = array<i32>} : memref<2048xi32, #tpu.memory_space<vmem>>, vector<16xi32>,
      %get3A_1480 = arith.constant 1504 : index
      %get3A_1481 = tpu.vector_load %arg7[%get3A_1480] {strides = array<i32>} : memref<2048xi32, #tpu.memory_space<vmem>>, vector<16xi32>,
      %get3A_1482 = vector.shape_cast %get3A_1481 : vector<16xi32> to vector<16xi32>
      %ge3A_1483 = vector.broadcast %mul3A_2 : i32 to vector<16xi32>
      %ge3A_1484 = arith.cmpi sge, %get3A_1482, %ge3A_1483 : vector<16xi32>
      %lt3A_1485 = vector.broadcast %add3A_4 : i32 to vector<16xi32>
      %lt3A_1486 = arith.cmpi slt, %get3A_1482, %lt3A_1485 : vector<16xi32>
      %and3A_1487 = arith.andi %ge3A_1484, %lt3A_1486 : vector<16xi1>
      %jit3A_1488 = arith.constant 8388608 : i32
      %broadcast_in_dim3A_1489 = vector.broadcast %jit3A_1488 : i32 to vector<16xi32>
      %select_n3A_1490 = arith.select %and3A_1487, %get3A_1482, %broadcast_in_dim3A_1489 : vector<16xi1>, vector<16xi32>
      %swap3A_1491 = arith.constant 1504 : index
      %swap3A_1492 = tpu.vector_load %arg9[%swap3A_1491] {strides = array<i32>} : memref<2048xi32, #tpu.memory_space<vmem>>, vector<16xi32>,
      %swap3A_1493 = vector.shape_cast %swap3A_1492 : vector<16xi32> to vector<16xi32>
      %swap3A_1494 = vector.shape_cast %select_n3A_1490 : vector<16xi32> to vector<16xi32>
      tpu.vector_store %arg9[%swap3A_1491], %swap3A_1494 {strides = array<i32>} : memref<2048xi32, #tpu.memory_space<vmem>>, vector<16xi32>,
      %get3A_1495 = arith.constant 1520 : index
      %get3A_1496 = tpu.vector_load %arg7[%get3A_1495] {strides = array<i32>} : memref<2048xi32, #tpu.memory_space<vmem>>, vector<16xi32>,
      %get3A_1497 = vector.shape_cast %get3A_1496 : vector<16xi32> to vector<16xi32>
      %ge3A_1498 = vector.broadcast %mul3A_2 : i32 to vector<16xi32>
      %ge3A_1499 = arith.cmpi sge, %get3A_1497, %ge3A_1498 : vector<16xi32>
      %lt3A_1500 = vector.broadcast %add3A_4 : i32 to vector<16xi32>
      %lt3A_1501 = arith.cmpi slt, %get3A_1497, %lt3A_1500 : vector<16xi32>
      %and3A_1502 = arith.andi %ge3A_1499, %lt3A_1501 : vector<16xi1>
      %jit3A_1503 = arith.constant 8388608 : i32
      %broadcast_in_dim3A_1504 = vector.broadcast %jit3A_1503 : i32 to vector<16xi32>
      %select_n3A_1505 = arith.select %and3A_1502, %get3A_1497, %broadcast_in_dim3A_1504 : vector<16xi1>, vector<16xi32>
      %swap3A_1506 = arith.constant 1520 : index
      %swap3A_1507 = tpu.vector_load %arg9[%swap3A_1506] {strides = array<i32>} : memref<2048xi32, #tpu.memory_space<vmem>>, vector<16xi32>,
      %swap3A_1508 = vector.shape_cast %swap3A_1507 : vector<16xi32> to vector<16xi32>
      %swap3A_1509 = vector.shape_cast %select_n3A_1505 : vector<16xi32> to vector<16xi32>
      tpu.vector_store %arg9[%swap3A_1506], %swap3A_1509 {strides = array<i32>} : memref<2048xi32, #tpu.memory_space<vmem>>, vector<16xi32>,
      %get3A_1510 = arith.constant 1536 : index
      %get3A_1511 = tpu.vector_load %arg7[%get3A_1510] {strides = array<i32>} : memref<2048xi32, #tpu.memory_space<vmem>>, vector<16xi32>,
      %get3A_1512 = vector.shape_cast %get3A_1511 : vector<16xi32> to vector<16xi32>
      %ge3A_1513 = vector.broadcast %mul3A_2 : i32 to vector<16xi32>
      %ge3A_1514 = arith.cmpi sge, %get3A_1512, %ge3A_1513 : vector<16xi32>
      %lt3A_1515 = vector.broadcast %add3A_4 : i32 to vector<16xi32>
      %lt3A_1516 = arith.cmpi slt, %get3A_1512, %lt3A_1515 : vector<16xi32>
      %and3A_1517 = arith.andi %ge3A_1514, %lt3A_1516 : vector<16xi1>
      %jit3A_1518 = arith.constant 8388608 : i32
      %broadcast_in_dim3A_1519 = vector.broadcast %jit3A_1518 : i32 to vector<16xi32>
      %select_n3A_1520 = arith.select %and3A_1517, %get3A_1512, %broadcast_in_dim3A_1519 : vector<16xi1>, vector<16xi32>
      %swap3A_1521 = arith.constant 1536 : index
      %swap3A_1522 = tpu.vector_load %arg9[%swap3A_1521] {strides = array<i32>} : memref<2048xi32, #tpu.memory_space<vmem>>, vector<16xi32>,
      %swap3A_1523 = vector.shape_cast %swap3A_1522 : vector<16xi32> to vector<16xi32>
      %swap3A_1524 = vector.shape_cast %select_n3A_1520 : vector<16xi32> to vector<16xi32>
      tpu.vector_store %arg9[%swap3A_1521], %swap3A_1524 {strides = array<i32>} : memref<2048xi32, #tpu.memory_space<vmem>>, vector<16xi32>,
      %get3A_1525 = arith.constant 1552 : index
      %get3A_1526 = tpu.vector_load %arg7[%get3A_1525] {strides = array<i32>} : memref<2048xi32, #tpu.memory_space<vmem>>, vector<16xi32>,
      %get3A_1527 = vector.shape_cast %get3A_1526 : vector<16xi32> to vector<16xi32>
      %ge3A_1528 = vector.broadcast %mul3A_2 : i32 to vector<16xi32>
      %ge3A_1529 = arith.cmpi sge, %get3A_1527, %ge3A_1528 : vector<16xi32>
      %lt3A_1530 = vector.broadcast %add3A_4 : i32 to vector<16xi32>
      %lt3A_1531 = arith.cmpi slt, %get3A_1527, %lt3A_1530 : vector<16xi32>
      %and3A_1532 = arith.andi %ge3A_1529, %lt3A_1531 : vector<16xi1>
      %jit3A_1533 = arith.constant 8388608 : i32
      %broadcast_in_dim3A_1534 = vector.broadcast %jit3A_1533 : i32 to vector<16xi32>
      %select_n3A_1535 = arith.select %and3A_1532, %get3A_1527, %broadcast_in_dim3A_1534 : vector<16xi1>, vector<16xi32>
      %swap3A_1536 = arith.constant 1552 : index
      %swap3A_1537 = tpu.vector_load %arg9[%swap3A_1536] {strides = array<i32>} : memref<2048xi32, #tpu.memory_space<vmem>>, vector<16xi32>,
      %swap3A_1538 = vector.shape_cast %swap3A_1537 : vector<16xi32> to vector<16xi32>
      %swap3A_1539 = vector.shape_cast %select_n3A_1535 : vector<16xi32> to vector<16xi32>
      tpu.vector_store %arg9[%swap3A_1536], %swap3A_1539 {strides = array<i32>} : memref<2048xi32, #tpu.memory_space<vmem>>, vector<16xi32>,
      %get3A_1540 = arith.constant 1568 : index
      %get3A_1541 = tpu.vector_load %arg7[%get3A_1540] {strides = array<i32>} : memref<2048xi32, #tpu.memory_space<vmem>>, vector<16xi32>,
      %get3A_1542 = vector.shape_cast %get3A_1541 : vector<16xi32> to vector<16xi32>
      %ge3A_1543 = vector.broadcast %mul3A_2 : i32 to vector<16xi32>
      %ge3A_1544 = arith.cmpi sge, %get3A_1542, %ge3A_1543 : vector<16xi32>
      %lt3A_1545 = vector.broadcast %add3A_4 : i32 to vector<16xi32>
      %lt3A_1546 = arith.cmpi slt, %get3A_1542, %lt3A_1545 : vector<16xi32>
      %and3A_1547 = arith.andi %ge3A_1544, %lt3A_1546 : vector<16xi1>
      %jit3A_1548 = arith.constant 8388608 : i32
      %broadcast_in_dim3A_1549 = vector.broadcast %jit3A_1548 : i32 to vector<16xi32>
      %select_n3A_1550 = arith.select %and3A_1547, %get3A_1542, %broadcast_in_dim3A_1549 : vector<16xi1>, vector<16xi32>
      %swap3A_1551 = arith.constant 1568 : index
      %swap3A_1552 = tpu.vector_load %arg9[%swap3A_1551] {strides = array<i32>} : memref<2048xi32, #tpu.memory_space<vmem>>, vector<16xi32>,
      %swap3A_1553 = vector.shape_cast %swap3A_1552 : vector<16xi32> to vector<16xi32>
      %swap3A_1554 = vector.shape_cast %select_n3A_1550 : vector<16xi32> to vector<16xi32>
      tpu.vector_store %arg9[%swap3A_1551], %swap3A_1554 {strides = array<i32>} : memref<2048xi32, #tpu.memory_space<vmem>>, vector<16xi32>,
      %get3A_1555 = arith.constant 1584 : index
      %get3A_1556 = tpu.vector_load %arg7[%get3A_1555] {strides = array<i32>} : memref<2048xi32, #tpu.memory_space<vmem>>, vector<16xi32>,
      %get3A_1557 = vector.shape_cast %get3A_1556 : vector<16xi32> to vector<16xi32>
      %ge3A_1558 = vector.broadcast %mul3A_2 : i32 to vector<16xi32>
      %ge3A_1559 = arith.cmpi sge, %get3A_1557, %ge3A_1558 : vector<16xi32>
      %lt3A_1560 = vector.broadcast %add3A_4 : i32 to vector<16xi32>
      %lt3A_1561 = arith.cmpi slt, %get3A_1557, %lt3A_1560 : vector<16xi32>
      %and3A_1562 = arith.andi %ge3A_1559, %lt3A_1561 : vector<16xi1>
      %jit3A_1563 = arith.constant 8388608 : i32
      %broadcast_in_dim3A_1564 = vector.broadcast %jit3A_1563 : i32 to vector<16xi32>
      %select_n3A_1565 = arith.select %and3A_1562, %get3A_1557, %broadcast_in_dim3A_1564 : vector<16xi1>, vector<16xi32>
      %swap3A_1566 = arith.constant 1584 : index
      %swap3A_1567 = tpu.vector_load %arg9[%swap3A_1566] {strides = array<i32>} : memref<2048xi32, #tpu.memory_space<vmem>>, vector<16xi32>,
      %swap3A_1568 = vector.shape_cast %swap3A_1567 : vector<16xi32> to vector<16xi32>
      %swap3A_1569 = vector.shape_cast %select_n3A_1565 : vector<16xi32> to vector<16xi32>
      tpu.vector_store %arg9[%swap3A_1566], %swap3A_1569 {strides = array<i32>} : memref<2048xi32, #tpu.memory_space<vmem>>, vector<16xi32>,
      %get3A_1570 = arith.constant 1600 : index
      %get3A_1571 = tpu.vector_load %arg7[%get3A_1570] {strides = array<i32>} : memref<2048xi32, #tpu.memory_space<vmem>>, vector<16xi32>,
      %get3A_1572 = vector.shape_cast %get3A_1571 : vector<16xi32> to vector<16xi32>
      %ge3A_1573 = vector.broadcast %mul3A_2 : i32 to vector<16xi32>
      %ge3A_1574 = arith.cmpi sge, %get3A_1572, %ge3A_1573 : vector<16xi32>
      %lt3A_1575 = vector.broadcast %add3A_4 : i32 to vector<16xi32>
      %lt3A_1576 = arith.cmpi slt, %get3A_1572, %lt3A_1575 : vector<16xi32>
      %and3A_1577 = arith.andi %ge3A_1574, %lt3A_1576 : vector<16xi1>
      %jit3A_1578 = arith.constant 8388608 : i32
      %broadcast_in_dim3A_1579 = vector.broadcast %jit3A_1578 : i32 to vector<16xi32>
      %select_n3A_1580 = arith.select %and3A_1577, %get3A_1572, %broadcast_in_dim3A_1579 : vector<16xi1>, vector<16xi32>
      %swap3A_1581 = arith.constant 1600 : index
      %swap3A_1582 = tpu.vector_load %arg9[%swap3A_1581] {strides = array<i32>} : memref<2048xi32, #tpu.memory_space<vmem>>, vector<16xi32>,
      %swap3A_1583 = vector.shape_cast %swap3A_1582 : vector<16xi32> to vector<16xi32>
      %swap3A_1584 = vector.shape_cast %select_n3A_1580 : vector<16xi32> to vector<16xi32>
      tpu.vector_store %arg9[%swap3A_1581], %swap3A_1584 {strides = array<i32>} : memref<2048xi32, #tpu.memory_space<vmem>>, vector<16xi32>,
      %get3A_1585 = arith.constant 1616 : index
      %get3A_1586 = tpu.vector_load %arg7[%get3A_1585] {strides = array<i32>} : memref<2048xi32, #tpu.memory_space<vmem>>, vector<16xi32>,
      %get3A_1587 = vector.shape_cast %get3A_1586 : vector<16xi32> to vector<16xi32>
      %ge3A_1588 = vector.broadcast %mul3A_2 : i32 to vector<16xi32>
      %ge3A_1589 = arith.cmpi sge, %get3A_1587, %ge3A_1588 : vector<16xi32>
      %lt3A_1590 = vector.broadcast %add3A_4 : i32 to vector<16xi32>
      %lt3A_1591 = arith.cmpi slt, %get3A_1587, %lt3A_1590 : vector<16xi32>
      %and3A_1592 = arith.andi %ge3A_1589, %lt3A_1591 : vector<16xi1>
      %jit3A_1593 = arith.constant 8388608 : i32
      %broadcast_in_dim3A_1594 = vector.broadcast %jit3A_1593 : i32 to vector<16xi32>
      %select_n3A_1595 = arith.select %and3A_1592, %get3A_1587, %broadcast_in_dim3A_1594 : vector<16xi1>, vector<16xi32>
      %swap3A_1596 = arith.constant 1616 : index
      %swap3A_1597 = tpu.vector_load %arg9[%swap3A_1596] {strides = array<i32>} : memref<2048xi32, #tpu.memory_space<vmem>>, vector<16xi32>,
      %swap3A_1598 = vector.shape_cast %swap3A_1597 : vector<16xi32> to vector<16xi32>
      %swap3A_1599 = vector.shape_cast %select_n3A_1595 : vector<16xi32> to vector<16xi32>
      tpu.vector_store %arg9[%swap3A_1596], %swap3A_1599 {strides = array<i32>} : memref<2048xi32, #tpu.memory_space<vmem>>, vector<16xi32>,
      %get3A_1600 = arith.constant 1632 : index
      %get3A_1601 = tpu.vector_load %arg7[%get3A_1600] {strides = array<i32>} : memref<2048xi32, #tpu.memory_space<vmem>>, vector<16xi32>,
      %get3A_1602 = vector.shape_cast %get3A_1601 : vector<16xi32> to vector<16xi32>
      %ge3A_1603 = vector.broadcast %mul3A_2 : i32 to vector<16xi32>
      %ge3A_1604 = arith.cmpi sge, %get3A_1602, %ge3A_1603 : vector<16xi32>
      %lt3A_1605 = vector.broadcast %add3A_4 : i32 to vector<16xi32>
      %lt3A_1606 = arith.cmpi slt, %get3A_1602, %lt3A_1605 : vector<16xi32>
      %and3A_1607 = arith.andi %ge3A_1604, %lt3A_1606 : vector<16xi1>
      %jit3A_1608 = arith.constant 8388608 : i32
      %broadcast_in_dim3A_1609 = vector.broadcast %jit3A_1608 : i32 to vector<16xi32>
      %select_n3A_1610 = arith.select %and3A_1607, %get3A_1602, %broadcast_in_dim3A_1609 : vector<16xi1>, vector<16xi32>
      %swap3A_1611 = arith.constant 1632 : index
      %swap3A_1612 = tpu.vector_load %arg9[%swap3A_1611] {strides = array<i32>} : memref<2048xi32, #tpu.memory_space<vmem>>, vector<16xi32>,
      %swap3A_1613 = vector.shape_cast %swap3A_1612 : vector<16xi32> to vector<16xi32>
      %swap3A_1614 = vector.shape_cast %select_n3A_1610 : vector<16xi32> to vector<16xi32>
      tpu.vector_store %arg9[%swap3A_1611], %swap3A_1614 {strides = array<i32>} : memref<2048xi32, #tpu.memory_space<vmem>>, vector<16xi32>,
      %get3A_1615 = arith.constant 1648 : index
      %get3A_1616 = tpu.vector_load %arg7[%get3A_1615] {strides = array<i32>} : memref<2048xi32, #tpu.memory_space<vmem>>, vector<16xi32>,
      %get3A_1617 = vector.shape_cast %get3A_1616 : vector<16xi32> to vector<16xi32>
      %ge3A_1618 = vector.broadcast %mul3A_2 : i32 to vector<16xi32>
      %ge3A_1619 = arith.cmpi sge, %get3A_1617, %ge3A_1618 : vector<16xi32>
      %lt3A_1620 = vector.broadcast %add3A_4 : i32 to vector<16xi32>
      %lt3A_1621 = arith.cmpi slt, %get3A_1617, %lt3A_1620 : vector<16xi32>
      %and3A_1622 = arith.andi %ge3A_1619, %lt3A_1621 : vector<16xi1>
      %jit3A_1623 = arith.constant 8388608 : i32
      %broadcast_in_dim3A_1624 = vector.broadcast %jit3A_1623 : i32 to vector<16xi32>
      %select_n3A_1625 = arith.select %and3A_1622, %get3A_1617, %broadcast_in_dim3A_1624 : vector<16xi1>, vector<16xi32>
      %swap3A_1626 = arith.constant 1648 : index
      %swap3A_1627 = tpu.vector_load %arg9[%swap3A_1626] {strides = array<i32>} : memref<2048xi32, #tpu.memory_space<vmem>>, vector<16xi32>,
      %swap3A_1628 = vector.shape_cast %swap3A_1627 : vector<16xi32> to vector<16xi32>
      %swap3A_1629 = vector.shape_cast %select_n3A_1625 : vector<16xi32> to vector<16xi32>
      tpu.vector_store %arg9[%swap3A_1626], %swap3A_1629 {strides = array<i32>} : memref<2048xi32, #tpu.memory_space<vmem>>, vector<16xi32>,
      %get3A_1630 = arith.constant 1664 : index
      %get3A_1631 = tpu.vector_load %arg7[%get3A_1630] {strides = array<i32>} : memref<2048xi32, #tpu.memory_space<vmem>>, vector<16xi32>,
      %get3A_1632 = vector.shape_cast %get3A_1631 : vector<16xi32> to vector<16xi32>
      %ge3A_1633 = vector.broadcast %mul3A_2 : i32 to vector<16xi32>
      %ge3A_1634 = arith.cmpi sge, %get3A_1632, %ge3A_1633 : vector<16xi32>
      %lt3A_1635 = vector.broadcast %add3A_4 : i32 to vector<16xi32>
      %lt3A_1636 = arith.cmpi slt, %get3A_1632, %lt3A_1635 : vector<16xi32>
      %and3A_1637 = arith.andi %ge3A_1634, %lt3A_1636 : vector<16xi1>
      %jit3A_1638 = arith.constant 8388608 : i32
      %broadcast_in_dim3A_1639 = vector.broadcast %jit3A_1638 : i32 to vector<16xi32>
      %select_n3A_1640 = arith.select %and3A_1637, %get3A_1632, %broadcast_in_dim3A_1639 : vector<16xi1>, vector<16xi32>
      %swap3A_1641 = arith.constant 1664 : index
      %swap3A_1642 = tpu.vector_load %arg9[%swap3A_1641] {strides = array<i32>} : memref<2048xi32, #tpu.memory_space<vmem>>, vector<16xi32>,
      %swap3A_1643 = vector.shape_cast %swap3A_1642 : vector<16xi32> to vector<16xi32>
      %swap3A_1644 = vector.shape_cast %select_n3A_1640 : vector<16xi32> to vector<16xi32>
      tpu.vector_store %arg9[%swap3A_1641], %swap3A_1644 {strides = array<i32>} : memref<2048xi32, #tpu.memory_space<vmem>>, vector<16xi32>,
      %get3A_1645 = arith.constant 1680 : index
      %get3A_1646 = tpu.vector_load %arg7[%get3A_1645] {strides = array<i32>} : memref<2048xi32, #tpu.memory_space<vmem>>, vector<16xi32>,
      %get3A_1647 = vector.shape_cast %get3A_1646 : vector<16xi32> to vector<16xi32>
      %ge3A_1648 = vector.broadcast %mul3A_2 : i32 to vector<16xi32>
      %ge3A_1649 = arith.cmpi sge, %get3A_1647, %ge3A_1648 : vector<16xi32>
      %lt3A_1650 = vector.broadcast %add3A_4 : i32 to vector<16xi32>
      %lt3A_1651 = arith.cmpi slt, %get3A_1647, %lt3A_1650 : vector<16xi32>
      %and3A_1652 = arith.andi %ge3A_1649, %lt3A_1651 : vector<16xi1>
      %jit3A_1653 = arith.constant 8388608 : i32
      %broadcast_in_dim3A_1654 = vector.broadcast %jit3A_1653 : i32 to vector<16xi32>
      %select_n3A_1655 = arith.select %and3A_1652, %get3A_1647, %broadcast_in_dim3A_1654 : vector<16xi1>, vector<16xi32>
      %swap3A_1656 = arith.constant 1680 : index
      %swap3A_1657 = tpu.vector_load %arg9[%swap3A_1656] {strides = array<i32>} : memref<2048xi32, #tpu.memory_space<vmem>>, vector<16xi32>,
      %swap3A_1658 = vector.shape_cast %swap3A_1657 : vector<16xi32> to vector<16xi32>
      %swap3A_1659 = vector.shape_cast %select_n3A_1655 : vector<16xi32> to vector<16xi32>
      tpu.vector_store %arg9[%swap3A_1656], %swap3A_1659 {strides = array<i32>} : memref<2048xi32, #tpu.memory_space<vmem>>, vector<16xi32>,
      %get3A_1660 = arith.constant 1696 : index
      %get3A_1661 = tpu.vector_load %arg7[%get3A_1660] {strides = array<i32>} : memref<2048xi32, #tpu.memory_space<vmem>>, vector<16xi32>,
      %get3A_1662 = vector.shape_cast %get3A_1661 : vector<16xi32> to vector<16xi32>
      %ge3A_1663 = vector.broadcast %mul3A_2 : i32 to vector<16xi32>
      %ge3A_1664 = arith.cmpi sge, %get3A_1662, %ge3A_1663 : vector<16xi32>
      %lt3A_1665 = vector.broadcast %add3A_4 : i32 to vector<16xi32>
      %lt3A_1666 = arith.cmpi slt, %get3A_1662, %lt3A_1665 : vector<16xi32>
      %and3A_1667 = arith.andi %ge3A_1664, %lt3A_1666 : vector<16xi1>
      %jit3A_1668 = arith.constant 8388608 : i32
      %broadcast_in_dim3A_1669 = vector.broadcast %jit3A_1668 : i32 to vector<16xi32>
      %select_n3A_1670 = arith.select %and3A_1667, %get3A_1662, %broadcast_in_dim3A_1669 : vector<16xi1>, vector<16xi32>
      %swap3A_1671 = arith.constant 1696 : index
      %swap3A_1672 = tpu.vector_load %arg9[%swap3A_1671] {strides = array<i32>} : memref<2048xi32, #tpu.memory_space<vmem>>, vector<16xi32>,
      %swap3A_1673 = vector.shape_cast %swap3A_1672 : vector<16xi32> to vector<16xi32>
      %swap3A_1674 = vector.shape_cast %select_n3A_1670 : vector<16xi32> to vector<16xi32>
      tpu.vector_store %arg9[%swap3A_1671], %swap3A_1674 {strides = array<i32>} : memref<2048xi32, #tpu.memory_space<vmem>>, vector<16xi32>,
      %get3A_1675 = arith.constant 1712 : index
      %get3A_1676 = tpu.vector_load %arg7[%get3A_1675] {strides = array<i32>} : memref<2048xi32, #tpu.memory_space<vmem>>, vector<16xi32>,
      %get3A_1677 = vector.shape_cast %get3A_1676 : vector<16xi32> to vector<16xi32>
      %ge3A_1678 = vector.broadcast %mul3A_2 : i32 to vector<16xi32>
      %ge3A_1679 = arith.cmpi sge, %get3A_1677, %ge3A_1678 : vector<16xi32>
      %lt3A_1680 = vector.broadcast %add3A_4 : i32 to vector<16xi32>
      %lt3A_1681 = arith.cmpi slt, %get3A_1677, %lt3A_1680 : vector<16xi32>
      %and3A_1682 = arith.andi %ge3A_1679, %lt3A_1681 : vector<16xi1>
      %jit3A_1683 = arith.constant 8388608 : i32
      %broadcast_in_dim3A_1684 = vector.broadcast %jit3A_1683 : i32 to vector<16xi32>
      %select_n3A_1685 = arith.select %and3A_1682, %get3A_1677, %broadcast_in_dim3A_1684 : vector<16xi1>, vector<16xi32>
      %swap3A_1686 = arith.constant 1712 : index
      %swap3A_1687 = tpu.vector_load %arg9[%swap3A_1686] {strides = array<i32>} : memref<2048xi32, #tpu.memory_space<vmem>>, vector<16xi32>,
      %swap3A_1688 = vector.shape_cast %swap3A_1687 : vector<16xi32> to vector<16xi32>
      %swap3A_1689 = vector.shape_cast %select_n3A_1685 : vector<16xi32> to vector<16xi32>
      tpu.vector_store %arg9[%swap3A_1686], %swap3A_1689 {strides = array<i32>} : memref<2048xi32, #tpu.memory_space<vmem>>, vector<16xi32>,
      %get3A_1690 = arith.constant 1728 : index
      %get3A_1691 = tpu.vector_load %arg7[%get3A_1690] {strides = array<i32>} : memref<2048xi32, #tpu.memory_space<vmem>>, vector<16xi32>,
      %get3A_1692 = vector.shape_cast %get3A_1691 : vector<16xi32> to vector<16xi32>
      %ge3A_1693 = vector.broadcast %mul3A_2 : i32 to vector<16xi32>
      %ge3A_1694 = arith.cmpi sge, %get3A_1692, %ge3A_1693 : vector<16xi32>
      %lt3A_1695 = vector.broadcast %add3A_4 : i32 to vector<16xi32>
      %lt3A_1696 = arith.cmpi slt, %get3A_1692, %lt3A_1695 : vector<16xi32>
      %and3A_1697 = arith.andi %ge3A_1694, %lt3A_1696 : vector<16xi1>
      %jit3A_1698 = arith.constant 8388608 : i32
      %broadcast_in_dim3A_1699 = vector.broadcast %jit3A_1698 : i32 to vector<16xi32>
      %select_n3A_1700 = arith.select %and3A_1697, %get3A_1692, %broadcast_in_dim3A_1699 : vector<16xi1>, vector<16xi32>
      %swap3A_1701 = arith.constant 1728 : index
      %swap3A_1702 = tpu.vector_load %arg9[%swap3A_1701] {strides = array<i32>} : memref<2048xi32, #tpu.memory_space<vmem>>, vector<16xi32>,
      %swap3A_1703 = vector.shape_cast %swap3A_1702 : vector<16xi32> to vector<16xi32>
      %swap3A_1704 = vector.shape_cast %select_n3A_1700 : vector<16xi32> to vector<16xi32>
      tpu.vector_store %arg9[%swap3A_1701], %swap3A_1704 {strides = array<i32>} : memref<2048xi32, #tpu.memory_space<vmem>>, vector<16xi32>,
      %get3A_1705 = arith.constant 1744 : index
      %get3A_1706 = tpu.vector_load %arg7[%get3A_1705] {strides = array<i32>} : memref<2048xi32, #tpu.memory_space<vmem>>, vector<16xi32>,
      %get3A_1707 = vector.shape_cast %get3A_1706 : vector<16xi32> to vector<16xi32>
      %ge3A_1708 = vector.broadcast %mul3A_2 : i32 to vector<16xi32>
      %ge3A_1709 = arith.cmpi sge, %get3A_1707, %ge3A_1708 : vector<16xi32>
      %lt3A_1710 = vector.broadcast %add3A_4 : i32 to vector<16xi32>
      %lt3A_1711 = arith.cmpi slt, %get3A_1707, %lt3A_1710 : vector<16xi32>
      %and3A_1712 = arith.andi %ge3A_1709, %lt3A_1711 : vector<16xi1>
      %jit3A_1713 = arith.constant 8388608 : i32
      %broadcast_in_dim3A_1714 = vector.broadcast %jit3A_1713 : i32 to vector<16xi32>
      %select_n3A_1715 = arith.select %and3A_1712, %get3A_1707, %broadcast_in_dim3A_1714 : vector<16xi1>, vector<16xi32>
      %swap3A_1716 = arith.constant 1744 : index
      %swap3A_1717 = tpu.vector_load %arg9[%swap3A_1716] {strides = array<i32>} : memref<2048xi32, #tpu.memory_space<vmem>>, vector<16xi32>,
      %swap3A_1718 = vector.shape_cast %swap3A_1717 : vector<16xi32> to vector<16xi32>
      %swap3A_1719 = vector.shape_cast %select_n3A_1715 : vector<16xi32> to vector<16xi32>
      tpu.vector_store %arg9[%swap3A_1716], %swap3A_1719 {strides = array<i32>} : memref<2048xi32, #tpu.memory_space<vmem>>, vector<16xi32>,
      %get3A_1720 = arith.constant 1760 : index
      %get3A_1721 = tpu.vector_load %arg7[%get3A_1720] {strides = array<i32>} : memref<2048xi32, #tpu.memory_space<vmem>>, vector<16xi32>,
      %get3A_1722 = vector.shape_cast %get3A_1721 : vector<16xi32> to vector<16xi32>
      %ge3A_1723 = vector.broadcast %mul3A_2 : i32 to vector<16xi32>
      %ge3A_1724 = arith.cmpi sge, %get3A_1722, %ge3A_1723 : vector<16xi32>
      %lt3A_1725 = vector.broadcast %add3A_4 : i32 to vector<16xi32>
      %lt3A_1726 = arith.cmpi slt, %get3A_1722, %lt3A_1725 : vector<16xi32>
      %and3A_1727 = arith.andi %ge3A_1724, %lt3A_1726 : vector<16xi1>
      %jit3A_1728 = arith.constant 8388608 : i32
      %broadcast_in_dim3A_1729 = vector.broadcast %jit3A_1728 : i32 to vector<16xi32>
      %select_n3A_1730 = arith.select %and3A_1727, %get3A_1722, %broadcast_in_dim3A_1729 : vector<16xi1>, vector<16xi32>
      %swap3A_1731 = arith.constant 1760 : index
      %swap3A_1732 = tpu.vector_load %arg9[%swap3A_1731] {strides = array<i32>} : memref<2048xi32, #tpu.memory_space<vmem>>, vector<16xi32>,
      %swap3A_1733 = vector.shape_cast %swap3A_1732 : vector<16xi32> to vector<16xi32>
      %swap3A_1734 = vector.shape_cast %select_n3A_1730 : vector<16xi32> to vector<16xi32>
      tpu.vector_store %arg9[%swap3A_1731], %swap3A_1734 {strides = array<i32>} : memref<2048xi32, #tpu.memory_space<vmem>>, vector<16xi32>,
      %get3A_1735 = arith.constant 1776 : index
      %get3A_1736 = tpu.vector_load %arg7[%get3A_1735] {strides = array<i32>} : memref<2048xi32, #tpu.memory_space<vmem>>, vector<16xi32>,
      %get3A_1737 = vector.shape_cast %get3A_1736 : vector<16xi32> to vector<16xi32>
      %ge3A_1738 = vector.broadcast %mul3A_2 : i32 to vector<16xi32>
      %ge3A_1739 = arith.cmpi sge, %get3A_1737, %ge3A_1738 : vector<16xi32>
      %lt3A_1740 = vector.broadcast %add3A_4 : i32 to vector<16xi32>
      %lt3A_1741 = arith.cmpi slt, %get3A_1737, %lt3A_1740 : vector<16xi32>
      %and3A_1742 = arith.andi %ge3A_1739, %lt3A_1741 : vector<16xi1>
      %jit3A_1743 = arith.constant 8388608 : i32
      %broadcast_in_dim3A_1744 = vector.broadcast %jit3A_1743 : i32 to vector<16xi32>
      %select_n3A_1745 = arith.select %and3A_1742, %get3A_1737, %broadcast_in_dim3A_1744 : vector<16xi1>, vector<16xi32>
      %swap3A_1746 = arith.constant 1776 : index
      %swap3A_1747 = tpu.vector_load %arg9[%swap3A_1746] {strides = array<i32>} : memref<2048xi32, #tpu.memory_space<vmem>>, vector<16xi32>,
      %swap3A_1748 = vector.shape_cast %swap3A_1747 : vector<16xi32> to vector<16xi32>
      %swap3A_1749 = vector.shape_cast %select_n3A_1745 : vector<16xi32> to vector<16xi32>
      tpu.vector_store %arg9[%swap3A_1746], %swap3A_1749 {strides = array<i32>} : memref<2048xi32, #tpu.memory_space<vmem>>, vector<16xi32>,
      %get3A_1750 = arith.constant 1792 : index
      %get3A_1751 = tpu.vector_load %arg7[%get3A_1750] {strides = array<i32>} : memref<2048xi32, #tpu.memory_space<vmem>>, vector<16xi32>,
      %get3A_1752 = vector.shape_cast %get3A_1751 : vector<16xi32> to vector<16xi32>
      %ge3A_1753 = vector.broadcast %mul3A_2 : i32 to vector<16xi32>
      %ge3A_1754 = arith.cmpi sge, %get3A_1752, %ge3A_1753 : vector<16xi32>
      %lt3A_1755 = vector.broadcast %add3A_4 : i32 to vector<16xi32>
      %lt3A_1756 = arith.cmpi slt, %get3A_1752, %lt3A_1755 : vector<16xi32>
      %and3A_1757 = arith.andi %ge3A_1754, %lt3A_1756 : vector<16xi1>
      %jit3A_1758 = arith.constant 8388608 : i32
      %broadcast_in_dim3A_1759 = vector.broadcast %jit3A_1758 : i32 to vector<16xi32>
      %select_n3A_1760 = arith.select %and3A_1757, %get3A_1752, %broadcast_in_dim3A_1759 : vector<16xi1>, vector<16xi32>
      %swap3A_1761 = arith.constant 1792 : index
      %swap3A_1762 = tpu.vector_load %arg9[%swap3A_1761] {strides = array<i32>} : memref<2048xi32, #tpu.memory_space<vmem>>, vector<16xi32>,
      %swap3A_1763 = vector.shape_cast %swap3A_1762 : vector<16xi32> to vector<16xi32>
      %swap3A_1764 = vector.shape_cast %select_n3A_1760 : vector<16xi32> to vector<16xi32>
      tpu.vector_store %arg9[%swap3A_1761], %swap3A_1764 {strides = array<i32>} : memref<2048xi32, #tpu.memory_space<vmem>>, vector<16xi32>,
      %get3A_1765 = arith.constant 1808 : index
      %get3A_1766 = tpu.vector_load %arg7[%get3A_1765] {strides = array<i32>} : memref<2048xi32, #tpu.memory_space<vmem>>, vector<16xi32>,
      %get3A_1767 = vector.shape_cast %get3A_1766 : vector<16xi32> to vector<16xi32>
      %ge3A_1768 = vector.broadcast %mul3A_2 : i32 to vector<16xi32>
      %ge3A_1769 = arith.cmpi sge, %get3A_1767, %ge3A_1768 : vector<16xi32>
      %lt3A_1770 = vector.broadcast %add3A_4 : i32 to vector<16xi32>
      %lt3A_1771 = arith.cmpi slt, %get3A_1767, %lt3A_1770 : vector<16xi32>
      %and3A_1772 = arith.andi %ge3A_1769, %lt3A_1771 : vector<16xi1>
      %jit3A_1773 = arith.constant 8388608 : i32
      %broadcast_in_dim3A_1774 = vector.broadcast %jit3A_1773 : i32 to vector<16xi32>
      %select_n3A_1775 = arith.select %and3A_1772, %get3A_1767, %broadcast_in_dim3A_1774 : vector<16xi1>, vector<16xi32>
      %swap3A_1776 = arith.constant 1808 : index
      %swap3A_1777 = tpu.vector_load %arg9[%swap3A_1776] {strides = array<i32>} : memref<2048xi32, #tpu.memory_space<vmem>>, vector<16xi32>,
      %swap3A_1778 = vector.shape_cast %swap3A_1777 : vector<16xi32> to vector<16xi32>
      %swap3A_1779 = vector.shape_cast %select_n3A_1775 : vector<16xi32> to vector<16xi32>
      tpu.vector_store %arg9[%swap3A_1776], %swap3A_1779 {strides = array<i32>} : memref<2048xi32, #tpu.memory_space<vmem>>, vector<16xi32>,
      %get3A_1780 = arith.constant 1824 : index
      %get3A_1781 = tpu.vector_load %arg7[%get3A_1780] {strides = array<i32>} : memref<2048xi32, #tpu.memory_space<vmem>>, vector<16xi32>,
      %get3A_1782 = vector.shape_cast %get3A_1781 : vector<16xi32> to vector<16xi32>
      %ge3A_1783 = vector.broadcast %mul3A_2 : i32 to vector<16xi32>
      %ge3A_1784 = arith.cmpi sge, %get3A_1782, %ge3A_1783 : vector<16xi32>
      %lt3A_1785 = vector.broadcast %add3A_4 : i32 to vector<16xi32>
      %lt3A_1786 = arith.cmpi slt, %get3A_1782, %lt3A_1785 : vector<16xi32>
      %and3A_1787 = arith.andi %ge3A_1784, %lt3A_1786 : vector<16xi1>
      %jit3A_1788 = arith.constant 8388608 : i32
      %broadcast_in_dim3A_1789 = vector.broadcast %jit3A_1788 : i32 to vector<16xi32>
      %select_n3A_1790 = arith.select %and3A_1787, %get3A_1782, %broadcast_in_dim3A_1789 : vector<16xi1>, vector<16xi32>
      %swap3A_1791 = arith.constant 1824 : index
      %swap3A_1792 = tpu.vector_load %arg9[%swap3A_1791] {strides = array<i32>} : memref<2048xi32, #tpu.memory_space<vmem>>, vector<16xi32>,
      %swap3A_1793 = vector.shape_cast %swap3A_1792 : vector<16xi32> to vector<16xi32>
      %swap3A_1794 = vector.shape_cast %select_n3A_1790 : vector<16xi32> to vector<16xi32>
      tpu.vector_store %arg9[%swap3A_1791], %swap3A_1794 {strides = array<i32>} : memref<2048xi32, #tpu.memory_space<vmem>>, vector<16xi32>,
      %get3A_1795 = arith.constant 1840 : index
      %get3A_1796 = tpu.vector_load %arg7[%get3A_1795] {strides = array<i32>} : memref<2048xi32, #tpu.memory_space<vmem>>, vector<16xi32>,
      %get3A_1797 = vector.shape_cast %get3A_1796 : vector<16xi32> to vector<16xi32>
      %ge3A_1798 = vector.broadcast %mul3A_2 : i32 to vector<16xi32>
      %ge3A_1799 = arith.cmpi sge, %get3A_1797, %ge3A_1798 : vector<16xi32>
      %lt3A_1800 = vector.broadcast %add3A_4 : i32 to vector<16xi32>
      %lt3A_1801 = arith.cmpi slt, %get3A_1797, %lt3A_1800 : vector<16xi32>
      %and3A_1802 = arith.andi %ge3A_1799, %lt3A_1801 : vector<16xi1>
      %jit3A_1803 = arith.constant 8388608 : i32
      %broadcast_in_dim3A_1804 = vector.broadcast %jit3A_1803 : i32 to vector<16xi32>
      %select_n3A_1805 = arith.select %and3A_1802, %get3A_1797, %broadcast_in_dim3A_1804 : vector<16xi1>, vector<16xi32>
      %swap3A_1806 = arith.constant 1840 : index
      %swap3A_1807 = tpu.vector_load %arg9[%swap3A_1806] {strides = array<i32>} : memref<2048xi32, #tpu.memory_space<vmem>>, vector<16xi32>,
      %swap3A_1808 = vector.shape_cast %swap3A_1807 : vector<16xi32> to vector<16xi32>
      %swap3A_1809 = vector.shape_cast %select_n3A_1805 : vector<16xi32> to vector<16xi32>
      tpu.vector_store %arg9[%swap3A_1806], %swap3A_1809 {strides = array<i32>} : memref<2048xi32, #tpu.memory_space<vmem>>, vector<16xi32>,
      %get3A_1810 = arith.constant 1856 : index
      %get3A_1811 = tpu.vector_load %arg7[%get3A_1810] {strides = array<i32>} : memref<2048xi32, #tpu.memory_space<vmem>>, vector<16xi32>,
      %get3A_1812 = vector.shape_cast %get3A_1811 : vector<16xi32> to vector<16xi32>
      %ge3A_1813 = vector.broadcast %mul3A_2 : i32 to vector<16xi32>
      %ge3A_1814 = arith.cmpi sge, %get3A_1812, %ge3A_1813 : vector<16xi32>
      %lt3A_1815 = vector.broadcast %add3A_4 : i32 to vector<16xi32>
      %lt3A_1816 = arith.cmpi slt, %get3A_1812, %lt3A_1815 : vector<16xi32>
      %and3A_1817 = arith.andi %ge3A_1814, %lt3A_1816 : vector<16xi1>
      %jit3A_1818 = arith.constant 8388608 : i32
      %broadcast_in_dim3A_1819 = vector.broadcast %jit3A_1818 : i32 to vector<16xi32>
      %select_n3A_1820 = arith.select %and3A_1817, %get3A_1812, %broadcast_in_dim3A_1819 : vector<16xi1>, vector<16xi32>
      %swap3A_1821 = arith.constant 1856 : index
      %swap3A_1822 = tpu.vector_load %arg9[%swap3A_1821] {strides = array<i32>} : memref<2048xi32, #tpu.memory_space<vmem>>, vector<16xi32>,
      %swap3A_1823 = vector.shape_cast %swap3A_1822 : vector<16xi32> to vector<16xi32>
      %swap3A_1824 = vector.shape_cast %select_n3A_1820 : vector<16xi32> to vector<16xi32>
      tpu.vector_store %arg9[%swap3A_1821], %swap3A_1824 {strides = array<i32>} : memref<2048xi32, #tpu.memory_space<vmem>>, vector<16xi32>,
      %get3A_1825 = arith.constant 1872 : index
      %get3A_1826 = tpu.vector_load %arg7[%get3A_1825] {strides = array<i32>} : memref<2048xi32, #tpu.memory_space<vmem>>, vector<16xi32>,
      %get3A_1827 = vector.shape_cast %get3A_1826 : vector<16xi32> to vector<16xi32>
      %ge3A_1828 = vector.broadcast %mul3A_2 : i32 to vector<16xi32>
      %ge3A_1829 = arith.cmpi sge, %get3A_1827, %ge3A_1828 : vector<16xi32>
      %lt3A_1830 = vector.broadcast %add3A_4 : i32 to vector<16xi32>
      %lt3A_1831 = arith.cmpi slt, %get3A_1827, %lt3A_1830 : vector<16xi32>
      %and3A_1832 = arith.andi %ge3A_1829, %lt3A_1831 : vector<16xi1>
      %jit3A_1833 = arith.constant 8388608 : i32
      %broadcast_in_dim3A_1834 = vector.broadcast %jit3A_1833 : i32 to vector<16xi32>
      %select_n3A_1835 = arith.select %and3A_1832, %get3A_1827, %broadcast_in_dim3A_1834 : vector<16xi1>, vector<16xi32>
      %swap3A_1836 = arith.constant 1872 : index
      %swap3A_1837 = tpu.vector_load %arg9[%swap3A_1836] {strides = array<i32>} : memref<2048xi32, #tpu.memory_space<vmem>>, vector<16xi32>,
      %swap3A_1838 = vector.shape_cast %swap3A_1837 : vector<16xi32> to vector<16xi32>
      %swap3A_1839 = vector.shape_cast %select_n3A_1835 : vector<16xi32> to vector<16xi32>
      tpu.vector_store %arg9[%swap3A_1836], %swap3A_1839 {strides = array<i32>} : memref<2048xi32, #tpu.memory_space<vmem>>, vector<16xi32>,
      %get3A_1840 = arith.constant 1888 : index
      %get3A_1841 = tpu.vector_load %arg7[%get3A_1840] {strides = array<i32>} : memref<2048xi32, #tpu.memory_space<vmem>>, vector<16xi32>,
      %get3A_1842 = vector.shape_cast %get3A_1841 : vector<16xi32> to vector<16xi32>
      %ge3A_1843 = vector.broadcast %mul3A_2 : i32 to vector<16xi32>
      %ge3A_1844 = arith.cmpi sge, %get3A_1842, %ge3A_1843 : vector<16xi32>
      %lt3A_1845 = vector.broadcast %add3A_4 : i32 to vector<16xi32>
      %lt3A_1846 = arith.cmpi slt, %get3A_1842, %lt3A_1845 : vector<16xi32>
      %and3A_1847 = arith.andi %ge3A_1844, %lt3A_1846 : vector<16xi1>
      %jit3A_1848 = arith.constant 8388608 : i32
      %broadcast_in_dim3A_1849 = vector.broadcast %jit3A_1848 : i32 to vector<16xi32>
      %select_n3A_1850 = arith.select %and3A_1847, %get3A_1842, %broadcast_in_dim3A_1849 : vector<16xi1>, vector<16xi32>
      %swap3A_1851 = arith.constant 1888 : index
      %swap3A_1852 = tpu.vector_load %arg9[%swap3A_1851] {strides = array<i32>} : memref<2048xi32, #tpu.memory_space<vmem>>, vector<16xi32>,
      %swap3A_1853 = vector.shape_cast %swap3A_1852 : vector<16xi32> to vector<16xi32>
      %swap3A_1854 = vector.shape_cast %select_n3A_1850 : vector<16xi32> to vector<16xi32>
      tpu.vector_store %arg9[%swap3A_1851], %swap3A_1854 {strides = array<i32>} : memref<2048xi32, #tpu.memory_space<vmem>>, vector<16xi32>,
      %get3A_1855 = arith.constant 1904 : index
      %get3A_1856 = tpu.vector_load %arg7[%get3A_1855] {strides = array<i32>} : memref<2048xi32, #tpu.memory_space<vmem>>, vector<16xi32>,
      %get3A_1857 = vector.shape_cast %get3A_1856 : vector<16xi32> to vector<16xi32>
      %ge3A_1858 = vector.broadcast %mul3A_2 : i32 to vector<16xi32>
      %ge3A_1859 = arith.cmpi sge, %get3A_1857, %ge3A_1858 : vector<16xi32>
      %lt3A_1860 = vector.broadcast %add3A_4 : i32 to vector<16xi32>
      %lt3A_1861 = arith.cmpi slt, %get3A_1857, %lt3A_1860 : vector<16xi32>
      %and3A_1862 = arith.andi %ge3A_1859, %lt3A_1861 : vector<16xi1>
      %jit3A_1863 = arith.constant 8388608 : i32
      %broadcast_in_dim3A_1864 = vector.broadcast %jit3A_1863 : i32 to vector<16xi32>
      %select_n3A_1865 = arith.select %and3A_1862, %get3A_1857, %broadcast_in_dim3A_1864 : vector<16xi1>, vector<16xi32>
      %swap3A_1866 = arith.constant 1904 : index
      %swap3A_1867 = tpu.vector_load %arg9[%swap3A_1866] {strides = array<i32>} : memref<2048xi32, #tpu.memory_space<vmem>>, vector<16xi32>,
      %swap3A_1868 = vector.shape_cast %swap3A_1867 : vector<16xi32> to vector<16xi32>
      %swap3A_1869 = vector.shape_cast %select_n3A_1865 : vector<16xi32> to vector<16xi32>
      tpu.vector_store %arg9[%swap3A_1866], %swap3A_1869 {strides = array<i32>} : memref<2048xi32, #tpu.memory_space<vmem>>, vector<16xi32>,
      %get3A_1870 = arith.constant 1920 : index
      %get3A_1871 = tpu.vector_load %arg7[%get3A_1870] {strides = array<i32>} : memref<2048xi32, #tpu.memory_space<vmem>>, vector<16xi32>,
      %get3A_1872 = vector.shape_cast %get3A_1871 : vector<16xi32> to vector<16xi32>
      %ge3A_1873 = vector.broadcast %mul3A_2 : i32 to vector<16xi32>
      %ge3A_1874 = arith.cmpi sge, %get3A_1872, %ge3A_1873 : vector<16xi32>
      %lt3A_1875 = vector.broadcast %add3A_4 : i32 to vector<16xi32>
      %lt3A_1876 = arith.cmpi slt, %get3A_1872, %lt3A_1875 : vector<16xi32>
      %and3A_1877 = arith.andi %ge3A_1874, %lt3A_1876 : vector<16xi1>
      %jit3A_1878 = arith.constant 8388608 : i32
      %broadcast_in_dim3A_1879 = vector.broadcast %jit3A_1878 : i32 to vector<16xi32>
      %select_n3A_1880 = arith.select %and3A_1877, %get3A_1872, %broadcast_in_dim3A_1879 : vector<16xi1>, vector<16xi32>
      %swap3A_1881 = arith.constant 1920 : index
      %swap3A_1882 = tpu.vector_load %arg9[%swap3A_1881] {strides = array<i32>} : memref<2048xi32, #tpu.memory_space<vmem>>, vector<16xi32>,
      %swap3A_1883 = vector.shape_cast %swap3A_1882 : vector<16xi32> to vector<16xi32>
      %swap3A_1884 = vector.shape_cast %select_n3A_1880 : vector<16xi32> to vector<16xi32>
      tpu.vector_store %arg9[%swap3A_1881], %swap3A_1884 {strides = array<i32>} : memref<2048xi32, #tpu.memory_space<vmem>>, vector<16xi32>,
      %get3A_1885 = arith.constant 1936 : index
      %get3A_1886 = tpu.vector_load %arg7[%get3A_1885] {strides = array<i32>} : memref<2048xi32, #tpu.memory_space<vmem>>, vector<16xi32>,
      %get3A_1887 = vector.shape_cast %get3A_1886 : vector<16xi32> to vector<16xi32>
      %ge3A_1888 = vector.broadcast %mul3A_2 : i32 to vector<16xi32>
      %ge3A_1889 = arith.cmpi sge, %get3A_1887, %ge3A_1888 : vector<16xi32>
      %lt3A_1890 = vector.broadcast %add3A_4 : i32 to vector<16xi32>
      %lt3A_1891 = arith.cmpi slt, %get3A_1887, %lt3A_1890 : vector<16xi32>
      %and3A_1892 = arith.andi %ge3A_1889, %lt3A_1891 : vector<16xi1>
      %jit3A_1893 = arith.constant 8388608 : i32
      %broadcast_in_dim3A_1894 = vector.broadcast %jit3A_1893 : i32 to vector<16xi32>
      %select_n3A_1895 = arith.select %and3A_1892, %get3A_1887, %broadcast_in_dim3A_1894 : vector<16xi1>, vector<16xi32>
      %swap3A_1896 = arith.constant 1936 : index
      %swap3A_1897 = tpu.vector_load %arg9[%swap3A_1896] {strides = array<i32>} : memref<2048xi32, #tpu.memory_space<vmem>>, vector<16xi32>,
      %swap3A_1898 = vector.shape_cast %swap3A_1897 : vector<16xi32> to vector<16xi32>
      %swap3A_1899 = vector.shape_cast %select_n3A_1895 : vector<16xi32> to vector<16xi32>
      tpu.vector_store %arg9[%swap3A_1896], %swap3A_1899 {strides = array<i32>} : memref<2048xi32, #tpu.memory_space<vmem>>, vector<16xi32>,
      %get3A_1900 = arith.constant 1952 : index
      %get3A_1901 = tpu.vector_load %arg7[%get3A_1900] {strides = array<i32>} : memref<2048xi32, #tpu.memory_space<vmem>>, vector<16xi32>,
      %get3A_1902 = vector.shape_cast %get3A_1901 : vector<16xi32> to vector<16xi32>
      %ge3A_1903 = vector.broadcast %mul3A_2 : i32 to vector<16xi32>
      %ge3A_1904 = arith.cmpi sge, %get3A_1902, %ge3A_1903 : vector<16xi32>
      %lt3A_1905 = vector.broadcast %add3A_4 : i32 to vector<16xi32>
      %lt3A_1906 = arith.cmpi slt, %get3A_1902, %lt3A_1905 : vector<16xi32>
      %and3A_1907 = arith.andi %ge3A_1904, %lt3A_1906 : vector<16xi1>
      %jit3A_1908 = arith.constant 8388608 : i32
      %broadcast_in_dim3A_1909 = vector.broadcast %jit3A_1908 : i32 to vector<16xi32>
      %select_n3A_1910 = arith.select %and3A_1907, %get3A_1902, %broadcast_in_dim3A_1909 : vector<16xi1>, vector<16xi32>
      %swap3A_1911 = arith.constant 1952 : index
      %swap3A_1912 = tpu.vector_load %arg9[%swap3A_1911] {strides = array<i32>} : memref<2048xi32, #tpu.memory_space<vmem>>, vector<16xi32>,
      %swap3A_1913 = vector.shape_cast %swap3A_1912 : vector<16xi32> to vector<16xi32>
      %swap3A_1914 = vector.shape_cast %select_n3A_1910 : vector<16xi32> to vector<16xi32>
      tpu.vector_store %arg9[%swap3A_1911], %swap3A_1914 {strides = array<i32>} : memref<2048xi32, #tpu.memory_space<vmem>>, vector<16xi32>,
      %get3A_1915 = arith.constant 1968 : index
      %get3A_1916 = tpu.vector_load %arg7[%get3A_1915] {strides = array<i32>} : memref<2048xi32, #tpu.memory_space<vmem>>, vector<16xi32>,
      %get3A_1917 = vector.shape_cast %get3A_1916 : vector<16xi32> to vector<16xi32>
      %ge3A_1918 = vector.broadcast %mul3A_2 : i32 to vector<16xi32>
      %ge3A_1919 = arith.cmpi sge, %get3A_1917, %ge3A_1918 : vector<16xi32>
      %lt3A_1920 = vector.broadcast %add3A_4 : i32 to vector<16xi32>
      %lt3A_1921 = arith.cmpi slt, %get3A_1917, %lt3A_1920 : vector<16xi32>
      %and3A_1922 = arith.andi %ge3A_1919, %lt3A_1921 : vector<16xi1>
      %jit3A_1923 = arith.constant 8388608 : i32
      %broadcast_in_dim3A_1924 = vector.broadcast %jit3A_1923 : i32 to vector<16xi32>
      %select_n3A_1925 = arith.select %and3A_1922, %get3A_1917, %broadcast_in_dim3A_1924 : vector<16xi1>, vector<16xi32>
      %swap3A_1926 = arith.constant 1968 : index
      %swap3A_1927 = tpu.vector_load %arg9[%swap3A_1926] {strides = array<i32>} : memref<2048xi32, #tpu.memory_space<vmem>>, vector<16xi32>,
      %swap3A_1928 = vector.shape_cast %swap3A_1927 : vector<16xi32> to vector<16xi32>
      %swap3A_1929 = vector.shape_cast %select_n3A_1925 : vector<16xi32> to vector<16xi32>
      tpu.vector_store %arg9[%swap3A_1926], %swap3A_1929 {strides = array<i32>} : memref<2048xi32, #tpu.memory_space<vmem>>, vector<16xi32>,
      %get3A_1930 = arith.constant 1984 : index
      %get3A_1931 = tpu.vector_load %arg7[%get3A_1930] {strides = array<i32>} : memref<2048xi32, #tpu.memory_space<vmem>>, vector<16xi32>,
      %get3A_1932 = vector.shape_cast %get3A_1931 : vector<16xi32> to vector<16xi32>
      %ge3A_1933 = vector.broadcast %mul3A_2 : i32 to vector<16xi32>
      %ge3A_1934 = arith.cmpi sge, %get3A_1932, %ge3A_1933 : vector<16xi32>
      %lt3A_1935 = vector.broadcast %add3A_4 : i32 to vector<16xi32>
      %lt3A_1936 = arith.cmpi slt, %get3A_1932, %lt3A_1935 : vector<16xi32>
      %and3A_1937 = arith.andi %ge3A_1934, %lt3A_1936 : vector<16xi1>
      %jit3A_1938 = arith.constant 8388608 : i32
      %broadcast_in_dim3A_1939 = vector.broadcast %jit3A_1938 : i32 to vector<16xi32>
      %select_n3A_1940 = arith.select %and3A_1937, %get3A_1932, %broadcast_in_dim3A_1939 : vector<16xi1>, vector<16xi32>
      %swap3A_1941 = arith.constant 1984 : index
      %swap3A_1942 = tpu.vector_load %arg9[%swap3A_1941] {strides = array<i32>} : memref<2048xi32, #tpu.memory_space<vmem>>, vector<16xi32>,
      %swap3A_1943 = vector.shape_cast %swap3A_1942 : vector<16xi32> to vector<16xi32>
      %swap3A_1944 = vector.shape_cast %select_n3A_1940 : vector<16xi32> to vector<16xi32>
      tpu.vector_store %arg9[%swap3A_1941], %swap3A_1944 {strides = array<i32>} : memref<2048xi32, #tpu.memory_space<vmem>>, vector<16xi32>,
      %get3A_1945 = arith.constant 2000 : index
      %get3A_1946 = tpu.vector_load %arg7[%get3A_1945] {strides = array<i32>} : memref<2048xi32, #tpu.memory_space<vmem>>, vector<16xi32>,
      %get3A_1947 = vector.shape_cast %get3A_1946 : vector<16xi32> to vector<16xi32>
      %ge3A_1948 = vector.broadcast %mul3A_2 : i32 to vector<16xi32>
      %ge3A_1949 = arith.cmpi sge, %get3A_1947, %ge3A_1948 : vector<16xi32>
      %lt3A_1950 = vector.broadcast %add3A_4 : i32 to vector<16xi32>
      %lt3A_1951 = arith.cmpi slt, %get3A_1947, %lt3A_1950 : vector<16xi32>
      %and3A_1952 = arith.andi %ge3A_1949, %lt3A_1951 : vector<16xi1>
      %jit3A_1953 = arith.constant 8388608 : i32
      %broadcast_in_dim3A_1954 = vector.broadcast %jit3A_1953 : i32 to vector<16xi32>
      %select_n3A_1955 = arith.select %and3A_1952, %get3A_1947, %broadcast_in_dim3A_1954 : vector<16xi1>, vector<16xi32>
      %swap3A_1956 = arith.constant 2000 : index
      %swap3A_1957 = tpu.vector_load %arg9[%swap3A_1956] {strides = array<i32>} : memref<2048xi32, #tpu.memory_space<vmem>>, vector<16xi32>,
      %swap3A_1958 = vector.shape_cast %swap3A_1957 : vector<16xi32> to vector<16xi32>
      %swap3A_1959 = vector.shape_cast %select_n3A_1955 : vector<16xi32> to vector<16xi32>
      tpu.vector_store %arg9[%swap3A_1956], %swap3A_1959 {strides = array<i32>} : memref<2048xi32, #tpu.memory_space<vmem>>, vector<16xi32>,
      %get3A_1960 = arith.constant 2016 : index
      %get3A_1961 = tpu.vector_load %arg7[%get3A_1960] {strides = array<i32>} : memref<2048xi32, #tpu.memory_space<vmem>>, vector<16xi32>,
      %get3A_1962 = vector.shape_cast %get3A_1961 : vector<16xi32> to vector<16xi32>
      %ge3A_1963 = vector.broadcast %mul3A_2 : i32 to vector<16xi32>
      %ge3A_1964 = arith.cmpi sge, %get3A_1962, %ge3A_1963 : vector<16xi32>
      %lt3A_1965 = vector.broadcast %add3A_4 : i32 to vector<16xi32>
      %lt3A_1966 = arith.cmpi slt, %get3A_1962, %lt3A_1965 : vector<16xi32>
      %and3A_1967 = arith.andi %ge3A_1964, %lt3A_1966 : vector<16xi1>
      %jit3A_1968 = arith.constant 8388608 : i32
      %broadcast_in_dim3A_1969 = vector.broadcast %jit3A_1968 : i32 to vector<16xi32>
      %select_n3A_1970 = arith.select %and3A_1967, %get3A_1962, %broadcast_in_dim3A_1969 : vector<16xi1>, vector<16xi32>
      %swap3A_1971 = arith.constant 2016 : index
      %swap3A_1972 = tpu.vector_load %arg9[%swap3A_1971] {strides = array<i32>} : memref<2048xi32, #tpu.memory_space<vmem>>, vector<16xi32>,
      %swap3A_1973 = vector.shape_cast %swap3A_1972 : vector<16xi32> to vector<16xi32>
      %swap3A_1974 = vector.shape_cast %select_n3A_1970 : vector<16xi32> to vector<16xi32>
      tpu.vector_store %arg9[%swap3A_1971], %swap3A_1974 {strides = array<i32>} : memref<2048xi32, #tpu.memory_space<vmem>>, vector<16xi32>,
      %get3A_1975 = arith.constant 2032 : index
      %get3A_1976 = tpu.vector_load %arg7[%get3A_1975] {strides = array<i32>} : memref<2048xi32, #tpu.memory_space<vmem>>, vector<16xi32>,
      %get3A_1977 = vector.shape_cast %get3A_1976 : vector<16xi32> to vector<16xi32>
      %ge3A_1978 = vector.broadcast %mul3A_2 : i32 to vector<16xi32>
      %ge3A_1979 = arith.cmpi sge, %get3A_1977, %ge3A_1978 : vector<16xi32>
      %lt3A_1980 = vector.broadcast %add3A_4 : i32 to vector<16xi32>
      %lt3A_1981 = arith.cmpi slt, %get3A_1977, %lt3A_1980 : vector<16xi32>
      %and3A_1982 = arith.andi %ge3A_1979, %lt3A_1981 : vector<16xi1>
      %jit3A_1983 = arith.constant 8388608 : i32
      %broadcast_in_dim3A_1984 = vector.broadcast %jit3A_1983 : i32 to vector<16xi32>
      %select_n3A_1985 = arith.select %and3A_1982, %get3A_1977, %broadcast_in_dim3A_1984 : vector<16xi1>, vector<16xi32>
      %swap3A_1986 = arith.constant 2032 : index
      %swap3A_1987 = tpu.vector_load %arg9[%swap3A_1986] {strides = array<i32>} : memref<2048xi32, #tpu.memory_space<vmem>>, vector<16xi32>,
      %swap3A_1988 = vector.shape_cast %swap3A_1987 : vector<16xi32> to vector<16xi32>
      %swap3A_1989 = vector.shape_cast %select_n3A_1985 : vector<16xi32> to vector<16xi32>
      tpu.vector_store %arg9[%swap3A_1986], %swap3A_1989 {strides = array<i32>} : memref<2048xi32, #tpu.memory_space<vmem>>, vector<16xi32>,
      "tpu.region"() ({
        %run_scoped3A = tpu.sem_alloc : memref<!tpu.dma_semaphore, #tpu.memory_space<semaphore_mem>>
        %dma_start3A = arith.constant 0 : i32
        %dma_start3A_1990 = tpu.memref_slice %arg5[%dma_start3A] : memref<8388736xf32, #tpu.memory_space<hbm>> -> memref<8388736xf32, #tpu.memory_space<hbm>>
        tpu.enqueue_indirect_dma source(%arg8 : memref<2048xf32, #tpu.memory_space<vmem>>) target(%dma_start3A_1990 : memref<8388736xf32, #tpu.memory_space<hbm>>) offsets(%arg9 : memref<2048xi32, #tpu.memory_space<vmem>>) semaphore(%run_scoped3A : memref<!tpu.dma_semaphore, #tpu.memory_space<semaphore_mem>>)
        %dma_wait3A = arith.constant 0 : i32
        %dma_wait3A_1991 = tpu.memref_slice %arg5[%dma_wait3A] : memref<8388736xf32, #tpu.memory_space<hbm>> -> memref<8388736xf32, #tpu.memory_space<hbm>>
        tpu.wait_indirect_dma semaphore(%run_scoped3A : memref<!tpu.dma_semaphore, #tpu.memory_space<semaphore_mem>>) src(%arg8 : memref<2048xf32, #tpu.memory_space<vmem>>) dst(%dma_wait3A_1991 : memref<8388736xf32, #tpu.memory_space<hbm>>)
        tpu.yield
      }) : () -> ()
    }
    %while3A_67 = arith.constant 1 : i32
    scf.for %while3A_68 = %while3A_65 to %while3A_61 step %while3A_67  : i32 {
      %mul3A_69 = arith.constant 2048 : i32
      %mul3A_70 = arith.muli %while3A_68, %mul3A_69 : i32
      %add3A_71 = arith.addi %and3A_38, %mul3A_70 : i32
      %multiple_of3A_72 = tpu.assume_multiple %add3A_71, 2048 : i32
      "tpu.region"() ({
        %run_scoped3A = tpu.sem_alloc : memref<!tpu.dma_semaphore, #tpu.memory_space<semaphore_mem>>
        %dma_start3A = tpu.memref_slice %arg2[%multiple_of3A_72] : memref<1003520xi32, #tpu.memory_space<hbm>> -> memref<2048xi32, #tpu.memory_space<hbm>>
        %dma_start3A_1990 = tpu.memref_slice %arg2[%multiple_of3A_72] : memref<1003520xi32, #tpu.memory_space<hbm>> -> memref<2048xi32, #tpu.memory_space<hbm>>
        tpu.enqueue_dma source(%dma_start3A_1990 : memref<2048xi32, #tpu.memory_space<hbm>>) target(%arg7 : memref<2048xi32, #tpu.memory_space<vmem>>) target_semaphore(%run_scoped3A : memref<!tpu.dma_semaphore, #tpu.memory_space<semaphore_mem>>)
        %dma_wait3A = tpu.memref_slice %arg2[%multiple_of3A_72] : memref<1003520xi32, #tpu.memory_space<hbm>> -> memref<2048xi32, #tpu.memory_space<hbm>>
        %dma_wait3A_1991 = tpu.memref_slice %arg2[%multiple_of3A_72] : memref<1003520xi32, #tpu.memory_space<hbm>> -> memref<2048xi32, #tpu.memory_space<hbm>>
        tpu.wait_dma2 semaphore(%run_scoped3A : memref<!tpu.dma_semaphore, #tpu.memory_space<semaphore_mem>>) src(%dma_wait3A_1991 : memref<2048xi32, #tpu.memory_space<hbm>>) dst(%arg7 : memref<2048xi32, #tpu.memory_space<vmem>>)
        tpu.yield
      }) : () -> ()
      "tpu.region"() ({
        %run_scoped3A = tpu.sem_alloc : memref<!tpu.dma_semaphore, #tpu.memory_space<semaphore_mem>>
        %dma_start3A = tpu.memref_slice %arg3[%multiple_of3A_72] : memref<1003520xf32, #tpu.memory_space<hbm>> -> memref<2048xf32, #tpu.memory_space<hbm>>
        %dma_start3A_1990 = tpu.memref_slice %arg3[%multiple_of3A_72] : memref<1003520xf32, #tpu.memory_space<hbm>> -> memref<2048xf32, #tpu.memory_space<hbm>>
        tpu.enqueue_dma source(%dma_start3A_1990 : memref<2048xf32, #tpu.memory_space<hbm>>) target(%arg8 : memref<2048xf32, #tpu.memory_space<vmem>>) target_semaphore(%run_scoped3A : memref<!tpu.dma_semaphore, #tpu.memory_space<semaphore_mem>>)
        %dma_wait3A = tpu.memref_slice %arg3[%multiple_of3A_72] : memref<1003520xf32, #tpu.memory_space<hbm>> -> memref<2048xf32, #tpu.memory_space<hbm>>
        %dma_wait3A_1991 = tpu.memref_slice %arg3[%multiple_of3A_72] : memref<1003520xf32, #tpu.memory_space<hbm>> -> memref<2048xf32, #tpu.memory_space<hbm>>
        tpu.wait_dma2 semaphore(%run_scoped3A : memref<!tpu.dma_semaphore, #tpu.memory_space<semaphore_mem>>) src(%dma_wait3A_1991 : memref<2048xf32, #tpu.memory_space<hbm>>) dst(%arg8 : memref<2048xf32, #tpu.memory_space<vmem>>)
        tpu.yield
      }) : () -> ()
      %get3A_73 = arith.constant 0 : index
      %get3A_74 = tpu.vector_load %arg7[%get3A_73] {strides = array<i32>} : memref<2048xi32, #tpu.memory_space<vmem>>, vector<16xi32>,
      %get3A_75 = vector.shape_cast %get3A_74 : vector<16xi32> to vector<16xi32>
      %ge3A = vector.broadcast %mul3A_2 : i32 to vector<16xi32>
      %ge3A_76 = arith.cmpi sge, %get3A_75, %ge3A : vector<16xi32>
      %lt3A = vector.broadcast %add3A_4 : i32 to vector<16xi32>
      %lt3A_77 = arith.cmpi slt, %get3A_75, %lt3A : vector<16xi32>
      %and3A_78 = arith.andi %ge3A_76, %lt3A_77 : vector<16xi1>
      %jit3A_79 = arith.constant 8388608 : i32
      %broadcast_in_dim3A_80 = vector.broadcast %jit3A_79 : i32 to vector<16xi32>
      %select_n3A_81 = arith.select %and3A_78, %get3A_75, %broadcast_in_dim3A_80 : vector<16xi1>, vector<16xi32>
      %swap3A = arith.constant 0 : index
      %swap3A_82 = tpu.vector_load %arg9[%swap3A] {strides = array<i32>} : memref<2048xi32, #tpu.memory_space<vmem>>, vector<16xi32>,
      %swap3A_83 = vector.shape_cast %swap3A_82 : vector<16xi32> to vector<16xi32>
      %swap3A_84 = vector.shape_cast %select_n3A_81 : vector<16xi32> to vector<16xi32>
      tpu.vector_store %arg9[%swap3A], %swap3A_84 {strides = array<i32>} : memref<2048xi32, #tpu.memory_space<vmem>>, vector<16xi32>,
      %get3A_85 = arith.constant 16 : index
      %get3A_86 = tpu.vector_load %arg7[%get3A_85] {strides = array<i32>} : memref<2048xi32, #tpu.memory_space<vmem>>, vector<16xi32>,
      %get3A_87 = vector.shape_cast %get3A_86 : vector<16xi32> to vector<16xi32>
      %ge3A_88 = vector.broadcast %mul3A_2 : i32 to vector<16xi32>
      %ge3A_89 = arith.cmpi sge, %get3A_87, %ge3A_88 : vector<16xi32>
      %lt3A_90 = vector.broadcast %add3A_4 : i32 to vector<16xi32>
      %lt3A_91 = arith.cmpi slt, %get3A_87, %lt3A_90 : vector<16xi32>
      %and3A_92 = arith.andi %ge3A_89, %lt3A_91 : vector<16xi1>
      %jit3A_93 = arith.constant 8388608 : i32
      %broadcast_in_dim3A_94 = vector.broadcast %jit3A_93 : i32 to vector<16xi32>
      %select_n3A_95 = arith.select %and3A_92, %get3A_87, %broadcast_in_dim3A_94 : vector<16xi1>, vector<16xi32>
      %swap3A_96 = arith.constant 16 : index
      %swap3A_97 = tpu.vector_load %arg9[%swap3A_96] {strides = array<i32>} : memref<2048xi32, #tpu.memory_space<vmem>>, vector<16xi32>,
      %swap3A_98 = vector.shape_cast %swap3A_97 : vector<16xi32> to vector<16xi32>
      %swap3A_99 = vector.shape_cast %select_n3A_95 : vector<16xi32> to vector<16xi32>
      tpu.vector_store %arg9[%swap3A_96], %swap3A_99 {strides = array<i32>} : memref<2048xi32, #tpu.memory_space<vmem>>, vector<16xi32>,
      %get3A_100 = arith.constant 32 : index
      %get3A_101 = tpu.vector_load %arg7[%get3A_100] {strides = array<i32>} : memref<2048xi32, #tpu.memory_space<vmem>>, vector<16xi32>,
      %get3A_102 = vector.shape_cast %get3A_101 : vector<16xi32> to vector<16xi32>
      %ge3A_103 = vector.broadcast %mul3A_2 : i32 to vector<16xi32>
      %ge3A_104 = arith.cmpi sge, %get3A_102, %ge3A_103 : vector<16xi32>
      %lt3A_105 = vector.broadcast %add3A_4 : i32 to vector<16xi32>
      %lt3A_106 = arith.cmpi slt, %get3A_102, %lt3A_105 : vector<16xi32>
      %and3A_107 = arith.andi %ge3A_104, %lt3A_106 : vector<16xi1>
      %jit3A_108 = arith.constant 8388608 : i32
      %broadcast_in_dim3A_109 = vector.broadcast %jit3A_108 : i32 to vector<16xi32>
      %select_n3A_110 = arith.select %and3A_107, %get3A_102, %broadcast_in_dim3A_109 : vector<16xi1>, vector<16xi32>
      %swap3A_111 = arith.constant 32 : index
      %swap3A_112 = tpu.vector_load %arg9[%swap3A_111] {strides = array<i32>} : memref<2048xi32, #tpu.memory_space<vmem>>, vector<16xi32>,
      %swap3A_113 = vector.shape_cast %swap3A_112 : vector<16xi32> to vector<16xi32>
      %swap3A_114 = vector.shape_cast %select_n3A_110 : vector<16xi32> to vector<16xi32>
      tpu.vector_store %arg9[%swap3A_111], %swap3A_114 {strides = array<i32>} : memref<2048xi32, #tpu.memory_space<vmem>>, vector<16xi32>,
      %get3A_115 = arith.constant 48 : index
      %get3A_116 = tpu.vector_load %arg7[%get3A_115] {strides = array<i32>} : memref<2048xi32, #tpu.memory_space<vmem>>, vector<16xi32>,
      %get3A_117 = vector.shape_cast %get3A_116 : vector<16xi32> to vector<16xi32>
      %ge3A_118 = vector.broadcast %mul3A_2 : i32 to vector<16xi32>
      %ge3A_119 = arith.cmpi sge, %get3A_117, %ge3A_118 : vector<16xi32>
      %lt3A_120 = vector.broadcast %add3A_4 : i32 to vector<16xi32>
      %lt3A_121 = arith.cmpi slt, %get3A_117, %lt3A_120 : vector<16xi32>
      %and3A_122 = arith.andi %ge3A_119, %lt3A_121 : vector<16xi1>
      %jit3A_123 = arith.constant 8388608 : i32
      %broadcast_in_dim3A_124 = vector.broadcast %jit3A_123 : i32 to vector<16xi32>
      %select_n3A_125 = arith.select %and3A_122, %get3A_117, %broadcast_in_dim3A_124 : vector<16xi1>, vector<16xi32>
      %swap3A_126 = arith.constant 48 : index
      %swap3A_127 = tpu.vector_load %arg9[%swap3A_126] {strides = array<i32>} : memref<2048xi32, #tpu.memory_space<vmem>>, vector<16xi32>,
      %swap3A_128 = vector.shape_cast %swap3A_127 : vector<16xi32> to vector<16xi32>
      %swap3A_129 = vector.shape_cast %select_n3A_125 : vector<16xi32> to vector<16xi32>
      tpu.vector_store %arg9[%swap3A_126], %swap3A_129 {strides = array<i32>} : memref<2048xi32, #tpu.memory_space<vmem>>, vector<16xi32>,
      %get3A_130 = arith.constant 64 : index
      %get3A_131 = tpu.vector_load %arg7[%get3A_130] {strides = array<i32>} : memref<2048xi32, #tpu.memory_space<vmem>>, vector<16xi32>,
      %get3A_132 = vector.shape_cast %get3A_131 : vector<16xi32> to vector<16xi32>
      %ge3A_133 = vector.broadcast %mul3A_2 : i32 to vector<16xi32>
      %ge3A_134 = arith.cmpi sge, %get3A_132, %ge3A_133 : vector<16xi32>
      %lt3A_135 = vector.broadcast %add3A_4 : i32 to vector<16xi32>
      %lt3A_136 = arith.cmpi slt, %get3A_132, %lt3A_135 : vector<16xi32>
      %and3A_137 = arith.andi %ge3A_134, %lt3A_136 : vector<16xi1>
      %jit3A_138 = arith.constant 8388608 : i32
      %broadcast_in_dim3A_139 = vector.broadcast %jit3A_138 : i32 to vector<16xi32>
      %select_n3A_140 = arith.select %and3A_137, %get3A_132, %broadcast_in_dim3A_139 : vector<16xi1>, vector<16xi32>
      %swap3A_141 = arith.constant 64 : index
      %swap3A_142 = tpu.vector_load %arg9[%swap3A_141] {strides = array<i32>} : memref<2048xi32, #tpu.memory_space<vmem>>, vector<16xi32>,
      %swap3A_143 = vector.shape_cast %swap3A_142 : vector<16xi32> to vector<16xi32>
      %swap3A_144 = vector.shape_cast %select_n3A_140 : vector<16xi32> to vector<16xi32>
      tpu.vector_store %arg9[%swap3A_141], %swap3A_144 {strides = array<i32>} : memref<2048xi32, #tpu.memory_space<vmem>>, vector<16xi32>,
      %get3A_145 = arith.constant 80 : index
      %get3A_146 = tpu.vector_load %arg7[%get3A_145] {strides = array<i32>} : memref<2048xi32, #tpu.memory_space<vmem>>, vector<16xi32>,
      %get3A_147 = vector.shape_cast %get3A_146 : vector<16xi32> to vector<16xi32>
      %ge3A_148 = vector.broadcast %mul3A_2 : i32 to vector<16xi32>
      %ge3A_149 = arith.cmpi sge, %get3A_147, %ge3A_148 : vector<16xi32>
      %lt3A_150 = vector.broadcast %add3A_4 : i32 to vector<16xi32>
      %lt3A_151 = arith.cmpi slt, %get3A_147, %lt3A_150 : vector<16xi32>
      %and3A_152 = arith.andi %ge3A_149, %lt3A_151 : vector<16xi1>
      %jit3A_153 = arith.constant 8388608 : i32
      %broadcast_in_dim3A_154 = vector.broadcast %jit3A_153 : i32 to vector<16xi32>
      %select_n3A_155 = arith.select %and3A_152, %get3A_147, %broadcast_in_dim3A_154 : vector<16xi1>, vector<16xi32>
      %swap3A_156 = arith.constant 80 : index
      %swap3A_157 = tpu.vector_load %arg9[%swap3A_156] {strides = array<i32>} : memref<2048xi32, #tpu.memory_space<vmem>>, vector<16xi32>,
      %swap3A_158 = vector.shape_cast %swap3A_157 : vector<16xi32> to vector<16xi32>
      %swap3A_159 = vector.shape_cast %select_n3A_155 : vector<16xi32> to vector<16xi32>
      tpu.vector_store %arg9[%swap3A_156], %swap3A_159 {strides = array<i32>} : memref<2048xi32, #tpu.memory_space<vmem>>, vector<16xi32>,
      %get3A_160 = arith.constant 96 : index
      %get3A_161 = tpu.vector_load %arg7[%get3A_160] {strides = array<i32>} : memref<2048xi32, #tpu.memory_space<vmem>>, vector<16xi32>,
      %get3A_162 = vector.shape_cast %get3A_161 : vector<16xi32> to vector<16xi32>
      %ge3A_163 = vector.broadcast %mul3A_2 : i32 to vector<16xi32>
      %ge3A_164 = arith.cmpi sge, %get3A_162, %ge3A_163 : vector<16xi32>
      %lt3A_165 = vector.broadcast %add3A_4 : i32 to vector<16xi32>
      %lt3A_166 = arith.cmpi slt, %get3A_162, %lt3A_165 : vector<16xi32>
      %and3A_167 = arith.andi %ge3A_164, %lt3A_166 : vector<16xi1>
      %jit3A_168 = arith.constant 8388608 : i32
      %broadcast_in_dim3A_169 = vector.broadcast %jit3A_168 : i32 to vector<16xi32>
      %select_n3A_170 = arith.select %and3A_167, %get3A_162, %broadcast_in_dim3A_169 : vector<16xi1>, vector<16xi32>
      %swap3A_171 = arith.constant 96 : index
      %swap3A_172 = tpu.vector_load %arg9[%swap3A_171] {strides = array<i32>} : memref<2048xi32, #tpu.memory_space<vmem>>, vector<16xi32>,
      %swap3A_173 = vector.shape_cast %swap3A_172 : vector<16xi32> to vector<16xi32>
      %swap3A_174 = vector.shape_cast %select_n3A_170 : vector<16xi32> to vector<16xi32>
      tpu.vector_store %arg9[%swap3A_171], %swap3A_174 {strides = array<i32>} : memref<2048xi32, #tpu.memory_space<vmem>>, vector<16xi32>,
      %get3A_175 = arith.constant 112 : index
      %get3A_176 = tpu.vector_load %arg7[%get3A_175] {strides = array<i32>} : memref<2048xi32, #tpu.memory_space<vmem>>, vector<16xi32>,
      %get3A_177 = vector.shape_cast %get3A_176 : vector<16xi32> to vector<16xi32>
      %ge3A_178 = vector.broadcast %mul3A_2 : i32 to vector<16xi32>
      %ge3A_179 = arith.cmpi sge, %get3A_177, %ge3A_178 : vector<16xi32>
      %lt3A_180 = vector.broadcast %add3A_4 : i32 to vector<16xi32>
      %lt3A_181 = arith.cmpi slt, %get3A_177, %lt3A_180 : vector<16xi32>
      %and3A_182 = arith.andi %ge3A_179, %lt3A_181 : vector<16xi1>
      %jit3A_183 = arith.constant 8388608 : i32
      %broadcast_in_dim3A_184 = vector.broadcast %jit3A_183 : i32 to vector<16xi32>
      %select_n3A_185 = arith.select %and3A_182, %get3A_177, %broadcast_in_dim3A_184 : vector<16xi1>, vector<16xi32>
      %swap3A_186 = arith.constant 112 : index
      %swap3A_187 = tpu.vector_load %arg9[%swap3A_186] {strides = array<i32>} : memref<2048xi32, #tpu.memory_space<vmem>>, vector<16xi32>,
      %swap3A_188 = vector.shape_cast %swap3A_187 : vector<16xi32> to vector<16xi32>
      %swap3A_189 = vector.shape_cast %select_n3A_185 : vector<16xi32> to vector<16xi32>
      tpu.vector_store %arg9[%swap3A_186], %swap3A_189 {strides = array<i32>} : memref<2048xi32, #tpu.memory_space<vmem>>, vector<16xi32>,
      %get3A_190 = arith.constant 128 : index
      %get3A_191 = tpu.vector_load %arg7[%get3A_190] {strides = array<i32>} : memref<2048xi32, #tpu.memory_space<vmem>>, vector<16xi32>,
      %get3A_192 = vector.shape_cast %get3A_191 : vector<16xi32> to vector<16xi32>
      %ge3A_193 = vector.broadcast %mul3A_2 : i32 to vector<16xi32>
      %ge3A_194 = arith.cmpi sge, %get3A_192, %ge3A_193 : vector<16xi32>
      %lt3A_195 = vector.broadcast %add3A_4 : i32 to vector<16xi32>
      %lt3A_196 = arith.cmpi slt, %get3A_192, %lt3A_195 : vector<16xi32>
      %and3A_197 = arith.andi %ge3A_194, %lt3A_196 : vector<16xi1>
      %jit3A_198 = arith.constant 8388608 : i32
      %broadcast_in_dim3A_199 = vector.broadcast %jit3A_198 : i32 to vector<16xi32>
      %select_n3A_200 = arith.select %and3A_197, %get3A_192, %broadcast_in_dim3A_199 : vector<16xi1>, vector<16xi32>
      %swap3A_201 = arith.constant 128 : index
      %swap3A_202 = tpu.vector_load %arg9[%swap3A_201] {strides = array<i32>} : memref<2048xi32, #tpu.memory_space<vmem>>, vector<16xi32>,
      %swap3A_203 = vector.shape_cast %swap3A_202 : vector<16xi32> to vector<16xi32>
      %swap3A_204 = vector.shape_cast %select_n3A_200 : vector<16xi32> to vector<16xi32>
      tpu.vector_store %arg9[%swap3A_201], %swap3A_204 {strides = array<i32>} : memref<2048xi32, #tpu.memory_space<vmem>>, vector<16xi32>,
      %get3A_205 = arith.constant 144 : index
      %get3A_206 = tpu.vector_load %arg7[%get3A_205] {strides = array<i32>} : memref<2048xi32, #tpu.memory_space<vmem>>, vector<16xi32>,
      %get3A_207 = vector.shape_cast %get3A_206 : vector<16xi32> to vector<16xi32>
      %ge3A_208 = vector.broadcast %mul3A_2 : i32 to vector<16xi32>
      %ge3A_209 = arith.cmpi sge, %get3A_207, %ge3A_208 : vector<16xi32>
      %lt3A_210 = vector.broadcast %add3A_4 : i32 to vector<16xi32>
      %lt3A_211 = arith.cmpi slt, %get3A_207, %lt3A_210 : vector<16xi32>
      %and3A_212 = arith.andi %ge3A_209, %lt3A_211 : vector<16xi1>
      %jit3A_213 = arith.constant 8388608 : i32
      %broadcast_in_dim3A_214 = vector.broadcast %jit3A_213 : i32 to vector<16xi32>
      %select_n3A_215 = arith.select %and3A_212, %get3A_207, %broadcast_in_dim3A_214 : vector<16xi1>, vector<16xi32>
      %swap3A_216 = arith.constant 144 : index
      %swap3A_217 = tpu.vector_load %arg9[%swap3A_216] {strides = array<i32>} : memref<2048xi32, #tpu.memory_space<vmem>>, vector<16xi32>,
      %swap3A_218 = vector.shape_cast %swap3A_217 : vector<16xi32> to vector<16xi32>
      %swap3A_219 = vector.shape_cast %select_n3A_215 : vector<16xi32> to vector<16xi32>
      tpu.vector_store %arg9[%swap3A_216], %swap3A_219 {strides = array<i32>} : memref<2048xi32, #tpu.memory_space<vmem>>, vector<16xi32>,
      %get3A_220 = arith.constant 160 : index
      %get3A_221 = tpu.vector_load %arg7[%get3A_220] {strides = array<i32>} : memref<2048xi32, #tpu.memory_space<vmem>>, vector<16xi32>,
      %get3A_222 = vector.shape_cast %get3A_221 : vector<16xi32> to vector<16xi32>
      %ge3A_223 = vector.broadcast %mul3A_2 : i32 to vector<16xi32>
      %ge3A_224 = arith.cmpi sge, %get3A_222, %ge3A_223 : vector<16xi32>
      %lt3A_225 = vector.broadcast %add3A_4 : i32 to vector<16xi32>
      %lt3A_226 = arith.cmpi slt, %get3A_222, %lt3A_225 : vector<16xi32>
      %and3A_227 = arith.andi %ge3A_224, %lt3A_226 : vector<16xi1>
      %jit3A_228 = arith.constant 8388608 : i32
      %broadcast_in_dim3A_229 = vector.broadcast %jit3A_228 : i32 to vector<16xi32>
      %select_n3A_230 = arith.select %and3A_227, %get3A_222, %broadcast_in_dim3A_229 : vector<16xi1>, vector<16xi32>
      %swap3A_231 = arith.constant 160 : index
      %swap3A_232 = tpu.vector_load %arg9[%swap3A_231] {strides = array<i32>} : memref<2048xi32, #tpu.memory_space<vmem>>, vector<16xi32>,
      %swap3A_233 = vector.shape_cast %swap3A_232 : vector<16xi32> to vector<16xi32>
      %swap3A_234 = vector.shape_cast %select_n3A_230 : vector<16xi32> to vector<16xi32>
      tpu.vector_store %arg9[%swap3A_231], %swap3A_234 {strides = array<i32>} : memref<2048xi32, #tpu.memory_space<vmem>>, vector<16xi32>,
      %get3A_235 = arith.constant 176 : index
      %get3A_236 = tpu.vector_load %arg7[%get3A_235] {strides = array<i32>} : memref<2048xi32, #tpu.memory_space<vmem>>, vector<16xi32>,
      %get3A_237 = vector.shape_cast %get3A_236 : vector<16xi32> to vector<16xi32>
      %ge3A_238 = vector.broadcast %mul3A_2 : i32 to vector<16xi32>
      %ge3A_239 = arith.cmpi sge, %get3A_237, %ge3A_238 : vector<16xi32>
      %lt3A_240 = vector.broadcast %add3A_4 : i32 to vector<16xi32>
      %lt3A_241 = arith.cmpi slt, %get3A_237, %lt3A_240 : vector<16xi32>
      %and3A_242 = arith.andi %ge3A_239, %lt3A_241 : vector<16xi1>
      %jit3A_243 = arith.constant 8388608 : i32
      %broadcast_in_dim3A_244 = vector.broadcast %jit3A_243 : i32 to vector<16xi32>
      %select_n3A_245 = arith.select %and3A_242, %get3A_237, %broadcast_in_dim3A_244 : vector<16xi1>, vector<16xi32>
      %swap3A_246 = arith.constant 176 : index
      %swap3A_247 = tpu.vector_load %arg9[%swap3A_246] {strides = array<i32>} : memref<2048xi32, #tpu.memory_space<vmem>>, vector<16xi32>,
      %swap3A_248 = vector.shape_cast %swap3A_247 : vector<16xi32> to vector<16xi32>
      %swap3A_249 = vector.shape_cast %select_n3A_245 : vector<16xi32> to vector<16xi32>
      tpu.vector_store %arg9[%swap3A_246], %swap3A_249 {strides = array<i32>} : memref<2048xi32, #tpu.memory_space<vmem>>, vector<16xi32>,
      %get3A_250 = arith.constant 192 : index
      %get3A_251 = tpu.vector_load %arg7[%get3A_250] {strides = array<i32>} : memref<2048xi32, #tpu.memory_space<vmem>>, vector<16xi32>,
      %get3A_252 = vector.shape_cast %get3A_251 : vector<16xi32> to vector<16xi32>
      %ge3A_253 = vector.broadcast %mul3A_2 : i32 to vector<16xi32>
      %ge3A_254 = arith.cmpi sge, %get3A_252, %ge3A_253 : vector<16xi32>
      %lt3A_255 = vector.broadcast %add3A_4 : i32 to vector<16xi32>
      %lt3A_256 = arith.cmpi slt, %get3A_252, %lt3A_255 : vector<16xi32>
      %and3A_257 = arith.andi %ge3A_254, %lt3A_256 : vector<16xi1>
      %jit3A_258 = arith.constant 8388608 : i32
      %broadcast_in_dim3A_259 = vector.broadcast %jit3A_258 : i32 to vector<16xi32>
      %select_n3A_260 = arith.select %and3A_257, %get3A_252, %broadcast_in_dim3A_259 : vector<16xi1>, vector<16xi32>
      %swap3A_261 = arith.constant 192 : index
      %swap3A_262 = tpu.vector_load %arg9[%swap3A_261] {strides = array<i32>} : memref<2048xi32, #tpu.memory_space<vmem>>, vector<16xi32>,
      %swap3A_263 = vector.shape_cast %swap3A_262 : vector<16xi32> to vector<16xi32>
      %swap3A_264 = vector.shape_cast %select_n3A_260 : vector<16xi32> to vector<16xi32>
      tpu.vector_store %arg9[%swap3A_261], %swap3A_264 {strides = array<i32>} : memref<2048xi32, #tpu.memory_space<vmem>>, vector<16xi32>,
      %get3A_265 = arith.constant 208 : index
      %get3A_266 = tpu.vector_load %arg7[%get3A_265] {strides = array<i32>} : memref<2048xi32, #tpu.memory_space<vmem>>, vector<16xi32>,
      %get3A_267 = vector.shape_cast %get3A_266 : vector<16xi32> to vector<16xi32>
      %ge3A_268 = vector.broadcast %mul3A_2 : i32 to vector<16xi32>
      %ge3A_269 = arith.cmpi sge, %get3A_267, %ge3A_268 : vector<16xi32>
      %lt3A_270 = vector.broadcast %add3A_4 : i32 to vector<16xi32>
      %lt3A_271 = arith.cmpi slt, %get3A_267, %lt3A_270 : vector<16xi32>
      %and3A_272 = arith.andi %ge3A_269, %lt3A_271 : vector<16xi1>
      %jit3A_273 = arith.constant 8388608 : i32
      %broadcast_in_dim3A_274 = vector.broadcast %jit3A_273 : i32 to vector<16xi32>
      %select_n3A_275 = arith.select %and3A_272, %get3A_267, %broadcast_in_dim3A_274 : vector<16xi1>, vector<16xi32>
      %swap3A_276 = arith.constant 208 : index
      %swap3A_277 = tpu.vector_load %arg9[%swap3A_276] {strides = array<i32>} : memref<2048xi32, #tpu.memory_space<vmem>>, vector<16xi32>,
      %swap3A_278 = vector.shape_cast %swap3A_277 : vector<16xi32> to vector<16xi32>
      %swap3A_279 = vector.shape_cast %select_n3A_275 : vector<16xi32> to vector<16xi32>
      tpu.vector_store %arg9[%swap3A_276], %swap3A_279 {strides = array<i32>} : memref<2048xi32, #tpu.memory_space<vmem>>, vector<16xi32>,
      %get3A_280 = arith.constant 224 : index
      %get3A_281 = tpu.vector_load %arg7[%get3A_280] {strides = array<i32>} : memref<2048xi32, #tpu.memory_space<vmem>>, vector<16xi32>,
      %get3A_282 = vector.shape_cast %get3A_281 : vector<16xi32> to vector<16xi32>
      %ge3A_283 = vector.broadcast %mul3A_2 : i32 to vector<16xi32>
      %ge3A_284 = arith.cmpi sge, %get3A_282, %ge3A_283 : vector<16xi32>
      %lt3A_285 = vector.broadcast %add3A_4 : i32 to vector<16xi32>
      %lt3A_286 = arith.cmpi slt, %get3A_282, %lt3A_285 : vector<16xi32>
      %and3A_287 = arith.andi %ge3A_284, %lt3A_286 : vector<16xi1>
      %jit3A_288 = arith.constant 8388608 : i32
      %broadcast_in_dim3A_289 = vector.broadcast %jit3A_288 : i32 to vector<16xi32>
      %select_n3A_290 = arith.select %and3A_287, %get3A_282, %broadcast_in_dim3A_289 : vector<16xi1>, vector<16xi32>
      %swap3A_291 = arith.constant 224 : index
      %swap3A_292 = tpu.vector_load %arg9[%swap3A_291] {strides = array<i32>} : memref<2048xi32, #tpu.memory_space<vmem>>, vector<16xi32>,
      %swap3A_293 = vector.shape_cast %swap3A_292 : vector<16xi32> to vector<16xi32>
      %swap3A_294 = vector.shape_cast %select_n3A_290 : vector<16xi32> to vector<16xi32>
      tpu.vector_store %arg9[%swap3A_291], %swap3A_294 {strides = array<i32>} : memref<2048xi32, #tpu.memory_space<vmem>>, vector<16xi32>,
      %get3A_295 = arith.constant 240 : index
      %get3A_296 = tpu.vector_load %arg7[%get3A_295] {strides = array<i32>} : memref<2048xi32, #tpu.memory_space<vmem>>, vector<16xi32>,
      %get3A_297 = vector.shape_cast %get3A_296 : vector<16xi32> to vector<16xi32>
      %ge3A_298 = vector.broadcast %mul3A_2 : i32 to vector<16xi32>
      %ge3A_299 = arith.cmpi sge, %get3A_297, %ge3A_298 : vector<16xi32>
      %lt3A_300 = vector.broadcast %add3A_4 : i32 to vector<16xi32>
      %lt3A_301 = arith.cmpi slt, %get3A_297, %lt3A_300 : vector<16xi32>
      %and3A_302 = arith.andi %ge3A_299, %lt3A_301 : vector<16xi1>
      %jit3A_303 = arith.constant 8388608 : i32
      %broadcast_in_dim3A_304 = vector.broadcast %jit3A_303 : i32 to vector<16xi32>
      %select_n3A_305 = arith.select %and3A_302, %get3A_297, %broadcast_in_dim3A_304 : vector<16xi1>, vector<16xi32>
      %swap3A_306 = arith.constant 240 : index
      %swap3A_307 = tpu.vector_load %arg9[%swap3A_306] {strides = array<i32>} : memref<2048xi32, #tpu.memory_space<vmem>>, vector<16xi32>,
      %swap3A_308 = vector.shape_cast %swap3A_307 : vector<16xi32> to vector<16xi32>
      %swap3A_309 = vector.shape_cast %select_n3A_305 : vector<16xi32> to vector<16xi32>
      tpu.vector_store %arg9[%swap3A_306], %swap3A_309 {strides = array<i32>} : memref<2048xi32, #tpu.memory_space<vmem>>, vector<16xi32>,
      %get3A_310 = arith.constant 256 : index
      %get3A_311 = tpu.vector_load %arg7[%get3A_310] {strides = array<i32>} : memref<2048xi32, #tpu.memory_space<vmem>>, vector<16xi32>,
      %get3A_312 = vector.shape_cast %get3A_311 : vector<16xi32> to vector<16xi32>
      %ge3A_313 = vector.broadcast %mul3A_2 : i32 to vector<16xi32>
      %ge3A_314 = arith.cmpi sge, %get3A_312, %ge3A_313 : vector<16xi32>
      %lt3A_315 = vector.broadcast %add3A_4 : i32 to vector<16xi32>
      %lt3A_316 = arith.cmpi slt, %get3A_312, %lt3A_315 : vector<16xi32>
      %and3A_317 = arith.andi %ge3A_314, %lt3A_316 : vector<16xi1>
      %jit3A_318 = arith.constant 8388608 : i32
      %broadcast_in_dim3A_319 = vector.broadcast %jit3A_318 : i32 to vector<16xi32>
      %select_n3A_320 = arith.select %and3A_317, %get3A_312, %broadcast_in_dim3A_319 : vector<16xi1>, vector<16xi32>
      %swap3A_321 = arith.constant 256 : index
      %swap3A_322 = tpu.vector_load %arg9[%swap3A_321] {strides = array<i32>} : memref<2048xi32, #tpu.memory_space<vmem>>, vector<16xi32>,
      %swap3A_323 = vector.shape_cast %swap3A_322 : vector<16xi32> to vector<16xi32>
      %swap3A_324 = vector.shape_cast %select_n3A_320 : vector<16xi32> to vector<16xi32>
      tpu.vector_store %arg9[%swap3A_321], %swap3A_324 {strides = array<i32>} : memref<2048xi32, #tpu.memory_space<vmem>>, vector<16xi32>,
      %get3A_325 = arith.constant 272 : index
      %get3A_326 = tpu.vector_load %arg7[%get3A_325] {strides = array<i32>} : memref<2048xi32, #tpu.memory_space<vmem>>, vector<16xi32>,
      %get3A_327 = vector.shape_cast %get3A_326 : vector<16xi32> to vector<16xi32>
      %ge3A_328 = vector.broadcast %mul3A_2 : i32 to vector<16xi32>
      %ge3A_329 = arith.cmpi sge, %get3A_327, %ge3A_328 : vector<16xi32>
      %lt3A_330 = vector.broadcast %add3A_4 : i32 to vector<16xi32>
      %lt3A_331 = arith.cmpi slt, %get3A_327, %lt3A_330 : vector<16xi32>
      %and3A_332 = arith.andi %ge3A_329, %lt3A_331 : vector<16xi1>
      %jit3A_333 = arith.constant 8388608 : i32
      %broadcast_in_dim3A_334 = vector.broadcast %jit3A_333 : i32 to vector<16xi32>
      %select_n3A_335 = arith.select %and3A_332, %get3A_327, %broadcast_in_dim3A_334 : vector<16xi1>, vector<16xi32>
      %swap3A_336 = arith.constant 272 : index
      %swap3A_337 = tpu.vector_load %arg9[%swap3A_336] {strides = array<i32>} : memref<2048xi32, #tpu.memory_space<vmem>>, vector<16xi32>,
      %swap3A_338 = vector.shape_cast %swap3A_337 : vector<16xi32> to vector<16xi32>
      %swap3A_339 = vector.shape_cast %select_n3A_335 : vector<16xi32> to vector<16xi32>
      tpu.vector_store %arg9[%swap3A_336], %swap3A_339 {strides = array<i32>} : memref<2048xi32, #tpu.memory_space<vmem>>, vector<16xi32>,
      %get3A_340 = arith.constant 288 : index
      %get3A_341 = tpu.vector_load %arg7[%get3A_340] {strides = array<i32>} : memref<2048xi32, #tpu.memory_space<vmem>>, vector<16xi32>,
      %get3A_342 = vector.shape_cast %get3A_341 : vector<16xi32> to vector<16xi32>
      %ge3A_343 = vector.broadcast %mul3A_2 : i32 to vector<16xi32>
      %ge3A_344 = arith.cmpi sge, %get3A_342, %ge3A_343 : vector<16xi32>
      %lt3A_345 = vector.broadcast %add3A_4 : i32 to vector<16xi32>
      %lt3A_346 = arith.cmpi slt, %get3A_342, %lt3A_345 : vector<16xi32>
      %and3A_347 = arith.andi %ge3A_344, %lt3A_346 : vector<16xi1>
      %jit3A_348 = arith.constant 8388608 : i32
      %broadcast_in_dim3A_349 = vector.broadcast %jit3A_348 : i32 to vector<16xi32>
      %select_n3A_350 = arith.select %and3A_347, %get3A_342, %broadcast_in_dim3A_349 : vector<16xi1>, vector<16xi32>
      %swap3A_351 = arith.constant 288 : index
      %swap3A_352 = tpu.vector_load %arg9[%swap3A_351] {strides = array<i32>} : memref<2048xi32, #tpu.memory_space<vmem>>, vector<16xi32>,
      %swap3A_353 = vector.shape_cast %swap3A_352 : vector<16xi32> to vector<16xi32>
      %swap3A_354 = vector.shape_cast %select_n3A_350 : vector<16xi32> to vector<16xi32>
      tpu.vector_store %arg9[%swap3A_351], %swap3A_354 {strides = array<i32>} : memref<2048xi32, #tpu.memory_space<vmem>>, vector<16xi32>,
      %get3A_355 = arith.constant 304 : index
      %get3A_356 = tpu.vector_load %arg7[%get3A_355] {strides = array<i32>} : memref<2048xi32, #tpu.memory_space<vmem>>, vector<16xi32>,
      %get3A_357 = vector.shape_cast %get3A_356 : vector<16xi32> to vector<16xi32>
      %ge3A_358 = vector.broadcast %mul3A_2 : i32 to vector<16xi32>
      %ge3A_359 = arith.cmpi sge, %get3A_357, %ge3A_358 : vector<16xi32>
      %lt3A_360 = vector.broadcast %add3A_4 : i32 to vector<16xi32>
      %lt3A_361 = arith.cmpi slt, %get3A_357, %lt3A_360 : vector<16xi32>
      %and3A_362 = arith.andi %ge3A_359, %lt3A_361 : vector<16xi1>
      %jit3A_363 = arith.constant 8388608 : i32
      %broadcast_in_dim3A_364 = vector.broadcast %jit3A_363 : i32 to vector<16xi32>
      %select_n3A_365 = arith.select %and3A_362, %get3A_357, %broadcast_in_dim3A_364 : vector<16xi1>, vector<16xi32>
      %swap3A_366 = arith.constant 304 : index
      %swap3A_367 = tpu.vector_load %arg9[%swap3A_366] {strides = array<i32>} : memref<2048xi32, #tpu.memory_space<vmem>>, vector<16xi32>,
      %swap3A_368 = vector.shape_cast %swap3A_367 : vector<16xi32> to vector<16xi32>
      %swap3A_369 = vector.shape_cast %select_n3A_365 : vector<16xi32> to vector<16xi32>
      tpu.vector_store %arg9[%swap3A_366], %swap3A_369 {strides = array<i32>} : memref<2048xi32, #tpu.memory_space<vmem>>, vector<16xi32>,
      %get3A_370 = arith.constant 320 : index
      %get3A_371 = tpu.vector_load %arg7[%get3A_370] {strides = array<i32>} : memref<2048xi32, #tpu.memory_space<vmem>>, vector<16xi32>,
      %get3A_372 = vector.shape_cast %get3A_371 : vector<16xi32> to vector<16xi32>
      %ge3A_373 = vector.broadcast %mul3A_2 : i32 to vector<16xi32>
      %ge3A_374 = arith.cmpi sge, %get3A_372, %ge3A_373 : vector<16xi32>
      %lt3A_375 = vector.broadcast %add3A_4 : i32 to vector<16xi32>
      %lt3A_376 = arith.cmpi slt, %get3A_372, %lt3A_375 : vector<16xi32>
      %and3A_377 = arith.andi %ge3A_374, %lt3A_376 : vector<16xi1>
      %jit3A_378 = arith.constant 8388608 : i32
      %broadcast_in_dim3A_379 = vector.broadcast %jit3A_378 : i32 to vector<16xi32>
      %select_n3A_380 = arith.select %and3A_377, %get3A_372, %broadcast_in_dim3A_379 : vector<16xi1>, vector<16xi32>
      %swap3A_381 = arith.constant 320 : index
      %swap3A_382 = tpu.vector_load %arg9[%swap3A_381] {strides = array<i32>} : memref<2048xi32, #tpu.memory_space<vmem>>, vector<16xi32>,
      %swap3A_383 = vector.shape_cast %swap3A_382 : vector<16xi32> to vector<16xi32>
      %swap3A_384 = vector.shape_cast %select_n3A_380 : vector<16xi32> to vector<16xi32>
      tpu.vector_store %arg9[%swap3A_381], %swap3A_384 {strides = array<i32>} : memref<2048xi32, #tpu.memory_space<vmem>>, vector<16xi32>,
      %get3A_385 = arith.constant 336 : index
      %get3A_386 = tpu.vector_load %arg7[%get3A_385] {strides = array<i32>} : memref<2048xi32, #tpu.memory_space<vmem>>, vector<16xi32>,
      %get3A_387 = vector.shape_cast %get3A_386 : vector<16xi32> to vector<16xi32>
      %ge3A_388 = vector.broadcast %mul3A_2 : i32 to vector<16xi32>
      %ge3A_389 = arith.cmpi sge, %get3A_387, %ge3A_388 : vector<16xi32>
      %lt3A_390 = vector.broadcast %add3A_4 : i32 to vector<16xi32>
      %lt3A_391 = arith.cmpi slt, %get3A_387, %lt3A_390 : vector<16xi32>
      %and3A_392 = arith.andi %ge3A_389, %lt3A_391 : vector<16xi1>
      %jit3A_393 = arith.constant 8388608 : i32
      %broadcast_in_dim3A_394 = vector.broadcast %jit3A_393 : i32 to vector<16xi32>
      %select_n3A_395 = arith.select %and3A_392, %get3A_387, %broadcast_in_dim3A_394 : vector<16xi1>, vector<16xi32>
      %swap3A_396 = arith.constant 336 : index
      %swap3A_397 = tpu.vector_load %arg9[%swap3A_396] {strides = array<i32>} : memref<2048xi32, #tpu.memory_space<vmem>>, vector<16xi32>,
      %swap3A_398 = vector.shape_cast %swap3A_397 : vector<16xi32> to vector<16xi32>
      %swap3A_399 = vector.shape_cast %select_n3A_395 : vector<16xi32> to vector<16xi32>
      tpu.vector_store %arg9[%swap3A_396], %swap3A_399 {strides = array<i32>} : memref<2048xi32, #tpu.memory_space<vmem>>, vector<16xi32>,
      %get3A_400 = arith.constant 352 : index
      %get3A_401 = tpu.vector_load %arg7[%get3A_400] {strides = array<i32>} : memref<2048xi32, #tpu.memory_space<vmem>>, vector<16xi32>,
      %get3A_402 = vector.shape_cast %get3A_401 : vector<16xi32> to vector<16xi32>
      %ge3A_403 = vector.broadcast %mul3A_2 : i32 to vector<16xi32>
      %ge3A_404 = arith.cmpi sge, %get3A_402, %ge3A_403 : vector<16xi32>
      %lt3A_405 = vector.broadcast %add3A_4 : i32 to vector<16xi32>
      %lt3A_406 = arith.cmpi slt, %get3A_402, %lt3A_405 : vector<16xi32>
      %and3A_407 = arith.andi %ge3A_404, %lt3A_406 : vector<16xi1>
      %jit3A_408 = arith.constant 8388608 : i32
      %broadcast_in_dim3A_409 = vector.broadcast %jit3A_408 : i32 to vector<16xi32>
      %select_n3A_410 = arith.select %and3A_407, %get3A_402, %broadcast_in_dim3A_409 : vector<16xi1>, vector<16xi32>
      %swap3A_411 = arith.constant 352 : index
      %swap3A_412 = tpu.vector_load %arg9[%swap3A_411] {strides = array<i32>} : memref<2048xi32, #tpu.memory_space<vmem>>, vector<16xi32>,
      %swap3A_413 = vector.shape_cast %swap3A_412 : vector<16xi32> to vector<16xi32>
      %swap3A_414 = vector.shape_cast %select_n3A_410 : vector<16xi32> to vector<16xi32>
      tpu.vector_store %arg9[%swap3A_411], %swap3A_414 {strides = array<i32>} : memref<2048xi32, #tpu.memory_space<vmem>>, vector<16xi32>,
      %get3A_415 = arith.constant 368 : index
      %get3A_416 = tpu.vector_load %arg7[%get3A_415] {strides = array<i32>} : memref<2048xi32, #tpu.memory_space<vmem>>, vector<16xi32>,
      %get3A_417 = vector.shape_cast %get3A_416 : vector<16xi32> to vector<16xi32>
      %ge3A_418 = vector.broadcast %mul3A_2 : i32 to vector<16xi32>
      %ge3A_419 = arith.cmpi sge, %get3A_417, %ge3A_418 : vector<16xi32>
      %lt3A_420 = vector.broadcast %add3A_4 : i32 to vector<16xi32>
      %lt3A_421 = arith.cmpi slt, %get3A_417, %lt3A_420 : vector<16xi32>
      %and3A_422 = arith.andi %ge3A_419, %lt3A_421 : vector<16xi1>
      %jit3A_423 = arith.constant 8388608 : i32
      %broadcast_in_dim3A_424 = vector.broadcast %jit3A_423 : i32 to vector<16xi32>
      %select_n3A_425 = arith.select %and3A_422, %get3A_417, %broadcast_in_dim3A_424 : vector<16xi1>, vector<16xi32>
      %swap3A_426 = arith.constant 368 : index
      %swap3A_427 = tpu.vector_load %arg9[%swap3A_426] {strides = array<i32>} : memref<2048xi32, #tpu.memory_space<vmem>>, vector<16xi32>,
      %swap3A_428 = vector.shape_cast %swap3A_427 : vector<16xi32> to vector<16xi32>
      %swap3A_429 = vector.shape_cast %select_n3A_425 : vector<16xi32> to vector<16xi32>
      tpu.vector_store %arg9[%swap3A_426], %swap3A_429 {strides = array<i32>} : memref<2048xi32, #tpu.memory_space<vmem>>, vector<16xi32>,
      %get3A_430 = arith.constant 384 : index
      %get3A_431 = tpu.vector_load %arg7[%get3A_430] {strides = array<i32>} : memref<2048xi32, #tpu.memory_space<vmem>>, vector<16xi32>,
      %get3A_432 = vector.shape_cast %get3A_431 : vector<16xi32> to vector<16xi32>
      %ge3A_433 = vector.broadcast %mul3A_2 : i32 to vector<16xi32>
      %ge3A_434 = arith.cmpi sge, %get3A_432, %ge3A_433 : vector<16xi32>
      %lt3A_435 = vector.broadcast %add3A_4 : i32 to vector<16xi32>
      %lt3A_436 = arith.cmpi slt, %get3A_432, %lt3A_435 : vector<16xi32>
      %and3A_437 = arith.andi %ge3A_434, %lt3A_436 : vector<16xi1>
      %jit3A_438 = arith.constant 8388608 : i32
      %broadcast_in_dim3A_439 = vector.broadcast %jit3A_438 : i32 to vector<16xi32>
      %select_n3A_440 = arith.select %and3A_437, %get3A_432, %broadcast_in_dim3A_439 : vector<16xi1>, vector<16xi32>
      %swap3A_441 = arith.constant 384 : index
      %swap3A_442 = tpu.vector_load %arg9[%swap3A_441] {strides = array<i32>} : memref<2048xi32, #tpu.memory_space<vmem>>, vector<16xi32>,
      %swap3A_443 = vector.shape_cast %swap3A_442 : vector<16xi32> to vector<16xi32>
      %swap3A_444 = vector.shape_cast %select_n3A_440 : vector<16xi32> to vector<16xi32>
      tpu.vector_store %arg9[%swap3A_441], %swap3A_444 {strides = array<i32>} : memref<2048xi32, #tpu.memory_space<vmem>>, vector<16xi32>,
      %get3A_445 = arith.constant 400 : index
      %get3A_446 = tpu.vector_load %arg7[%get3A_445] {strides = array<i32>} : memref<2048xi32, #tpu.memory_space<vmem>>, vector<16xi32>,
      %get3A_447 = vector.shape_cast %get3A_446 : vector<16xi32> to vector<16xi32>
      %ge3A_448 = vector.broadcast %mul3A_2 : i32 to vector<16xi32>
      %ge3A_449 = arith.cmpi sge, %get3A_447, %ge3A_448 : vector<16xi32>
      %lt3A_450 = vector.broadcast %add3A_4 : i32 to vector<16xi32>
      %lt3A_451 = arith.cmpi slt, %get3A_447, %lt3A_450 : vector<16xi32>
      %and3A_452 = arith.andi %ge3A_449, %lt3A_451 : vector<16xi1>
      %jit3A_453 = arith.constant 8388608 : i32
      %broadcast_in_dim3A_454 = vector.broadcast %jit3A_453 : i32 to vector<16xi32>
      %select_n3A_455 = arith.select %and3A_452, %get3A_447, %broadcast_in_dim3A_454 : vector<16xi1>, vector<16xi32>
      %swap3A_456 = arith.constant 400 : index
      %swap3A_457 = tpu.vector_load %arg9[%swap3A_456] {strides = array<i32>} : memref<2048xi32, #tpu.memory_space<vmem>>, vector<16xi32>,
      %swap3A_458 = vector.shape_cast %swap3A_457 : vector<16xi32> to vector<16xi32>
      %swap3A_459 = vector.shape_cast %select_n3A_455 : vector<16xi32> to vector<16xi32>
      tpu.vector_store %arg9[%swap3A_456], %swap3A_459 {strides = array<i32>} : memref<2048xi32, #tpu.memory_space<vmem>>, vector<16xi32>,
      %get3A_460 = arith.constant 416 : index
      %get3A_461 = tpu.vector_load %arg7[%get3A_460] {strides = array<i32>} : memref<2048xi32, #tpu.memory_space<vmem>>, vector<16xi32>,
      %get3A_462 = vector.shape_cast %get3A_461 : vector<16xi32> to vector<16xi32>
      %ge3A_463 = vector.broadcast %mul3A_2 : i32 to vector<16xi32>
      %ge3A_464 = arith.cmpi sge, %get3A_462, %ge3A_463 : vector<16xi32>
      %lt3A_465 = vector.broadcast %add3A_4 : i32 to vector<16xi32>
      %lt3A_466 = arith.cmpi slt, %get3A_462, %lt3A_465 : vector<16xi32>
      %and3A_467 = arith.andi %ge3A_464, %lt3A_466 : vector<16xi1>
      %jit3A_468 = arith.constant 8388608 : i32
      %broadcast_in_dim3A_469 = vector.broadcast %jit3A_468 : i32 to vector<16xi32>
      %select_n3A_470 = arith.select %and3A_467, %get3A_462, %broadcast_in_dim3A_469 : vector<16xi1>, vector<16xi32>
      %swap3A_471 = arith.constant 416 : index
      %swap3A_472 = tpu.vector_load %arg9[%swap3A_471] {strides = array<i32>} : memref<2048xi32, #tpu.memory_space<vmem>>, vector<16xi32>,
      %swap3A_473 = vector.shape_cast %swap3A_472 : vector<16xi32> to vector<16xi32>
      %swap3A_474 = vector.shape_cast %select_n3A_470 : vector<16xi32> to vector<16xi32>
      tpu.vector_store %arg9[%swap3A_471], %swap3A_474 {strides = array<i32>} : memref<2048xi32, #tpu.memory_space<vmem>>, vector<16xi32>,
      %get3A_475 = arith.constant 432 : index
      %get3A_476 = tpu.vector_load %arg7[%get3A_475] {strides = array<i32>} : memref<2048xi32, #tpu.memory_space<vmem>>, vector<16xi32>,
      %get3A_477 = vector.shape_cast %get3A_476 : vector<16xi32> to vector<16xi32>
      %ge3A_478 = vector.broadcast %mul3A_2 : i32 to vector<16xi32>
      %ge3A_479 = arith.cmpi sge, %get3A_477, %ge3A_478 : vector<16xi32>
      %lt3A_480 = vector.broadcast %add3A_4 : i32 to vector<16xi32>
      %lt3A_481 = arith.cmpi slt, %get3A_477, %lt3A_480 : vector<16xi32>
      %and3A_482 = arith.andi %ge3A_479, %lt3A_481 : vector<16xi1>
      %jit3A_483 = arith.constant 8388608 : i32
      %broadcast_in_dim3A_484 = vector.broadcast %jit3A_483 : i32 to vector<16xi32>
      %select_n3A_485 = arith.select %and3A_482, %get3A_477, %broadcast_in_dim3A_484 : vector<16xi1>, vector<16xi32>
      %swap3A_486 = arith.constant 432 : index
      %swap3A_487 = tpu.vector_load %arg9[%swap3A_486] {strides = array<i32>} : memref<2048xi32, #tpu.memory_space<vmem>>, vector<16xi32>,
      %swap3A_488 = vector.shape_cast %swap3A_487 : vector<16xi32> to vector<16xi32>
      %swap3A_489 = vector.shape_cast %select_n3A_485 : vector<16xi32> to vector<16xi32>
      tpu.vector_store %arg9[%swap3A_486], %swap3A_489 {strides = array<i32>} : memref<2048xi32, #tpu.memory_space<vmem>>, vector<16xi32>,
      %get3A_490 = arith.constant 448 : index
      %get3A_491 = tpu.vector_load %arg7[%get3A_490] {strides = array<i32>} : memref<2048xi32, #tpu.memory_space<vmem>>, vector<16xi32>,
      %get3A_492 = vector.shape_cast %get3A_491 : vector<16xi32> to vector<16xi32>
      %ge3A_493 = vector.broadcast %mul3A_2 : i32 to vector<16xi32>
      %ge3A_494 = arith.cmpi sge, %get3A_492, %ge3A_493 : vector<16xi32>
      %lt3A_495 = vector.broadcast %add3A_4 : i32 to vector<16xi32>
      %lt3A_496 = arith.cmpi slt, %get3A_492, %lt3A_495 : vector<16xi32>
      %and3A_497 = arith.andi %ge3A_494, %lt3A_496 : vector<16xi1>
      %jit3A_498 = arith.constant 8388608 : i32
      %broadcast_in_dim3A_499 = vector.broadcast %jit3A_498 : i32 to vector<16xi32>
      %select_n3A_500 = arith.select %and3A_497, %get3A_492, %broadcast_in_dim3A_499 : vector<16xi1>, vector<16xi32>
      %swap3A_501 = arith.constant 448 : index
      %swap3A_502 = tpu.vector_load %arg9[%swap3A_501] {strides = array<i32>} : memref<2048xi32, #tpu.memory_space<vmem>>, vector<16xi32>,
      %swap3A_503 = vector.shape_cast %swap3A_502 : vector<16xi32> to vector<16xi32>
      %swap3A_504 = vector.shape_cast %select_n3A_500 : vector<16xi32> to vector<16xi32>
      tpu.vector_store %arg9[%swap3A_501], %swap3A_504 {strides = array<i32>} : memref<2048xi32, #tpu.memory_space<vmem>>, vector<16xi32>,
      %get3A_505 = arith.constant 464 : index
      %get3A_506 = tpu.vector_load %arg7[%get3A_505] {strides = array<i32>} : memref<2048xi32, #tpu.memory_space<vmem>>, vector<16xi32>,
      %get3A_507 = vector.shape_cast %get3A_506 : vector<16xi32> to vector<16xi32>
      %ge3A_508 = vector.broadcast %mul3A_2 : i32 to vector<16xi32>
      %ge3A_509 = arith.cmpi sge, %get3A_507, %ge3A_508 : vector<16xi32>
      %lt3A_510 = vector.broadcast %add3A_4 : i32 to vector<16xi32>
      %lt3A_511 = arith.cmpi slt, %get3A_507, %lt3A_510 : vector<16xi32>
      %and3A_512 = arith.andi %ge3A_509, %lt3A_511 : vector<16xi1>
      %jit3A_513 = arith.constant 8388608 : i32
      %broadcast_in_dim3A_514 = vector.broadcast %jit3A_513 : i32 to vector<16xi32>
      %select_n3A_515 = arith.select %and3A_512, %get3A_507, %broadcast_in_dim3A_514 : vector<16xi1>, vector<16xi32>
      %swap3A_516 = arith.constant 464 : index
      %swap3A_517 = tpu.vector_load %arg9[%swap3A_516] {strides = array<i32>} : memref<2048xi32, #tpu.memory_space<vmem>>, vector<16xi32>,
      %swap3A_518 = vector.shape_cast %swap3A_517 : vector<16xi32> to vector<16xi32>
      %swap3A_519 = vector.shape_cast %select_n3A_515 : vector<16xi32> to vector<16xi32>
      tpu.vector_store %arg9[%swap3A_516], %swap3A_519 {strides = array<i32>} : memref<2048xi32, #tpu.memory_space<vmem>>, vector<16xi32>,
      %get3A_520 = arith.constant 480 : index
      %get3A_521 = tpu.vector_load %arg7[%get3A_520] {strides = array<i32>} : memref<2048xi32, #tpu.memory_space<vmem>>, vector<16xi32>,
      %get3A_522 = vector.shape_cast %get3A_521 : vector<16xi32> to vector<16xi32>
      %ge3A_523 = vector.broadcast %mul3A_2 : i32 to vector<16xi32>
      %ge3A_524 = arith.cmpi sge, %get3A_522, %ge3A_523 : vector<16xi32>
      %lt3A_525 = vector.broadcast %add3A_4 : i32 to vector<16xi32>
      %lt3A_526 = arith.cmpi slt, %get3A_522, %lt3A_525 : vector<16xi32>
      %and3A_527 = arith.andi %ge3A_524, %lt3A_526 : vector<16xi1>
      %jit3A_528 = arith.constant 8388608 : i32
      %broadcast_in_dim3A_529 = vector.broadcast %jit3A_528 : i32 to vector<16xi32>
      %select_n3A_530 = arith.select %and3A_527, %get3A_522, %broadcast_in_dim3A_529 : vector<16xi1>, vector<16xi32>
      %swap3A_531 = arith.constant 480 : index
      %swap3A_532 = tpu.vector_load %arg9[%swap3A_531] {strides = array<i32>} : memref<2048xi32, #tpu.memory_space<vmem>>, vector<16xi32>,
      %swap3A_533 = vector.shape_cast %swap3A_532 : vector<16xi32> to vector<16xi32>
      %swap3A_534 = vector.shape_cast %select_n3A_530 : vector<16xi32> to vector<16xi32>
      tpu.vector_store %arg9[%swap3A_531], %swap3A_534 {strides = array<i32>} : memref<2048xi32, #tpu.memory_space<vmem>>, vector<16xi32>,
      %get3A_535 = arith.constant 496 : index
      %get3A_536 = tpu.vector_load %arg7[%get3A_535] {strides = array<i32>} : memref<2048xi32, #tpu.memory_space<vmem>>, vector<16xi32>,
      %get3A_537 = vector.shape_cast %get3A_536 : vector<16xi32> to vector<16xi32>
      %ge3A_538 = vector.broadcast %mul3A_2 : i32 to vector<16xi32>
      %ge3A_539 = arith.cmpi sge, %get3A_537, %ge3A_538 : vector<16xi32>
      %lt3A_540 = vector.broadcast %add3A_4 : i32 to vector<16xi32>
      %lt3A_541 = arith.cmpi slt, %get3A_537, %lt3A_540 : vector<16xi32>
      %and3A_542 = arith.andi %ge3A_539, %lt3A_541 : vector<16xi1>
      %jit3A_543 = arith.constant 8388608 : i32
      %broadcast_in_dim3A_544 = vector.broadcast %jit3A_543 : i32 to vector<16xi32>
      %select_n3A_545 = arith.select %and3A_542, %get3A_537, %broadcast_in_dim3A_544 : vector<16xi1>, vector<16xi32>
      %swap3A_546 = arith.constant 496 : index
      %swap3A_547 = tpu.vector_load %arg9[%swap3A_546] {strides = array<i32>} : memref<2048xi32, #tpu.memory_space<vmem>>, vector<16xi32>,
      %swap3A_548 = vector.shape_cast %swap3A_547 : vector<16xi32> to vector<16xi32>
      %swap3A_549 = vector.shape_cast %select_n3A_545 : vector<16xi32> to vector<16xi32>
      tpu.vector_store %arg9[%swap3A_546], %swap3A_549 {strides = array<i32>} : memref<2048xi32, #tpu.memory_space<vmem>>, vector<16xi32>,
      %get3A_550 = arith.constant 512 : index
      %get3A_551 = tpu.vector_load %arg7[%get3A_550] {strides = array<i32>} : memref<2048xi32, #tpu.memory_space<vmem>>, vector<16xi32>,
      %get3A_552 = vector.shape_cast %get3A_551 : vector<16xi32> to vector<16xi32>
      %ge3A_553 = vector.broadcast %mul3A_2 : i32 to vector<16xi32>
      %ge3A_554 = arith.cmpi sge, %get3A_552, %ge3A_553 : vector<16xi32>
      %lt3A_555 = vector.broadcast %add3A_4 : i32 to vector<16xi32>
      %lt3A_556 = arith.cmpi slt, %get3A_552, %lt3A_555 : vector<16xi32>
      %and3A_557 = arith.andi %ge3A_554, %lt3A_556 : vector<16xi1>
      %jit3A_558 = arith.constant 8388608 : i32
      %broadcast_in_dim3A_559 = vector.broadcast %jit3A_558 : i32 to vector<16xi32>
      %select_n3A_560 = arith.select %and3A_557, %get3A_552, %broadcast_in_dim3A_559 : vector<16xi1>, vector<16xi32>
      %swap3A_561 = arith.constant 512 : index
      %swap3A_562 = tpu.vector_load %arg9[%swap3A_561] {strides = array<i32>} : memref<2048xi32, #tpu.memory_space<vmem>>, vector<16xi32>,
      %swap3A_563 = vector.shape_cast %swap3A_562 : vector<16xi32> to vector<16xi32>
      %swap3A_564 = vector.shape_cast %select_n3A_560 : vector<16xi32> to vector<16xi32>
      tpu.vector_store %arg9[%swap3A_561], %swap3A_564 {strides = array<i32>} : memref<2048xi32, #tpu.memory_space<vmem>>, vector<16xi32>,
      %get3A_565 = arith.constant 528 : index
      %get3A_566 = tpu.vector_load %arg7[%get3A_565] {strides = array<i32>} : memref<2048xi32, #tpu.memory_space<vmem>>, vector<16xi32>,
      %get3A_567 = vector.shape_cast %get3A_566 : vector<16xi32> to vector<16xi32>
      %ge3A_568 = vector.broadcast %mul3A_2 : i32 to vector<16xi32>
      %ge3A_569 = arith.cmpi sge, %get3A_567, %ge3A_568 : vector<16xi32>
      %lt3A_570 = vector.broadcast %add3A_4 : i32 to vector<16xi32>
      %lt3A_571 = arith.cmpi slt, %get3A_567, %lt3A_570 : vector<16xi32>
      %and3A_572 = arith.andi %ge3A_569, %lt3A_571 : vector<16xi1>
      %jit3A_573 = arith.constant 8388608 : i32
      %broadcast_in_dim3A_574 = vector.broadcast %jit3A_573 : i32 to vector<16xi32>
      %select_n3A_575 = arith.select %and3A_572, %get3A_567, %broadcast_in_dim3A_574 : vector<16xi1>, vector<16xi32>
      %swap3A_576 = arith.constant 528 : index
      %swap3A_577 = tpu.vector_load %arg9[%swap3A_576] {strides = array<i32>} : memref<2048xi32, #tpu.memory_space<vmem>>, vector<16xi32>,
      %swap3A_578 = vector.shape_cast %swap3A_577 : vector<16xi32> to vector<16xi32>
      %swap3A_579 = vector.shape_cast %select_n3A_575 : vector<16xi32> to vector<16xi32>
      tpu.vector_store %arg9[%swap3A_576], %swap3A_579 {strides = array<i32>} : memref<2048xi32, #tpu.memory_space<vmem>>, vector<16xi32>,
      %get3A_580 = arith.constant 544 : index
      %get3A_581 = tpu.vector_load %arg7[%get3A_580] {strides = array<i32>} : memref<2048xi32, #tpu.memory_space<vmem>>, vector<16xi32>,
      %get3A_582 = vector.shape_cast %get3A_581 : vector<16xi32> to vector<16xi32>
      %ge3A_583 = vector.broadcast %mul3A_2 : i32 to vector<16xi32>
      %ge3A_584 = arith.cmpi sge, %get3A_582, %ge3A_583 : vector<16xi32>
      %lt3A_585 = vector.broadcast %add3A_4 : i32 to vector<16xi32>
      %lt3A_586 = arith.cmpi slt, %get3A_582, %lt3A_585 : vector<16xi32>
      %and3A_587 = arith.andi %ge3A_584, %lt3A_586 : vector<16xi1>
      %jit3A_588 = arith.constant 8388608 : i32
      %broadcast_in_dim3A_589 = vector.broadcast %jit3A_588 : i32 to vector<16xi32>
      %select_n3A_590 = arith.select %and3A_587, %get3A_582, %broadcast_in_dim3A_589 : vector<16xi1>, vector<16xi32>
      %swap3A_591 = arith.constant 544 : index
      %swap3A_592 = tpu.vector_load %arg9[%swap3A_591] {strides = array<i32>} : memref<2048xi32, #tpu.memory_space<vmem>>, vector<16xi32>,
      %swap3A_593 = vector.shape_cast %swap3A_592 : vector<16xi32> to vector<16xi32>
      %swap3A_594 = vector.shape_cast %select_n3A_590 : vector<16xi32> to vector<16xi32>
      tpu.vector_store %arg9[%swap3A_591], %swap3A_594 {strides = array<i32>} : memref<2048xi32, #tpu.memory_space<vmem>>, vector<16xi32>,
      %get3A_595 = arith.constant 560 : index
      %get3A_596 = tpu.vector_load %arg7[%get3A_595] {strides = array<i32>} : memref<2048xi32, #tpu.memory_space<vmem>>, vector<16xi32>,
      %get3A_597 = vector.shape_cast %get3A_596 : vector<16xi32> to vector<16xi32>
      %ge3A_598 = vector.broadcast %mul3A_2 : i32 to vector<16xi32>
      %ge3A_599 = arith.cmpi sge, %get3A_597, %ge3A_598 : vector<16xi32>
      %lt3A_600 = vector.broadcast %add3A_4 : i32 to vector<16xi32>
      %lt3A_601 = arith.cmpi slt, %get3A_597, %lt3A_600 : vector<16xi32>
      %and3A_602 = arith.andi %ge3A_599, %lt3A_601 : vector<16xi1>
      %jit3A_603 = arith.constant 8388608 : i32
      %broadcast_in_dim3A_604 = vector.broadcast %jit3A_603 : i32 to vector<16xi32>
      %select_n3A_605 = arith.select %and3A_602, %get3A_597, %broadcast_in_dim3A_604 : vector<16xi1>, vector<16xi32>
      %swap3A_606 = arith.constant 560 : index
      %swap3A_607 = tpu.vector_load %arg9[%swap3A_606] {strides = array<i32>} : memref<2048xi32, #tpu.memory_space<vmem>>, vector<16xi32>,
      %swap3A_608 = vector.shape_cast %swap3A_607 : vector<16xi32> to vector<16xi32>
      %swap3A_609 = vector.shape_cast %select_n3A_605 : vector<16xi32> to vector<16xi32>
      tpu.vector_store %arg9[%swap3A_606], %swap3A_609 {strides = array<i32>} : memref<2048xi32, #tpu.memory_space<vmem>>, vector<16xi32>,
      %get3A_610 = arith.constant 576 : index
      %get3A_611 = tpu.vector_load %arg7[%get3A_610] {strides = array<i32>} : memref<2048xi32, #tpu.memory_space<vmem>>, vector<16xi32>,
      %get3A_612 = vector.shape_cast %get3A_611 : vector<16xi32> to vector<16xi32>
      %ge3A_613 = vector.broadcast %mul3A_2 : i32 to vector<16xi32>
      %ge3A_614 = arith.cmpi sge, %get3A_612, %ge3A_613 : vector<16xi32>
      %lt3A_615 = vector.broadcast %add3A_4 : i32 to vector<16xi32>
      %lt3A_616 = arith.cmpi slt, %get3A_612, %lt3A_615 : vector<16xi32>
      %and3A_617 = arith.andi %ge3A_614, %lt3A_616 : vector<16xi1>
      %jit3A_618 = arith.constant 8388608 : i32
      %broadcast_in_dim3A_619 = vector.broadcast %jit3A_618 : i32 to vector<16xi32>
      %select_n3A_620 = arith.select %and3A_617, %get3A_612, %broadcast_in_dim3A_619 : vector<16xi1>, vector<16xi32>
      %swap3A_621 = arith.constant 576 : index
      %swap3A_622 = tpu.vector_load %arg9[%swap3A_621] {strides = array<i32>} : memref<2048xi32, #tpu.memory_space<vmem>>, vector<16xi32>,
      %swap3A_623 = vector.shape_cast %swap3A_622 : vector<16xi32> to vector<16xi32>
      %swap3A_624 = vector.shape_cast %select_n3A_620 : vector<16xi32> to vector<16xi32>
      tpu.vector_store %arg9[%swap3A_621], %swap3A_624 {strides = array<i32>} : memref<2048xi32, #tpu.memory_space<vmem>>, vector<16xi32>,
      %get3A_625 = arith.constant 592 : index
      %get3A_626 = tpu.vector_load %arg7[%get3A_625] {strides = array<i32>} : memref<2048xi32, #tpu.memory_space<vmem>>, vector<16xi32>,
      %get3A_627 = vector.shape_cast %get3A_626 : vector<16xi32> to vector<16xi32>
      %ge3A_628 = vector.broadcast %mul3A_2 : i32 to vector<16xi32>
      %ge3A_629 = arith.cmpi sge, %get3A_627, %ge3A_628 : vector<16xi32>
      %lt3A_630 = vector.broadcast %add3A_4 : i32 to vector<16xi32>
      %lt3A_631 = arith.cmpi slt, %get3A_627, %lt3A_630 : vector<16xi32>
      %and3A_632 = arith.andi %ge3A_629, %lt3A_631 : vector<16xi1>
      %jit3A_633 = arith.constant 8388608 : i32
      %broadcast_in_dim3A_634 = vector.broadcast %jit3A_633 : i32 to vector<16xi32>
      %select_n3A_635 = arith.select %and3A_632, %get3A_627, %broadcast_in_dim3A_634 : vector<16xi1>, vector<16xi32>
      %swap3A_636 = arith.constant 592 : index
      %swap3A_637 = tpu.vector_load %arg9[%swap3A_636] {strides = array<i32>} : memref<2048xi32, #tpu.memory_space<vmem>>, vector<16xi32>,
      %swap3A_638 = vector.shape_cast %swap3A_637 : vector<16xi32> to vector<16xi32>
      %swap3A_639 = vector.shape_cast %select_n3A_635 : vector<16xi32> to vector<16xi32>
      tpu.vector_store %arg9[%swap3A_636], %swap3A_639 {strides = array<i32>} : memref<2048xi32, #tpu.memory_space<vmem>>, vector<16xi32>,
      %get3A_640 = arith.constant 608 : index
      %get3A_641 = tpu.vector_load %arg7[%get3A_640] {strides = array<i32>} : memref<2048xi32, #tpu.memory_space<vmem>>, vector<16xi32>,
      %get3A_642 = vector.shape_cast %get3A_641 : vector<16xi32> to vector<16xi32>
      %ge3A_643 = vector.broadcast %mul3A_2 : i32 to vector<16xi32>
      %ge3A_644 = arith.cmpi sge, %get3A_642, %ge3A_643 : vector<16xi32>
      %lt3A_645 = vector.broadcast %add3A_4 : i32 to vector<16xi32>
      %lt3A_646 = arith.cmpi slt, %get3A_642, %lt3A_645 : vector<16xi32>
      %and3A_647 = arith.andi %ge3A_644, %lt3A_646 : vector<16xi1>
      %jit3A_648 = arith.constant 8388608 : i32
      %broadcast_in_dim3A_649 = vector.broadcast %jit3A_648 : i32 to vector<16xi32>
      %select_n3A_650 = arith.select %and3A_647, %get3A_642, %broadcast_in_dim3A_649 : vector<16xi1>, vector<16xi32>
      %swap3A_651 = arith.constant 608 : index
      %swap3A_652 = tpu.vector_load %arg9[%swap3A_651] {strides = array<i32>} : memref<2048xi32, #tpu.memory_space<vmem>>, vector<16xi32>,
      %swap3A_653 = vector.shape_cast %swap3A_652 : vector<16xi32> to vector<16xi32>
      %swap3A_654 = vector.shape_cast %select_n3A_650 : vector<16xi32> to vector<16xi32>
      tpu.vector_store %arg9[%swap3A_651], %swap3A_654 {strides = array<i32>} : memref<2048xi32, #tpu.memory_space<vmem>>, vector<16xi32>,
      %get3A_655 = arith.constant 624 : index
      %get3A_656 = tpu.vector_load %arg7[%get3A_655] {strides = array<i32>} : memref<2048xi32, #tpu.memory_space<vmem>>, vector<16xi32>,
      %get3A_657 = vector.shape_cast %get3A_656 : vector<16xi32> to vector<16xi32>
      %ge3A_658 = vector.broadcast %mul3A_2 : i32 to vector<16xi32>
      %ge3A_659 = arith.cmpi sge, %get3A_657, %ge3A_658 : vector<16xi32>
      %lt3A_660 = vector.broadcast %add3A_4 : i32 to vector<16xi32>
      %lt3A_661 = arith.cmpi slt, %get3A_657, %lt3A_660 : vector<16xi32>
      %and3A_662 = arith.andi %ge3A_659, %lt3A_661 : vector<16xi1>
      %jit3A_663 = arith.constant 8388608 : i32
      %broadcast_in_dim3A_664 = vector.broadcast %jit3A_663 : i32 to vector<16xi32>
      %select_n3A_665 = arith.select %and3A_662, %get3A_657, %broadcast_in_dim3A_664 : vector<16xi1>, vector<16xi32>
      %swap3A_666 = arith.constant 624 : index
      %swap3A_667 = tpu.vector_load %arg9[%swap3A_666] {strides = array<i32>} : memref<2048xi32, #tpu.memory_space<vmem>>, vector<16xi32>,
      %swap3A_668 = vector.shape_cast %swap3A_667 : vector<16xi32> to vector<16xi32>
      %swap3A_669 = vector.shape_cast %select_n3A_665 : vector<16xi32> to vector<16xi32>
      tpu.vector_store %arg9[%swap3A_666], %swap3A_669 {strides = array<i32>} : memref<2048xi32, #tpu.memory_space<vmem>>, vector<16xi32>,
      %get3A_670 = arith.constant 640 : index
      %get3A_671 = tpu.vector_load %arg7[%get3A_670] {strides = array<i32>} : memref<2048xi32, #tpu.memory_space<vmem>>, vector<16xi32>,
      %get3A_672 = vector.shape_cast %get3A_671 : vector<16xi32> to vector<16xi32>
      %ge3A_673 = vector.broadcast %mul3A_2 : i32 to vector<16xi32>
      %ge3A_674 = arith.cmpi sge, %get3A_672, %ge3A_673 : vector<16xi32>
      %lt3A_675 = vector.broadcast %add3A_4 : i32 to vector<16xi32>
      %lt3A_676 = arith.cmpi slt, %get3A_672, %lt3A_675 : vector<16xi32>
      %and3A_677 = arith.andi %ge3A_674, %lt3A_676 : vector<16xi1>
      %jit3A_678 = arith.constant 8388608 : i32
      %broadcast_in_dim3A_679 = vector.broadcast %jit3A_678 : i32 to vector<16xi32>
      %select_n3A_680 = arith.select %and3A_677, %get3A_672, %broadcast_in_dim3A_679 : vector<16xi1>, vector<16xi32>
      %swap3A_681 = arith.constant 640 : index
      %swap3A_682 = tpu.vector_load %arg9[%swap3A_681] {strides = array<i32>} : memref<2048xi32, #tpu.memory_space<vmem>>, vector<16xi32>,
      %swap3A_683 = vector.shape_cast %swap3A_682 : vector<16xi32> to vector<16xi32>
      %swap3A_684 = vector.shape_cast %select_n3A_680 : vector<16xi32> to vector<16xi32>
      tpu.vector_store %arg9[%swap3A_681], %swap3A_684 {strides = array<i32>} : memref<2048xi32, #tpu.memory_space<vmem>>, vector<16xi32>,
      %get3A_685 = arith.constant 656 : index
      %get3A_686 = tpu.vector_load %arg7[%get3A_685] {strides = array<i32>} : memref<2048xi32, #tpu.memory_space<vmem>>, vector<16xi32>,
      %get3A_687 = vector.shape_cast %get3A_686 : vector<16xi32> to vector<16xi32>
      %ge3A_688 = vector.broadcast %mul3A_2 : i32 to vector<16xi32>
      %ge3A_689 = arith.cmpi sge, %get3A_687, %ge3A_688 : vector<16xi32>
      %lt3A_690 = vector.broadcast %add3A_4 : i32 to vector<16xi32>
      %lt3A_691 = arith.cmpi slt, %get3A_687, %lt3A_690 : vector<16xi32>
      %and3A_692 = arith.andi %ge3A_689, %lt3A_691 : vector<16xi1>
      %jit3A_693 = arith.constant 8388608 : i32
      %broadcast_in_dim3A_694 = vector.broadcast %jit3A_693 : i32 to vector<16xi32>
      %select_n3A_695 = arith.select %and3A_692, %get3A_687, %broadcast_in_dim3A_694 : vector<16xi1>, vector<16xi32>
      %swap3A_696 = arith.constant 656 : index
      %swap3A_697 = tpu.vector_load %arg9[%swap3A_696] {strides = array<i32>} : memref<2048xi32, #tpu.memory_space<vmem>>, vector<16xi32>,
      %swap3A_698 = vector.shape_cast %swap3A_697 : vector<16xi32> to vector<16xi32>
      %swap3A_699 = vector.shape_cast %select_n3A_695 : vector<16xi32> to vector<16xi32>
      tpu.vector_store %arg9[%swap3A_696], %swap3A_699 {strides = array<i32>} : memref<2048xi32, #tpu.memory_space<vmem>>, vector<16xi32>,
      %get3A_700 = arith.constant 672 : index
      %get3A_701 = tpu.vector_load %arg7[%get3A_700] {strides = array<i32>} : memref<2048xi32, #tpu.memory_space<vmem>>, vector<16xi32>,
      %get3A_702 = vector.shape_cast %get3A_701 : vector<16xi32> to vector<16xi32>
      %ge3A_703 = vector.broadcast %mul3A_2 : i32 to vector<16xi32>
      %ge3A_704 = arith.cmpi sge, %get3A_702, %ge3A_703 : vector<16xi32>
      %lt3A_705 = vector.broadcast %add3A_4 : i32 to vector<16xi32>
      %lt3A_706 = arith.cmpi slt, %get3A_702, %lt3A_705 : vector<16xi32>
      %and3A_707 = arith.andi %ge3A_704, %lt3A_706 : vector<16xi1>
      %jit3A_708 = arith.constant 8388608 : i32
      %broadcast_in_dim3A_709 = vector.broadcast %jit3A_708 : i32 to vector<16xi32>
      %select_n3A_710 = arith.select %and3A_707, %get3A_702, %broadcast_in_dim3A_709 : vector<16xi1>, vector<16xi32>
      %swap3A_711 = arith.constant 672 : index
      %swap3A_712 = tpu.vector_load %arg9[%swap3A_711] {strides = array<i32>} : memref<2048xi32, #tpu.memory_space<vmem>>, vector<16xi32>,
      %swap3A_713 = vector.shape_cast %swap3A_712 : vector<16xi32> to vector<16xi32>
      %swap3A_714 = vector.shape_cast %select_n3A_710 : vector<16xi32> to vector<16xi32>
      tpu.vector_store %arg9[%swap3A_711], %swap3A_714 {strides = array<i32>} : memref<2048xi32, #tpu.memory_space<vmem>>, vector<16xi32>,
      %get3A_715 = arith.constant 688 : index
      %get3A_716 = tpu.vector_load %arg7[%get3A_715] {strides = array<i32>} : memref<2048xi32, #tpu.memory_space<vmem>>, vector<16xi32>,
      %get3A_717 = vector.shape_cast %get3A_716 : vector<16xi32> to vector<16xi32>
      %ge3A_718 = vector.broadcast %mul3A_2 : i32 to vector<16xi32>
      %ge3A_719 = arith.cmpi sge, %get3A_717, %ge3A_718 : vector<16xi32>
      %lt3A_720 = vector.broadcast %add3A_4 : i32 to vector<16xi32>
      %lt3A_721 = arith.cmpi slt, %get3A_717, %lt3A_720 : vector<16xi32>
      %and3A_722 = arith.andi %ge3A_719, %lt3A_721 : vector<16xi1>
      %jit3A_723 = arith.constant 8388608 : i32
      %broadcast_in_dim3A_724 = vector.broadcast %jit3A_723 : i32 to vector<16xi32>
      %select_n3A_725 = arith.select %and3A_722, %get3A_717, %broadcast_in_dim3A_724 : vector<16xi1>, vector<16xi32>
      %swap3A_726 = arith.constant 688 : index
      %swap3A_727 = tpu.vector_load %arg9[%swap3A_726] {strides = array<i32>} : memref<2048xi32, #tpu.memory_space<vmem>>, vector<16xi32>,
      %swap3A_728 = vector.shape_cast %swap3A_727 : vector<16xi32> to vector<16xi32>
      %swap3A_729 = vector.shape_cast %select_n3A_725 : vector<16xi32> to vector<16xi32>
      tpu.vector_store %arg9[%swap3A_726], %swap3A_729 {strides = array<i32>} : memref<2048xi32, #tpu.memory_space<vmem>>, vector<16xi32>,
      %get3A_730 = arith.constant 704 : index
      %get3A_731 = tpu.vector_load %arg7[%get3A_730] {strides = array<i32>} : memref<2048xi32, #tpu.memory_space<vmem>>, vector<16xi32>,
      %get3A_732 = vector.shape_cast %get3A_731 : vector<16xi32> to vector<16xi32>
      %ge3A_733 = vector.broadcast %mul3A_2 : i32 to vector<16xi32>
      %ge3A_734 = arith.cmpi sge, %get3A_732, %ge3A_733 : vector<16xi32>
      %lt3A_735 = vector.broadcast %add3A_4 : i32 to vector<16xi32>
      %lt3A_736 = arith.cmpi slt, %get3A_732, %lt3A_735 : vector<16xi32>
      %and3A_737 = arith.andi %ge3A_734, %lt3A_736 : vector<16xi1>
      %jit3A_738 = arith.constant 8388608 : i32
      %broadcast_in_dim3A_739 = vector.broadcast %jit3A_738 : i32 to vector<16xi32>
      %select_n3A_740 = arith.select %and3A_737, %get3A_732, %broadcast_in_dim3A_739 : vector<16xi1>, vector<16xi32>
      %swap3A_741 = arith.constant 704 : index
      %swap3A_742 = tpu.vector_load %arg9[%swap3A_741] {strides = array<i32>} : memref<2048xi32, #tpu.memory_space<vmem>>, vector<16xi32>,
      %swap3A_743 = vector.shape_cast %swap3A_742 : vector<16xi32> to vector<16xi32>
      %swap3A_744 = vector.shape_cast %select_n3A_740 : vector<16xi32> to vector<16xi32>
      tpu.vector_store %arg9[%swap3A_741], %swap3A_744 {strides = array<i32>} : memref<2048xi32, #tpu.memory_space<vmem>>, vector<16xi32>,
      %get3A_745 = arith.constant 720 : index
      %get3A_746 = tpu.vector_load %arg7[%get3A_745] {strides = array<i32>} : memref<2048xi32, #tpu.memory_space<vmem>>, vector<16xi32>,
      %get3A_747 = vector.shape_cast %get3A_746 : vector<16xi32> to vector<16xi32>
      %ge3A_748 = vector.broadcast %mul3A_2 : i32 to vector<16xi32>
      %ge3A_749 = arith.cmpi sge, %get3A_747, %ge3A_748 : vector<16xi32>
      %lt3A_750 = vector.broadcast %add3A_4 : i32 to vector<16xi32>
      %lt3A_751 = arith.cmpi slt, %get3A_747, %lt3A_750 : vector<16xi32>
      %and3A_752 = arith.andi %ge3A_749, %lt3A_751 : vector<16xi1>
      %jit3A_753 = arith.constant 8388608 : i32
      %broadcast_in_dim3A_754 = vector.broadcast %jit3A_753 : i32 to vector<16xi32>
      %select_n3A_755 = arith.select %and3A_752, %get3A_747, %broadcast_in_dim3A_754 : vector<16xi1>, vector<16xi32>
      %swap3A_756 = arith.constant 720 : index
      %swap3A_757 = tpu.vector_load %arg9[%swap3A_756] {strides = array<i32>} : memref<2048xi32, #tpu.memory_space<vmem>>, vector<16xi32>,
      %swap3A_758 = vector.shape_cast %swap3A_757 : vector<16xi32> to vector<16xi32>
      %swap3A_759 = vector.shape_cast %select_n3A_755 : vector<16xi32> to vector<16xi32>
      tpu.vector_store %arg9[%swap3A_756], %swap3A_759 {strides = array<i32>} : memref<2048xi32, #tpu.memory_space<vmem>>, vector<16xi32>,
      %get3A_760 = arith.constant 736 : index
      %get3A_761 = tpu.vector_load %arg7[%get3A_760] {strides = array<i32>} : memref<2048xi32, #tpu.memory_space<vmem>>, vector<16xi32>,
      %get3A_762 = vector.shape_cast %get3A_761 : vector<16xi32> to vector<16xi32>
      %ge3A_763 = vector.broadcast %mul3A_2 : i32 to vector<16xi32>
      %ge3A_764 = arith.cmpi sge, %get3A_762, %ge3A_763 : vector<16xi32>
      %lt3A_765 = vector.broadcast %add3A_4 : i32 to vector<16xi32>
      %lt3A_766 = arith.cmpi slt, %get3A_762, %lt3A_765 : vector<16xi32>
      %and3A_767 = arith.andi %ge3A_764, %lt3A_766 : vector<16xi1>
      %jit3A_768 = arith.constant 8388608 : i32
      %broadcast_in_dim3A_769 = vector.broadcast %jit3A_768 : i32 to vector<16xi32>
      %select_n3A_770 = arith.select %and3A_767, %get3A_762, %broadcast_in_dim3A_769 : vector<16xi1>, vector<16xi32>
      %swap3A_771 = arith.constant 736 : index
      %swap3A_772 = tpu.vector_load %arg9[%swap3A_771] {strides = array<i32>} : memref<2048xi32, #tpu.memory_space<vmem>>, vector<16xi32>,
      %swap3A_773 = vector.shape_cast %swap3A_772 : vector<16xi32> to vector<16xi32>
      %swap3A_774 = vector.shape_cast %select_n3A_770 : vector<16xi32> to vector<16xi32>
      tpu.vector_store %arg9[%swap3A_771], %swap3A_774 {strides = array<i32>} : memref<2048xi32, #tpu.memory_space<vmem>>, vector<16xi32>,
      %get3A_775 = arith.constant 752 : index
      %get3A_776 = tpu.vector_load %arg7[%get3A_775] {strides = array<i32>} : memref<2048xi32, #tpu.memory_space<vmem>>, vector<16xi32>,
      %get3A_777 = vector.shape_cast %get3A_776 : vector<16xi32> to vector<16xi32>
      %ge3A_778 = vector.broadcast %mul3A_2 : i32 to vector<16xi32>
      %ge3A_779 = arith.cmpi sge, %get3A_777, %ge3A_778 : vector<16xi32>
      %lt3A_780 = vector.broadcast %add3A_4 : i32 to vector<16xi32>
      %lt3A_781 = arith.cmpi slt, %get3A_777, %lt3A_780 : vector<16xi32>
      %and3A_782 = arith.andi %ge3A_779, %lt3A_781 : vector<16xi1>
      %jit3A_783 = arith.constant 8388608 : i32
      %broadcast_in_dim3A_784 = vector.broadcast %jit3A_783 : i32 to vector<16xi32>
      %select_n3A_785 = arith.select %and3A_782, %get3A_777, %broadcast_in_dim3A_784 : vector<16xi1>, vector<16xi32>
      %swap3A_786 = arith.constant 752 : index
      %swap3A_787 = tpu.vector_load %arg9[%swap3A_786] {strides = array<i32>} : memref<2048xi32, #tpu.memory_space<vmem>>, vector<16xi32>,
      %swap3A_788 = vector.shape_cast %swap3A_787 : vector<16xi32> to vector<16xi32>
      %swap3A_789 = vector.shape_cast %select_n3A_785 : vector<16xi32> to vector<16xi32>
      tpu.vector_store %arg9[%swap3A_786], %swap3A_789 {strides = array<i32>} : memref<2048xi32, #tpu.memory_space<vmem>>, vector<16xi32>,
      %get3A_790 = arith.constant 768 : index
      %get3A_791 = tpu.vector_load %arg7[%get3A_790] {strides = array<i32>} : memref<2048xi32, #tpu.memory_space<vmem>>, vector<16xi32>,
      %get3A_792 = vector.shape_cast %get3A_791 : vector<16xi32> to vector<16xi32>
      %ge3A_793 = vector.broadcast %mul3A_2 : i32 to vector<16xi32>
      %ge3A_794 = arith.cmpi sge, %get3A_792, %ge3A_793 : vector<16xi32>
      %lt3A_795 = vector.broadcast %add3A_4 : i32 to vector<16xi32>
      %lt3A_796 = arith.cmpi slt, %get3A_792, %lt3A_795 : vector<16xi32>
      %and3A_797 = arith.andi %ge3A_794, %lt3A_796 : vector<16xi1>
      %jit3A_798 = arith.constant 8388608 : i32
      %broadcast_in_dim3A_799 = vector.broadcast %jit3A_798 : i32 to vector<16xi32>
      %select_n3A_800 = arith.select %and3A_797, %get3A_792, %broadcast_in_dim3A_799 : vector<16xi1>, vector<16xi32>
      %swap3A_801 = arith.constant 768 : index
      %swap3A_802 = tpu.vector_load %arg9[%swap3A_801] {strides = array<i32>} : memref<2048xi32, #tpu.memory_space<vmem>>, vector<16xi32>,
      %swap3A_803 = vector.shape_cast %swap3A_802 : vector<16xi32> to vector<16xi32>
      %swap3A_804 = vector.shape_cast %select_n3A_800 : vector<16xi32> to vector<16xi32>
      tpu.vector_store %arg9[%swap3A_801], %swap3A_804 {strides = array<i32>} : memref<2048xi32, #tpu.memory_space<vmem>>, vector<16xi32>,
      %get3A_805 = arith.constant 784 : index
      %get3A_806 = tpu.vector_load %arg7[%get3A_805] {strides = array<i32>} : memref<2048xi32, #tpu.memory_space<vmem>>, vector<16xi32>,
      %get3A_807 = vector.shape_cast %get3A_806 : vector<16xi32> to vector<16xi32>
      %ge3A_808 = vector.broadcast %mul3A_2 : i32 to vector<16xi32>
      %ge3A_809 = arith.cmpi sge, %get3A_807, %ge3A_808 : vector<16xi32>
      %lt3A_810 = vector.broadcast %add3A_4 : i32 to vector<16xi32>
      %lt3A_811 = arith.cmpi slt, %get3A_807, %lt3A_810 : vector<16xi32>
      %and3A_812 = arith.andi %ge3A_809, %lt3A_811 : vector<16xi1>
      %jit3A_813 = arith.constant 8388608 : i32
      %broadcast_in_dim3A_814 = vector.broadcast %jit3A_813 : i32 to vector<16xi32>
      %select_n3A_815 = arith.select %and3A_812, %get3A_807, %broadcast_in_dim3A_814 : vector<16xi1>, vector<16xi32>
      %swap3A_816 = arith.constant 784 : index
      %swap3A_817 = tpu.vector_load %arg9[%swap3A_816] {strides = array<i32>} : memref<2048xi32, #tpu.memory_space<vmem>>, vector<16xi32>,
      %swap3A_818 = vector.shape_cast %swap3A_817 : vector<16xi32> to vector<16xi32>
      %swap3A_819 = vector.shape_cast %select_n3A_815 : vector<16xi32> to vector<16xi32>
      tpu.vector_store %arg9[%swap3A_816], %swap3A_819 {strides = array<i32>} : memref<2048xi32, #tpu.memory_space<vmem>>, vector<16xi32>,
      %get3A_820 = arith.constant 800 : index
      %get3A_821 = tpu.vector_load %arg7[%get3A_820] {strides = array<i32>} : memref<2048xi32, #tpu.memory_space<vmem>>, vector<16xi32>,
      %get3A_822 = vector.shape_cast %get3A_821 : vector<16xi32> to vector<16xi32>
      %ge3A_823 = vector.broadcast %mul3A_2 : i32 to vector<16xi32>
      %ge3A_824 = arith.cmpi sge, %get3A_822, %ge3A_823 : vector<16xi32>
      %lt3A_825 = vector.broadcast %add3A_4 : i32 to vector<16xi32>
      %lt3A_826 = arith.cmpi slt, %get3A_822, %lt3A_825 : vector<16xi32>
      %and3A_827 = arith.andi %ge3A_824, %lt3A_826 : vector<16xi1>
      %jit3A_828 = arith.constant 8388608 : i32
      %broadcast_in_dim3A_829 = vector.broadcast %jit3A_828 : i32 to vector<16xi32>
      %select_n3A_830 = arith.select %and3A_827, %get3A_822, %broadcast_in_dim3A_829 : vector<16xi1>, vector<16xi32>
      %swap3A_831 = arith.constant 800 : index
      %swap3A_832 = tpu.vector_load %arg9[%swap3A_831] {strides = array<i32>} : memref<2048xi32, #tpu.memory_space<vmem>>, vector<16xi32>,
      %swap3A_833 = vector.shape_cast %swap3A_832 : vector<16xi32> to vector<16xi32>
      %swap3A_834 = vector.shape_cast %select_n3A_830 : vector<16xi32> to vector<16xi32>
      tpu.vector_store %arg9[%swap3A_831], %swap3A_834 {strides = array<i32>} : memref<2048xi32, #tpu.memory_space<vmem>>, vector<16xi32>,
      %get3A_835 = arith.constant 816 : index
      %get3A_836 = tpu.vector_load %arg7[%get3A_835] {strides = array<i32>} : memref<2048xi32, #tpu.memory_space<vmem>>, vector<16xi32>,
      %get3A_837 = vector.shape_cast %get3A_836 : vector<16xi32> to vector<16xi32>
      %ge3A_838 = vector.broadcast %mul3A_2 : i32 to vector<16xi32>
      %ge3A_839 = arith.cmpi sge, %get3A_837, %ge3A_838 : vector<16xi32>
      %lt3A_840 = vector.broadcast %add3A_4 : i32 to vector<16xi32>
      %lt3A_841 = arith.cmpi slt, %get3A_837, %lt3A_840 : vector<16xi32>
      %and3A_842 = arith.andi %ge3A_839, %lt3A_841 : vector<16xi1>
      %jit3A_843 = arith.constant 8388608 : i32
      %broadcast_in_dim3A_844 = vector.broadcast %jit3A_843 : i32 to vector<16xi32>
      %select_n3A_845 = arith.select %and3A_842, %get3A_837, %broadcast_in_dim3A_844 : vector<16xi1>, vector<16xi32>
      %swap3A_846 = arith.constant 816 : index
      %swap3A_847 = tpu.vector_load %arg9[%swap3A_846] {strides = array<i32>} : memref<2048xi32, #tpu.memory_space<vmem>>, vector<16xi32>,
      %swap3A_848 = vector.shape_cast %swap3A_847 : vector<16xi32> to vector<16xi32>
      %swap3A_849 = vector.shape_cast %select_n3A_845 : vector<16xi32> to vector<16xi32>
      tpu.vector_store %arg9[%swap3A_846], %swap3A_849 {strides = array<i32>} : memref<2048xi32, #tpu.memory_space<vmem>>, vector<16xi32>,
      %get3A_850 = arith.constant 832 : index
      %get3A_851 = tpu.vector_load %arg7[%get3A_850] {strides = array<i32>} : memref<2048xi32, #tpu.memory_space<vmem>>, vector<16xi32>,
      %get3A_852 = vector.shape_cast %get3A_851 : vector<16xi32> to vector<16xi32>
      %ge3A_853 = vector.broadcast %mul3A_2 : i32 to vector<16xi32>
      %ge3A_854 = arith.cmpi sge, %get3A_852, %ge3A_853 : vector<16xi32>
      %lt3A_855 = vector.broadcast %add3A_4 : i32 to vector<16xi32>
      %lt3A_856 = arith.cmpi slt, %get3A_852, %lt3A_855 : vector<16xi32>
      %and3A_857 = arith.andi %ge3A_854, %lt3A_856 : vector<16xi1>
      %jit3A_858 = arith.constant 8388608 : i32
      %broadcast_in_dim3A_859 = vector.broadcast %jit3A_858 : i32 to vector<16xi32>
      %select_n3A_860 = arith.select %and3A_857, %get3A_852, %broadcast_in_dim3A_859 : vector<16xi1>, vector<16xi32>
      %swap3A_861 = arith.constant 832 : index
      %swap3A_862 = tpu.vector_load %arg9[%swap3A_861] {strides = array<i32>} : memref<2048xi32, #tpu.memory_space<vmem>>, vector<16xi32>,
      %swap3A_863 = vector.shape_cast %swap3A_862 : vector<16xi32> to vector<16xi32>
      %swap3A_864 = vector.shape_cast %select_n3A_860 : vector<16xi32> to vector<16xi32>
      tpu.vector_store %arg9[%swap3A_861], %swap3A_864 {strides = array<i32>} : memref<2048xi32, #tpu.memory_space<vmem>>, vector<16xi32>,
      %get3A_865 = arith.constant 848 : index
      %get3A_866 = tpu.vector_load %arg7[%get3A_865] {strides = array<i32>} : memref<2048xi32, #tpu.memory_space<vmem>>, vector<16xi32>,
      %get3A_867 = vector.shape_cast %get3A_866 : vector<16xi32> to vector<16xi32>
      %ge3A_868 = vector.broadcast %mul3A_2 : i32 to vector<16xi32>
      %ge3A_869 = arith.cmpi sge, %get3A_867, %ge3A_868 : vector<16xi32>
      %lt3A_870 = vector.broadcast %add3A_4 : i32 to vector<16xi32>
      %lt3A_871 = arith.cmpi slt, %get3A_867, %lt3A_870 : vector<16xi32>
      %and3A_872 = arith.andi %ge3A_869, %lt3A_871 : vector<16xi1>
      %jit3A_873 = arith.constant 8388608 : i32
      %broadcast_in_dim3A_874 = vector.broadcast %jit3A_873 : i32 to vector<16xi32>
      %select_n3A_875 = arith.select %and3A_872, %get3A_867, %broadcast_in_dim3A_874 : vector<16xi1>, vector<16xi32>
      %swap3A_876 = arith.constant 848 : index
      %swap3A_877 = tpu.vector_load %arg9[%swap3A_876] {strides = array<i32>} : memref<2048xi32, #tpu.memory_space<vmem>>, vector<16xi32>,
      %swap3A_878 = vector.shape_cast %swap3A_877 : vector<16xi32> to vector<16xi32>
      %swap3A_879 = vector.shape_cast %select_n3A_875 : vector<16xi32> to vector<16xi32>
      tpu.vector_store %arg9[%swap3A_876], %swap3A_879 {strides = array<i32>} : memref<2048xi32, #tpu.memory_space<vmem>>, vector<16xi32>,
      %get3A_880 = arith.constant 864 : index
      %get3A_881 = tpu.vector_load %arg7[%get3A_880] {strides = array<i32>} : memref<2048xi32, #tpu.memory_space<vmem>>, vector<16xi32>,
      %get3A_882 = vector.shape_cast %get3A_881 : vector<16xi32> to vector<16xi32>
      %ge3A_883 = vector.broadcast %mul3A_2 : i32 to vector<16xi32>
      %ge3A_884 = arith.cmpi sge, %get3A_882, %ge3A_883 : vector<16xi32>
      %lt3A_885 = vector.broadcast %add3A_4 : i32 to vector<16xi32>
      %lt3A_886 = arith.cmpi slt, %get3A_882, %lt3A_885 : vector<16xi32>
      %and3A_887 = arith.andi %ge3A_884, %lt3A_886 : vector<16xi1>
      %jit3A_888 = arith.constant 8388608 : i32
      %broadcast_in_dim3A_889 = vector.broadcast %jit3A_888 : i32 to vector<16xi32>
      %select_n3A_890 = arith.select %and3A_887, %get3A_882, %broadcast_in_dim3A_889 : vector<16xi1>, vector<16xi32>
      %swap3A_891 = arith.constant 864 : index
      %swap3A_892 = tpu.vector_load %arg9[%swap3A_891] {strides = array<i32>} : memref<2048xi32, #tpu.memory_space<vmem>>, vector<16xi32>,
      %swap3A_893 = vector.shape_cast %swap3A_892 : vector<16xi32> to vector<16xi32>
      %swap3A_894 = vector.shape_cast %select_n3A_890 : vector<16xi32> to vector<16xi32>
      tpu.vector_store %arg9[%swap3A_891], %swap3A_894 {strides = array<i32>} : memref<2048xi32, #tpu.memory_space<vmem>>, vector<16xi32>,
      %get3A_895 = arith.constant 880 : index
      %get3A_896 = tpu.vector_load %arg7[%get3A_895] {strides = array<i32>} : memref<2048xi32, #tpu.memory_space<vmem>>, vector<16xi32>,
      %get3A_897 = vector.shape_cast %get3A_896 : vector<16xi32> to vector<16xi32>
      %ge3A_898 = vector.broadcast %mul3A_2 : i32 to vector<16xi32>
      %ge3A_899 = arith.cmpi sge, %get3A_897, %ge3A_898 : vector<16xi32>
      %lt3A_900 = vector.broadcast %add3A_4 : i32 to vector<16xi32>
      %lt3A_901 = arith.cmpi slt, %get3A_897, %lt3A_900 : vector<16xi32>
      %and3A_902 = arith.andi %ge3A_899, %lt3A_901 : vector<16xi1>
      %jit3A_903 = arith.constant 8388608 : i32
      %broadcast_in_dim3A_904 = vector.broadcast %jit3A_903 : i32 to vector<16xi32>
      %select_n3A_905 = arith.select %and3A_902, %get3A_897, %broadcast_in_dim3A_904 : vector<16xi1>, vector<16xi32>
      %swap3A_906 = arith.constant 880 : index
      %swap3A_907 = tpu.vector_load %arg9[%swap3A_906] {strides = array<i32>} : memref<2048xi32, #tpu.memory_space<vmem>>, vector<16xi32>,
      %swap3A_908 = vector.shape_cast %swap3A_907 : vector<16xi32> to vector<16xi32>
      %swap3A_909 = vector.shape_cast %select_n3A_905 : vector<16xi32> to vector<16xi32>
      tpu.vector_store %arg9[%swap3A_906], %swap3A_909 {strides = array<i32>} : memref<2048xi32, #tpu.memory_space<vmem>>, vector<16xi32>,
      %get3A_910 = arith.constant 896 : index
      %get3A_911 = tpu.vector_load %arg7[%get3A_910] {strides = array<i32>} : memref<2048xi32, #tpu.memory_space<vmem>>, vector<16xi32>,
      %get3A_912 = vector.shape_cast %get3A_911 : vector<16xi32> to vector<16xi32>
      %ge3A_913 = vector.broadcast %mul3A_2 : i32 to vector<16xi32>
      %ge3A_914 = arith.cmpi sge, %get3A_912, %ge3A_913 : vector<16xi32>
      %lt3A_915 = vector.broadcast %add3A_4 : i32 to vector<16xi32>
      %lt3A_916 = arith.cmpi slt, %get3A_912, %lt3A_915 : vector<16xi32>
      %and3A_917 = arith.andi %ge3A_914, %lt3A_916 : vector<16xi1>
      %jit3A_918 = arith.constant 8388608 : i32
      %broadcast_in_dim3A_919 = vector.broadcast %jit3A_918 : i32 to vector<16xi32>
      %select_n3A_920 = arith.select %and3A_917, %get3A_912, %broadcast_in_dim3A_919 : vector<16xi1>, vector<16xi32>
      %swap3A_921 = arith.constant 896 : index
      %swap3A_922 = tpu.vector_load %arg9[%swap3A_921] {strides = array<i32>} : memref<2048xi32, #tpu.memory_space<vmem>>, vector<16xi32>,
      %swap3A_923 = vector.shape_cast %swap3A_922 : vector<16xi32> to vector<16xi32>
      %swap3A_924 = vector.shape_cast %select_n3A_920 : vector<16xi32> to vector<16xi32>
      tpu.vector_store %arg9[%swap3A_921], %swap3A_924 {strides = array<i32>} : memref<2048xi32, #tpu.memory_space<vmem>>, vector<16xi32>,
      %get3A_925 = arith.constant 912 : index
      %get3A_926 = tpu.vector_load %arg7[%get3A_925] {strides = array<i32>} : memref<2048xi32, #tpu.memory_space<vmem>>, vector<16xi32>,
      %get3A_927 = vector.shape_cast %get3A_926 : vector<16xi32> to vector<16xi32>
      %ge3A_928 = vector.broadcast %mul3A_2 : i32 to vector<16xi32>
      %ge3A_929 = arith.cmpi sge, %get3A_927, %ge3A_928 : vector<16xi32>
      %lt3A_930 = vector.broadcast %add3A_4 : i32 to vector<16xi32>
      %lt3A_931 = arith.cmpi slt, %get3A_927, %lt3A_930 : vector<16xi32>
      %and3A_932 = arith.andi %ge3A_929, %lt3A_931 : vector<16xi1>
      %jit3A_933 = arith.constant 8388608 : i32
      %broadcast_in_dim3A_934 = vector.broadcast %jit3A_933 : i32 to vector<16xi32>
      %select_n3A_935 = arith.select %and3A_932, %get3A_927, %broadcast_in_dim3A_934 : vector<16xi1>, vector<16xi32>
      %swap3A_936 = arith.constant 912 : index
      %swap3A_937 = tpu.vector_load %arg9[%swap3A_936] {strides = array<i32>} : memref<2048xi32, #tpu.memory_space<vmem>>, vector<16xi32>,
      %swap3A_938 = vector.shape_cast %swap3A_937 : vector<16xi32> to vector<16xi32>
      %swap3A_939 = vector.shape_cast %select_n3A_935 : vector<16xi32> to vector<16xi32>
      tpu.vector_store %arg9[%swap3A_936], %swap3A_939 {strides = array<i32>} : memref<2048xi32, #tpu.memory_space<vmem>>, vector<16xi32>,
      %get3A_940 = arith.constant 928 : index
      %get3A_941 = tpu.vector_load %arg7[%get3A_940] {strides = array<i32>} : memref<2048xi32, #tpu.memory_space<vmem>>, vector<16xi32>,
      %get3A_942 = vector.shape_cast %get3A_941 : vector<16xi32> to vector<16xi32>
      %ge3A_943 = vector.broadcast %mul3A_2 : i32 to vector<16xi32>
      %ge3A_944 = arith.cmpi sge, %get3A_942, %ge3A_943 : vector<16xi32>
      %lt3A_945 = vector.broadcast %add3A_4 : i32 to vector<16xi32>
      %lt3A_946 = arith.cmpi slt, %get3A_942, %lt3A_945 : vector<16xi32>
      %and3A_947 = arith.andi %ge3A_944, %lt3A_946 : vector<16xi1>
      %jit3A_948 = arith.constant 8388608 : i32
      %broadcast_in_dim3A_949 = vector.broadcast %jit3A_948 : i32 to vector<16xi32>
      %select_n3A_950 = arith.select %and3A_947, %get3A_942, %broadcast_in_dim3A_949 : vector<16xi1>, vector<16xi32>
      %swap3A_951 = arith.constant 928 : index
      %swap3A_952 = tpu.vector_load %arg9[%swap3A_951] {strides = array<i32>} : memref<2048xi32, #tpu.memory_space<vmem>>, vector<16xi32>,
      %swap3A_953 = vector.shape_cast %swap3A_952 : vector<16xi32> to vector<16xi32>
      %swap3A_954 = vector.shape_cast %select_n3A_950 : vector<16xi32> to vector<16xi32>
      tpu.vector_store %arg9[%swap3A_951], %swap3A_954 {strides = array<i32>} : memref<2048xi32, #tpu.memory_space<vmem>>, vector<16xi32>,
      %get3A_955 = arith.constant 944 : index
      %get3A_956 = tpu.vector_load %arg7[%get3A_955] {strides = array<i32>} : memref<2048xi32, #tpu.memory_space<vmem>>, vector<16xi32>,
      %get3A_957 = vector.shape_cast %get3A_956 : vector<16xi32> to vector<16xi32>
      %ge3A_958 = vector.broadcast %mul3A_2 : i32 to vector<16xi32>
      %ge3A_959 = arith.cmpi sge, %get3A_957, %ge3A_958 : vector<16xi32>
      %lt3A_960 = vector.broadcast %add3A_4 : i32 to vector<16xi32>
      %lt3A_961 = arith.cmpi slt, %get3A_957, %lt3A_960 : vector<16xi32>
      %and3A_962 = arith.andi %ge3A_959, %lt3A_961 : vector<16xi1>
      %jit3A_963 = arith.constant 8388608 : i32
      %broadcast_in_dim3A_964 = vector.broadcast %jit3A_963 : i32 to vector<16xi32>
      %select_n3A_965 = arith.select %and3A_962, %get3A_957, %broadcast_in_dim3A_964 : vector<16xi1>, vector<16xi32>
      %swap3A_966 = arith.constant 944 : index
      %swap3A_967 = tpu.vector_load %arg9[%swap3A_966] {strides = array<i32>} : memref<2048xi32, #tpu.memory_space<vmem>>, vector<16xi32>,
      %swap3A_968 = vector.shape_cast %swap3A_967 : vector<16xi32> to vector<16xi32>
      %swap3A_969 = vector.shape_cast %select_n3A_965 : vector<16xi32> to vector<16xi32>
      tpu.vector_store %arg9[%swap3A_966], %swap3A_969 {strides = array<i32>} : memref<2048xi32, #tpu.memory_space<vmem>>, vector<16xi32>,
      %get3A_970 = arith.constant 960 : index
      %get3A_971 = tpu.vector_load %arg7[%get3A_970] {strides = array<i32>} : memref<2048xi32, #tpu.memory_space<vmem>>, vector<16xi32>,
      %get3A_972 = vector.shape_cast %get3A_971 : vector<16xi32> to vector<16xi32>
      %ge3A_973 = vector.broadcast %mul3A_2 : i32 to vector<16xi32>
      %ge3A_974 = arith.cmpi sge, %get3A_972, %ge3A_973 : vector<16xi32>
      %lt3A_975 = vector.broadcast %add3A_4 : i32 to vector<16xi32>
      %lt3A_976 = arith.cmpi slt, %get3A_972, %lt3A_975 : vector<16xi32>
      %and3A_977 = arith.andi %ge3A_974, %lt3A_976 : vector<16xi1>
      %jit3A_978 = arith.constant 8388608 : i32
      %broadcast_in_dim3A_979 = vector.broadcast %jit3A_978 : i32 to vector<16xi32>
      %select_n3A_980 = arith.select %and3A_977, %get3A_972, %broadcast_in_dim3A_979 : vector<16xi1>, vector<16xi32>
      %swap3A_981 = arith.constant 960 : index
      %swap3A_982 = tpu.vector_load %arg9[%swap3A_981] {strides = array<i32>} : memref<2048xi32, #tpu.memory_space<vmem>>, vector<16xi32>,
      %swap3A_983 = vector.shape_cast %swap3A_982 : vector<16xi32> to vector<16xi32>
      %swap3A_984 = vector.shape_cast %select_n3A_980 : vector<16xi32> to vector<16xi32>
      tpu.vector_store %arg9[%swap3A_981], %swap3A_984 {strides = array<i32>} : memref<2048xi32, #tpu.memory_space<vmem>>, vector<16xi32>,
      %get3A_985 = arith.constant 976 : index
      %get3A_986 = tpu.vector_load %arg7[%get3A_985] {strides = array<i32>} : memref<2048xi32, #tpu.memory_space<vmem>>, vector<16xi32>,
      %get3A_987 = vector.shape_cast %get3A_986 : vector<16xi32> to vector<16xi32>
      %ge3A_988 = vector.broadcast %mul3A_2 : i32 to vector<16xi32>
      %ge3A_989 = arith.cmpi sge, %get3A_987, %ge3A_988 : vector<16xi32>
      %lt3A_990 = vector.broadcast %add3A_4 : i32 to vector<16xi32>
      %lt3A_991 = arith.cmpi slt, %get3A_987, %lt3A_990 : vector<16xi32>
      %and3A_992 = arith.andi %ge3A_989, %lt3A_991 : vector<16xi1>
      %jit3A_993 = arith.constant 8388608 : i32
      %broadcast_in_dim3A_994 = vector.broadcast %jit3A_993 : i32 to vector<16xi32>
      %select_n3A_995 = arith.select %and3A_992, %get3A_987, %broadcast_in_dim3A_994 : vector<16xi1>, vector<16xi32>
      %swap3A_996 = arith.constant 976 : index
      %swap3A_997 = tpu.vector_load %arg9[%swap3A_996] {strides = array<i32>} : memref<2048xi32, #tpu.memory_space<vmem>>, vector<16xi32>,
      %swap3A_998 = vector.shape_cast %swap3A_997 : vector<16xi32> to vector<16xi32>
      %swap3A_999 = vector.shape_cast %select_n3A_995 : vector<16xi32> to vector<16xi32>
      tpu.vector_store %arg9[%swap3A_996], %swap3A_999 {strides = array<i32>} : memref<2048xi32, #tpu.memory_space<vmem>>, vector<16xi32>,
      %get3A_1000 = arith.constant 992 : index
      %get3A_1001 = tpu.vector_load %arg7[%get3A_1000] {strides = array<i32>} : memref<2048xi32, #tpu.memory_space<vmem>>, vector<16xi32>,
      %get3A_1002 = vector.shape_cast %get3A_1001 : vector<16xi32> to vector<16xi32>
      %ge3A_1003 = vector.broadcast %mul3A_2 : i32 to vector<16xi32>
      %ge3A_1004 = arith.cmpi sge, %get3A_1002, %ge3A_1003 : vector<16xi32>
      %lt3A_1005 = vector.broadcast %add3A_4 : i32 to vector<16xi32>
      %lt3A_1006 = arith.cmpi slt, %get3A_1002, %lt3A_1005 : vector<16xi32>
      %and3A_1007 = arith.andi %ge3A_1004, %lt3A_1006 : vector<16xi1>
      %jit3A_1008 = arith.constant 8388608 : i32
      %broadcast_in_dim3A_1009 = vector.broadcast %jit3A_1008 : i32 to vector<16xi32>
      %select_n3A_1010 = arith.select %and3A_1007, %get3A_1002, %broadcast_in_dim3A_1009 : vector<16xi1>, vector<16xi32>
      %swap3A_1011 = arith.constant 992 : index
      %swap3A_1012 = tpu.vector_load %arg9[%swap3A_1011] {strides = array<i32>} : memref<2048xi32, #tpu.memory_space<vmem>>, vector<16xi32>,
      %swap3A_1013 = vector.shape_cast %swap3A_1012 : vector<16xi32> to vector<16xi32>
      %swap3A_1014 = vector.shape_cast %select_n3A_1010 : vector<16xi32> to vector<16xi32>
      tpu.vector_store %arg9[%swap3A_1011], %swap3A_1014 {strides = array<i32>} : memref<2048xi32, #tpu.memory_space<vmem>>, vector<16xi32>,
      %get3A_1015 = arith.constant 1008 : index
      %get3A_1016 = tpu.vector_load %arg7[%get3A_1015] {strides = array<i32>} : memref<2048xi32, #tpu.memory_space<vmem>>, vector<16xi32>,
      %get3A_1017 = vector.shape_cast %get3A_1016 : vector<16xi32> to vector<16xi32>
      %ge3A_1018 = vector.broadcast %mul3A_2 : i32 to vector<16xi32>
      %ge3A_1019 = arith.cmpi sge, %get3A_1017, %ge3A_1018 : vector<16xi32>
      %lt3A_1020 = vector.broadcast %add3A_4 : i32 to vector<16xi32>
      %lt3A_1021 = arith.cmpi slt, %get3A_1017, %lt3A_1020 : vector<16xi32>
      %and3A_1022 = arith.andi %ge3A_1019, %lt3A_1021 : vector<16xi1>
      %jit3A_1023 = arith.constant 8388608 : i32
      %broadcast_in_dim3A_1024 = vector.broadcast %jit3A_1023 : i32 to vector<16xi32>
      %select_n3A_1025 = arith.select %and3A_1022, %get3A_1017, %broadcast_in_dim3A_1024 : vector<16xi1>, vector<16xi32>
      %swap3A_1026 = arith.constant 1008 : index
      %swap3A_1027 = tpu.vector_load %arg9[%swap3A_1026] {strides = array<i32>} : memref<2048xi32, #tpu.memory_space<vmem>>, vector<16xi32>,
      %swap3A_1028 = vector.shape_cast %swap3A_1027 : vector<16xi32> to vector<16xi32>
      %swap3A_1029 = vector.shape_cast %select_n3A_1025 : vector<16xi32> to vector<16xi32>
      tpu.vector_store %arg9[%swap3A_1026], %swap3A_1029 {strides = array<i32>} : memref<2048xi32, #tpu.memory_space<vmem>>, vector<16xi32>,
      %get3A_1030 = arith.constant 1024 : index
      %get3A_1031 = tpu.vector_load %arg7[%get3A_1030] {strides = array<i32>} : memref<2048xi32, #tpu.memory_space<vmem>>, vector<16xi32>,
      %get3A_1032 = vector.shape_cast %get3A_1031 : vector<16xi32> to vector<16xi32>
      %ge3A_1033 = vector.broadcast %mul3A_2 : i32 to vector<16xi32>
      %ge3A_1034 = arith.cmpi sge, %get3A_1032, %ge3A_1033 : vector<16xi32>
      %lt3A_1035 = vector.broadcast %add3A_4 : i32 to vector<16xi32>
      %lt3A_1036 = arith.cmpi slt, %get3A_1032, %lt3A_1035 : vector<16xi32>
      %and3A_1037 = arith.andi %ge3A_1034, %lt3A_1036 : vector<16xi1>
      %jit3A_1038 = arith.constant 8388608 : i32
      %broadcast_in_dim3A_1039 = vector.broadcast %jit3A_1038 : i32 to vector<16xi32>
      %select_n3A_1040 = arith.select %and3A_1037, %get3A_1032, %broadcast_in_dim3A_1039 : vector<16xi1>, vector<16xi32>
      %swap3A_1041 = arith.constant 1024 : index
      %swap3A_1042 = tpu.vector_load %arg9[%swap3A_1041] {strides = array<i32>} : memref<2048xi32, #tpu.memory_space<vmem>>, vector<16xi32>,
      %swap3A_1043 = vector.shape_cast %swap3A_1042 : vector<16xi32> to vector<16xi32>
      %swap3A_1044 = vector.shape_cast %select_n3A_1040 : vector<16xi32> to vector<16xi32>
      tpu.vector_store %arg9[%swap3A_1041], %swap3A_1044 {strides = array<i32>} : memref<2048xi32, #tpu.memory_space<vmem>>, vector<16xi32>,
      %get3A_1045 = arith.constant 1040 : index
      %get3A_1046 = tpu.vector_load %arg7[%get3A_1045] {strides = array<i32>} : memref<2048xi32, #tpu.memory_space<vmem>>, vector<16xi32>,
      %get3A_1047 = vector.shape_cast %get3A_1046 : vector<16xi32> to vector<16xi32>
      %ge3A_1048 = vector.broadcast %mul3A_2 : i32 to vector<16xi32>
      %ge3A_1049 = arith.cmpi sge, %get3A_1047, %ge3A_1048 : vector<16xi32>
      %lt3A_1050 = vector.broadcast %add3A_4 : i32 to vector<16xi32>
      %lt3A_1051 = arith.cmpi slt, %get3A_1047, %lt3A_1050 : vector<16xi32>
      %and3A_1052 = arith.andi %ge3A_1049, %lt3A_1051 : vector<16xi1>
      %jit3A_1053 = arith.constant 8388608 : i32
      %broadcast_in_dim3A_1054 = vector.broadcast %jit3A_1053 : i32 to vector<16xi32>
      %select_n3A_1055 = arith.select %and3A_1052, %get3A_1047, %broadcast_in_dim3A_1054 : vector<16xi1>, vector<16xi32>
      %swap3A_1056 = arith.constant 1040 : index
      %swap3A_1057 = tpu.vector_load %arg9[%swap3A_1056] {strides = array<i32>} : memref<2048xi32, #tpu.memory_space<vmem>>, vector<16xi32>,
      %swap3A_1058 = vector.shape_cast %swap3A_1057 : vector<16xi32> to vector<16xi32>
      %swap3A_1059 = vector.shape_cast %select_n3A_1055 : vector<16xi32> to vector<16xi32>
      tpu.vector_store %arg9[%swap3A_1056], %swap3A_1059 {strides = array<i32>} : memref<2048xi32, #tpu.memory_space<vmem>>, vector<16xi32>,
      %get3A_1060 = arith.constant 1056 : index
      %get3A_1061 = tpu.vector_load %arg7[%get3A_1060] {strides = array<i32>} : memref<2048xi32, #tpu.memory_space<vmem>>, vector<16xi32>,
      %get3A_1062 = vector.shape_cast %get3A_1061 : vector<16xi32> to vector<16xi32>
      %ge3A_1063 = vector.broadcast %mul3A_2 : i32 to vector<16xi32>
      %ge3A_1064 = arith.cmpi sge, %get3A_1062, %ge3A_1063 : vector<16xi32>
      %lt3A_1065 = vector.broadcast %add3A_4 : i32 to vector<16xi32>
      %lt3A_1066 = arith.cmpi slt, %get3A_1062, %lt3A_1065 : vector<16xi32>
      %and3A_1067 = arith.andi %ge3A_1064, %lt3A_1066 : vector<16xi1>
      %jit3A_1068 = arith.constant 8388608 : i32
      %broadcast_in_dim3A_1069 = vector.broadcast %jit3A_1068 : i32 to vector<16xi32>
      %select_n3A_1070 = arith.select %and3A_1067, %get3A_1062, %broadcast_in_dim3A_1069 : vector<16xi1>, vector<16xi32>
      %swap3A_1071 = arith.constant 1056 : index
      %swap3A_1072 = tpu.vector_load %arg9[%swap3A_1071] {strides = array<i32>} : memref<2048xi32, #tpu.memory_space<vmem>>, vector<16xi32>,
      %swap3A_1073 = vector.shape_cast %swap3A_1072 : vector<16xi32> to vector<16xi32>
      %swap3A_1074 = vector.shape_cast %select_n3A_1070 : vector<16xi32> to vector<16xi32>
      tpu.vector_store %arg9[%swap3A_1071], %swap3A_1074 {strides = array<i32>} : memref<2048xi32, #tpu.memory_space<vmem>>, vector<16xi32>,
      %get3A_1075 = arith.constant 1072 : index
      %get3A_1076 = tpu.vector_load %arg7[%get3A_1075] {strides = array<i32>} : memref<2048xi32, #tpu.memory_space<vmem>>, vector<16xi32>,
      %get3A_1077 = vector.shape_cast %get3A_1076 : vector<16xi32> to vector<16xi32>
      %ge3A_1078 = vector.broadcast %mul3A_2 : i32 to vector<16xi32>
      %ge3A_1079 = arith.cmpi sge, %get3A_1077, %ge3A_1078 : vector<16xi32>
      %lt3A_1080 = vector.broadcast %add3A_4 : i32 to vector<16xi32>
      %lt3A_1081 = arith.cmpi slt, %get3A_1077, %lt3A_1080 : vector<16xi32>
      %and3A_1082 = arith.andi %ge3A_1079, %lt3A_1081 : vector<16xi1>
      %jit3A_1083 = arith.constant 8388608 : i32
      %broadcast_in_dim3A_1084 = vector.broadcast %jit3A_1083 : i32 to vector<16xi32>
      %select_n3A_1085 = arith.select %and3A_1082, %get3A_1077, %broadcast_in_dim3A_1084 : vector<16xi1>, vector<16xi32>
      %swap3A_1086 = arith.constant 1072 : index
      %swap3A_1087 = tpu.vector_load %arg9[%swap3A_1086] {strides = array<i32>} : memref<2048xi32, #tpu.memory_space<vmem>>, vector<16xi32>,
      %swap3A_1088 = vector.shape_cast %swap3A_1087 : vector<16xi32> to vector<16xi32>
      %swap3A_1089 = vector.shape_cast %select_n3A_1085 : vector<16xi32> to vector<16xi32>
      tpu.vector_store %arg9[%swap3A_1086], %swap3A_1089 {strides = array<i32>} : memref<2048xi32, #tpu.memory_space<vmem>>, vector<16xi32>,
      %get3A_1090 = arith.constant 1088 : index
      %get3A_1091 = tpu.vector_load %arg7[%get3A_1090] {strides = array<i32>} : memref<2048xi32, #tpu.memory_space<vmem>>, vector<16xi32>,
      %get3A_1092 = vector.shape_cast %get3A_1091 : vector<16xi32> to vector<16xi32>
      %ge3A_1093 = vector.broadcast %mul3A_2 : i32 to vector<16xi32>
      %ge3A_1094 = arith.cmpi sge, %get3A_1092, %ge3A_1093 : vector<16xi32>
      %lt3A_1095 = vector.broadcast %add3A_4 : i32 to vector<16xi32>
      %lt3A_1096 = arith.cmpi slt, %get3A_1092, %lt3A_1095 : vector<16xi32>
      %and3A_1097 = arith.andi %ge3A_1094, %lt3A_1096 : vector<16xi1>
      %jit3A_1098 = arith.constant 8388608 : i32
      %broadcast_in_dim3A_1099 = vector.broadcast %jit3A_1098 : i32 to vector<16xi32>
      %select_n3A_1100 = arith.select %and3A_1097, %get3A_1092, %broadcast_in_dim3A_1099 : vector<16xi1>, vector<16xi32>
      %swap3A_1101 = arith.constant 1088 : index
      %swap3A_1102 = tpu.vector_load %arg9[%swap3A_1101] {strides = array<i32>} : memref<2048xi32, #tpu.memory_space<vmem>>, vector<16xi32>,
      %swap3A_1103 = vector.shape_cast %swap3A_1102 : vector<16xi32> to vector<16xi32>
      %swap3A_1104 = vector.shape_cast %select_n3A_1100 : vector<16xi32> to vector<16xi32>
      tpu.vector_store %arg9[%swap3A_1101], %swap3A_1104 {strides = array<i32>} : memref<2048xi32, #tpu.memory_space<vmem>>, vector<16xi32>,
      %get3A_1105 = arith.constant 1104 : index
      %get3A_1106 = tpu.vector_load %arg7[%get3A_1105] {strides = array<i32>} : memref<2048xi32, #tpu.memory_space<vmem>>, vector<16xi32>,
      %get3A_1107 = vector.shape_cast %get3A_1106 : vector<16xi32> to vector<16xi32>
      %ge3A_1108 = vector.broadcast %mul3A_2 : i32 to vector<16xi32>
      %ge3A_1109 = arith.cmpi sge, %get3A_1107, %ge3A_1108 : vector<16xi32>
      %lt3A_1110 = vector.broadcast %add3A_4 : i32 to vector<16xi32>
      %lt3A_1111 = arith.cmpi slt, %get3A_1107, %lt3A_1110 : vector<16xi32>
      %and3A_1112 = arith.andi %ge3A_1109, %lt3A_1111 : vector<16xi1>
      %jit3A_1113 = arith.constant 8388608 : i32
      %broadcast_in_dim3A_1114 = vector.broadcast %jit3A_1113 : i32 to vector<16xi32>
      %select_n3A_1115 = arith.select %and3A_1112, %get3A_1107, %broadcast_in_dim3A_1114 : vector<16xi1>, vector<16xi32>
      %swap3A_1116 = arith.constant 1104 : index
      %swap3A_1117 = tpu.vector_load %arg9[%swap3A_1116] {strides = array<i32>} : memref<2048xi32, #tpu.memory_space<vmem>>, vector<16xi32>,
      %swap3A_1118 = vector.shape_cast %swap3A_1117 : vector<16xi32> to vector<16xi32>
      %swap3A_1119 = vector.shape_cast %select_n3A_1115 : vector<16xi32> to vector<16xi32>
      tpu.vector_store %arg9[%swap3A_1116], %swap3A_1119 {strides = array<i32>} : memref<2048xi32, #tpu.memory_space<vmem>>, vector<16xi32>,
      %get3A_1120 = arith.constant 1120 : index
      %get3A_1121 = tpu.vector_load %arg7[%get3A_1120] {strides = array<i32>} : memref<2048xi32, #tpu.memory_space<vmem>>, vector<16xi32>,
      %get3A_1122 = vector.shape_cast %get3A_1121 : vector<16xi32> to vector<16xi32>
      %ge3A_1123 = vector.broadcast %mul3A_2 : i32 to vector<16xi32>
      %ge3A_1124 = arith.cmpi sge, %get3A_1122, %ge3A_1123 : vector<16xi32>
      %lt3A_1125 = vector.broadcast %add3A_4 : i32 to vector<16xi32>
      %lt3A_1126 = arith.cmpi slt, %get3A_1122, %lt3A_1125 : vector<16xi32>
      %and3A_1127 = arith.andi %ge3A_1124, %lt3A_1126 : vector<16xi1>
      %jit3A_1128 = arith.constant 8388608 : i32
      %broadcast_in_dim3A_1129 = vector.broadcast %jit3A_1128 : i32 to vector<16xi32>
      %select_n3A_1130 = arith.select %and3A_1127, %get3A_1122, %broadcast_in_dim3A_1129 : vector<16xi1>, vector<16xi32>
      %swap3A_1131 = arith.constant 1120 : index
      %swap3A_1132 = tpu.vector_load %arg9[%swap3A_1131] {strides = array<i32>} : memref<2048xi32, #tpu.memory_space<vmem>>, vector<16xi32>,
      %swap3A_1133 = vector.shape_cast %swap3A_1132 : vector<16xi32> to vector<16xi32>
      %swap3A_1134 = vector.shape_cast %select_n3A_1130 : vector<16xi32> to vector<16xi32>
      tpu.vector_store %arg9[%swap3A_1131], %swap3A_1134 {strides = array<i32>} : memref<2048xi32, #tpu.memory_space<vmem>>, vector<16xi32>,
      %get3A_1135 = arith.constant 1136 : index
      %get3A_1136 = tpu.vector_load %arg7[%get3A_1135] {strides = array<i32>} : memref<2048xi32, #tpu.memory_space<vmem>>, vector<16xi32>,
      %get3A_1137 = vector.shape_cast %get3A_1136 : vector<16xi32> to vector<16xi32>
      %ge3A_1138 = vector.broadcast %mul3A_2 : i32 to vector<16xi32>
      %ge3A_1139 = arith.cmpi sge, %get3A_1137, %ge3A_1138 : vector<16xi32>
      %lt3A_1140 = vector.broadcast %add3A_4 : i32 to vector<16xi32>
      %lt3A_1141 = arith.cmpi slt, %get3A_1137, %lt3A_1140 : vector<16xi32>
      %and3A_1142 = arith.andi %ge3A_1139, %lt3A_1141 : vector<16xi1>
      %jit3A_1143 = arith.constant 8388608 : i32
      %broadcast_in_dim3A_1144 = vector.broadcast %jit3A_1143 : i32 to vector<16xi32>
      %select_n3A_1145 = arith.select %and3A_1142, %get3A_1137, %broadcast_in_dim3A_1144 : vector<16xi1>, vector<16xi32>
      %swap3A_1146 = arith.constant 1136 : index
      %swap3A_1147 = tpu.vector_load %arg9[%swap3A_1146] {strides = array<i32>} : memref<2048xi32, #tpu.memory_space<vmem>>, vector<16xi32>,
      %swap3A_1148 = vector.shape_cast %swap3A_1147 : vector<16xi32> to vector<16xi32>
      %swap3A_1149 = vector.shape_cast %select_n3A_1145 : vector<16xi32> to vector<16xi32>
      tpu.vector_store %arg9[%swap3A_1146], %swap3A_1149 {strides = array<i32>} : memref<2048xi32, #tpu.memory_space<vmem>>, vector<16xi32>,
      %get3A_1150 = arith.constant 1152 : index
      %get3A_1151 = tpu.vector_load %arg7[%get3A_1150] {strides = array<i32>} : memref<2048xi32, #tpu.memory_space<vmem>>, vector<16xi32>,
      %get3A_1152 = vector.shape_cast %get3A_1151 : vector<16xi32> to vector<16xi32>
      %ge3A_1153 = vector.broadcast %mul3A_2 : i32 to vector<16xi32>
      %ge3A_1154 = arith.cmpi sge, %get3A_1152, %ge3A_1153 : vector<16xi32>
      %lt3A_1155 = vector.broadcast %add3A_4 : i32 to vector<16xi32>
      %lt3A_1156 = arith.cmpi slt, %get3A_1152, %lt3A_1155 : vector<16xi32>
      %and3A_1157 = arith.andi %ge3A_1154, %lt3A_1156 : vector<16xi1>
      %jit3A_1158 = arith.constant 8388608 : i32
      %broadcast_in_dim3A_1159 = vector.broadcast %jit3A_1158 : i32 to vector<16xi32>
      %select_n3A_1160 = arith.select %and3A_1157, %get3A_1152, %broadcast_in_dim3A_1159 : vector<16xi1>, vector<16xi32>
      %swap3A_1161 = arith.constant 1152 : index
      %swap3A_1162 = tpu.vector_load %arg9[%swap3A_1161] {strides = array<i32>} : memref<2048xi32, #tpu.memory_space<vmem>>, vector<16xi32>,
      %swap3A_1163 = vector.shape_cast %swap3A_1162 : vector<16xi32> to vector<16xi32>
      %swap3A_1164 = vector.shape_cast %select_n3A_1160 : vector<16xi32> to vector<16xi32>
      tpu.vector_store %arg9[%swap3A_1161], %swap3A_1164 {strides = array<i32>} : memref<2048xi32, #tpu.memory_space<vmem>>, vector<16xi32>,
      %get3A_1165 = arith.constant 1168 : index
      %get3A_1166 = tpu.vector_load %arg7[%get3A_1165] {strides = array<i32>} : memref<2048xi32, #tpu.memory_space<vmem>>, vector<16xi32>,
      %get3A_1167 = vector.shape_cast %get3A_1166 : vector<16xi32> to vector<16xi32>
      %ge3A_1168 = vector.broadcast %mul3A_2 : i32 to vector<16xi32>
      %ge3A_1169 = arith.cmpi sge, %get3A_1167, %ge3A_1168 : vector<16xi32>
      %lt3A_1170 = vector.broadcast %add3A_4 : i32 to vector<16xi32>
      %lt3A_1171 = arith.cmpi slt, %get3A_1167, %lt3A_1170 : vector<16xi32>
      %and3A_1172 = arith.andi %ge3A_1169, %lt3A_1171 : vector<16xi1>
      %jit3A_1173 = arith.constant 8388608 : i32
      %broadcast_in_dim3A_1174 = vector.broadcast %jit3A_1173 : i32 to vector<16xi32>
      %select_n3A_1175 = arith.select %and3A_1172, %get3A_1167, %broadcast_in_dim3A_1174 : vector<16xi1>, vector<16xi32>
      %swap3A_1176 = arith.constant 1168 : index
      %swap3A_1177 = tpu.vector_load %arg9[%swap3A_1176] {strides = array<i32>} : memref<2048xi32, #tpu.memory_space<vmem>>, vector<16xi32>,
      %swap3A_1178 = vector.shape_cast %swap3A_1177 : vector<16xi32> to vector<16xi32>
      %swap3A_1179 = vector.shape_cast %select_n3A_1175 : vector<16xi32> to vector<16xi32>
      tpu.vector_store %arg9[%swap3A_1176], %swap3A_1179 {strides = array<i32>} : memref<2048xi32, #tpu.memory_space<vmem>>, vector<16xi32>,
      %get3A_1180 = arith.constant 1184 : index
      %get3A_1181 = tpu.vector_load %arg7[%get3A_1180] {strides = array<i32>} : memref<2048xi32, #tpu.memory_space<vmem>>, vector<16xi32>,
      %get3A_1182 = vector.shape_cast %get3A_1181 : vector<16xi32> to vector<16xi32>
      %ge3A_1183 = vector.broadcast %mul3A_2 : i32 to vector<16xi32>
      %ge3A_1184 = arith.cmpi sge, %get3A_1182, %ge3A_1183 : vector<16xi32>
      %lt3A_1185 = vector.broadcast %add3A_4 : i32 to vector<16xi32>
      %lt3A_1186 = arith.cmpi slt, %get3A_1182, %lt3A_1185 : vector<16xi32>
      %and3A_1187 = arith.andi %ge3A_1184, %lt3A_1186 : vector<16xi1>
      %jit3A_1188 = arith.constant 8388608 : i32
      %broadcast_in_dim3A_1189 = vector.broadcast %jit3A_1188 : i32 to vector<16xi32>
      %select_n3A_1190 = arith.select %and3A_1187, %get3A_1182, %broadcast_in_dim3A_1189 : vector<16xi1>, vector<16xi32>
      %swap3A_1191 = arith.constant 1184 : index
      %swap3A_1192 = tpu.vector_load %arg9[%swap3A_1191] {strides = array<i32>} : memref<2048xi32, #tpu.memory_space<vmem>>, vector<16xi32>,
      %swap3A_1193 = vector.shape_cast %swap3A_1192 : vector<16xi32> to vector<16xi32>
      %swap3A_1194 = vector.shape_cast %select_n3A_1190 : vector<16xi32> to vector<16xi32>
      tpu.vector_store %arg9[%swap3A_1191], %swap3A_1194 {strides = array<i32>} : memref<2048xi32, #tpu.memory_space<vmem>>, vector<16xi32>,
      %get3A_1195 = arith.constant 1200 : index
      %get3A_1196 = tpu.vector_load %arg7[%get3A_1195] {strides = array<i32>} : memref<2048xi32, #tpu.memory_space<vmem>>, vector<16xi32>,
      %get3A_1197 = vector.shape_cast %get3A_1196 : vector<16xi32> to vector<16xi32>
      %ge3A_1198 = vector.broadcast %mul3A_2 : i32 to vector<16xi32>
      %ge3A_1199 = arith.cmpi sge, %get3A_1197, %ge3A_1198 : vector<16xi32>
      %lt3A_1200 = vector.broadcast %add3A_4 : i32 to vector<16xi32>
      %lt3A_1201 = arith.cmpi slt, %get3A_1197, %lt3A_1200 : vector<16xi32>
      %and3A_1202 = arith.andi %ge3A_1199, %lt3A_1201 : vector<16xi1>
      %jit3A_1203 = arith.constant 8388608 : i32
      %broadcast_in_dim3A_1204 = vector.broadcast %jit3A_1203 : i32 to vector<16xi32>
      %select_n3A_1205 = arith.select %and3A_1202, %get3A_1197, %broadcast_in_dim3A_1204 : vector<16xi1>, vector<16xi32>
      %swap3A_1206 = arith.constant 1200 : index
      %swap3A_1207 = tpu.vector_load %arg9[%swap3A_1206] {strides = array<i32>} : memref<2048xi32, #tpu.memory_space<vmem>>, vector<16xi32>,
      %swap3A_1208 = vector.shape_cast %swap3A_1207 : vector<16xi32> to vector<16xi32>
      %swap3A_1209 = vector.shape_cast %select_n3A_1205 : vector<16xi32> to vector<16xi32>
      tpu.vector_store %arg9[%swap3A_1206], %swap3A_1209 {strides = array<i32>} : memref<2048xi32, #tpu.memory_space<vmem>>, vector<16xi32>,
      %get3A_1210 = arith.constant 1216 : index
      %get3A_1211 = tpu.vector_load %arg7[%get3A_1210] {strides = array<i32>} : memref<2048xi32, #tpu.memory_space<vmem>>, vector<16xi32>,
      %get3A_1212 = vector.shape_cast %get3A_1211 : vector<16xi32> to vector<16xi32>
      %ge3A_1213 = vector.broadcast %mul3A_2 : i32 to vector<16xi32>
      %ge3A_1214 = arith.cmpi sge, %get3A_1212, %ge3A_1213 : vector<16xi32>
      %lt3A_1215 = vector.broadcast %add3A_4 : i32 to vector<16xi32>
      %lt3A_1216 = arith.cmpi slt, %get3A_1212, %lt3A_1215 : vector<16xi32>
      %and3A_1217 = arith.andi %ge3A_1214, %lt3A_1216 : vector<16xi1>
      %jit3A_1218 = arith.constant 8388608 : i32
      %broadcast_in_dim3A_1219 = vector.broadcast %jit3A_1218 : i32 to vector<16xi32>
      %select_n3A_1220 = arith.select %and3A_1217, %get3A_1212, %broadcast_in_dim3A_1219 : vector<16xi1>, vector<16xi32>
      %swap3A_1221 = arith.constant 1216 : index
      %swap3A_1222 = tpu.vector_load %arg9[%swap3A_1221] {strides = array<i32>} : memref<2048xi32, #tpu.memory_space<vmem>>, vector<16xi32>,
      %swap3A_1223 = vector.shape_cast %swap3A_1222 : vector<16xi32> to vector<16xi32>
      %swap3A_1224 = vector.shape_cast %select_n3A_1220 : vector<16xi32> to vector<16xi32>
      tpu.vector_store %arg9[%swap3A_1221], %swap3A_1224 {strides = array<i32>} : memref<2048xi32, #tpu.memory_space<vmem>>, vector<16xi32>,
      %get3A_1225 = arith.constant 1232 : index
      %get3A_1226 = tpu.vector_load %arg7[%get3A_1225] {strides = array<i32>} : memref<2048xi32, #tpu.memory_space<vmem>>, vector<16xi32>,
      %get3A_1227 = vector.shape_cast %get3A_1226 : vector<16xi32> to vector<16xi32>
      %ge3A_1228 = vector.broadcast %mul3A_2 : i32 to vector<16xi32>
      %ge3A_1229 = arith.cmpi sge, %get3A_1227, %ge3A_1228 : vector<16xi32>
      %lt3A_1230 = vector.broadcast %add3A_4 : i32 to vector<16xi32>
      %lt3A_1231 = arith.cmpi slt, %get3A_1227, %lt3A_1230 : vector<16xi32>
      %and3A_1232 = arith.andi %ge3A_1229, %lt3A_1231 : vector<16xi1>
      %jit3A_1233 = arith.constant 8388608 : i32
      %broadcast_in_dim3A_1234 = vector.broadcast %jit3A_1233 : i32 to vector<16xi32>
      %select_n3A_1235 = arith.select %and3A_1232, %get3A_1227, %broadcast_in_dim3A_1234 : vector<16xi1>, vector<16xi32>
      %swap3A_1236 = arith.constant 1232 : index
      %swap3A_1237 = tpu.vector_load %arg9[%swap3A_1236] {strides = array<i32>} : memref<2048xi32, #tpu.memory_space<vmem>>, vector<16xi32>,
      %swap3A_1238 = vector.shape_cast %swap3A_1237 : vector<16xi32> to vector<16xi32>
      %swap3A_1239 = vector.shape_cast %select_n3A_1235 : vector<16xi32> to vector<16xi32>
      tpu.vector_store %arg9[%swap3A_1236], %swap3A_1239 {strides = array<i32>} : memref<2048xi32, #tpu.memory_space<vmem>>, vector<16xi32>,
      %get3A_1240 = arith.constant 1248 : index
      %get3A_1241 = tpu.vector_load %arg7[%get3A_1240] {strides = array<i32>} : memref<2048xi32, #tpu.memory_space<vmem>>, vector<16xi32>,
      %get3A_1242 = vector.shape_cast %get3A_1241 : vector<16xi32> to vector<16xi32>
      %ge3A_1243 = vector.broadcast %mul3A_2 : i32 to vector<16xi32>
      %ge3A_1244 = arith.cmpi sge, %get3A_1242, %ge3A_1243 : vector<16xi32>
      %lt3A_1245 = vector.broadcast %add3A_4 : i32 to vector<16xi32>
      %lt3A_1246 = arith.cmpi slt, %get3A_1242, %lt3A_1245 : vector<16xi32>
      %and3A_1247 = arith.andi %ge3A_1244, %lt3A_1246 : vector<16xi1>
      %jit3A_1248 = arith.constant 8388608 : i32
      %broadcast_in_dim3A_1249 = vector.broadcast %jit3A_1248 : i32 to vector<16xi32>
      %select_n3A_1250 = arith.select %and3A_1247, %get3A_1242, %broadcast_in_dim3A_1249 : vector<16xi1>, vector<16xi32>
      %swap3A_1251 = arith.constant 1248 : index
      %swap3A_1252 = tpu.vector_load %arg9[%swap3A_1251] {strides = array<i32>} : memref<2048xi32, #tpu.memory_space<vmem>>, vector<16xi32>,
      %swap3A_1253 = vector.shape_cast %swap3A_1252 : vector<16xi32> to vector<16xi32>
      %swap3A_1254 = vector.shape_cast %select_n3A_1250 : vector<16xi32> to vector<16xi32>
      tpu.vector_store %arg9[%swap3A_1251], %swap3A_1254 {strides = array<i32>} : memref<2048xi32, #tpu.memory_space<vmem>>, vector<16xi32>,
      %get3A_1255 = arith.constant 1264 : index
      %get3A_1256 = tpu.vector_load %arg7[%get3A_1255] {strides = array<i32>} : memref<2048xi32, #tpu.memory_space<vmem>>, vector<16xi32>,
      %get3A_1257 = vector.shape_cast %get3A_1256 : vector<16xi32> to vector<16xi32>
      %ge3A_1258 = vector.broadcast %mul3A_2 : i32 to vector<16xi32>
      %ge3A_1259 = arith.cmpi sge, %get3A_1257, %ge3A_1258 : vector<16xi32>
      %lt3A_1260 = vector.broadcast %add3A_4 : i32 to vector<16xi32>
      %lt3A_1261 = arith.cmpi slt, %get3A_1257, %lt3A_1260 : vector<16xi32>
      %and3A_1262 = arith.andi %ge3A_1259, %lt3A_1261 : vector<16xi1>
      %jit3A_1263 = arith.constant 8388608 : i32
      %broadcast_in_dim3A_1264 = vector.broadcast %jit3A_1263 : i32 to vector<16xi32>
      %select_n3A_1265 = arith.select %and3A_1262, %get3A_1257, %broadcast_in_dim3A_1264 : vector<16xi1>, vector<16xi32>
      %swap3A_1266 = arith.constant 1264 : index
      %swap3A_1267 = tpu.vector_load %arg9[%swap3A_1266] {strides = array<i32>} : memref<2048xi32, #tpu.memory_space<vmem>>, vector<16xi32>,
      %swap3A_1268 = vector.shape_cast %swap3A_1267 : vector<16xi32> to vector<16xi32>
      %swap3A_1269 = vector.shape_cast %select_n3A_1265 : vector<16xi32> to vector<16xi32>
      tpu.vector_store %arg9[%swap3A_1266], %swap3A_1269 {strides = array<i32>} : memref<2048xi32, #tpu.memory_space<vmem>>, vector<16xi32>,
      %get3A_1270 = arith.constant 1280 : index
      %get3A_1271 = tpu.vector_load %arg7[%get3A_1270] {strides = array<i32>} : memref<2048xi32, #tpu.memory_space<vmem>>, vector<16xi32>,
      %get3A_1272 = vector.shape_cast %get3A_1271 : vector<16xi32> to vector<16xi32>
      %ge3A_1273 = vector.broadcast %mul3A_2 : i32 to vector<16xi32>
      %ge3A_1274 = arith.cmpi sge, %get3A_1272, %ge3A_1273 : vector<16xi32>
      %lt3A_1275 = vector.broadcast %add3A_4 : i32 to vector<16xi32>
      %lt3A_1276 = arith.cmpi slt, %get3A_1272, %lt3A_1275 : vector<16xi32>
      %and3A_1277 = arith.andi %ge3A_1274, %lt3A_1276 : vector<16xi1>
      %jit3A_1278 = arith.constant 8388608 : i32
      %broadcast_in_dim3A_1279 = vector.broadcast %jit3A_1278 : i32 to vector<16xi32>
      %select_n3A_1280 = arith.select %and3A_1277, %get3A_1272, %broadcast_in_dim3A_1279 : vector<16xi1>, vector<16xi32>
      %swap3A_1281 = arith.constant 1280 : index
      %swap3A_1282 = tpu.vector_load %arg9[%swap3A_1281] {strides = array<i32>} : memref<2048xi32, #tpu.memory_space<vmem>>, vector<16xi32>,
      %swap3A_1283 = vector.shape_cast %swap3A_1282 : vector<16xi32> to vector<16xi32>
      %swap3A_1284 = vector.shape_cast %select_n3A_1280 : vector<16xi32> to vector<16xi32>
      tpu.vector_store %arg9[%swap3A_1281], %swap3A_1284 {strides = array<i32>} : memref<2048xi32, #tpu.memory_space<vmem>>, vector<16xi32>,
      %get3A_1285 = arith.constant 1296 : index
      %get3A_1286 = tpu.vector_load %arg7[%get3A_1285] {strides = array<i32>} : memref<2048xi32, #tpu.memory_space<vmem>>, vector<16xi32>,
      %get3A_1287 = vector.shape_cast %get3A_1286 : vector<16xi32> to vector<16xi32>
      %ge3A_1288 = vector.broadcast %mul3A_2 : i32 to vector<16xi32>
      %ge3A_1289 = arith.cmpi sge, %get3A_1287, %ge3A_1288 : vector<16xi32>
      %lt3A_1290 = vector.broadcast %add3A_4 : i32 to vector<16xi32>
      %lt3A_1291 = arith.cmpi slt, %get3A_1287, %lt3A_1290 : vector<16xi32>
      %and3A_1292 = arith.andi %ge3A_1289, %lt3A_1291 : vector<16xi1>
      %jit3A_1293 = arith.constant 8388608 : i32
      %broadcast_in_dim3A_1294 = vector.broadcast %jit3A_1293 : i32 to vector<16xi32>
      %select_n3A_1295 = arith.select %and3A_1292, %get3A_1287, %broadcast_in_dim3A_1294 : vector<16xi1>, vector<16xi32>
      %swap3A_1296 = arith.constant 1296 : index
      %swap3A_1297 = tpu.vector_load %arg9[%swap3A_1296] {strides = array<i32>} : memref<2048xi32, #tpu.memory_space<vmem>>, vector<16xi32>,
      %swap3A_1298 = vector.shape_cast %swap3A_1297 : vector<16xi32> to vector<16xi32>
      %swap3A_1299 = vector.shape_cast %select_n3A_1295 : vector<16xi32> to vector<16xi32>
      tpu.vector_store %arg9[%swap3A_1296], %swap3A_1299 {strides = array<i32>} : memref<2048xi32, #tpu.memory_space<vmem>>, vector<16xi32>,
      %get3A_1300 = arith.constant 1312 : index
      %get3A_1301 = tpu.vector_load %arg7[%get3A_1300] {strides = array<i32>} : memref<2048xi32, #tpu.memory_space<vmem>>, vector<16xi32>,
      %get3A_1302 = vector.shape_cast %get3A_1301 : vector<16xi32> to vector<16xi32>
      %ge3A_1303 = vector.broadcast %mul3A_2 : i32 to vector<16xi32>
      %ge3A_1304 = arith.cmpi sge, %get3A_1302, %ge3A_1303 : vector<16xi32>
      %lt3A_1305 = vector.broadcast %add3A_4 : i32 to vector<16xi32>
      %lt3A_1306 = arith.cmpi slt, %get3A_1302, %lt3A_1305 : vector<16xi32>
      %and3A_1307 = arith.andi %ge3A_1304, %lt3A_1306 : vector<16xi1>
      %jit3A_1308 = arith.constant 8388608 : i32
      %broadcast_in_dim3A_1309 = vector.broadcast %jit3A_1308 : i32 to vector<16xi32>
      %select_n3A_1310 = arith.select %and3A_1307, %get3A_1302, %broadcast_in_dim3A_1309 : vector<16xi1>, vector<16xi32>
      %swap3A_1311 = arith.constant 1312 : index
      %swap3A_1312 = tpu.vector_load %arg9[%swap3A_1311] {strides = array<i32>} : memref<2048xi32, #tpu.memory_space<vmem>>, vector<16xi32>,
      %swap3A_1313 = vector.shape_cast %swap3A_1312 : vector<16xi32> to vector<16xi32>
      %swap3A_1314 = vector.shape_cast %select_n3A_1310 : vector<16xi32> to vector<16xi32>
      tpu.vector_store %arg9[%swap3A_1311], %swap3A_1314 {strides = array<i32>} : memref<2048xi32, #tpu.memory_space<vmem>>, vector<16xi32>,
      %get3A_1315 = arith.constant 1328 : index
      %get3A_1316 = tpu.vector_load %arg7[%get3A_1315] {strides = array<i32>} : memref<2048xi32, #tpu.memory_space<vmem>>, vector<16xi32>,
      %get3A_1317 = vector.shape_cast %get3A_1316 : vector<16xi32> to vector<16xi32>
      %ge3A_1318 = vector.broadcast %mul3A_2 : i32 to vector<16xi32>
      %ge3A_1319 = arith.cmpi sge, %get3A_1317, %ge3A_1318 : vector<16xi32>
      %lt3A_1320 = vector.broadcast %add3A_4 : i32 to vector<16xi32>
      %lt3A_1321 = arith.cmpi slt, %get3A_1317, %lt3A_1320 : vector<16xi32>
      %and3A_1322 = arith.andi %ge3A_1319, %lt3A_1321 : vector<16xi1>
      %jit3A_1323 = arith.constant 8388608 : i32
      %broadcast_in_dim3A_1324 = vector.broadcast %jit3A_1323 : i32 to vector<16xi32>
      %select_n3A_1325 = arith.select %and3A_1322, %get3A_1317, %broadcast_in_dim3A_1324 : vector<16xi1>, vector<16xi32>
      %swap3A_1326 = arith.constant 1328 : index
      %swap3A_1327 = tpu.vector_load %arg9[%swap3A_1326] {strides = array<i32>} : memref<2048xi32, #tpu.memory_space<vmem>>, vector<16xi32>,
      %swap3A_1328 = vector.shape_cast %swap3A_1327 : vector<16xi32> to vector<16xi32>
      %swap3A_1329 = vector.shape_cast %select_n3A_1325 : vector<16xi32> to vector<16xi32>
      tpu.vector_store %arg9[%swap3A_1326], %swap3A_1329 {strides = array<i32>} : memref<2048xi32, #tpu.memory_space<vmem>>, vector<16xi32>,
      %get3A_1330 = arith.constant 1344 : index
      %get3A_1331 = tpu.vector_load %arg7[%get3A_1330] {strides = array<i32>} : memref<2048xi32, #tpu.memory_space<vmem>>, vector<16xi32>,
      %get3A_1332 = vector.shape_cast %get3A_1331 : vector<16xi32> to vector<16xi32>
      %ge3A_1333 = vector.broadcast %mul3A_2 : i32 to vector<16xi32>
      %ge3A_1334 = arith.cmpi sge, %get3A_1332, %ge3A_1333 : vector<16xi32>
      %lt3A_1335 = vector.broadcast %add3A_4 : i32 to vector<16xi32>
      %lt3A_1336 = arith.cmpi slt, %get3A_1332, %lt3A_1335 : vector<16xi32>
      %and3A_1337 = arith.andi %ge3A_1334, %lt3A_1336 : vector<16xi1>
      %jit3A_1338 = arith.constant 8388608 : i32
      %broadcast_in_dim3A_1339 = vector.broadcast %jit3A_1338 : i32 to vector<16xi32>
      %select_n3A_1340 = arith.select %and3A_1337, %get3A_1332, %broadcast_in_dim3A_1339 : vector<16xi1>, vector<16xi32>
      %swap3A_1341 = arith.constant 1344 : index
      %swap3A_1342 = tpu.vector_load %arg9[%swap3A_1341] {strides = array<i32>} : memref<2048xi32, #tpu.memory_space<vmem>>, vector<16xi32>,
      %swap3A_1343 = vector.shape_cast %swap3A_1342 : vector<16xi32> to vector<16xi32>
      %swap3A_1344 = vector.shape_cast %select_n3A_1340 : vector<16xi32> to vector<16xi32>
      tpu.vector_store %arg9[%swap3A_1341], %swap3A_1344 {strides = array<i32>} : memref<2048xi32, #tpu.memory_space<vmem>>, vector<16xi32>,
      %get3A_1345 = arith.constant 1360 : index
      %get3A_1346 = tpu.vector_load %arg7[%get3A_1345] {strides = array<i32>} : memref<2048xi32, #tpu.memory_space<vmem>>, vector<16xi32>,
      %get3A_1347 = vector.shape_cast %get3A_1346 : vector<16xi32> to vector<16xi32>
      %ge3A_1348 = vector.broadcast %mul3A_2 : i32 to vector<16xi32>
      %ge3A_1349 = arith.cmpi sge, %get3A_1347, %ge3A_1348 : vector<16xi32>
      %lt3A_1350 = vector.broadcast %add3A_4 : i32 to vector<16xi32>
      %lt3A_1351 = arith.cmpi slt, %get3A_1347, %lt3A_1350 : vector<16xi32>
      %and3A_1352 = arith.andi %ge3A_1349, %lt3A_1351 : vector<16xi1>
      %jit3A_1353 = arith.constant 8388608 : i32
      %broadcast_in_dim3A_1354 = vector.broadcast %jit3A_1353 : i32 to vector<16xi32>
      %select_n3A_1355 = arith.select %and3A_1352, %get3A_1347, %broadcast_in_dim3A_1354 : vector<16xi1>, vector<16xi32>
      %swap3A_1356 = arith.constant 1360 : index
      %swap3A_1357 = tpu.vector_load %arg9[%swap3A_1356] {strides = array<i32>} : memref<2048xi32, #tpu.memory_space<vmem>>, vector<16xi32>,
      %swap3A_1358 = vector.shape_cast %swap3A_1357 : vector<16xi32> to vector<16xi32>
      %swap3A_1359 = vector.shape_cast %select_n3A_1355 : vector<16xi32> to vector<16xi32>
      tpu.vector_store %arg9[%swap3A_1356], %swap3A_1359 {strides = array<i32>} : memref<2048xi32, #tpu.memory_space<vmem>>, vector<16xi32>,
      %get3A_1360 = arith.constant 1376 : index
      %get3A_1361 = tpu.vector_load %arg7[%get3A_1360] {strides = array<i32>} : memref<2048xi32, #tpu.memory_space<vmem>>, vector<16xi32>,
      %get3A_1362 = vector.shape_cast %get3A_1361 : vector<16xi32> to vector<16xi32>
      %ge3A_1363 = vector.broadcast %mul3A_2 : i32 to vector<16xi32>
      %ge3A_1364 = arith.cmpi sge, %get3A_1362, %ge3A_1363 : vector<16xi32>
      %lt3A_1365 = vector.broadcast %add3A_4 : i32 to vector<16xi32>
      %lt3A_1366 = arith.cmpi slt, %get3A_1362, %lt3A_1365 : vector<16xi32>
      %and3A_1367 = arith.andi %ge3A_1364, %lt3A_1366 : vector<16xi1>
      %jit3A_1368 = arith.constant 8388608 : i32
      %broadcast_in_dim3A_1369 = vector.broadcast %jit3A_1368 : i32 to vector<16xi32>
      %select_n3A_1370 = arith.select %and3A_1367, %get3A_1362, %broadcast_in_dim3A_1369 : vector<16xi1>, vector<16xi32>
      %swap3A_1371 = arith.constant 1376 : index
      %swap3A_1372 = tpu.vector_load %arg9[%swap3A_1371] {strides = array<i32>} : memref<2048xi32, #tpu.memory_space<vmem>>, vector<16xi32>,
      %swap3A_1373 = vector.shape_cast %swap3A_1372 : vector<16xi32> to vector<16xi32>
      %swap3A_1374 = vector.shape_cast %select_n3A_1370 : vector<16xi32> to vector<16xi32>
      tpu.vector_store %arg9[%swap3A_1371], %swap3A_1374 {strides = array<i32>} : memref<2048xi32, #tpu.memory_space<vmem>>, vector<16xi32>,
      %get3A_1375 = arith.constant 1392 : index
      %get3A_1376 = tpu.vector_load %arg7[%get3A_1375] {strides = array<i32>} : memref<2048xi32, #tpu.memory_space<vmem>>, vector<16xi32>,
      %get3A_1377 = vector.shape_cast %get3A_1376 : vector<16xi32> to vector<16xi32>
      %ge3A_1378 = vector.broadcast %mul3A_2 : i32 to vector<16xi32>
      %ge3A_1379 = arith.cmpi sge, %get3A_1377, %ge3A_1378 : vector<16xi32>
      %lt3A_1380 = vector.broadcast %add3A_4 : i32 to vector<16xi32>
      %lt3A_1381 = arith.cmpi slt, %get3A_1377, %lt3A_1380 : vector<16xi32>
      %and3A_1382 = arith.andi %ge3A_1379, %lt3A_1381 : vector<16xi1>
      %jit3A_1383 = arith.constant 8388608 : i32
      %broadcast_in_dim3A_1384 = vector.broadcast %jit3A_1383 : i32 to vector<16xi32>
      %select_n3A_1385 = arith.select %and3A_1382, %get3A_1377, %broadcast_in_dim3A_1384 : vector<16xi1>, vector<16xi32>
      %swap3A_1386 = arith.constant 1392 : index
      %swap3A_1387 = tpu.vector_load %arg9[%swap3A_1386] {strides = array<i32>} : memref<2048xi32, #tpu.memory_space<vmem>>, vector<16xi32>,
      %swap3A_1388 = vector.shape_cast %swap3A_1387 : vector<16xi32> to vector<16xi32>
      %swap3A_1389 = vector.shape_cast %select_n3A_1385 : vector<16xi32> to vector<16xi32>
      tpu.vector_store %arg9[%swap3A_1386], %swap3A_1389 {strides = array<i32>} : memref<2048xi32, #tpu.memory_space<vmem>>, vector<16xi32>,
      %get3A_1390 = arith.constant 1408 : index
      %get3A_1391 = tpu.vector_load %arg7[%get3A_1390] {strides = array<i32>} : memref<2048xi32, #tpu.memory_space<vmem>>, vector<16xi32>,
      %get3A_1392 = vector.shape_cast %get3A_1391 : vector<16xi32> to vector<16xi32>
      %ge3A_1393 = vector.broadcast %mul3A_2 : i32 to vector<16xi32>
      %ge3A_1394 = arith.cmpi sge, %get3A_1392, %ge3A_1393 : vector<16xi32>
      %lt3A_1395 = vector.broadcast %add3A_4 : i32 to vector<16xi32>
      %lt3A_1396 = arith.cmpi slt, %get3A_1392, %lt3A_1395 : vector<16xi32>
      %and3A_1397 = arith.andi %ge3A_1394, %lt3A_1396 : vector<16xi1>
      %jit3A_1398 = arith.constant 8388608 : i32
      %broadcast_in_dim3A_1399 = vector.broadcast %jit3A_1398 : i32 to vector<16xi32>
      %select_n3A_1400 = arith.select %and3A_1397, %get3A_1392, %broadcast_in_dim3A_1399 : vector<16xi1>, vector<16xi32>
      %swap3A_1401 = arith.constant 1408 : index
      %swap3A_1402 = tpu.vector_load %arg9[%swap3A_1401] {strides = array<i32>} : memref<2048xi32, #tpu.memory_space<vmem>>, vector<16xi32>,
      %swap3A_1403 = vector.shape_cast %swap3A_1402 : vector<16xi32> to vector<16xi32>
      %swap3A_1404 = vector.shape_cast %select_n3A_1400 : vector<16xi32> to vector<16xi32>
      tpu.vector_store %arg9[%swap3A_1401], %swap3A_1404 {strides = array<i32>} : memref<2048xi32, #tpu.memory_space<vmem>>, vector<16xi32>,
      %get3A_1405 = arith.constant 1424 : index
      %get3A_1406 = tpu.vector_load %arg7[%get3A_1405] {strides = array<i32>} : memref<2048xi32, #tpu.memory_space<vmem>>, vector<16xi32>,
      %get3A_1407 = vector.shape_cast %get3A_1406 : vector<16xi32> to vector<16xi32>
      %ge3A_1408 = vector.broadcast %mul3A_2 : i32 to vector<16xi32>
      %ge3A_1409 = arith.cmpi sge, %get3A_1407, %ge3A_1408 : vector<16xi32>
      %lt3A_1410 = vector.broadcast %add3A_4 : i32 to vector<16xi32>
      %lt3A_1411 = arith.cmpi slt, %get3A_1407, %lt3A_1410 : vector<16xi32>
      %and3A_1412 = arith.andi %ge3A_1409, %lt3A_1411 : vector<16xi1>
      %jit3A_1413 = arith.constant 8388608 : i32
      %broadcast_in_dim3A_1414 = vector.broadcast %jit3A_1413 : i32 to vector<16xi32>
      %select_n3A_1415 = arith.select %and3A_1412, %get3A_1407, %broadcast_in_dim3A_1414 : vector<16xi1>, vector<16xi32>
      %swap3A_1416 = arith.constant 1424 : index
      %swap3A_1417 = tpu.vector_load %arg9[%swap3A_1416] {strides = array<i32>} : memref<2048xi32, #tpu.memory_space<vmem>>, vector<16xi32>,
      %swap3A_1418 = vector.shape_cast %swap3A_1417 : vector<16xi32> to vector<16xi32>
      %swap3A_1419 = vector.shape_cast %select_n3A_1415 : vector<16xi32> to vector<16xi32>
      tpu.vector_store %arg9[%swap3A_1416], %swap3A_1419 {strides = array<i32>} : memref<2048xi32, #tpu.memory_space<vmem>>, vector<16xi32>,
      %get3A_1420 = arith.constant 1440 : index
      %get3A_1421 = tpu.vector_load %arg7[%get3A_1420] {strides = array<i32>} : memref<2048xi32, #tpu.memory_space<vmem>>, vector<16xi32>,
      %get3A_1422 = vector.shape_cast %get3A_1421 : vector<16xi32> to vector<16xi32>
      %ge3A_1423 = vector.broadcast %mul3A_2 : i32 to vector<16xi32>
      %ge3A_1424 = arith.cmpi sge, %get3A_1422, %ge3A_1423 : vector<16xi32>
      %lt3A_1425 = vector.broadcast %add3A_4 : i32 to vector<16xi32>
      %lt3A_1426 = arith.cmpi slt, %get3A_1422, %lt3A_1425 : vector<16xi32>
      %and3A_1427 = arith.andi %ge3A_1424, %lt3A_1426 : vector<16xi1>
      %jit3A_1428 = arith.constant 8388608 : i32
      %broadcast_in_dim3A_1429 = vector.broadcast %jit3A_1428 : i32 to vector<16xi32>
      %select_n3A_1430 = arith.select %and3A_1427, %get3A_1422, %broadcast_in_dim3A_1429 : vector<16xi1>, vector<16xi32>
      %swap3A_1431 = arith.constant 1440 : index
      %swap3A_1432 = tpu.vector_load %arg9[%swap3A_1431] {strides = array<i32>} : memref<2048xi32, #tpu.memory_space<vmem>>, vector<16xi32>,
      %swap3A_1433 = vector.shape_cast %swap3A_1432 : vector<16xi32> to vector<16xi32>
      %swap3A_1434 = vector.shape_cast %select_n3A_1430 : vector<16xi32> to vector<16xi32>
      tpu.vector_store %arg9[%swap3A_1431], %swap3A_1434 {strides = array<i32>} : memref<2048xi32, #tpu.memory_space<vmem>>, vector<16xi32>,
      %get3A_1435 = arith.constant 1456 : index
      %get3A_1436 = tpu.vector_load %arg7[%get3A_1435] {strides = array<i32>} : memref<2048xi32, #tpu.memory_space<vmem>>, vector<16xi32>,
      %get3A_1437 = vector.shape_cast %get3A_1436 : vector<16xi32> to vector<16xi32>
      %ge3A_1438 = vector.broadcast %mul3A_2 : i32 to vector<16xi32>
      %ge3A_1439 = arith.cmpi sge, %get3A_1437, %ge3A_1438 : vector<16xi32>
      %lt3A_1440 = vector.broadcast %add3A_4 : i32 to vector<16xi32>
      %lt3A_1441 = arith.cmpi slt, %get3A_1437, %lt3A_1440 : vector<16xi32>
      %and3A_1442 = arith.andi %ge3A_1439, %lt3A_1441 : vector<16xi1>
      %jit3A_1443 = arith.constant 8388608 : i32
      %broadcast_in_dim3A_1444 = vector.broadcast %jit3A_1443 : i32 to vector<16xi32>
      %select_n3A_1445 = arith.select %and3A_1442, %get3A_1437, %broadcast_in_dim3A_1444 : vector<16xi1>, vector<16xi32>
      %swap3A_1446 = arith.constant 1456 : index
      %swap3A_1447 = tpu.vector_load %arg9[%swap3A_1446] {strides = array<i32>} : memref<2048xi32, #tpu.memory_space<vmem>>, vector<16xi32>,
      %swap3A_1448 = vector.shape_cast %swap3A_1447 : vector<16xi32> to vector<16xi32>
      %swap3A_1449 = vector.shape_cast %select_n3A_1445 : vector<16xi32> to vector<16xi32>
      tpu.vector_store %arg9[%swap3A_1446], %swap3A_1449 {strides = array<i32>} : memref<2048xi32, #tpu.memory_space<vmem>>, vector<16xi32>,
      %get3A_1450 = arith.constant 1472 : index
      %get3A_1451 = tpu.vector_load %arg7[%get3A_1450] {strides = array<i32>} : memref<2048xi32, #tpu.memory_space<vmem>>, vector<16xi32>,
      %get3A_1452 = vector.shape_cast %get3A_1451 : vector<16xi32> to vector<16xi32>
      %ge3A_1453 = vector.broadcast %mul3A_2 : i32 to vector<16xi32>
      %ge3A_1454 = arith.cmpi sge, %get3A_1452, %ge3A_1453 : vector<16xi32>
      %lt3A_1455 = vector.broadcast %add3A_4 : i32 to vector<16xi32>
      %lt3A_1456 = arith.cmpi slt, %get3A_1452, %lt3A_1455 : vector<16xi32>
      %and3A_1457 = arith.andi %ge3A_1454, %lt3A_1456 : vector<16xi1>
      %jit3A_1458 = arith.constant 8388608 : i32
      %broadcast_in_dim3A_1459 = vector.broadcast %jit3A_1458 : i32 to vector<16xi32>
      %select_n3A_1460 = arith.select %and3A_1457, %get3A_1452, %broadcast_in_dim3A_1459 : vector<16xi1>, vector<16xi32>
      %swap3A_1461 = arith.constant 1472 : index
      %swap3A_1462 = tpu.vector_load %arg9[%swap3A_1461] {strides = array<i32>} : memref<2048xi32, #tpu.memory_space<vmem>>, vector<16xi32>,
      %swap3A_1463 = vector.shape_cast %swap3A_1462 : vector<16xi32> to vector<16xi32>
      %swap3A_1464 = vector.shape_cast %select_n3A_1460 : vector<16xi32> to vector<16xi32>
      tpu.vector_store %arg9[%swap3A_1461], %swap3A_1464 {strides = array<i32>} : memref<2048xi32, #tpu.memory_space<vmem>>, vector<16xi32>,
      %get3A_1465 = arith.constant 1488 : index
      %get3A_1466 = tpu.vector_load %arg7[%get3A_1465] {strides = array<i32>} : memref<2048xi32, #tpu.memory_space<vmem>>, vector<16xi32>,
      %get3A_1467 = vector.shape_cast %get3A_1466 : vector<16xi32> to vector<16xi32>
      %ge3A_1468 = vector.broadcast %mul3A_2 : i32 to vector<16xi32>
      %ge3A_1469 = arith.cmpi sge, %get3A_1467, %ge3A_1468 : vector<16xi32>
      %lt3A_1470 = vector.broadcast %add3A_4 : i32 to vector<16xi32>
      %lt3A_1471 = arith.cmpi slt, %get3A_1467, %lt3A_1470 : vector<16xi32>
      %and3A_1472 = arith.andi %ge3A_1469, %lt3A_1471 : vector<16xi1>
      %jit3A_1473 = arith.constant 8388608 : i32
      %broadcast_in_dim3A_1474 = vector.broadcast %jit3A_1473 : i32 to vector<16xi32>
      %select_n3A_1475 = arith.select %and3A_1472, %get3A_1467, %broadcast_in_dim3A_1474 : vector<16xi1>, vector<16xi32>
      %swap3A_1476 = arith.constant 1488 : index
      %swap3A_1477 = tpu.vector_load %arg9[%swap3A_1476] {strides = array<i32>} : memref<2048xi32, #tpu.memory_space<vmem>>, vector<16xi32>,
      %swap3A_1478 = vector.shape_cast %swap3A_1477 : vector<16xi32> to vector<16xi32>
      %swap3A_1479 = vector.shape_cast %select_n3A_1475 : vector<16xi32> to vector<16xi32>
      tpu.vector_store %arg9[%swap3A_1476], %swap3A_1479 {strides = array<i32>} : memref<2048xi32, #tpu.memory_space<vmem>>, vector<16xi32>,
      %get3A_1480 = arith.constant 1504 : index
      %get3A_1481 = tpu.vector_load %arg7[%get3A_1480] {strides = array<i32>} : memref<2048xi32, #tpu.memory_space<vmem>>, vector<16xi32>,
      %get3A_1482 = vector.shape_cast %get3A_1481 : vector<16xi32> to vector<16xi32>
      %ge3A_1483 = vector.broadcast %mul3A_2 : i32 to vector<16xi32>
      %ge3A_1484 = arith.cmpi sge, %get3A_1482, %ge3A_1483 : vector<16xi32>
      %lt3A_1485 = vector.broadcast %add3A_4 : i32 to vector<16xi32>
      %lt3A_1486 = arith.cmpi slt, %get3A_1482, %lt3A_1485 : vector<16xi32>
      %and3A_1487 = arith.andi %ge3A_1484, %lt3A_1486 : vector<16xi1>
      %jit3A_1488 = arith.constant 8388608 : i32
      %broadcast_in_dim3A_1489 = vector.broadcast %jit3A_1488 : i32 to vector<16xi32>
      %select_n3A_1490 = arith.select %and3A_1487, %get3A_1482, %broadcast_in_dim3A_1489 : vector<16xi1>, vector<16xi32>
      %swap3A_1491 = arith.constant 1504 : index
      %swap3A_1492 = tpu.vector_load %arg9[%swap3A_1491] {strides = array<i32>} : memref<2048xi32, #tpu.memory_space<vmem>>, vector<16xi32>,
      %swap3A_1493 = vector.shape_cast %swap3A_1492 : vector<16xi32> to vector<16xi32>
      %swap3A_1494 = vector.shape_cast %select_n3A_1490 : vector<16xi32> to vector<16xi32>
      tpu.vector_store %arg9[%swap3A_1491], %swap3A_1494 {strides = array<i32>} : memref<2048xi32, #tpu.memory_space<vmem>>, vector<16xi32>,
      %get3A_1495 = arith.constant 1520 : index
      %get3A_1496 = tpu.vector_load %arg7[%get3A_1495] {strides = array<i32>} : memref<2048xi32, #tpu.memory_space<vmem>>, vector<16xi32>,
      %get3A_1497 = vector.shape_cast %get3A_1496 : vector<16xi32> to vector<16xi32>
      %ge3A_1498 = vector.broadcast %mul3A_2 : i32 to vector<16xi32>
      %ge3A_1499 = arith.cmpi sge, %get3A_1497, %ge3A_1498 : vector<16xi32>
      %lt3A_1500 = vector.broadcast %add3A_4 : i32 to vector<16xi32>
      %lt3A_1501 = arith.cmpi slt, %get3A_1497, %lt3A_1500 : vector<16xi32>
      %and3A_1502 = arith.andi %ge3A_1499, %lt3A_1501 : vector<16xi1>
      %jit3A_1503 = arith.constant 8388608 : i32
      %broadcast_in_dim3A_1504 = vector.broadcast %jit3A_1503 : i32 to vector<16xi32>
      %select_n3A_1505 = arith.select %and3A_1502, %get3A_1497, %broadcast_in_dim3A_1504 : vector<16xi1>, vector<16xi32>
      %swap3A_1506 = arith.constant 1520 : index
      %swap3A_1507 = tpu.vector_load %arg9[%swap3A_1506] {strides = array<i32>} : memref<2048xi32, #tpu.memory_space<vmem>>, vector<16xi32>,
      %swap3A_1508 = vector.shape_cast %swap3A_1507 : vector<16xi32> to vector<16xi32>
      %swap3A_1509 = vector.shape_cast %select_n3A_1505 : vector<16xi32> to vector<16xi32>
      tpu.vector_store %arg9[%swap3A_1506], %swap3A_1509 {strides = array<i32>} : memref<2048xi32, #tpu.memory_space<vmem>>, vector<16xi32>,
      %get3A_1510 = arith.constant 1536 : index
      %get3A_1511 = tpu.vector_load %arg7[%get3A_1510] {strides = array<i32>} : memref<2048xi32, #tpu.memory_space<vmem>>, vector<16xi32>,
      %get3A_1512 = vector.shape_cast %get3A_1511 : vector<16xi32> to vector<16xi32>
      %ge3A_1513 = vector.broadcast %mul3A_2 : i32 to vector<16xi32>
      %ge3A_1514 = arith.cmpi sge, %get3A_1512, %ge3A_1513 : vector<16xi32>
      %lt3A_1515 = vector.broadcast %add3A_4 : i32 to vector<16xi32>
      %lt3A_1516 = arith.cmpi slt, %get3A_1512, %lt3A_1515 : vector<16xi32>
      %and3A_1517 = arith.andi %ge3A_1514, %lt3A_1516 : vector<16xi1>
      %jit3A_1518 = arith.constant 8388608 : i32
      %broadcast_in_dim3A_1519 = vector.broadcast %jit3A_1518 : i32 to vector<16xi32>
      %select_n3A_1520 = arith.select %and3A_1517, %get3A_1512, %broadcast_in_dim3A_1519 : vector<16xi1>, vector<16xi32>
      %swap3A_1521 = arith.constant 1536 : index
      %swap3A_1522 = tpu.vector_load %arg9[%swap3A_1521] {strides = array<i32>} : memref<2048xi32, #tpu.memory_space<vmem>>, vector<16xi32>,
      %swap3A_1523 = vector.shape_cast %swap3A_1522 : vector<16xi32> to vector<16xi32>
      %swap3A_1524 = vector.shape_cast %select_n3A_1520 : vector<16xi32> to vector<16xi32>
      tpu.vector_store %arg9[%swap3A_1521], %swap3A_1524 {strides = array<i32>} : memref<2048xi32, #tpu.memory_space<vmem>>, vector<16xi32>,
      %get3A_1525 = arith.constant 1552 : index
      %get3A_1526 = tpu.vector_load %arg7[%get3A_1525] {strides = array<i32>} : memref<2048xi32, #tpu.memory_space<vmem>>, vector<16xi32>,
      %get3A_1527 = vector.shape_cast %get3A_1526 : vector<16xi32> to vector<16xi32>
      %ge3A_1528 = vector.broadcast %mul3A_2 : i32 to vector<16xi32>
      %ge3A_1529 = arith.cmpi sge, %get3A_1527, %ge3A_1528 : vector<16xi32>
      %lt3A_1530 = vector.broadcast %add3A_4 : i32 to vector<16xi32>
      %lt3A_1531 = arith.cmpi slt, %get3A_1527, %lt3A_1530 : vector<16xi32>
      %and3A_1532 = arith.andi %ge3A_1529, %lt3A_1531 : vector<16xi1>
      %jit3A_1533 = arith.constant 8388608 : i32
      %broadcast_in_dim3A_1534 = vector.broadcast %jit3A_1533 : i32 to vector<16xi32>
      %select_n3A_1535 = arith.select %and3A_1532, %get3A_1527, %broadcast_in_dim3A_1534 : vector<16xi1>, vector<16xi32>
      %swap3A_1536 = arith.constant 1552 : index
      %swap3A_1537 = tpu.vector_load %arg9[%swap3A_1536] {strides = array<i32>} : memref<2048xi32, #tpu.memory_space<vmem>>, vector<16xi32>,
      %swap3A_1538 = vector.shape_cast %swap3A_1537 : vector<16xi32> to vector<16xi32>
      %swap3A_1539 = vector.shape_cast %select_n3A_1535 : vector<16xi32> to vector<16xi32>
      tpu.vector_store %arg9[%swap3A_1536], %swap3A_1539 {strides = array<i32>} : memref<2048xi32, #tpu.memory_space<vmem>>, vector<16xi32>,
      %get3A_1540 = arith.constant 1568 : index
      %get3A_1541 = tpu.vector_load %arg7[%get3A_1540] {strides = array<i32>} : memref<2048xi32, #tpu.memory_space<vmem>>, vector<16xi32>,
      %get3A_1542 = vector.shape_cast %get3A_1541 : vector<16xi32> to vector<16xi32>
      %ge3A_1543 = vector.broadcast %mul3A_2 : i32 to vector<16xi32>
      %ge3A_1544 = arith.cmpi sge, %get3A_1542, %ge3A_1543 : vector<16xi32>
      %lt3A_1545 = vector.broadcast %add3A_4 : i32 to vector<16xi32>
      %lt3A_1546 = arith.cmpi slt, %get3A_1542, %lt3A_1545 : vector<16xi32>
      %and3A_1547 = arith.andi %ge3A_1544, %lt3A_1546 : vector<16xi1>
      %jit3A_1548 = arith.constant 8388608 : i32
      %broadcast_in_dim3A_1549 = vector.broadcast %jit3A_1548 : i32 to vector<16xi32>
      %select_n3A_1550 = arith.select %and3A_1547, %get3A_1542, %broadcast_in_dim3A_1549 : vector<16xi1>, vector<16xi32>
      %swap3A_1551 = arith.constant 1568 : index
      %swap3A_1552 = tpu.vector_load %arg9[%swap3A_1551] {strides = array<i32>} : memref<2048xi32, #tpu.memory_space<vmem>>, vector<16xi32>,
      %swap3A_1553 = vector.shape_cast %swap3A_1552 : vector<16xi32> to vector<16xi32>
      %swap3A_1554 = vector.shape_cast %select_n3A_1550 : vector<16xi32> to vector<16xi32>
      tpu.vector_store %arg9[%swap3A_1551], %swap3A_1554 {strides = array<i32>} : memref<2048xi32, #tpu.memory_space<vmem>>, vector<16xi32>,
      %get3A_1555 = arith.constant 1584 : index
      %get3A_1556 = tpu.vector_load %arg7[%get3A_1555] {strides = array<i32>} : memref<2048xi32, #tpu.memory_space<vmem>>, vector<16xi32>,
      %get3A_1557 = vector.shape_cast %get3A_1556 : vector<16xi32> to vector<16xi32>
      %ge3A_1558 = vector.broadcast %mul3A_2 : i32 to vector<16xi32>
      %ge3A_1559 = arith.cmpi sge, %get3A_1557, %ge3A_1558 : vector<16xi32>
      %lt3A_1560 = vector.broadcast %add3A_4 : i32 to vector<16xi32>
      %lt3A_1561 = arith.cmpi slt, %get3A_1557, %lt3A_1560 : vector<16xi32>
      %and3A_1562 = arith.andi %ge3A_1559, %lt3A_1561 : vector<16xi1>
      %jit3A_1563 = arith.constant 8388608 : i32
      %broadcast_in_dim3A_1564 = vector.broadcast %jit3A_1563 : i32 to vector<16xi32>
      %select_n3A_1565 = arith.select %and3A_1562, %get3A_1557, %broadcast_in_dim3A_1564 : vector<16xi1>, vector<16xi32>
      %swap3A_1566 = arith.constant 1584 : index
      %swap3A_1567 = tpu.vector_load %arg9[%swap3A_1566] {strides = array<i32>} : memref<2048xi32, #tpu.memory_space<vmem>>, vector<16xi32>,
      %swap3A_1568 = vector.shape_cast %swap3A_1567 : vector<16xi32> to vector<16xi32>
      %swap3A_1569 = vector.shape_cast %select_n3A_1565 : vector<16xi32> to vector<16xi32>
      tpu.vector_store %arg9[%swap3A_1566], %swap3A_1569 {strides = array<i32>} : memref<2048xi32, #tpu.memory_space<vmem>>, vector<16xi32>,
      %get3A_1570 = arith.constant 1600 : index
      %get3A_1571 = tpu.vector_load %arg7[%get3A_1570] {strides = array<i32>} : memref<2048xi32, #tpu.memory_space<vmem>>, vector<16xi32>,
      %get3A_1572 = vector.shape_cast %get3A_1571 : vector<16xi32> to vector<16xi32>
      %ge3A_1573 = vector.broadcast %mul3A_2 : i32 to vector<16xi32>
      %ge3A_1574 = arith.cmpi sge, %get3A_1572, %ge3A_1573 : vector<16xi32>
      %lt3A_1575 = vector.broadcast %add3A_4 : i32 to vector<16xi32>
      %lt3A_1576 = arith.cmpi slt, %get3A_1572, %lt3A_1575 : vector<16xi32>
      %and3A_1577 = arith.andi %ge3A_1574, %lt3A_1576 : vector<16xi1>
      %jit3A_1578 = arith.constant 8388608 : i32
      %broadcast_in_dim3A_1579 = vector.broadcast %jit3A_1578 : i32 to vector<16xi32>
      %select_n3A_1580 = arith.select %and3A_1577, %get3A_1572, %broadcast_in_dim3A_1579 : vector<16xi1>, vector<16xi32>
      %swap3A_1581 = arith.constant 1600 : index
      %swap3A_1582 = tpu.vector_load %arg9[%swap3A_1581] {strides = array<i32>} : memref<2048xi32, #tpu.memory_space<vmem>>, vector<16xi32>,
      %swap3A_1583 = vector.shape_cast %swap3A_1582 : vector<16xi32> to vector<16xi32>
      %swap3A_1584 = vector.shape_cast %select_n3A_1580 : vector<16xi32> to vector<16xi32>
      tpu.vector_store %arg9[%swap3A_1581], %swap3A_1584 {strides = array<i32>} : memref<2048xi32, #tpu.memory_space<vmem>>, vector<16xi32>,
      %get3A_1585 = arith.constant 1616 : index
      %get3A_1586 = tpu.vector_load %arg7[%get3A_1585] {strides = array<i32>} : memref<2048xi32, #tpu.memory_space<vmem>>, vector<16xi32>,
      %get3A_1587 = vector.shape_cast %get3A_1586 : vector<16xi32> to vector<16xi32>
      %ge3A_1588 = vector.broadcast %mul3A_2 : i32 to vector<16xi32>
      %ge3A_1589 = arith.cmpi sge, %get3A_1587, %ge3A_1588 : vector<16xi32>
      %lt3A_1590 = vector.broadcast %add3A_4 : i32 to vector<16xi32>
      %lt3A_1591 = arith.cmpi slt, %get3A_1587, %lt3A_1590 : vector<16xi32>
      %and3A_1592 = arith.andi %ge3A_1589, %lt3A_1591 : vector<16xi1>
      %jit3A_1593 = arith.constant 8388608 : i32
      %broadcast_in_dim3A_1594 = vector.broadcast %jit3A_1593 : i32 to vector<16xi32>
      %select_n3A_1595 = arith.select %and3A_1592, %get3A_1587, %broadcast_in_dim3A_1594 : vector<16xi1>, vector<16xi32>
      %swap3A_1596 = arith.constant 1616 : index
      %swap3A_1597 = tpu.vector_load %arg9[%swap3A_1596] {strides = array<i32>} : memref<2048xi32, #tpu.memory_space<vmem>>, vector<16xi32>,
      %swap3A_1598 = vector.shape_cast %swap3A_1597 : vector<16xi32> to vector<16xi32>
      %swap3A_1599 = vector.shape_cast %select_n3A_1595 : vector<16xi32> to vector<16xi32>
      tpu.vector_store %arg9[%swap3A_1596], %swap3A_1599 {strides = array<i32>} : memref<2048xi32, #tpu.memory_space<vmem>>, vector<16xi32>,
      %get3A_1600 = arith.constant 1632 : index
      %get3A_1601 = tpu.vector_load %arg7[%get3A_1600] {strides = array<i32>} : memref<2048xi32, #tpu.memory_space<vmem>>, vector<16xi32>,
      %get3A_1602 = vector.shape_cast %get3A_1601 : vector<16xi32> to vector<16xi32>
      %ge3A_1603 = vector.broadcast %mul3A_2 : i32 to vector<16xi32>
      %ge3A_1604 = arith.cmpi sge, %get3A_1602, %ge3A_1603 : vector<16xi32>
      %lt3A_1605 = vector.broadcast %add3A_4 : i32 to vector<16xi32>
      %lt3A_1606 = arith.cmpi slt, %get3A_1602, %lt3A_1605 : vector<16xi32>
      %and3A_1607 = arith.andi %ge3A_1604, %lt3A_1606 : vector<16xi1>
      %jit3A_1608 = arith.constant 8388608 : i32
      %broadcast_in_dim3A_1609 = vector.broadcast %jit3A_1608 : i32 to vector<16xi32>
      %select_n3A_1610 = arith.select %and3A_1607, %get3A_1602, %broadcast_in_dim3A_1609 : vector<16xi1>, vector<16xi32>
      %swap3A_1611 = arith.constant 1632 : index
      %swap3A_1612 = tpu.vector_load %arg9[%swap3A_1611] {strides = array<i32>} : memref<2048xi32, #tpu.memory_space<vmem>>, vector<16xi32>,
      %swap3A_1613 = vector.shape_cast %swap3A_1612 : vector<16xi32> to vector<16xi32>
      %swap3A_1614 = vector.shape_cast %select_n3A_1610 : vector<16xi32> to vector<16xi32>
      tpu.vector_store %arg9[%swap3A_1611], %swap3A_1614 {strides = array<i32>} : memref<2048xi32, #tpu.memory_space<vmem>>, vector<16xi32>,
      %get3A_1615 = arith.constant 1648 : index
      %get3A_1616 = tpu.vector_load %arg7[%get3A_1615] {strides = array<i32>} : memref<2048xi32, #tpu.memory_space<vmem>>, vector<16xi32>,
      %get3A_1617 = vector.shape_cast %get3A_1616 : vector<16xi32> to vector<16xi32>
      %ge3A_1618 = vector.broadcast %mul3A_2 : i32 to vector<16xi32>
      %ge3A_1619 = arith.cmpi sge, %get3A_1617, %ge3A_1618 : vector<16xi32>
      %lt3A_1620 = vector.broadcast %add3A_4 : i32 to vector<16xi32>
      %lt3A_1621 = arith.cmpi slt, %get3A_1617, %lt3A_1620 : vector<16xi32>
      %and3A_1622 = arith.andi %ge3A_1619, %lt3A_1621 : vector<16xi1>
      %jit3A_1623 = arith.constant 8388608 : i32
      %broadcast_in_dim3A_1624 = vector.broadcast %jit3A_1623 : i32 to vector<16xi32>
      %select_n3A_1625 = arith.select %and3A_1622, %get3A_1617, %broadcast_in_dim3A_1624 : vector<16xi1>, vector<16xi32>
      %swap3A_1626 = arith.constant 1648 : index
      %swap3A_1627 = tpu.vector_load %arg9[%swap3A_1626] {strides = array<i32>} : memref<2048xi32, #tpu.memory_space<vmem>>, vector<16xi32>,
      %swap3A_1628 = vector.shape_cast %swap3A_1627 : vector<16xi32> to vector<16xi32>
      %swap3A_1629 = vector.shape_cast %select_n3A_1625 : vector<16xi32> to vector<16xi32>
      tpu.vector_store %arg9[%swap3A_1626], %swap3A_1629 {strides = array<i32>} : memref<2048xi32, #tpu.memory_space<vmem>>, vector<16xi32>,
      %get3A_1630 = arith.constant 1664 : index
      %get3A_1631 = tpu.vector_load %arg7[%get3A_1630] {strides = array<i32>} : memref<2048xi32, #tpu.memory_space<vmem>>, vector<16xi32>,
      %get3A_1632 = vector.shape_cast %get3A_1631 : vector<16xi32> to vector<16xi32>
      %ge3A_1633 = vector.broadcast %mul3A_2 : i32 to vector<16xi32>
      %ge3A_1634 = arith.cmpi sge, %get3A_1632, %ge3A_1633 : vector<16xi32>
      %lt3A_1635 = vector.broadcast %add3A_4 : i32 to vector<16xi32>
      %lt3A_1636 = arith.cmpi slt, %get3A_1632, %lt3A_1635 : vector<16xi32>
      %and3A_1637 = arith.andi %ge3A_1634, %lt3A_1636 : vector<16xi1>
      %jit3A_1638 = arith.constant 8388608 : i32
      %broadcast_in_dim3A_1639 = vector.broadcast %jit3A_1638 : i32 to vector<16xi32>
      %select_n3A_1640 = arith.select %and3A_1637, %get3A_1632, %broadcast_in_dim3A_1639 : vector<16xi1>, vector<16xi32>
      %swap3A_1641 = arith.constant 1664 : index
      %swap3A_1642 = tpu.vector_load %arg9[%swap3A_1641] {strides = array<i32>} : memref<2048xi32, #tpu.memory_space<vmem>>, vector<16xi32>,
      %swap3A_1643 = vector.shape_cast %swap3A_1642 : vector<16xi32> to vector<16xi32>
      %swap3A_1644 = vector.shape_cast %select_n3A_1640 : vector<16xi32> to vector<16xi32>
      tpu.vector_store %arg9[%swap3A_1641], %swap3A_1644 {strides = array<i32>} : memref<2048xi32, #tpu.memory_space<vmem>>, vector<16xi32>,
      %get3A_1645 = arith.constant 1680 : index
      %get3A_1646 = tpu.vector_load %arg7[%get3A_1645] {strides = array<i32>} : memref<2048xi32, #tpu.memory_space<vmem>>, vector<16xi32>,
      %get3A_1647 = vector.shape_cast %get3A_1646 : vector<16xi32> to vector<16xi32>
      %ge3A_1648 = vector.broadcast %mul3A_2 : i32 to vector<16xi32>
      %ge3A_1649 = arith.cmpi sge, %get3A_1647, %ge3A_1648 : vector<16xi32>
      %lt3A_1650 = vector.broadcast %add3A_4 : i32 to vector<16xi32>
      %lt3A_1651 = arith.cmpi slt, %get3A_1647, %lt3A_1650 : vector<16xi32>
      %and3A_1652 = arith.andi %ge3A_1649, %lt3A_1651 : vector<16xi1>
      %jit3A_1653 = arith.constant 8388608 : i32
      %broadcast_in_dim3A_1654 = vector.broadcast %jit3A_1653 : i32 to vector<16xi32>
      %select_n3A_1655 = arith.select %and3A_1652, %get3A_1647, %broadcast_in_dim3A_1654 : vector<16xi1>, vector<16xi32>
      %swap3A_1656 = arith.constant 1680 : index
      %swap3A_1657 = tpu.vector_load %arg9[%swap3A_1656] {strides = array<i32>} : memref<2048xi32, #tpu.memory_space<vmem>>, vector<16xi32>,
      %swap3A_1658 = vector.shape_cast %swap3A_1657 : vector<16xi32> to vector<16xi32>
      %swap3A_1659 = vector.shape_cast %select_n3A_1655 : vector<16xi32> to vector<16xi32>
      tpu.vector_store %arg9[%swap3A_1656], %swap3A_1659 {strides = array<i32>} : memref<2048xi32, #tpu.memory_space<vmem>>, vector<16xi32>,
      %get3A_1660 = arith.constant 1696 : index
      %get3A_1661 = tpu.vector_load %arg7[%get3A_1660] {strides = array<i32>} : memref<2048xi32, #tpu.memory_space<vmem>>, vector<16xi32>,
      %get3A_1662 = vector.shape_cast %get3A_1661 : vector<16xi32> to vector<16xi32>
      %ge3A_1663 = vector.broadcast %mul3A_2 : i32 to vector<16xi32>
      %ge3A_1664 = arith.cmpi sge, %get3A_1662, %ge3A_1663 : vector<16xi32>
      %lt3A_1665 = vector.broadcast %add3A_4 : i32 to vector<16xi32>
      %lt3A_1666 = arith.cmpi slt, %get3A_1662, %lt3A_1665 : vector<16xi32>
      %and3A_1667 = arith.andi %ge3A_1664, %lt3A_1666 : vector<16xi1>
      %jit3A_1668 = arith.constant 8388608 : i32
      %broadcast_in_dim3A_1669 = vector.broadcast %jit3A_1668 : i32 to vector<16xi32>
      %select_n3A_1670 = arith.select %and3A_1667, %get3A_1662, %broadcast_in_dim3A_1669 : vector<16xi1>, vector<16xi32>
      %swap3A_1671 = arith.constant 1696 : index
      %swap3A_1672 = tpu.vector_load %arg9[%swap3A_1671] {strides = array<i32>} : memref<2048xi32, #tpu.memory_space<vmem>>, vector<16xi32>,
      %swap3A_1673 = vector.shape_cast %swap3A_1672 : vector<16xi32> to vector<16xi32>
      %swap3A_1674 = vector.shape_cast %select_n3A_1670 : vector<16xi32> to vector<16xi32>
      tpu.vector_store %arg9[%swap3A_1671], %swap3A_1674 {strides = array<i32>} : memref<2048xi32, #tpu.memory_space<vmem>>, vector<16xi32>,
      %get3A_1675 = arith.constant 1712 : index
      %get3A_1676 = tpu.vector_load %arg7[%get3A_1675] {strides = array<i32>} : memref<2048xi32, #tpu.memory_space<vmem>>, vector<16xi32>,
      %get3A_1677 = vector.shape_cast %get3A_1676 : vector<16xi32> to vector<16xi32>
      %ge3A_1678 = vector.broadcast %mul3A_2 : i32 to vector<16xi32>
      %ge3A_1679 = arith.cmpi sge, %get3A_1677, %ge3A_1678 : vector<16xi32>
      %lt3A_1680 = vector.broadcast %add3A_4 : i32 to vector<16xi32>
      %lt3A_1681 = arith.cmpi slt, %get3A_1677, %lt3A_1680 : vector<16xi32>
      %and3A_1682 = arith.andi %ge3A_1679, %lt3A_1681 : vector<16xi1>
      %jit3A_1683 = arith.constant 8388608 : i32
      %broadcast_in_dim3A_1684 = vector.broadcast %jit3A_1683 : i32 to vector<16xi32>
      %select_n3A_1685 = arith.select %and3A_1682, %get3A_1677, %broadcast_in_dim3A_1684 : vector<16xi1>, vector<16xi32>
      %swap3A_1686 = arith.constant 1712 : index
      %swap3A_1687 = tpu.vector_load %arg9[%swap3A_1686] {strides = array<i32>} : memref<2048xi32, #tpu.memory_space<vmem>>, vector<16xi32>,
      %swap3A_1688 = vector.shape_cast %swap3A_1687 : vector<16xi32> to vector<16xi32>
      %swap3A_1689 = vector.shape_cast %select_n3A_1685 : vector<16xi32> to vector<16xi32>
      tpu.vector_store %arg9[%swap3A_1686], %swap3A_1689 {strides = array<i32>} : memref<2048xi32, #tpu.memory_space<vmem>>, vector<16xi32>,
      %get3A_1690 = arith.constant 1728 : index
      %get3A_1691 = tpu.vector_load %arg7[%get3A_1690] {strides = array<i32>} : memref<2048xi32, #tpu.memory_space<vmem>>, vector<16xi32>,
      %get3A_1692 = vector.shape_cast %get3A_1691 : vector<16xi32> to vector<16xi32>
      %ge3A_1693 = vector.broadcast %mul3A_2 : i32 to vector<16xi32>
      %ge3A_1694 = arith.cmpi sge, %get3A_1692, %ge3A_1693 : vector<16xi32>
      %lt3A_1695 = vector.broadcast %add3A_4 : i32 to vector<16xi32>
      %lt3A_1696 = arith.cmpi slt, %get3A_1692, %lt3A_1695 : vector<16xi32>
      %and3A_1697 = arith.andi %ge3A_1694, %lt3A_1696 : vector<16xi1>
      %jit3A_1698 = arith.constant 8388608 : i32
      %broadcast_in_dim3A_1699 = vector.broadcast %jit3A_1698 : i32 to vector<16xi32>
      %select_n3A_1700 = arith.select %and3A_1697, %get3A_1692, %broadcast_in_dim3A_1699 : vector<16xi1>, vector<16xi32>
      %swap3A_1701 = arith.constant 1728 : index
      %swap3A_1702 = tpu.vector_load %arg9[%swap3A_1701] {strides = array<i32>} : memref<2048xi32, #tpu.memory_space<vmem>>, vector<16xi32>,
      %swap3A_1703 = vector.shape_cast %swap3A_1702 : vector<16xi32> to vector<16xi32>
      %swap3A_1704 = vector.shape_cast %select_n3A_1700 : vector<16xi32> to vector<16xi32>
      tpu.vector_store %arg9[%swap3A_1701], %swap3A_1704 {strides = array<i32>} : memref<2048xi32, #tpu.memory_space<vmem>>, vector<16xi32>,
      %get3A_1705 = arith.constant 1744 : index
      %get3A_1706 = tpu.vector_load %arg7[%get3A_1705] {strides = array<i32>} : memref<2048xi32, #tpu.memory_space<vmem>>, vector<16xi32>,
      %get3A_1707 = vector.shape_cast %get3A_1706 : vector<16xi32> to vector<16xi32>
      %ge3A_1708 = vector.broadcast %mul3A_2 : i32 to vector<16xi32>
      %ge3A_1709 = arith.cmpi sge, %get3A_1707, %ge3A_1708 : vector<16xi32>
      %lt3A_1710 = vector.broadcast %add3A_4 : i32 to vector<16xi32>
      %lt3A_1711 = arith.cmpi slt, %get3A_1707, %lt3A_1710 : vector<16xi32>
      %and3A_1712 = arith.andi %ge3A_1709, %lt3A_1711 : vector<16xi1>
      %jit3A_1713 = arith.constant 8388608 : i32
      %broadcast_in_dim3A_1714 = vector.broadcast %jit3A_1713 : i32 to vector<16xi32>
      %select_n3A_1715 = arith.select %and3A_1712, %get3A_1707, %broadcast_in_dim3A_1714 : vector<16xi1>, vector<16xi32>
      %swap3A_1716 = arith.constant 1744 : index
      %swap3A_1717 = tpu.vector_load %arg9[%swap3A_1716] {strides = array<i32>} : memref<2048xi32, #tpu.memory_space<vmem>>, vector<16xi32>,
      %swap3A_1718 = vector.shape_cast %swap3A_1717 : vector<16xi32> to vector<16xi32>
      %swap3A_1719 = vector.shape_cast %select_n3A_1715 : vector<16xi32> to vector<16xi32>
      tpu.vector_store %arg9[%swap3A_1716], %swap3A_1719 {strides = array<i32>} : memref<2048xi32, #tpu.memory_space<vmem>>, vector<16xi32>,
      %get3A_1720 = arith.constant 1760 : index
      %get3A_1721 = tpu.vector_load %arg7[%get3A_1720] {strides = array<i32>} : memref<2048xi32, #tpu.memory_space<vmem>>, vector<16xi32>,
      %get3A_1722 = vector.shape_cast %get3A_1721 : vector<16xi32> to vector<16xi32>
      %ge3A_1723 = vector.broadcast %mul3A_2 : i32 to vector<16xi32>
      %ge3A_1724 = arith.cmpi sge, %get3A_1722, %ge3A_1723 : vector<16xi32>
      %lt3A_1725 = vector.broadcast %add3A_4 : i32 to vector<16xi32>
      %lt3A_1726 = arith.cmpi slt, %get3A_1722, %lt3A_1725 : vector<16xi32>
      %and3A_1727 = arith.andi %ge3A_1724, %lt3A_1726 : vector<16xi1>
      %jit3A_1728 = arith.constant 8388608 : i32
      %broadcast_in_dim3A_1729 = vector.broadcast %jit3A_1728 : i32 to vector<16xi32>
      %select_n3A_1730 = arith.select %and3A_1727, %get3A_1722, %broadcast_in_dim3A_1729 : vector<16xi1>, vector<16xi32>
      %swap3A_1731 = arith.constant 1760 : index
      %swap3A_1732 = tpu.vector_load %arg9[%swap3A_1731] {strides = array<i32>} : memref<2048xi32, #tpu.memory_space<vmem>>, vector<16xi32>,
      %swap3A_1733 = vector.shape_cast %swap3A_1732 : vector<16xi32> to vector<16xi32>
      %swap3A_1734 = vector.shape_cast %select_n3A_1730 : vector<16xi32> to vector<16xi32>
      tpu.vector_store %arg9[%swap3A_1731], %swap3A_1734 {strides = array<i32>} : memref<2048xi32, #tpu.memory_space<vmem>>, vector<16xi32>,
      %get3A_1735 = arith.constant 1776 : index
      %get3A_1736 = tpu.vector_load %arg7[%get3A_1735] {strides = array<i32>} : memref<2048xi32, #tpu.memory_space<vmem>>, vector<16xi32>,
      %get3A_1737 = vector.shape_cast %get3A_1736 : vector<16xi32> to vector<16xi32>
      %ge3A_1738 = vector.broadcast %mul3A_2 : i32 to vector<16xi32>
      %ge3A_1739 = arith.cmpi sge, %get3A_1737, %ge3A_1738 : vector<16xi32>
      %lt3A_1740 = vector.broadcast %add3A_4 : i32 to vector<16xi32>
      %lt3A_1741 = arith.cmpi slt, %get3A_1737, %lt3A_1740 : vector<16xi32>
      %and3A_1742 = arith.andi %ge3A_1739, %lt3A_1741 : vector<16xi1>
      %jit3A_1743 = arith.constant 8388608 : i32
      %broadcast_in_dim3A_1744 = vector.broadcast %jit3A_1743 : i32 to vector<16xi32>
      %select_n3A_1745 = arith.select %and3A_1742, %get3A_1737, %broadcast_in_dim3A_1744 : vector<16xi1>, vector<16xi32>
      %swap3A_1746 = arith.constant 1776 : index
      %swap3A_1747 = tpu.vector_load %arg9[%swap3A_1746] {strides = array<i32>} : memref<2048xi32, #tpu.memory_space<vmem>>, vector<16xi32>,
      %swap3A_1748 = vector.shape_cast %swap3A_1747 : vector<16xi32> to vector<16xi32>
      %swap3A_1749 = vector.shape_cast %select_n3A_1745 : vector<16xi32> to vector<16xi32>
      tpu.vector_store %arg9[%swap3A_1746], %swap3A_1749 {strides = array<i32>} : memref<2048xi32, #tpu.memory_space<vmem>>, vector<16xi32>,
      %get3A_1750 = arith.constant 1792 : index
      %get3A_1751 = tpu.vector_load %arg7[%get3A_1750] {strides = array<i32>} : memref<2048xi32, #tpu.memory_space<vmem>>, vector<16xi32>,
      %get3A_1752 = vector.shape_cast %get3A_1751 : vector<16xi32> to vector<16xi32>
      %ge3A_1753 = vector.broadcast %mul3A_2 : i32 to vector<16xi32>
      %ge3A_1754 = arith.cmpi sge, %get3A_1752, %ge3A_1753 : vector<16xi32>
      %lt3A_1755 = vector.broadcast %add3A_4 : i32 to vector<16xi32>
      %lt3A_1756 = arith.cmpi slt, %get3A_1752, %lt3A_1755 : vector<16xi32>
      %and3A_1757 = arith.andi %ge3A_1754, %lt3A_1756 : vector<16xi1>
      %jit3A_1758 = arith.constant 8388608 : i32
      %broadcast_in_dim3A_1759 = vector.broadcast %jit3A_1758 : i32 to vector<16xi32>
      %select_n3A_1760 = arith.select %and3A_1757, %get3A_1752, %broadcast_in_dim3A_1759 : vector<16xi1>, vector<16xi32>
      %swap3A_1761 = arith.constant 1792 : index
      %swap3A_1762 = tpu.vector_load %arg9[%swap3A_1761] {strides = array<i32>} : memref<2048xi32, #tpu.memory_space<vmem>>, vector<16xi32>,
      %swap3A_1763 = vector.shape_cast %swap3A_1762 : vector<16xi32> to vector<16xi32>
      %swap3A_1764 = vector.shape_cast %select_n3A_1760 : vector<16xi32> to vector<16xi32>
      tpu.vector_store %arg9[%swap3A_1761], %swap3A_1764 {strides = array<i32>} : memref<2048xi32, #tpu.memory_space<vmem>>, vector<16xi32>,
      %get3A_1765 = arith.constant 1808 : index
      %get3A_1766 = tpu.vector_load %arg7[%get3A_1765] {strides = array<i32>} : memref<2048xi32, #tpu.memory_space<vmem>>, vector<16xi32>,
      %get3A_1767 = vector.shape_cast %get3A_1766 : vector<16xi32> to vector<16xi32>
      %ge3A_1768 = vector.broadcast %mul3A_2 : i32 to vector<16xi32>
      %ge3A_1769 = arith.cmpi sge, %get3A_1767, %ge3A_1768 : vector<16xi32>
      %lt3A_1770 = vector.broadcast %add3A_4 : i32 to vector<16xi32>
      %lt3A_1771 = arith.cmpi slt, %get3A_1767, %lt3A_1770 : vector<16xi32>
      %and3A_1772 = arith.andi %ge3A_1769, %lt3A_1771 : vector<16xi1>
      %jit3A_1773 = arith.constant 8388608 : i32
      %broadcast_in_dim3A_1774 = vector.broadcast %jit3A_1773 : i32 to vector<16xi32>
      %select_n3A_1775 = arith.select %and3A_1772, %get3A_1767, %broadcast_in_dim3A_1774 : vector<16xi1>, vector<16xi32>
      %swap3A_1776 = arith.constant 1808 : index
      %swap3A_1777 = tpu.vector_load %arg9[%swap3A_1776] {strides = array<i32>} : memref<2048xi32, #tpu.memory_space<vmem>>, vector<16xi32>,
      %swap3A_1778 = vector.shape_cast %swap3A_1777 : vector<16xi32> to vector<16xi32>
      %swap3A_1779 = vector.shape_cast %select_n3A_1775 : vector<16xi32> to vector<16xi32>
      tpu.vector_store %arg9[%swap3A_1776], %swap3A_1779 {strides = array<i32>} : memref<2048xi32, #tpu.memory_space<vmem>>, vector<16xi32>,
      %get3A_1780 = arith.constant 1824 : index
      %get3A_1781 = tpu.vector_load %arg7[%get3A_1780] {strides = array<i32>} : memref<2048xi32, #tpu.memory_space<vmem>>, vector<16xi32>,
      %get3A_1782 = vector.shape_cast %get3A_1781 : vector<16xi32> to vector<16xi32>
      %ge3A_1783 = vector.broadcast %mul3A_2 : i32 to vector<16xi32>
      %ge3A_1784 = arith.cmpi sge, %get3A_1782, %ge3A_1783 : vector<16xi32>
      %lt3A_1785 = vector.broadcast %add3A_4 : i32 to vector<16xi32>
      %lt3A_1786 = arith.cmpi slt, %get3A_1782, %lt3A_1785 : vector<16xi32>
      %and3A_1787 = arith.andi %ge3A_1784, %lt3A_1786 : vector<16xi1>
      %jit3A_1788 = arith.constant 8388608 : i32
      %broadcast_in_dim3A_1789 = vector.broadcast %jit3A_1788 : i32 to vector<16xi32>
      %select_n3A_1790 = arith.select %and3A_1787, %get3A_1782, %broadcast_in_dim3A_1789 : vector<16xi1>, vector<16xi32>
      %swap3A_1791 = arith.constant 1824 : index
      %swap3A_1792 = tpu.vector_load %arg9[%swap3A_1791] {strides = array<i32>} : memref<2048xi32, #tpu.memory_space<vmem>>, vector<16xi32>,
      %swap3A_1793 = vector.shape_cast %swap3A_1792 : vector<16xi32> to vector<16xi32>
      %swap3A_1794 = vector.shape_cast %select_n3A_1790 : vector<16xi32> to vector<16xi32>
      tpu.vector_store %arg9[%swap3A_1791], %swap3A_1794 {strides = array<i32>} : memref<2048xi32, #tpu.memory_space<vmem>>, vector<16xi32>,
      %get3A_1795 = arith.constant 1840 : index
      %get3A_1796 = tpu.vector_load %arg7[%get3A_1795] {strides = array<i32>} : memref<2048xi32, #tpu.memory_space<vmem>>, vector<16xi32>,
      %get3A_1797 = vector.shape_cast %get3A_1796 : vector<16xi32> to vector<16xi32>
      %ge3A_1798 = vector.broadcast %mul3A_2 : i32 to vector<16xi32>
      %ge3A_1799 = arith.cmpi sge, %get3A_1797, %ge3A_1798 : vector<16xi32>
      %lt3A_1800 = vector.broadcast %add3A_4 : i32 to vector<16xi32>
      %lt3A_1801 = arith.cmpi slt, %get3A_1797, %lt3A_1800 : vector<16xi32>
      %and3A_1802 = arith.andi %ge3A_1799, %lt3A_1801 : vector<16xi1>
      %jit3A_1803 = arith.constant 8388608 : i32
      %broadcast_in_dim3A_1804 = vector.broadcast %jit3A_1803 : i32 to vector<16xi32>
      %select_n3A_1805 = arith.select %and3A_1802, %get3A_1797, %broadcast_in_dim3A_1804 : vector<16xi1>, vector<16xi32>
      %swap3A_1806 = arith.constant 1840 : index
      %swap3A_1807 = tpu.vector_load %arg9[%swap3A_1806] {strides = array<i32>} : memref<2048xi32, #tpu.memory_space<vmem>>, vector<16xi32>,
      %swap3A_1808 = vector.shape_cast %swap3A_1807 : vector<16xi32> to vector<16xi32>
      %swap3A_1809 = vector.shape_cast %select_n3A_1805 : vector<16xi32> to vector<16xi32>
      tpu.vector_store %arg9[%swap3A_1806], %swap3A_1809 {strides = array<i32>} : memref<2048xi32, #tpu.memory_space<vmem>>, vector<16xi32>,
      %get3A_1810 = arith.constant 1856 : index
      %get3A_1811 = tpu.vector_load %arg7[%get3A_1810] {strides = array<i32>} : memref<2048xi32, #tpu.memory_space<vmem>>, vector<16xi32>,
      %get3A_1812 = vector.shape_cast %get3A_1811 : vector<16xi32> to vector<16xi32>
      %ge3A_1813 = vector.broadcast %mul3A_2 : i32 to vector<16xi32>
      %ge3A_1814 = arith.cmpi sge, %get3A_1812, %ge3A_1813 : vector<16xi32>
      %lt3A_1815 = vector.broadcast %add3A_4 : i32 to vector<16xi32>
      %lt3A_1816 = arith.cmpi slt, %get3A_1812, %lt3A_1815 : vector<16xi32>
      %and3A_1817 = arith.andi %ge3A_1814, %lt3A_1816 : vector<16xi1>
      %jit3A_1818 = arith.constant 8388608 : i32
      %broadcast_in_dim3A_1819 = vector.broadcast %jit3A_1818 : i32 to vector<16xi32>
      %select_n3A_1820 = arith.select %and3A_1817, %get3A_1812, %broadcast_in_dim3A_1819 : vector<16xi1>, vector<16xi32>
      %swap3A_1821 = arith.constant 1856 : index
      %swap3A_1822 = tpu.vector_load %arg9[%swap3A_1821] {strides = array<i32>} : memref<2048xi32, #tpu.memory_space<vmem>>, vector<16xi32>,
      %swap3A_1823 = vector.shape_cast %swap3A_1822 : vector<16xi32> to vector<16xi32>
      %swap3A_1824 = vector.shape_cast %select_n3A_1820 : vector<16xi32> to vector<16xi32>
      tpu.vector_store %arg9[%swap3A_1821], %swap3A_1824 {strides = array<i32>} : memref<2048xi32, #tpu.memory_space<vmem>>, vector<16xi32>,
      %get3A_1825 = arith.constant 1872 : index
      %get3A_1826 = tpu.vector_load %arg7[%get3A_1825] {strides = array<i32>} : memref<2048xi32, #tpu.memory_space<vmem>>, vector<16xi32>,
      %get3A_1827 = vector.shape_cast %get3A_1826 : vector<16xi32> to vector<16xi32>
      %ge3A_1828 = vector.broadcast %mul3A_2 : i32 to vector<16xi32>
      %ge3A_1829 = arith.cmpi sge, %get3A_1827, %ge3A_1828 : vector<16xi32>
      %lt3A_1830 = vector.broadcast %add3A_4 : i32 to vector<16xi32>
      %lt3A_1831 = arith.cmpi slt, %get3A_1827, %lt3A_1830 : vector<16xi32>
      %and3A_1832 = arith.andi %ge3A_1829, %lt3A_1831 : vector<16xi1>
      %jit3A_1833 = arith.constant 8388608 : i32
      %broadcast_in_dim3A_1834 = vector.broadcast %jit3A_1833 : i32 to vector<16xi32>
      %select_n3A_1835 = arith.select %and3A_1832, %get3A_1827, %broadcast_in_dim3A_1834 : vector<16xi1>, vector<16xi32>
      %swap3A_1836 = arith.constant 1872 : index
      %swap3A_1837 = tpu.vector_load %arg9[%swap3A_1836] {strides = array<i32>} : memref<2048xi32, #tpu.memory_space<vmem>>, vector<16xi32>,
      %swap3A_1838 = vector.shape_cast %swap3A_1837 : vector<16xi32> to vector<16xi32>
      %swap3A_1839 = vector.shape_cast %select_n3A_1835 : vector<16xi32> to vector<16xi32>
      tpu.vector_store %arg9[%swap3A_1836], %swap3A_1839 {strides = array<i32>} : memref<2048xi32, #tpu.memory_space<vmem>>, vector<16xi32>,
      %get3A_1840 = arith.constant 1888 : index
      %get3A_1841 = tpu.vector_load %arg7[%get3A_1840] {strides = array<i32>} : memref<2048xi32, #tpu.memory_space<vmem>>, vector<16xi32>,
      %get3A_1842 = vector.shape_cast %get3A_1841 : vector<16xi32> to vector<16xi32>
      %ge3A_1843 = vector.broadcast %mul3A_2 : i32 to vector<16xi32>
      %ge3A_1844 = arith.cmpi sge, %get3A_1842, %ge3A_1843 : vector<16xi32>
      %lt3A_1845 = vector.broadcast %add3A_4 : i32 to vector<16xi32>
      %lt3A_1846 = arith.cmpi slt, %get3A_1842, %lt3A_1845 : vector<16xi32>
      %and3A_1847 = arith.andi %ge3A_1844, %lt3A_1846 : vector<16xi1>
      %jit3A_1848 = arith.constant 8388608 : i32
      %broadcast_in_dim3A_1849 = vector.broadcast %jit3A_1848 : i32 to vector<16xi32>
      %select_n3A_1850 = arith.select %and3A_1847, %get3A_1842, %broadcast_in_dim3A_1849 : vector<16xi1>, vector<16xi32>
      %swap3A_1851 = arith.constant 1888 : index
      %swap3A_1852 = tpu.vector_load %arg9[%swap3A_1851] {strides = array<i32>} : memref<2048xi32, #tpu.memory_space<vmem>>, vector<16xi32>,
      %swap3A_1853 = vector.shape_cast %swap3A_1852 : vector<16xi32> to vector<16xi32>
      %swap3A_1854 = vector.shape_cast %select_n3A_1850 : vector<16xi32> to vector<16xi32>
      tpu.vector_store %arg9[%swap3A_1851], %swap3A_1854 {strides = array<i32>} : memref<2048xi32, #tpu.memory_space<vmem>>, vector<16xi32>,
      %get3A_1855 = arith.constant 1904 : index
      %get3A_1856 = tpu.vector_load %arg7[%get3A_1855] {strides = array<i32>} : memref<2048xi32, #tpu.memory_space<vmem>>, vector<16xi32>,
      %get3A_1857 = vector.shape_cast %get3A_1856 : vector<16xi32> to vector<16xi32>
      %ge3A_1858 = vector.broadcast %mul3A_2 : i32 to vector<16xi32>
      %ge3A_1859 = arith.cmpi sge, %get3A_1857, %ge3A_1858 : vector<16xi32>
      %lt3A_1860 = vector.broadcast %add3A_4 : i32 to vector<16xi32>
      %lt3A_1861 = arith.cmpi slt, %get3A_1857, %lt3A_1860 : vector<16xi32>
      %and3A_1862 = arith.andi %ge3A_1859, %lt3A_1861 : vector<16xi1>
      %jit3A_1863 = arith.constant 8388608 : i32
      %broadcast_in_dim3A_1864 = vector.broadcast %jit3A_1863 : i32 to vector<16xi32>
      %select_n3A_1865 = arith.select %and3A_1862, %get3A_1857, %broadcast_in_dim3A_1864 : vector<16xi1>, vector<16xi32>
      %swap3A_1866 = arith.constant 1904 : index
      %swap3A_1867 = tpu.vector_load %arg9[%swap3A_1866] {strides = array<i32>} : memref<2048xi32, #tpu.memory_space<vmem>>, vector<16xi32>,
      %swap3A_1868 = vector.shape_cast %swap3A_1867 : vector<16xi32> to vector<16xi32>
      %swap3A_1869 = vector.shape_cast %select_n3A_1865 : vector<16xi32> to vector<16xi32>
      tpu.vector_store %arg9[%swap3A_1866], %swap3A_1869 {strides = array<i32>} : memref<2048xi32, #tpu.memory_space<vmem>>, vector<16xi32>,
      %get3A_1870 = arith.constant 1920 : index
      %get3A_1871 = tpu.vector_load %arg7[%get3A_1870] {strides = array<i32>} : memref<2048xi32, #tpu.memory_space<vmem>>, vector<16xi32>,
      %get3A_1872 = vector.shape_cast %get3A_1871 : vector<16xi32> to vector<16xi32>
      %ge3A_1873 = vector.broadcast %mul3A_2 : i32 to vector<16xi32>
      %ge3A_1874 = arith.cmpi sge, %get3A_1872, %ge3A_1873 : vector<16xi32>
      %lt3A_1875 = vector.broadcast %add3A_4 : i32 to vector<16xi32>
      %lt3A_1876 = arith.cmpi slt, %get3A_1872, %lt3A_1875 : vector<16xi32>
      %and3A_1877 = arith.andi %ge3A_1874, %lt3A_1876 : vector<16xi1>
      %jit3A_1878 = arith.constant 8388608 : i32
      %broadcast_in_dim3A_1879 = vector.broadcast %jit3A_1878 : i32 to vector<16xi32>
      %select_n3A_1880 = arith.select %and3A_1877, %get3A_1872, %broadcast_in_dim3A_1879 : vector<16xi1>, vector<16xi32>
      %swap3A_1881 = arith.constant 1920 : index
      %swap3A_1882 = tpu.vector_load %arg9[%swap3A_1881] {strides = array<i32>} : memref<2048xi32, #tpu.memory_space<vmem>>, vector<16xi32>,
      %swap3A_1883 = vector.shape_cast %swap3A_1882 : vector<16xi32> to vector<16xi32>
      %swap3A_1884 = vector.shape_cast %select_n3A_1880 : vector<16xi32> to vector<16xi32>
      tpu.vector_store %arg9[%swap3A_1881], %swap3A_1884 {strides = array<i32>} : memref<2048xi32, #tpu.memory_space<vmem>>, vector<16xi32>,
      %get3A_1885 = arith.constant 1936 : index
      %get3A_1886 = tpu.vector_load %arg7[%get3A_1885] {strides = array<i32>} : memref<2048xi32, #tpu.memory_space<vmem>>, vector<16xi32>,
      %get3A_1887 = vector.shape_cast %get3A_1886 : vector<16xi32> to vector<16xi32>
      %ge3A_1888 = vector.broadcast %mul3A_2 : i32 to vector<16xi32>
      %ge3A_1889 = arith.cmpi sge, %get3A_1887, %ge3A_1888 : vector<16xi32>
      %lt3A_1890 = vector.broadcast %add3A_4 : i32 to vector<16xi32>
      %lt3A_1891 = arith.cmpi slt, %get3A_1887, %lt3A_1890 : vector<16xi32>
      %and3A_1892 = arith.andi %ge3A_1889, %lt3A_1891 : vector<16xi1>
      %jit3A_1893 = arith.constant 8388608 : i32
      %broadcast_in_dim3A_1894 = vector.broadcast %jit3A_1893 : i32 to vector<16xi32>
      %select_n3A_1895 = arith.select %and3A_1892, %get3A_1887, %broadcast_in_dim3A_1894 : vector<16xi1>, vector<16xi32>
      %swap3A_1896 = arith.constant 1936 : index
      %swap3A_1897 = tpu.vector_load %arg9[%swap3A_1896] {strides = array<i32>} : memref<2048xi32, #tpu.memory_space<vmem>>, vector<16xi32>,
      %swap3A_1898 = vector.shape_cast %swap3A_1897 : vector<16xi32> to vector<16xi32>
      %swap3A_1899 = vector.shape_cast %select_n3A_1895 : vector<16xi32> to vector<16xi32>
      tpu.vector_store %arg9[%swap3A_1896], %swap3A_1899 {strides = array<i32>} : memref<2048xi32, #tpu.memory_space<vmem>>, vector<16xi32>,
      %get3A_1900 = arith.constant 1952 : index
      %get3A_1901 = tpu.vector_load %arg7[%get3A_1900] {strides = array<i32>} : memref<2048xi32, #tpu.memory_space<vmem>>, vector<16xi32>,
      %get3A_1902 = vector.shape_cast %get3A_1901 : vector<16xi32> to vector<16xi32>
      %ge3A_1903 = vector.broadcast %mul3A_2 : i32 to vector<16xi32>
      %ge3A_1904 = arith.cmpi sge, %get3A_1902, %ge3A_1903 : vector<16xi32>
      %lt3A_1905 = vector.broadcast %add3A_4 : i32 to vector<16xi32>
      %lt3A_1906 = arith.cmpi slt, %get3A_1902, %lt3A_1905 : vector<16xi32>
      %and3A_1907 = arith.andi %ge3A_1904, %lt3A_1906 : vector<16xi1>
      %jit3A_1908 = arith.constant 8388608 : i32
      %broadcast_in_dim3A_1909 = vector.broadcast %jit3A_1908 : i32 to vector<16xi32>
      %select_n3A_1910 = arith.select %and3A_1907, %get3A_1902, %broadcast_in_dim3A_1909 : vector<16xi1>, vector<16xi32>
      %swap3A_1911 = arith.constant 1952 : index
      %swap3A_1912 = tpu.vector_load %arg9[%swap3A_1911] {strides = array<i32>} : memref<2048xi32, #tpu.memory_space<vmem>>, vector<16xi32>,
      %swap3A_1913 = vector.shape_cast %swap3A_1912 : vector<16xi32> to vector<16xi32>
      %swap3A_1914 = vector.shape_cast %select_n3A_1910 : vector<16xi32> to vector<16xi32>
      tpu.vector_store %arg9[%swap3A_1911], %swap3A_1914 {strides = array<i32>} : memref<2048xi32, #tpu.memory_space<vmem>>, vector<16xi32>,
      %get3A_1915 = arith.constant 1968 : index
      %get3A_1916 = tpu.vector_load %arg7[%get3A_1915] {strides = array<i32>} : memref<2048xi32, #tpu.memory_space<vmem>>, vector<16xi32>,
      %get3A_1917 = vector.shape_cast %get3A_1916 : vector<16xi32> to vector<16xi32>
      %ge3A_1918 = vector.broadcast %mul3A_2 : i32 to vector<16xi32>
      %ge3A_1919 = arith.cmpi sge, %get3A_1917, %ge3A_1918 : vector<16xi32>
      %lt3A_1920 = vector.broadcast %add3A_4 : i32 to vector<16xi32>
      %lt3A_1921 = arith.cmpi slt, %get3A_1917, %lt3A_1920 : vector<16xi32>
      %and3A_1922 = arith.andi %ge3A_1919, %lt3A_1921 : vector<16xi1>
      %jit3A_1923 = arith.constant 8388608 : i32
      %broadcast_in_dim3A_1924 = vector.broadcast %jit3A_1923 : i32 to vector<16xi32>
      %select_n3A_1925 = arith.select %and3A_1922, %get3A_1917, %broadcast_in_dim3A_1924 : vector<16xi1>, vector<16xi32>
      %swap3A_1926 = arith.constant 1968 : index
      %swap3A_1927 = tpu.vector_load %arg9[%swap3A_1926] {strides = array<i32>} : memref<2048xi32, #tpu.memory_space<vmem>>, vector<16xi32>,
      %swap3A_1928 = vector.shape_cast %swap3A_1927 : vector<16xi32> to vector<16xi32>
      %swap3A_1929 = vector.shape_cast %select_n3A_1925 : vector<16xi32> to vector<16xi32>
      tpu.vector_store %arg9[%swap3A_1926], %swap3A_1929 {strides = array<i32>} : memref<2048xi32, #tpu.memory_space<vmem>>, vector<16xi32>,
      %get3A_1930 = arith.constant 1984 : index
      %get3A_1931 = tpu.vector_load %arg7[%get3A_1930] {strides = array<i32>} : memref<2048xi32, #tpu.memory_space<vmem>>, vector<16xi32>,
      %get3A_1932 = vector.shape_cast %get3A_1931 : vector<16xi32> to vector<16xi32>
      %ge3A_1933 = vector.broadcast %mul3A_2 : i32 to vector<16xi32>
      %ge3A_1934 = arith.cmpi sge, %get3A_1932, %ge3A_1933 : vector<16xi32>
      %lt3A_1935 = vector.broadcast %add3A_4 : i32 to vector<16xi32>
      %lt3A_1936 = arith.cmpi slt, %get3A_1932, %lt3A_1935 : vector<16xi32>
      %and3A_1937 = arith.andi %ge3A_1934, %lt3A_1936 : vector<16xi1>
      %jit3A_1938 = arith.constant 8388608 : i32
      %broadcast_in_dim3A_1939 = vector.broadcast %jit3A_1938 : i32 to vector<16xi32>
      %select_n3A_1940 = arith.select %and3A_1937, %get3A_1932, %broadcast_in_dim3A_1939 : vector<16xi1>, vector<16xi32>
      %swap3A_1941 = arith.constant 1984 : index
      %swap3A_1942 = tpu.vector_load %arg9[%swap3A_1941] {strides = array<i32>} : memref<2048xi32, #tpu.memory_space<vmem>>, vector<16xi32>,
      %swap3A_1943 = vector.shape_cast %swap3A_1942 : vector<16xi32> to vector<16xi32>
      %swap3A_1944 = vector.shape_cast %select_n3A_1940 : vector<16xi32> to vector<16xi32>
      tpu.vector_store %arg9[%swap3A_1941], %swap3A_1944 {strides = array<i32>} : memref<2048xi32, #tpu.memory_space<vmem>>, vector<16xi32>,
      %get3A_1945 = arith.constant 2000 : index
      %get3A_1946 = tpu.vector_load %arg7[%get3A_1945] {strides = array<i32>} : memref<2048xi32, #tpu.memory_space<vmem>>, vector<16xi32>,
      %get3A_1947 = vector.shape_cast %get3A_1946 : vector<16xi32> to vector<16xi32>
      %ge3A_1948 = vector.broadcast %mul3A_2 : i32 to vector<16xi32>
      %ge3A_1949 = arith.cmpi sge, %get3A_1947, %ge3A_1948 : vector<16xi32>
      %lt3A_1950 = vector.broadcast %add3A_4 : i32 to vector<16xi32>
      %lt3A_1951 = arith.cmpi slt, %get3A_1947, %lt3A_1950 : vector<16xi32>
      %and3A_1952 = arith.andi %ge3A_1949, %lt3A_1951 : vector<16xi1>
      %jit3A_1953 = arith.constant 8388608 : i32
      %broadcast_in_dim3A_1954 = vector.broadcast %jit3A_1953 : i32 to vector<16xi32>
      %select_n3A_1955 = arith.select %and3A_1952, %get3A_1947, %broadcast_in_dim3A_1954 : vector<16xi1>, vector<16xi32>
      %swap3A_1956 = arith.constant 2000 : index
      %swap3A_1957 = tpu.vector_load %arg9[%swap3A_1956] {strides = array<i32>} : memref<2048xi32, #tpu.memory_space<vmem>>, vector<16xi32>,
      %swap3A_1958 = vector.shape_cast %swap3A_1957 : vector<16xi32> to vector<16xi32>
      %swap3A_1959 = vector.shape_cast %select_n3A_1955 : vector<16xi32> to vector<16xi32>
      tpu.vector_store %arg9[%swap3A_1956], %swap3A_1959 {strides = array<i32>} : memref<2048xi32, #tpu.memory_space<vmem>>, vector<16xi32>,
      %get3A_1960 = arith.constant 2016 : index
      %get3A_1961 = tpu.vector_load %arg7[%get3A_1960] {strides = array<i32>} : memref<2048xi32, #tpu.memory_space<vmem>>, vector<16xi32>,
      %get3A_1962 = vector.shape_cast %get3A_1961 : vector<16xi32> to vector<16xi32>
      %ge3A_1963 = vector.broadcast %mul3A_2 : i32 to vector<16xi32>
      %ge3A_1964 = arith.cmpi sge, %get3A_1962, %ge3A_1963 : vector<16xi32>
      %lt3A_1965 = vector.broadcast %add3A_4 : i32 to vector<16xi32>
      %lt3A_1966 = arith.cmpi slt, %get3A_1962, %lt3A_1965 : vector<16xi32>
      %and3A_1967 = arith.andi %ge3A_1964, %lt3A_1966 : vector<16xi1>
      %jit3A_1968 = arith.constant 8388608 : i32
      %broadcast_in_dim3A_1969 = vector.broadcast %jit3A_1968 : i32 to vector<16xi32>
      %select_n3A_1970 = arith.select %and3A_1967, %get3A_1962, %broadcast_in_dim3A_1969 : vector<16xi1>, vector<16xi32>
      %swap3A_1971 = arith.constant 2016 : index
      %swap3A_1972 = tpu.vector_load %arg9[%swap3A_1971] {strides = array<i32>} : memref<2048xi32, #tpu.memory_space<vmem>>, vector<16xi32>,
      %swap3A_1973 = vector.shape_cast %swap3A_1972 : vector<16xi32> to vector<16xi32>
      %swap3A_1974 = vector.shape_cast %select_n3A_1970 : vector<16xi32> to vector<16xi32>
      tpu.vector_store %arg9[%swap3A_1971], %swap3A_1974 {strides = array<i32>} : memref<2048xi32, #tpu.memory_space<vmem>>, vector<16xi32>,
      %get3A_1975 = arith.constant 2032 : index
      %get3A_1976 = tpu.vector_load %arg7[%get3A_1975] {strides = array<i32>} : memref<2048xi32, #tpu.memory_space<vmem>>, vector<16xi32>,
      %get3A_1977 = vector.shape_cast %get3A_1976 : vector<16xi32> to vector<16xi32>
      %ge3A_1978 = vector.broadcast %mul3A_2 : i32 to vector<16xi32>
      %ge3A_1979 = arith.cmpi sge, %get3A_1977, %ge3A_1978 : vector<16xi32>
      %lt3A_1980 = vector.broadcast %add3A_4 : i32 to vector<16xi32>
      %lt3A_1981 = arith.cmpi slt, %get3A_1977, %lt3A_1980 : vector<16xi32>
      %and3A_1982 = arith.andi %ge3A_1979, %lt3A_1981 : vector<16xi1>
      %jit3A_1983 = arith.constant 8388608 : i32
      %broadcast_in_dim3A_1984 = vector.broadcast %jit3A_1983 : i32 to vector<16xi32>
      %select_n3A_1985 = arith.select %and3A_1982, %get3A_1977, %broadcast_in_dim3A_1984 : vector<16xi1>, vector<16xi32>
      %swap3A_1986 = arith.constant 2032 : index
      %swap3A_1987 = tpu.vector_load %arg9[%swap3A_1986] {strides = array<i32>} : memref<2048xi32, #tpu.memory_space<vmem>>, vector<16xi32>,
      %swap3A_1988 = vector.shape_cast %swap3A_1987 : vector<16xi32> to vector<16xi32>
      %swap3A_1989 = vector.shape_cast %select_n3A_1985 : vector<16xi32> to vector<16xi32>
      tpu.vector_store %arg9[%swap3A_1986], %swap3A_1989 {strides = array<i32>} : memref<2048xi32, #tpu.memory_space<vmem>>, vector<16xi32>,
      "tpu.region"() ({
        %run_scoped3A = tpu.sem_alloc : memref<!tpu.dma_semaphore, #tpu.memory_space<semaphore_mem>>
        %dma_start3A = arith.constant 0 : i32
        %dma_start3A_1990 = tpu.memref_slice %arg5[%dma_start3A] : memref<8388736xf32, #tpu.memory_space<hbm>> -> memref<8388736xf32, #tpu.memory_space<hbm>>
        tpu.enqueue_indirect_dma source(%arg8 : memref<2048xf32, #tpu.memory_space<vmem>>) target(%dma_start3A_1990 : memref<8388736xf32, #tpu.memory_space<hbm>>) offsets(%arg9 : memref<2048xi32, #tpu.memory_space<vmem>>) semaphore(%run_scoped3A : memref<!tpu.dma_semaphore, #tpu.memory_space<semaphore_mem>>)
        %dma_wait3A = arith.constant 0 : i32
        %dma_wait3A_1991 = tpu.memref_slice %arg5[%dma_wait3A] : memref<8388736xf32, #tpu.memory_space<hbm>> -> memref<8388736xf32, #tpu.memory_space<hbm>>
        tpu.wait_indirect_dma semaphore(%run_scoped3A : memref<!tpu.dma_semaphore, #tpu.memory_space<semaphore_mem>>) src(%arg8 : memref<2048xf32, #tpu.memory_space<vmem>>) dst(%dma_wait3A_1991 : memref<8388736xf32, #tpu.memory_space<hbm>>)
        tpu.yield
      }) : () -> ()
    }
    return
  }
}

</mosaic_0001>

<sc_bundles>
// kernel: _to_dense.3.cloned.1.call-start
scs
__scs_entry_jumppad:
0x0: {  	(pc) =	sbr.rel $0x88, $3  }
0x1: {  	(tag) =	ssettag $0x0;
	lr =	simm.s32 $0x1  }
0x2: {  	[smem:$0x3F9E] =	sst lr;
	_ =	strace $0xD0000000  }
0x3: {  	_ = 	snop  }
0x4: {  	_ = 	snop  }
0x5: {  	_ = 	snop  }
0x6: {  	_ = 	snop  }
0x7: {  	_ = 	snop  }
__scs_overlays_trampoline_lowered:
0x8: {  	[smem:$0x3FAD] =	sst s0  }
0x9: {  	[smem:$0x3FAE] =	sst s1  }
0xa: {  	[smem:$0x3FAF] =	sst s2  }
0xb: {  	[smem:$0x3FB0] =	sst s3  }
0xc: {  	[smem:$0x3FB1] =	sst s4  }
0xd: {  	[smem:$0x3FB2] =	sst s5  }
0xe: {  	[smem:$0x3FB3] =	sst s6  }
0xf: {  	[smem:$0x3FB4] =	sst s7  }
0x10: {  	[smem:$0x3FB5] =	sst s8  }
0x11: {  	[smem:$0x3FB6] =	sst s9;
	s0 =	simm.s32 @!p0 $0x0  }
0x12: {  	s1 =	sld [smem:$0x3F9C];
	s0 =	simm.s32 @p0 $0x1  }
0x13: {  	[smem:$0x3FB7] =	sst s0;
	s0 =	simm.s32 @!p1 $0x0  }
0x14: {  	s2 =	sld [smem:$0x3F9B];
	s0 =	simm.s32 @p1 $0x1  }
0x15: {  	[smem:$0x3FB8] =	sst s0;
	s0 =	simm.s32 @!p2 $0x0  }
0x16: {  	s3 =	sld [smem:$0x3FDB];
	s0 =	simm.s32 @p2 $0x1  }
0x17: {  	s4 =	simm.s32 $0x1BF5;
	[smem:$0x3FBA] =	sst s0  }
0x18: {  	s0 =	sld [smem:$0x3F9D];
	_ =	swait.ge [sflag:s4], $0x0  }
0x19: {  	s7 =	sld [smem:$0x3F9E]  }
0x1a: {  	s8 =	sadd.s32 $0xFFFFE003, lr  }
0x1b: {  	s9 =	sadd.s32 $0xFFFFFEF7, lr;
	s5 =	simm.s32 $0xFFFFFFFF;
	p2 =	slt.u32 s8, $0xFFFFF086  }
0x1c: {  	p1 =	slt.u32 s9, $0xF7A;
	s5 =	simm.s32 @!p2 $0x0  }
0x1d: {  	s5 =	simm.s32 @p1 $0x1;
	p0 =	seq.s32 s7, s2  }
0x1e: {  	s7 =	smul.u32 @!p0 $0xF7A, s2;
	p2 =	seq.s32 @!p0 s5, $0x0  }
0x1f: {  	s9 =	smul.u32 $0xF7A, s1;
	s8 =	simm.s32 @!p0 $0x1BF5;
	p2 =	por !p2, p0  }
0x20: {  	[sflag:s8] =	ssyncset.s32 @!p0 $0xFFFFF086;
	s6 =	sadd.s32 @!p0 s3, s7;
	s7 =	simm.s32 @!p0 $0x108  }
0x21: {  	s3 =	sadd.s32 s3, s9;
	s6 =	sadd.s32 @!p0 $0x88, s6;
	s7 =	simm.s32 @p2 $0x1082  }
0x22: {  	[simem:s7], [sflag:s8] =	dma.local @!p0 [hbm:s6], $0xF7A  }
0x23: {  	s9 =	sor.u32 $0xD0000000, s2;
	s6 =	simm.s32 $0x108;
	_ =	swait.ge @!p0 [sflag:s8], $0x0  }
0x24: {  	s3 =	sadd.s32 $0x88, s3;
	s6 =	simm.s32 @!p1 $0x1082;
	[sflag:s4] =	ssyncset.s32 $0xFFFFF086  }
0x25: {  	[simem:s6], [sflag:s4] =	dma.local [hbm:s3], $0xF7A  }
0x26: {  	[smem:$0x3F9E] =	sst s1;
	(tag) =	ssettag s2;
	_ =	strace s9  }
0x27: {  	s1 =	sld [smem:$0x3FAE]  }
0x28: {  	s2 =	sld [smem:$0x3FAF]  }
0x29: {  	s4 =	sld [smem:$0x3FB1]  }
0x2a: {  	p0 =	seq.s32 s5, $0x0;
	s5 =	sld [smem:$0x3FB2]  }
0x2b: {  	s6 =	sld [smem:$0x3FB3]  }
0x2c: {  	s7 =	sld [smem:$0x3FB4]  }
0x2d: {  	s3 =	simm.s32 $0x108;
	s8 =	sld [smem:$0x3FB5]  }
0x2e: {  	s3 =	simm.s32 @!p0 $0x1082;
	s9 =	sld [smem:$0x3FB6]  }
0x2f: {  	lr =	sadd.s32 s0, s3;
	s0 =	sld [smem:$0x3FAD]  }
0x30: {  	s3 =	sld [smem:$0x3FB0]  }
0x31: {  	[smem:$0x3FB9] =	sst s10  }
0x32: {  	s10 =	sld [smem:$0x3FB7];
	_ =	sdelay $0x3  }
0x33: {  	p0 =	seq.s32 s10, $0x1;
	s10 =	sld [smem:$0x3FB9];
	_ =	sdelay $0x3  }
0x34: {  	[smem:$0x3FB9] =	sst s10  }
0x35: {  	s10 =	sld [smem:$0x3FB8];
	_ =	sdelay $0x3  }
0x36: {  	p1 =	seq.s32 s10, $0x1;
	s10 =	sld [smem:$0x3FB9];
	_ =	sdelay $0x3  }
0x37: {  	[smem:$0x3FB9] =	sst s10  }
0x38: {  	s10 =	sld [smem:$0x3FBA]  }
0x39: {  	_ = 	snop;
	(pc) =	sbr.ind lr, $3  }
0x3a: {  	_ = 	snop  }
0x3b: {  	_ = 	snop  }
0x3c: {  	p2 =	seq.s32 s10, $0x1;
	s10 =	sld [smem:$0x3FB9]  }
0x3d: {  	_ =	shalt  }
0x3e: {  	_ =	shalt  }
0x3f: {  	_ =	shalt  }
0x40: {  	_ =	shalt  }
0x41: {  	_ =	shalt  }
0x42: {  	_ =	shalt  }
0x43: {  	_ =	shalt  }
0x44: {  	_ =	shalt  }
0x45: {  	_ =	shalt  }
0x46: {  	_ =	shalt  }
0x47: {  	_ =	shalt  }
0x48: {  	_ =	shalt  }
0x49: {  	_ =	shalt  }
0x4a: {  	_ =	shalt  }
0x4b: {  	_ =	shalt  }
0x4c: {  	_ =	shalt  }
0x4d: {  	_ =	shalt  }
0x4e: {  	_ =	shalt  }
0x4f: {  	_ =	shalt  }
0x50: {  	_ =	shalt  }
0x51: {  	_ =	shalt  }
0x52: {  	_ =	shalt  }
0x53: {  	_ =	shalt  }
0x54: {  	_ =	shalt  }
0x55: {  	_ =	shalt  }
0x56: {  	_ =	shalt  }
0x57: {  	_ =	shalt  }
0x58: {  	_ =	shalt  }
0x59: {  	_ =	shalt  }
0x5a: {  	_ =	shalt  }
0x5b: {  	_ =	shalt  }
0x5c: {  	_ =	shalt  }
0x5d: {  	_ =	shalt  }
0x5e: {  	_ =	shalt  }
0x5f: {  	_ =	shalt  }
0x60: {  	_ =	shalt  }
0x61: {  	_ =	shalt  }
0x62: {  	_ =	shalt  }
0x63: {  	_ =	shalt  }
0x64: {  	_ =	shalt  }
0x65: {  	_ =	shalt  }
0x66: {  	_ =	shalt  }
0x67: {  	_ =	shalt  }
0x68: {  	_ =	shalt  }
0x69: {  	_ =	shalt  }
0x6a: {  	_ =	shalt  }
0x6b: {  	_ =	shalt  }
0x6c: {  	_ =	shalt  }
0x6d: {  	_ =	shalt  }
0x6e: {  	_ =	shalt  }
0x6f: {  	_ =	shalt  }
0x70: {  	_ =	shalt  }
0x71: {  	_ =	shalt  }
0x72: {  	_ =	shalt  }
0x73: {  	_ =	shalt  }
0x74: {  	_ =	shalt  }
0x75: {  	_ =	shalt  }
0x76: {  	_ =	shalt  }
0x77: {  	_ =	shalt  }
0x78: {  	_ =	shalt  }
0x79: {  	_ =	shalt  }
0x7a: {  	_ =	shalt  }
0x7b: {  	_ =	shalt  }
0x7c: {  	_ =	shalt  }
0x7d: {  	_ =	shalt  }
0x7e: {  	_ =	shalt  }
0x7f: {  	_ =	shalt  }
0x80: {  	_ =	shalt  }
0x81: {  	_ =	shalt  }
0x82: {  	_ =	shalt  }
0x83: {  	_ =	shalt  }
0x84: {  	_ =	shalt  }
0x85: {  	_ =	shalt  }
0x86: {  	_ =	shalt  }
0x87: {  	_ =	shalt  }
.Lfunc_end0:
.L_simem_size_0:
called_computation_lowered:
.L_overlay_start_0:
0x88: {  	s2 =	sld [smem:$0x3FD9]  }
0x89: {  	s3 =	sld [smem:$0x3FFE];
	_ =	sdelay $0x1  }
0x8a: {  	s1 =	srdreg.scid  }
0x8b: {  	s0 =	sand.u32 $0x1, s1  }
0x8c: {  	s17 =	sshll.u32 s0, $0xA;
	s2 =	sadd.s32 s3, s2  }
0x8d: {  	s2 =	sadd.s32 s2, s17  }
0x8e: {  	[smem:$0x3FC5] =	sst s2  }
0x8f: {  	_ = 	snop  }
0x90: {  	s2 =	sld [smem:$0x3FC9]  }
0x91: {  	s18 =	sld [smem:$0x3FC8]  }
0x92: {  	s4 =	sld [smem:$0x3FD0];
	(tm) =	ssettm $0x1  }
0x93: {  	s5 =	sld [smem:$0x3FFB];
	_ =	sdelay $0x3  }
0x94: {  	_ =	strace s5  }
0x95: {  	s5 =	sld [smem:$0x3FFC];
	_ =	sdelay $0x3  }
0x96: {  	_ =	strace s5  }
0x97: {  	s5 =	sld [smem:$0x3FFD];
	_ =	sdelay $0x3  }
0x98: {  	_ =	strace s5  }
0x99: {  	_ =	strace $0x8FFFFFFF  }
0x9a: {  	s19 =	sld [smem:$0x3FDB];
	_ =	sdelay $0x1  }
0x9b: {  	s6 =	simm.s32 $_scs_section_size  }
0x9c: {  	s7 =	simm.s32 $_size__tile_overlayer_lowered;
	s8 =	simm.s32 $_tile_overlayer_lowered  }
0x9d: {  	s22 =	simm.s32 $0x1BFF;
	s21 =	sshll.u32 s8, $0x1;
	s5 =	sadd.s32 s6, s19  }
0x9e: {  	s9 =	simm.s32 $0x0;
	s20 =	sshll.u32 s7, $0x1;
	s7 =	sadd.s32 s21, s5  }
0x9f: {  	[timem:s9], [sflag:s22] =	dma.local [hbm:s7], s20  }
0xa0: {  	_ =	swait.ge [sflag:s22], s20  }
0xa1: {  	s6 =	ssub.s32 $0x0, s20;
	[sflag:s22] =	ssyncset.done $0x0  }
0xa2: {  	[sflag:s22] =	ssyncadd.s32 s6;
	_ =	sdelay $0x1  }
0xa3: {  	s23 =	simm.s32 $0x1B8B  }
0xa4: {  	_ =	swait.ge [sflag:s23], $0x1  }
0xa5: {  	[sflag:s23] =	ssyncset.done $0x0  }
0xa6: {  	s25 =	simm.s32 $0x1B8E;
	s24 =	sld [smem:$0x3FFE];
	[sflag:s23] =	ssyncadd.s32 $0xFFFFFFFF  }
0xa7: {  	s26 =	simm.s32 $execute0_lowered;
	[smem:$0x3FD2] =	sst s25  }
0xa8: {  	s7 =	sshll.u32 s26, $0x1;
	_ =	strace $0x80000046;
	[dreg:$0x1] =	wrdreg $0xFFFFFFFF  }
0xa9: {  	s28 =	simm.s32 $_size_execute0_lowered;
	s5 =	sadd.s32 s5, s7;
	[dreg:$0x0] =	wrdreg $0x0  }
0xaa: {  	s7 =	sshll.u32 s28, $0x1;
	[dreg:$0x2] =	wrdreg s5  }
0xab: {  	[dreg:$0x3] =	wrdreg s7  }
0xac: {  	[dreg:$0x4] =	wrdreg $0xC0  }
0xad: {  	_ =	task [dreg:s9], $0x5FFFF  }
0xae: {  	[dreg:$0x1] =	wrdreg $0xFFFFFFFF  }
0xaf: {  	[dreg:$0x0] =	wrdreg $0x60  }
0xb0: {  	[dreg:$0x2] =	wrdreg s2  }
0xb1: {  	[dreg:$0x3] =	wrdreg s18  }
0xb2: {  	[dreg:$0x4] =	wrdreg s24  }
0xb3: {  	[dreg:$0x5] =	wrdreg s4  }
0xb4: {  	[dreg:$0x6] =	wrdreg $0x9  }
0xb5: {  	_ =	task.clear_ibuf [dreg:s9], $0x7FFFF;
	_ =	strace $0x90000046  }
0xb6: {  	s29 =	simm.s32 $0x9;
	_ =	strace $0x80000048  }
0xb7: {  	_ =	swait.ge [sflag:s29], $0x1  }
0xb8: {  	[sflag:s29] =	ssyncadd.s32 $0xFFFFFFFF  }
0xb9: {  	_ =	strace $0x90000048  }
0xba: {  	_ =	sfence  }
0xbb: {  	s30 =	sld [smem:$0x0];
	_ =	sdelay $0x2  }
0xbc: {  	s31 =	sshll.u32 s1, $0xD;
	s1 =	sshrl.u32 s1, $0x2  }
0xbd: {  	s3 =	sand.u32 $0x4000, s31;
	s1 =	sadd.s32 s1, s30  }
0xbe: {  	s0 =	sor.u32 s3, s0;
	s1 =	sshll.u32 s1, $0x11  }
0xbf: {  	s0 =	sor.u32 s1, s0  }
0xc0: {  	s0 =	sadd.s32 $0x8F2B, s0  }
0xc1: {  	[sflag:s0] =	ssyncadd.remote.s32 $0x1  }
0xc2: {  	_ =	sfence.sel $0xFFFF  }
0xc3: {  	[dreg:$0x0] =	wrdreg $0xFFFFFFFF;
	(pc) =	sbr.abs _section_cstart, $3  }
0xc4: {  	[dreg:$0x1] =	wrdreg $0xFFFFFFFF  }
0xc5: {  	_ =	task.clear_ibuf [dreg:s9], $0x2FFFF;
	_ =	strace $0x9FFFFFFF  }
0xc6: {  	(tm) =	ssettm $0x7FFFFFFF  }
0xc7: {  	_ =	shalt  }
tec
execute0_lowered:
.L_overlay_start_1:
0x0: {  	(tag) =	ssettag $0x1  }
0x1: {  	s1 =	rddreg [dreg:$0x0]  }
0x2: {  	s2 =	rddreg [dreg:$0x1]  }
0x3: {  	s6 =	rddreg [dreg:$0x2];
	s3 =	srdreg.scid  }
0x4: {  	s0 =	stileid.u32;
	s4 =	rddreg [dreg:$0x3]  }
0x5: {  	s5 =	simm.s32 $0x0;
	s16 =	simm.s32 $0x9800;
	s17 =	simm.s32 $0x1  }
0x6: {  	s18 =	simm.s32 $0x8000;
	s19 =	simm.s32 $0x8800;
	s22 =	simm.s32 $0x0  }
0x7: {  	s7 =	sand.u32 $0x1, s3;
	s8 =	sshll.u32 s0, $0x1;
	s3 =	rddreg [dreg:$0x4]  }
0x8: {  	[smem:$0x7FF] =	sst s5;
	s8 =	sor.u32 s7, s8;
	s7 =	ssub.s32 $0x2, s7  }
0x9: {  	_ =	strace $0x80000047;
	s9 =	sshll.u32 s8, $0x4;
	s30 =	sshrl.u32 s7, $0x1  }
0xa: {  	s20 =	sshll.u32 s8, $0x12;
	s31 =	sshll.u32 s8, $0xF;
	s6 =	sadd.s32 s9, s6  }
.Ltmp0:
0xb: {  	s15 =	ssub.s32 s7, s30;
	s21 =	sadd.s32 $0x40000, s20;
	(pc) =	sbr.rel .LBB2_1-.Ltmp0, $4  }
0xc: {  	s7 =	sadd.s32 s4, s31;
	v0 =	vmov s20;
	s20 =	simm.s32 $0x800;
	s6 =	sadd.s32 $0x400, s6  }
0xd: {  	s8 =	sadd.s32 $0x1000, s7;
	s9 =	sadd.s32 $0x2000, s7;
	s10 =	sadd.s32 $0x3000, s7  }
0xe: {  	s11 =	sadd.s32 $0x4000, s7;
	s12 =	sadd.s32 $0x5000, s7;
	s13 =	sadd.s32 $0x6000, s7  }
0xf: {  	v2 =	vimm.f32 $0.0e+00;
	s14 =	sadd.s32 $0x7000, s7;
	s15 =	smax.u32 s15, $0x1;
	v1 =	vmov s21;
	s21 =	simm.s32 $0x9000  }
.LBB2_5:
0x10: {  	s22 =	sadd.s32 $0x1, s22  }
0x11: {  	p0 =	sne.s32 s22, s15  }
.Ltmp1:
0x12: {  	_ = 	snop;
	(pc) =	sbr.rel @!p0 .LBB2_6-.Ltmp1, $1  }
0x13: {  	_ =	sdelay $0x3  }
.LBB2_1:
0x14: {  	[tilespmem:s16], [sflag:$0x1] =	stream.linear.gather [hbm4b:s6+s5], $0x80, $0x38;
	[tilespmem:$0x9880] =	vst v63  }
0x15: {  	_ =	swait.ge [sflag:s17], $0x80  }
0x16: {  	[sflag:s17] =	ssyncset.done $0x0  }
0x17: {  	s23 =	simm.s32 $0x40;
	[sflag:s17] =	ssyncadd.s32 $0xFFFFFF80  }
0x18: {  	v3 =	vld [tilespmem:$0x9800];
	[tilespmem:s23+$0xFFFFFFC0] =	vst v2  }
0x19: {  	[tilespmem:s23+$0x30] =	vst v2  }
0x1a: {  	[tilespmem:s23+$0x20] =	vst v2  }
0x1b: {  	[tilespmem:s23+$0x10] =	vst v2  }
0x1c: {  	[tilespmem:s23+$0x0] =	vst v2  }
0x1d: {  	[tilespmem:s23+$0xFFFFFFF0] =	vst v2  }
0x1e: {  	s24 =	simm.s32 $0x0;
	[tilespmem:s23+$0xFFFFFFE0] =	vst v2  }
.LBB2_2:
0x1f: {  	s24 =	sadd.s32 $0x8, s24;
	[tilespmem:s23+$0xFFFFFFD0] =	vst v2;
	s23 =	sadd.s32 $0x80, s23  }
0x20: {  	[tilespmem:s23+$0xFFFFFFC0] =	vst v2;
	p0 =	slt.u32 s24, $0x7F8  }
0x21: {  	[tilespmem:s23+$0x30] =	vst v2  }
.Ltmp2:
0x22: {  	[tilespmem:s23+$0x20] =	vst v2;
	(pc) =	sbr.rel @p0 .LBB2_2-.Ltmp2, $4  }
0x23: {  	[tilespmem:s23+$0x10] =	vst v2  }
0x24: {  	[tilespmem:s23+$0x0] =	vst v2  }
0x25: {  	[tilespmem:s23+$0xFFFFFFF0] =	vst v2  }
0x26: {  	[tilespmem:s23+$0xFFFFFFE0] =	vst v2  }
0x27: {  	(v2sf) =	vpush v3, $0x0  }
0x28: {  	(v2sf) =	vpush v3, $0x1;
	_ =	sdelay $0xb  }
0x29: {  	[tilespmem:s23+$0xFFFFFFD0] =	vst v2  }
0x2a: {  	[hbm4b:s7+s5] =	stream.linear.scatter [tilespmem:s5], [sflag:$0x1], $0x8000, $0x38;
	[tilespmem:$0x9880] =	vst v63  }
0x2b: {  	s24 =	spop (v2sf)  }
0x2c: {  	s25 =	spop (v2sf)  }
0x2d: {  	_ =	swait.ge [sflag:s17], $0x8000  }
0x2e: {  	[sflag:s17] =	ssyncset.done $0x0  }
0x2f: {  	[sflag:s17] =	ssyncadd.s32 $0xFFFF8000  }
0x30: {  	[hbm4b:s8+s5] =	stream.linear.scatter [tilespmem:s5], [sflag:$0x1], $0x8000, $0x38;
	[tilespmem:$0x9880] =	vst v63  }
0x31: {  	_ =	swait.ge [sflag:s17], $0x8000  }
0x32: {  	[sflag:s17] =	ssyncset.done $0x0  }
0x33: {  	[sflag:s17] =	ssyncadd.s32 $0xFFFF8000  }
0x34: {  	[hbm4b:s9+s5] =	stream.linear.scatter [tilespmem:s5], [sflag:$0x1], $0x8000, $0x38;
	[tilespmem:$0x9880] =	vst v63  }
0x35: {  	_ =	swait.ge [sflag:s17], $0x8000  }
0x36: {  	[sflag:s17] =	ssyncset.done $0x0  }
0x37: {  	[sflag:s17] =	ssyncadd.s32 $0xFFFF8000  }
0x38: {  	[hbm4b:s10+s5] =	stream.linear.scatter [tilespmem:s5], [sflag:$0x1], $0x8000, $0x38;
	[tilespmem:$0x9880] =	vst v63  }
0x39: {  	s23 =	sand.u32 $0xFFFFF800, s24;
	_ =	swait.ge [sflag:s17], $0x8000  }
0x3a: {  	s24 =	ssub.s32 s25, s23;
	[sflag:s17] =	ssyncset.done $0x0  }
0x3b: {  	s24 =	sadd.s32 $0x7FF, s24;
	[sflag:s17] =	ssyncadd.s32 $0xFFFF8000  }
0x3c: {  	[hbm4b:s11+s5] =	stream.linear.scatter [tilespmem:s5], [sflag:$0x1], $0x8000, $0x38;
	[tilespmem:$0x9880] =	vst v63  }
0x3d: {  	s30 =	sand.u32 $0x7FF, s24;
	_ =	swait.ge [sflag:s17], $0x8000  }
0x3e: {  	s31 =	sshra.s32 s24, $0x1F;
	p1 =	slt.s32 s24, $0x1;
	[sflag:s17] =	ssyncset.done $0x0  }
0x3f: {  	p0 =	sne.s32 s30, $0x0;
	s25 =	sshrl.u32 s31, $0x15;
	[sflag:s17] =	ssyncadd.s32 $0xFFFF8000  }
0x40: {  	[hbm4b:s12+s5] =	stream.linear.scatter [tilespmem:s5], [sflag:$0x1], $0x8000, $0x38;
	[tilespmem:$0x9880] =	vst v63  }
0x41: {  	p0 =	por !p1, !p0;
	s24 =	sadd.s32 s25, s24;
	_ =	swait.ge [sflag:s17], $0x8000  }
0x42: {  	s25 =	simm.s32 $0x1;
	p0 =	por !p0, !p0;
	[sflag:s17] =	ssyncset.done $0x0  }
0x43: {  	s24 =	sshra.s32 s24, $0xB;
	s25 =	simm.s32 @!p0 $0x0;
	[sflag:s17] =	ssyncadd.s32 $0xFFFF8000  }
0x44: {  	[hbm4b:s13+s5] =	stream.linear.scatter [tilespmem:s5], [sflag:$0x1], $0x8000, $0x38;
	[tilespmem:$0x9880] =	vst v63  }
0x45: {  	s24 =	ssub.s32 s24, s25;
	_ =	swait.ge [sflag:s17], $0x8000  }
0x46: {  	p0 =	slt.s32 s24, $0x1;
	[sflag:s17] =	ssyncset.done $0x0  }
.Ltmp3:
0x47: {  	[sflag:s17] =	ssyncadd.s32 $0xFFFF8000;
	(pc) =	sbr.rel @p0 .LBB2_5-.Ltmp3, $4  }
0x48: {  	[hbm4b:s14+s5] =	stream.linear.scatter [tilespmem:s5], [sflag:$0x1], $0x8000, $0x38;
	[tilespmem:$0x9880] =	vst v63  }
0x49: {  	_ =	swait.ge [sflag:s17], $0x8000  }
0x4a: {  	[sflag:s17] =	ssyncset.done $0x0  }
0x4b: {  	[sflag:s17] =	ssyncadd.s32 $0xFFFF8000  }
.LBB2_4:
0x4c: {  	s25 =	sshrl.u32 s23, $0x3  }
0x4d: {  	s26 =	sadd.s32 s1, s25  }
0x4e: {  	[tilespmem:s18], [sflag:$0x1] =	stream.linear.gather [hbm4b:s26+s5], $0x800, $0x38;
	[tilespmem:$0x9880] =	vst v63  }
0x4f: {  	_ =	swait.ge [sflag:s17], $0x800  }
0x50: {  	[sflag:s17] =	ssyncset.done $0x0  }
0x51: {  	s25 =	sadd.s32 s2, s25;
	[sflag:s17] =	ssyncadd.s32 $0xFFFFF800  }
0x52: {  	[tilespmem:s19], [sflag:$0x1] =	stream.linear.gather [hbm4b:s25+s5], $0x800, $0x38;
	[tilespmem:$0x9880] =	vst v63  }
0x53: {  	_ =	swait.ge [sflag:s17], $0x800  }
0x54: {  	[sflag:s17] =	ssyncset.done $0x0  }
0x55: {  	[sflag:s17] =	ssyncadd.s32 $0xFFFFF800  }
0x56: {  	v3 =	vld [tilespmem:$0x8000]  }
0x57: {  	v4 =	vld [tilespmem:$0x8010]  }
0x58: {  	v6 =	vld [tilespmem:$0x8020]  }
0x59: {  	v7 =	vld [tilespmem:$0x8030]  }
0x5a: {  	v8 =	vld [tilespmem:$0x8040]  }
0x5b: {  	v9 =	vld [tilespmem:$0x8050]  }
0x5c: {  	v10 =	vld [tilespmem:$0x8060]  }
0x5d: {  	vm0 =	vge.s32 v3, v0;
	vm1 =	vlt.s32 v3, v1  }
0x5e: {  	v59 =	vld [tilespmem:$0x8070];
	vm13 =	vge.s32 v4, v0;
	vm2 =	vlt.s32 v4, v1;
	vm14 =	vge.s32 v6, v0  }
0x5f: {  	v60 =	vld [tilespmem:$0x8090];
	vm3 =	vlt.s32 v6, v1;
	vm4 =	vge.s32 v7, v0;
	vm5 =	vlt.s32 v7, v1  }
0x60: {  	v11 =	vld [tilespmem:$0x8080];
	vm6 =	vge.s32 v8, v0;
	vm7 =	vlt.s32 v8, v1;
	vm8 =	vge.s32 v9, v0  }
0x61: {  	v12 =	vld [tilespmem:$0x80A0];
	vm9 =	vlt.s32 v9, v1;
	vm11 =	vge.s32 v10, v0;
	vm12 =	vlt.s32 v10, v1  }
0x62: {  	v62 =	vld [tilespmem:$0x80C0];
	vm0 =	vmand vm0, vm1;
	vm1 =	vmand vm13, vm2;
	vm15 =	vmand vm14, vm3  }
0x63: {  	v43 =	vld [tilespmem:$0x80D0];
	vm10 =	vmand vm8, vm9;
	vm13 =	vge.s32 v59, v0;
	vm14 =	vlt.s32 v59, v1  }
0x64: {  	vm8 =	vge.s32 v60, v0;
	vm9 =	vlt.s32 v60, v1;
	v15 =	vnsel vm0, $0x800000, v3  }
0x65: {  	v13 =	vld [tilespmem:$0x80B0];
	v5 =	vnsel vm1, $0x800000, v4;
	v3 =	vnsel vm15, $0x800000, v6;
	vm0 =	vmand vm4, vm5  }
0x66: {  	vm1 =	vmand vm6, vm7;
	v61 =	vnsel vm10, $0x800000, v9;
	vm15 =	vge.s32 v11, v0  }
0x67: {  	vm6 =	vlt.s32 v11, v1;
	vm10 =	vge.s32 v12, v0;
	vm4 =	vlt.s32 v62, v1  }
0x68: {  	v14 =	vld [tilespmem:$0x80E0];
	vm5 =	vge.s32 v43, v0;
	v18 =	vnsel vm0, $0x800000, v7;
	v7 =	vnsel vm1, $0x800000, v8  }
0x69: {  	v16 =	vld [tilespmem:$0x80F0];
	vm0 =	vmand vm11, vm12;
	vm1 =	vmand vm13, vm14;
	vm7 =	vmand vm15, vm6  }
0x6a: {  	v17 =	vld [tilespmem:$0x8100];
	vm11 =	vlt.s32 v12, v1;
	vm12 =	vge.s32 v13, v0;
	vm13 =	vlt.s32 v13, v1  }
0x6b: {  	vm15 =	vge.s32 v62, v0;
	vm6 =	vlt.s32 v43, v1;
	v22 =	vnsel vm0, $0x800000, v10  }
0x6c: {  	v19 =	vld [tilespmem:$0x8110];
	v9 =	vnsel vm1, $0x800000, v59;
	v63 =	vnsel vm7, $0x800000, v11;
	vm0 =	vmand vm8, vm9  }
0x6d: {  	v20 =	vld [tilespmem:$0x8120];
	vm1 =	vmand vm10, vm11;
	vm14 =	vmand vm12, vm13;
	vm7 =	vge.s32 v14, v0  }
0x6e: {  	v24 =	vld [tilespmem:$0x8160];
	vm8 =	vlt.s32 v14, v1;
	vm10 =	vge.s32 v16, v0;
	vm11 =	vlt.s32 v16, v1  }
0x6f: {  	vm12 =	vge.s32 v17, v0;
	vm13 =	vlt.s32 v17, v1;
	v23 =	vnsel vm0, $0x800000, v60  }
0x70: {  	v46 =	vld [tilespmem:$0x8130];
	v12 =	vnsel vm1, $0x800000, v12;
	v8 =	vnsel vm14, $0x800000, v13;
	vm0 =	vmand vm15, vm4  }
0x71: {  	v21 =	vld [tilespmem:$0x8140];
	vm1 =	vmand vm5, vm6;
	vm9 =	vmand vm7, vm8;
	vm14 =	vge.s32 v19, v0  }
0x72: {  	v48 =	vld [tilespmem:$0x8150];
	vm15 =	vlt.s32 v19, v1;
	vm7 =	vge.s32 v20, v0;
	vm8 =	vlt.s32 v20, v1  }
0x73: {  	vm4 =	vge.s32 v24, v0;
	vm5 =	vlt.s32 v24, v1;
	v27 =	vnsel vm0, $0x800000, v62  }
0x74: {  	v25 =	vld [tilespmem:$0x8170];
	v44 =	vnsel vm1, $0x800000, v43;
	v45 =	vnsel vm9, $0x800000, v14;
	vm0 =	vmand vm10, vm11  }
0x75: {  	v51 =	vld [tilespmem:$0x8180];
	vm1 =	vmand vm12, vm13;
	vm6 =	vmand vm14, vm15;
	vm9 =	vge.s32 v46, v0  }
0x76: {  	v53 =	vld [tilespmem:$0x8190];
	vm10 =	vlt.s32 v46, v1;
	vm11 =	vge.s32 v21, v0;
	vm12 =	vlt.s32 v21, v1  }
0x77: {  	vm14 =	vge.s32 v48, v0;
	vm15 =	vlt.s32 v48, v1;
	v29 =	vnsel vm0, $0x800000, v16  }
0x78: {  	v26 =	vld [tilespmem:$0x81A0];
	v47 =	vnsel vm1, $0x800000, v17;
	v49 =	vnsel vm6, $0x800000, v19;
	vm0 =	vmand vm7, vm8  }
0x79: {  	v28 =	vld [tilespmem:$0x81B0];
	vm1 =	vmand vm9, vm10;
	vm13 =	vmand vm11, vm12;
	vm6 =	vge.s32 v25, v0  }
0x7a: {  	v30 =	vld [tilespmem:$0x81C0];
	vm7 =	vlt.s32 v25, v1;
	vm9 =	vge.s32 v51, v0;
	vm10 =	vlt.s32 v51, v1  }
0x7b: {  	vm11 =	vge.s32 v53, v0;
	vm12 =	vlt.s32 v53, v1;
	v31 =	vnsel vm0, $0x800000, v20  }
0x7c: {  	v35 =	vld [tilespmem:$0x81D0];
	v50 =	vnsel vm1, $0x800000, v46;
	v52 =	vnsel vm13, $0x800000, v21;
	vm0 =	vmand vm14, vm15  }
0x7d: {  	v36 =	vld [tilespmem:$0x81E0];
	vm1 =	vmand vm4, vm5;
	vm8 =	vmand vm6, vm7;
	vm13 =	vge.s32 v26, v0  }
0x7e: {  	v55 =	vld [tilespmem:$0x81F0];
	vm14 =	vlt.s32 v26, v1;
	vm4 =	vge.s32 v28, v0;
	vm5 =	vlt.s32 v28, v1  }
0x7f: {  	v37 =	vld [tilespmem:$0x8200];
	vm6 =	vge.s32 v30, v0;
	vm7 =	vlt.s32 v30, v1;
	v32 =	vnsel vm0, $0x800000, v48  }
0x80: {  	v38 =	vld [tilespmem:$0x8210];
	v24 =	vnsel vm1, $0x800000, v24;
	v54 =	vnsel vm8, $0x800000, v25;
	vm0 =	vmand vm9, vm10  }
0x81: {  	v56 =	vld [tilespmem:$0x8240];
	vm1 =	vmand vm11, vm12;
	vm15 =	vmand vm13, vm14;
	vm8 =	vge.s32 v35, v0  }
0x82: {  	v57 =	vld [tilespmem:$0x8250];
	vm9 =	vlt.s32 v35, v1;
	vm11 =	vge.s32 v36, v0;
	vm12 =	vlt.s32 v36, v1  }
0x83: {  	vm13 =	vge.s32 v55, v0;
	vm14 =	vlt.s32 v55, v1;
	v33 =	vnsel vm0, $0x800000, v51  }
0x84: {  	v39 =	vld [tilespmem:$0x8220];
	v25 =	vnsel vm1, $0x800000, v53;
	v20 =	vnsel vm15, $0x800000, v26;
	vm0 =	vmand vm4, vm5  }
0x85: {  	v40 =	vld [tilespmem:$0x8230];
	vm1 =	vmand vm6, vm7;
	vm10 =	vmand vm8, vm9;
	vm15 =	vge.s32 v37, v0  }
0x86: {  	vm6 =	vlt.s32 v37, v1;
	vm8 =	vge.s32 v38, v0;
	vm9 =	vlt.s32 v38, v1  }
0x87: {  	vm4 =	vlt.s32 v56, v1;
	vm5 =	vge.s32 v57, v0;
	v34 =	vnsel vm0, $0x800000, v28  }
0x88: {  	v41 =	vld [tilespmem:$0x8260];
	v28 =	vnsel vm1, $0x800000, v30;
	v21 =	vnsel vm10, $0x800000, v35;
	vm0 =	vmand vm11, vm12  }
0x89: {  	v58 =	vld [tilespmem:$0x8270];
	vm1 =	vmand vm13, vm14;
	vm7 =	vmand vm15, vm6;
	vm10 =	vge.s32 v39, v0  }
0x8a: {  	[tilespmem:$0x9000] =	vst v15;
	v59 =	vld [tilespmem:$0x8280];
	vm11 =	vlt.s32 v39, v1;
	vm12 =	vge.s32 v40, v0;
	vm13 =	vlt.s32 v40, v1  }
0x8b: {  	[tilespmem:$0x9010] =	vst v5;
	vm15 =	vge.s32 v56, v0;
	vm6 =	vlt.s32 v57, v1;
	v35 =	vnsel vm0, $0x800000, v36  }
0x8c: {  	[tilespmem:$0x9020] =	vst v3;
	v60 =	vld [tilespmem:$0x8290];
	v30 =	vnsel vm1, $0x800000, v55;
	v26 =	vnsel vm7, $0x800000, v37;
	vm0 =	vmand vm8, vm9  }
0x8d: {  	[tilespmem:$0x9050] =	vst v61;
	v61 =	vld [tilespmem:$0x82A0];
	vm1 =	vmand vm10, vm11;
	vm14 =	vmand vm12, vm13;
	vm7 =	vge.s32 v41, v0  }
0x8e: {  	v42 =	vld [tilespmem:$0x82E0];
	[tilespmem:$0x9030] =	vst v18;
	vm8 =	vlt.s32 v41, v1;
	vm10 =	vge.s32 v58, v0;
	vm11 =	vlt.s32 v58, v1  }
0x8f: {  	[tilespmem:$0x9040] =	vst v7;
	vm12 =	vge.s32 v59, v0;
	vm13 =	vlt.s32 v59, v1;
	v15 =	vnsel vm0, $0x800000, v38  }
0x90: {  	[tilespmem:$0x9060] =	vst v22;
	v62 =	vld [tilespmem:$0x82B0];
	v5 =	vnsel vm1, $0x800000, v39;
	v3 =	vnsel vm14, $0x800000, v40;
	vm0 =	vmand vm15, vm4  }
0x91: {  	[tilespmem:$0x9080] =	vst v63;
	v63 =	vld [tilespmem:$0x82C0];
	vm1 =	vmand vm5, vm6;
	vm9 =	vmand vm7, vm8;
	vm14 =	vge.s32 v60, v0  }
0x92: {  	[tilespmem:$0x9070] =	vst v9;
	vm15 =	vlt.s32 v60, v1;
	vm7 =	vge.s32 v61, v0;
	vm8 =	vlt.s32 v61, v1  }
0x93: {  	[tilespmem:$0x90A0] =	vst v12;
	v43 =	vld [tilespmem:$0x82F0];
	vm4 =	vge.s32 v42, v0;
	vm5 =	vlt.s32 v42, v1;
	v18 =	vnsel vm0, $0x800000, v56  }
0x94: {  	[tilespmem:$0x90E0] =	vst v45;
	v45 =	vld [tilespmem:$0x8300];
	v4 =	vnsel vm1, $0x800000, v57;
	v7 =	vnsel vm9, $0x800000, v41;
	vm0 =	vmand vm10, vm11  }
0x95: {  	[tilespmem:$0x90B0] =	vst v8;
	v46 =	vld [tilespmem:$0x8310];
	vm1 =	vmand vm12, vm13;
	vm6 =	vmand vm14, vm15;
	vm9 =	vge.s32 v62, v0  }
0x96: {  	[tilespmem:$0x9100] =	vst v47;
	v47 =	vld [tilespmem:$0x8320];
	vm10 =	vlt.s32 v62, v1;
	vm11 =	vge.s32 v63, v0;
	vm12 =	vlt.s32 v63, v1  }
0x97: {  	[tilespmem:$0x9110] =	vst v49;
	v49 =	vld [tilespmem:$0x8330];
	v12 =	vnsel vm0, $0x800000, v58;
	v9 =	vnsel vm1, $0x800000, v59;
	v6 =	vnsel vm6, $0x800000, v60  }
0x98: {  	[tilespmem:$0x9130] =	vst v50;
	v50 =	vld [tilespmem:$0x8340];
	vm0 =	vmand vm7, vm8;
	vm1 =	vmand vm9, vm10;
	vm13 =	vmand vm11, vm12  }
0x99: {  	[tilespmem:$0x9140] =	vst v52;
	v52 =	vld [tilespmem:$0x8360];
	vm6 =	vge.s32 v43, v0;
	vm7 =	vlt.s32 v43, v1;
	vm9 =	vge.s32 v45, v0  }
0x9a: {  	[tilespmem:$0x90D0] =	vst v44;
	v51 =	vld [tilespmem:$0x8350];
	vm10 =	vlt.s32 v45, v1;
	vm11 =	vge.s32 v46, v0;
	vm12 =	vlt.s32 v46, v1  }
0x9b: {  	[tilespmem:$0x9170] =	vst v54;
	v54 =	vld [tilespmem:$0x8380];
	v44 =	vnsel vm0, $0x800000, v61;
	v10 =	vnsel vm1, $0x800000, v62;
	v8 =	vnsel vm13, $0x800000, v63  }
0x9c: {  	[tilespmem:$0x9090] =	vst v23;
	v41 =	vld [tilespmem:$0x82D0];
	vm1 =	vmand vm4, vm5;
	vm8 =	vmand vm6, vm7;
	vm13 =	vge.s32 v47, v0  }
0x9d: {  	[tilespmem:$0x90C0] =	vst v27;
	vm4 =	vge.s32 v49, v0;
	vm5 =	vlt.s32 v49, v1;
	vm6 =	vge.s32 v50, v0  }
0x9e: {  	[tilespmem:$0x90F0] =	vst v29;
	vm7 =	vlt.s32 v50, v1;
	v48 =	vnsel vm1, $0x800000, v42;
	v11 =	vnsel vm8, $0x800000, v43  }
0x9f: {  	[tilespmem:$0x9120] =	vst v31;
	v53 =	vld [tilespmem:$0x8370];
	vm1 =	vmand vm11, vm12;
	vm8 =	vge.s32 v51, v0;
	vm11 =	vge.s32 v52, v0  }
0xa0: {  	[tilespmem:$0x9160] =	vst v24;
	v55 =	vld [tilespmem:$0x8390];
	vm12 =	vlt.s32 v52, v1;
	v24 =	vnsel vm1, $0x800000, v46;
	vm1 =	vmand vm6, vm7  }
0xa1: {  	[tilespmem:$0x9150] =	vst v32;
	v57 =	vld [tilespmem:$0x83B0];
	vm6 =	vlt.s32 v54, v1;
	vm14 =	vge.s32 v41, v0;
	vm15 =	vlt.s32 v41, v1  }
0xa2: {  	[tilespmem:$0x9180] =	vst v33;
	v59 =	vld [tilespmem:$0x83C0];
	v19 =	vnsel vm1, $0x800000, v50;
	vm0 =	vmand vm14, vm15;
	vm14 =	vlt.s32 v47, v1  }
0xa3: {  	[tilespmem:$0x9190] =	vst v25;
	v60 =	vld [tilespmem:$0x83D0];
	v23 =	vnsel vm0, $0x800000, v41;
	vm0 =	vmand vm9, vm10;
	vm15 =	vmand vm13, vm14  }
0xa4: {  	[tilespmem:$0x91A0] =	vst v20;
	vm9 =	vlt.s32 v51, v1;
	vm13 =	vge.s32 v53, v0;
	vm14 =	vlt.s32 v53, v1  }
0xa5: {  	[tilespmem:$0x91B0] =	vst v34;
	v56 =	vld [tilespmem:$0x83A0];
	v22 =	vnsel vm0, $0x800000, v45;
	v17 =	vnsel vm15, $0x800000, v47;
	vm0 =	vmand vm4, vm5  }
0xa6: {  	[tilespmem:$0x91C0] =	vst v28;
	vm10 =	vmand vm8, vm9;
	vm1 =	vmand vm13, vm14;
	vm15 =	vge.s32 v54, v0  }
0xa7: {  	[tilespmem:$0x91D0] =	vst v21;
	vm8 =	vge.s32 v55, v0;
	vm9 =	vlt.s32 v55, v1;
	vm13 =	vlt.s32 v57, v1  }
0xa8: {  	[tilespmem:$0x91E0] =	vst v35;
	v61 =	vld [tilespmem:$0x83E0];
	vm4 =	vlt.s32 v59, v1;
	vm5 =	vge.s32 v60, v0;
	v20 =	vnsel vm0, $0x800000, v49  }
0xa9: {  	v33 =	vld [tilespmem:$0x83F0];
	[tilespmem:$0x91F0] =	vst v30;
	v14 =	vnsel vm10, $0x800000, v51;
	vm0 =	vmand vm11, vm12;
	v27 =	vnsel vm1, $0x800000, v53  }
0xaa: {  	v34 =	vld [tilespmem:$0x8400];
	[tilespmem:$0x9200] =	vst v26;
	vm7 =	vmand vm15, vm6;
	vm10 =	vge.s32 v56, v0;
	vm11 =	vlt.s32 v56, v1  }
0xab: {  	[tilespmem:$0x9210] =	vst v15;
	vm12 =	vge.s32 v57, v0;
	vm15 =	vge.s32 v59, v0;
	vm6 =	vlt.s32 v60, v1  }
0xac: {  	v35 =	vld [tilespmem:$0x8410];
	[tilespmem:$0x9220] =	vst v5;
	v58 =	vnsel vm0, $0x800000, v52;
	v30 =	vnsel vm7, $0x800000, v54;
	vm0 =	vmand vm8, vm9  }
0xad: {  	v38 =	vld [tilespmem:$0x8420];
	[tilespmem:$0x9230] =	vst v3;
	vm1 =	vmand vm10, vm11;
	vm14 =	vmand vm12, vm13;
	vm7 =	vge.s32 v61, v0  }
0xae: {  	[tilespmem:$0x9240] =	vst v18;
	v46 =	vld [tilespmem:$0x8460];
	vm8 =	vlt.s32 v61, v1;
	vm10 =	vge.s32 v33, v0;
	vm11 =	vlt.s32 v33, v1  }
0xaf: {  	[tilespmem:$0x9250] =	vst v4;
	vm12 =	vge.s32 v34, v0;
	vm13 =	vlt.s32 v34, v1;
	v62 =	vnsel vm0, $0x800000, v55  }
0xb0: {  	v40 =	vld [tilespmem:$0x8430];
	[tilespmem:$0x9260] =	vst v7;
	v63 =	vnsel vm1, $0x800000, v56;
	v3 =	vnsel vm14, $0x800000, v57;
	vm0 =	vmand vm15, vm4  }
0xb1: {  	[tilespmem:$0x9270] =	vst v12;
	v41 =	vld [tilespmem:$0x8440];
	vm1 =	vmand vm5, vm6;
	vm9 =	vmand vm7, vm8;
	vm14 =	vge.s32 v35, v0  }
0xb2: {  	[tilespmem:$0x92A0] =	vst v44;
	v44 =	vld [tilespmem:$0x8450];
	vm15 =	vlt.s32 v35, v1;
	vm7 =	vge.s32 v38, v0;
	vm8 =	vlt.s32 v38, v1  }
0xb3: {  	[tilespmem:$0x9280] =	vst v9;
	vm4 =	vge.s32 v46, v0;
	vm5 =	vlt.s32 v46, v1;
	v36 =	vnsel vm0, $0x800000, v59  }
0xb4: {  	[tilespmem:$0x9290] =	vst v6;
	v47 =	vld [tilespmem:$0x8470];
	v37 =	vnsel vm1, $0x800000, v60;
	v39 =	vnsel vm9, $0x800000, v61;
	vm0 =	vmand vm10, vm11  }
0xb5: {  	[tilespmem:$0x92B0] =	vst v10;
	v50 =	vld [tilespmem:$0x8480];
	vm1 =	vmand vm12, vm13;
	vm6 =	vmand vm14, vm15;
	vm9 =	vge.s32 v40, v0  }
0xb6: {  	[tilespmem:$0x92C0] =	vst v8;
	vm10 =	vlt.s32 v40, v1;
	vm11 =	vge.s32 v41, v0;
	vm12 =	vlt.s32 v41, v1  }
0xb7: {  	[tilespmem:$0x92E0] =	vst v48;
	vm14 =	vge.s32 v44, v0;
	vm15 =	vlt.s32 v44, v1;
	v42 =	vnsel vm0, $0x800000, v33  }
0xb8: {  	[tilespmem:$0x92F0] =	vst v11;
	v51 =	vld [tilespmem:$0x8490];
	v43 =	vnsel vm1, $0x800000, v34;
	v45 =	vnsel vm6, $0x800000, v35;
	vm0 =	vmand vm7, vm8  }
0xb9: {  	v29 =	vld [tilespmem:$0x8530];
	[tilespmem:$0x9310] =	vst v24;
	vm1 =	vmand vm9, vm10;
	vm13 =	vmand vm11, vm12;
	vm6 =	vge.s32 v47, v0  }
0xba: {  	[tilespmem:$0x9340] =	vst v19;
	v52 =	vld [tilespmem:$0x84A0];
	vm7 =	vlt.s32 v47, v1;
	vm9 =	vge.s32 v50, v0;
	vm10 =	vlt.s32 v50, v1  }
0xbb: {  	[tilespmem:$0x92D0] =	vst v23;
	v54 =	vld [tilespmem:$0x84B0];
	v48 =	vnsel vm0, $0x800000, v38;
	v49 =	vnsel vm1, $0x800000, v40;
	v9 =	vnsel vm13, $0x800000, v41  }
0xbc: {  	[tilespmem:$0x9300] =	vst v22;
	v55 =	vld [tilespmem:$0x84C0];
	vm0 =	vmand vm14, vm15;
	vm1 =	vmand vm4, vm5;
	vm8 =	vmand vm6, vm7  }
0xbd: {  	[tilespmem:$0x9320] =	vst v17;
	v56 =	vld [tilespmem:$0x84D0];
	vm11 =	vge.s32 v51, v0;
	vm12 =	vlt.s32 v51, v1;
	v53 =	vnsel vm0, $0x800000, v44  }
0xbe: {  	[tilespmem:$0x9360] =	vst v58;
	v58 =	vld [tilespmem:$0x84E0];
	v18 =	vnsel vm1, $0x800000, v46;
	v8 =	vnsel vm8, $0x800000, v47;
	vm0 =	vmand vm9, vm10  }
0xbf: {  	v32 =	vld [tilespmem:$0x8540];
	[tilespmem:$0x9330] =	vst v20;
	vm1 =	vmand vm11, vm12;
	vm13 =	vge.s32 v52, v0;
	vm14 =	vlt.s32 v52, v1  }
0xc0: {  	[tilespmem:$0x9350] =	vst v14;
	v59 =	vld [tilespmem:$0x84F0];
	vm4 =	vge.s32 v54, v0;
	vm5 =	vlt.s32 v54, v1;
	v57 =	vnsel vm0, $0x800000, v50  }
0xc1: {  	[tilespmem:$0x9370] =	vst v27;
	v60 =	vld [tilespmem:$0x8500];
	v11 =	vnsel vm1, $0x800000, v51;
	vm15 =	vmand vm13, vm14;
	vm0 =	vmand vm4, vm5  }
0xc2: {  	[tilespmem:$0x93A0] =	vst v63;
	v63 =	vld [tilespmem:$0x8510];
	vm6 =	vge.s32 v55, v0;
	vm7 =	vlt.s32 v55, v1;
	vm8 =	vge.s32 v56, v0  }
0xc3: {  	v28 =	vld [tilespmem:$0x8520];
	[tilespmem:$0x9380] =	vst v30;
	vm9 =	vlt.s32 v56, v1;
	vm11 =	vge.s32 v58, v0;
	vm12 =	vlt.s32 v58, v1  }
0xc4: {  	[tilespmem:$0x9390] =	vst v62;
	vm4 =	vlt.s32 v32, v1;
	v22 =	vnsel vm15, $0x800000, v52;
	vm1 =	vmand vm6, vm7  }
0xc5: {  	[tilespmem:$0x93B0] =	vst v3;
	v61 =	vnsel vm0, $0x800000, v54;
	vm10 =	vmand vm8, vm9;
	vm0 =	vmand vm11, vm12  }
0xc6: {  	[tilespmem:$0x93C0] =	vst v36;
	v34 =	vld [tilespmem:$0x8550];
	vm13 =	vge.s32 v59, v0;
	vm14 =	vlt.s32 v59, v1;
	vm15 =	vge.s32 v60, v0  }
0xc7: {  	[tilespmem:$0x93D0] =	vst v37;
	v35 =	vld [tilespmem:$0x8560];
	vm6 =	vlt.s32 v60, v1;
	vm8 =	vge.s32 v63, v0;
	vm9 =	vlt.s32 v63, v1  }
0xc8: {  	[tilespmem:$0x93E0] =	vst v39;
	vm11 =	vlt.s32 v28, v1;
	vm12 =	vge.s32 v29, v0;
	v62 =	vnsel vm1, $0x800000, v55  }
0xc9: {  	v39 =	vld [tilespmem:$0x8580];
	[tilespmem:$0x93F0] =	vst v42;
	v3 =	vnsel vm10, $0x800000, v56;
	vm1 =	vmand vm13, vm14;
	v30 =	vnsel vm0, $0x800000, v58  }
0xca: {  	[tilespmem:$0x9400] =	vst v43;
	v38 =	vld [tilespmem:$0x8570];
	vm7 =	vmand vm15, vm6;
	vm0 =	vmand vm8, vm9;
	vm10 =	vge.s32 v28, v0  }
0xcb: {  	[tilespmem:$0x9410] =	vst v45;
	v40 =	vld [tilespmem:$0x8590];
	vm13 =	vlt.s32 v29, v1;
	vm15 =	vge.s32 v32, v0;
	vm5 =	vge.s32 v34, v0  }
0xcc: {  	[tilespmem:$0x9420] =	vst v48;
	vm6 =	vlt.s32 v34, v1;
	vm8 =	vlt.s32 v35, v1;
	v31 =	vnsel vm1, $0x800000, v59  }
0xcd: {  	v43 =	vld [tilespmem:$0x85A0];
	[tilespmem:$0x9430] =	vst v49;
	v33 =	vnsel vm7, $0x800000, v60;
	vm1 =	vmand vm10, vm11;
	v36 =	vnsel vm0, $0x800000, v63  }
0xce: {  	v45 =	vld [tilespmem:$0x85B0];
	[tilespmem:$0x9440] =	vst v9;
	vm14 =	vmand vm12, vm13;
	vm0 =	vmand vm15, vm4;
	vm7 =	vge.s32 v35, v0  }
0xcf: {  	v46 =	vld [tilespmem:$0x85C0];
	[tilespmem:$0x9450] =	vst v53;
	vm10 =	vge.s32 v38, v0;
	vm11 =	vlt.s32 v38, v1;
	vm12 =	vge.s32 v39, v0  }
0xd0: {  	[tilespmem:$0x9460] =	vst v18;
	vm13 =	vlt.s32 v39, v1;
	vm15 =	vlt.s32 v40, v1;
	v37 =	vnsel vm1, $0x800000, v28  }
0xd1: {  	v49 =	vld [tilespmem:$0x85D0];
	[tilespmem:$0x9470] =	vst v8;
	v4 =	vnsel vm14, $0x800000, v29;
	vm1 =	vmand vm5, vm6;
	v41 =	vnsel vm0, $0x800000, v32  }
0xd2: {  	v51 =	vld [tilespmem:$0x85E0];
	[tilespmem:$0x9480] =	vst v57;
	vm9 =	vmand vm7, vm8;
	vm0 =	vmand vm10, vm11;
	vm14 =	vge.s32 v40, v0  }
0xd3: {  	[tilespmem:$0x9490] =	vst v11;
	vm7 =	vge.s32 v43, v0;
	vm8 =	vlt.s32 v43, v1;
	vm10 =	vlt.s32 v45, v1  }
0xd4: {  	v52 =	vld [tilespmem:$0x85F0];
	[tilespmem:$0x94A0] =	vst v22;
	vm11 =	vge.s32 v46, v0;
	v42 =	vnsel vm1, $0x800000, v34;
	v44 =	vnsel vm9, $0x800000, v35  }
0xd5: {  	v54 =	vld [tilespmem:$0x8600];
	[tilespmem:$0x94B0] =	vst v61;
	vm1 =	vmand vm12, vm13;
	v47 =	vnsel vm0, $0x800000, v38;
	vm6 =	vmand vm14, vm15  }
0xd6: {  	v57 =	vld [tilespmem:$0x8620];
	[tilespmem:$0x94C0] =	vst v62;
	vm0 =	vmand vm7, vm8;
	vm9 =	vge.s32 v45, v0;
	vm12 =	vlt.s32 v46, v1  }
0xd7: {  	[tilespmem:$0x94D0] =	vst v3;
	vm14 =	vge.s32 v49, v0;
	vm15 =	vlt.s32 v49, v1;
	vm4 =	vge.s32 v51, v0  }
0xd8: {  	[tilespmem:$0x94E0] =	vst v30;
	vm5 =	vlt.s32 v51, v1;
	v48 =	vnsel vm1, $0x800000, v39;
	v50 =	vnsel vm6, $0x800000, v40  }
0xd9: {  	v56 =	vld [tilespmem:$0x8610];
	[tilespmem:$0x94F0] =	vst v31;
	vm1 =	vmand vm9, vm10;
	v3 =	vnsel vm0, $0x800000, v43;
	vm13 =	vmand vm11, vm12  }
0xda: {  	v61 =	vld [tilespmem:$0x8640];
	[tilespmem:$0x9500] =	vst v33;
	vm0 =	vmand vm14, vm15;
	vm6 =	vge.s32 v52, v0;
	vm7 =	vlt.s32 v52, v1  }
0xdb: {  	v22 =	vld [tilespmem:$0x8660];
	[tilespmem:$0x9510] =	vst v36;
	vm9 =	vge.s32 v54, v0;
	vm10 =	vlt.s32 v54, v1;
	vm14 =	vlt.s32 v57, v1  }
0xdc: {  	v59 =	vld [tilespmem:$0x8630];
	[tilespmem:$0x9520] =	vst v37;
	v53 =	vnsel vm1, $0x800000, v45;
	v55 =	vnsel vm13, $0x800000, v46;
	vm1 =	vmand vm4, vm5  }
0xdd: {  	v62 =	vld [tilespmem:$0x8650];
	[tilespmem:$0x9530] =	vst v4;
	v58 =	vnsel vm0, $0x800000, v49;
	vm8 =	vmand vm6, vm7;
	vm0 =	vmand vm9, vm10  }
0xde: {  	v23 =	vld [tilespmem:$0x8670];
	[tilespmem:$0x9540] =	vst v41;
	vm11 =	vge.s32 v56, v0;
	vm12 =	vlt.s32 v56, v1;
	vm13 =	vge.s32 v57, v0  }
0xdf: {  	[tilespmem:$0x9550] =	vst v42;
	vm6 =	vge.s32 v61, v0;
	vm7 =	vlt.s32 v61, v1;
	v9 =	vnsel vm1, $0x800000, v51  }
0xe0: {  	v24 =	vld [tilespmem:$0x8680];
	[tilespmem:$0x9560] =	vst v44;
	v60 =	vnsel vm8, $0x800000, v52;
	vm1 =	vmand vm11, vm12;
	v63 =	vnsel vm0, $0x800000, v54  }
0xe1: {  	v26 =	vld [tilespmem:$0x8690];
	[tilespmem:$0x9570] =	vst v47;
	vm15 =	vmand vm13, vm14;
	vm4 =	vge.s32 v59, v0;
	vm5 =	vlt.s32 v59, v1  }
0xe2: {  	v32 =	vld [tilespmem:$0x86C0];
	[tilespmem:$0x9580] =	vst v48;
	vm8 =	vge.s32 v62, v0;
	vm9 =	vlt.s32 v62, v1;
	vm11 =	vge.s32 v22, v0  }
0xe3: {  	[tilespmem:$0x9590] =	vst v50;
	vm12 =	vlt.s32 v22, v1;
	vm13 =	vge.s32 v23, v0;
	vm14 =	vlt.s32 v23, v1  }
0xe4: {  	v28 =	vld [tilespmem:$0x86A0];
	[tilespmem:$0x95A0] =	vst v3;
	v21 =	vnsel vm1, $0x800000, v56;
	v6 =	vnsel vm15, $0x800000, v57;
	vm0 =	vmand vm4, vm5  }
0xe5: {  	v29 =	vld [tilespmem:$0x86B0];
	[tilespmem:$0x95B0] =	vst v53;
	vm1 =	vmand vm6, vm7;
	vm10 =	vmand vm8, vm9;
	vm15 =	vge.s32 v24, v0  }
0xe6: {  	v34 =	vld [tilespmem:$0x86D0];
	[tilespmem:$0x95C0] =	vst v55;
	vm6 =	vlt.s32 v24, v1;
	vm8 =	vge.s32 v26, v0;
	vm9 =	vlt.s32 v26, v1  }
0xe7: {  	[tilespmem:$0x95D0] =	vst v58;
	vm4 =	vlt.s32 v32, v1;
	v3 =	vnsel vm0, $0x800000, v59;
	v25 =	vnsel vm1, $0x800000, v61  }
0xe8: {  	v35 =	vld [tilespmem:$0x86E0];
	[tilespmem:$0x95E0] =	vst v9;
	v27 =	vnsel vm10, $0x800000, v62;
	vm0 =	vmand vm11, vm12;
	vm1 =	vmand vm13, vm14  }
0xe9: {  	v38 =	vld [tilespmem:$0x86F0];
	[tilespmem:$0x95F0] =	vst v60;
	vm7 =	vmand vm15, vm6;
	vm10 =	vge.s32 v28, v0;
	vm11 =	vlt.s32 v28, v1  }
0xea: {  	v39 =	vld [tilespmem:$0x8700];
	[tilespmem:$0x9600] =	vst v63;
	vm12 =	vge.s32 v29, v0;
	vm13 =	vlt.s32 v29, v1;
	vm15 =	vge.s32 v32, v0  }
0xeb: {  	[tilespmem:$0x9610] =	vst v21;
	vm5 =	vge.s32 v34, v0;
	vm6 =	vlt.s32 v34, v1;
	v30 =	vnsel vm0, $0x800000, v22  }
0xec: {  	v40 =	vld [tilespmem:$0x8710];
	[tilespmem:$0x9620] =	vst v6;
	v31 =	vnsel vm1, $0x800000, v23;
	v33 =	vnsel vm7, $0x800000, v24;
	vm0 =	vmand vm8, vm9  }
0xed: {  	v43 =	vld [tilespmem:$0x8720];
	vm1 =	vmand vm10, vm11;
	vm14 =	vmand vm12, vm13;
	[tilespmem:$0x9630] =	vst v3;
	vm7 =	vge.s32 v35, v0  }
0xee: {  	v48 =	vld [tilespmem:$0x8760];
	[tilespmem:$0x9640] =	vst v25;
	vm8 =	vlt.s32 v35, v1;
	vm10 =	vge.s32 v38, v0;
	vm11 =	vlt.s32 v38, v1  }
0xef: {  	[tilespmem:$0x9650] =	vst v27;
	vm12 =	vge.s32 v39, v0;
	vm13 =	vlt.s32 v39, v1;
	v36 =	vnsel vm0, $0x800000, v26  }
0xf0: {  	v44 =	vld [tilespmem:$0x8730];
	v37 =	vnsel vm1, $0x800000, v28;
	v3 =	vnsel vm14, $0x800000, v29;
	vm0 =	vmand vm15, vm4;
	[tilespmem:$0x9660] =	vst v30  }
0xf1: {  	v45 =	vld [tilespmem:$0x8740];
	vm1 =	vmand vm5, vm6;
	vm9 =	vmand vm7, vm8;
	[tilespmem:$0x9670] =	vst v31;
	vm14 =	vge.s32 v40, v0  }
0xf2: {  	v47 =	vld [tilespmem:$0x8750];
	[tilespmem:$0x9680] =	vst v33;
	vm15 =	vlt.s32 v40, v1;
	vm7 =	vge.s32 v43, v0;
	vm8 =	vlt.s32 v43, v1  }
0xf3: {  	vm4 =	vge.s32 v48, v0;
	vm5 =	vlt.s32 v48, v1;
	v41 =	vnsel vm0, $0x800000, v32;
	[tilespmem:$0x9690] =	vst v36  }
0xf4: {  	v49 =	vld [tilespmem:$0x8770];
	v42 =	vnsel vm1, $0x800000, v34;
	v8 =	vnsel vm9, $0x800000, v35;
	vm0 =	vmand vm10, vm11;
	[tilespmem:$0x96A0] =	vst v37  }
0xf5: {  	v52 =	vld [tilespmem:$0x8780];
	vm1 =	vmand vm12, vm13;
	vm6 =	vmand vm14, vm15;
	[tilespmem:$0x96B0] =	vst v3;
	vm9 =	vge.s32 v44, v0  }
0xf6: {  	v53 =	vld [tilespmem:$0x8790];
	vm10 =	vlt.s32 v44, v1;
	vm11 =	vge.s32 v45, v0;
	vm12 =	vlt.s32 v45, v1;
	[tilespmem:$0x96C0] =	vst v41  }
0xf7: {  	vm14 =	vge.s32 v47, v0;
	vm15 =	vlt.s32 v47, v1;
	v46 =	vnsel vm0, $0x800000, v38;
	[tilespmem:$0x96D0] =	vst v42  }
0xf8: {  	v54 =	vld [tilespmem:$0x87A0];
	v12 =	vnsel vm1, $0x800000, v39;
	v3 =	vnsel vm6, $0x800000, v40;
	vm0 =	vmand vm7, vm8;
	[tilespmem:$0x96E0] =	vst v8  }
0xf9: {  	v55 =	vld [tilespmem:$0x87B0];
	vm1 =	vmand vm9, vm10;
	vm13 =	vmand vm11, vm12;
	vm6 =	vge.s32 v49, v0;
	[tilespmem:$0x96F0] =	vst v46  }
0xfa: {  	v56 =	vld [tilespmem:$0x87C0];
	vm7 =	vlt.s32 v49, v1;
	vm9 =	vge.s32 v52, v0;
	vm10 =	vlt.s32 v52, v1;
	[tilespmem:$0x9700] =	vst v12  }
0xfb: {  	vm11 =	vge.s32 v53, v0;
	vm12 =	vlt.s32 v53, v1;
	v50 =	vnsel vm0, $0x800000, v43;
	[tilespmem:$0x9710] =	vst v3  }
0xfc: {  	v51 =	vnsel vm1, $0x800000, v44;
	v4 =	vnsel vm13, $0x800000, v45;
	vm0 =	vmand vm14, vm15;
	[tilespmem:$0x9720] =	vst v50  }
0xfd: {  	v57 =	vld [tilespmem:$0x87D0];
	vm1 =	vmand vm4, vm5;
	vm8 =	vmand vm6, vm7;
	vm13 =	vge.s32 v54, v0;
	[tilespmem:$0x9730] =	vst v51  }
0xfe: {  	v59 =	vld [tilespmem:$0x87E0];
	vm14 =	vlt.s32 v54, v1;
	vm4 =	vge.s32 v55, v0;
	v3 =	vnsel vm0, $0x800000, v47;
	[tilespmem:$0x9740] =	vst v4  }
0xff: {  	vm5 =	vlt.s32 v55, v1;
	vm6 =	vge.s32 v56, v0;
	v5 =	vnsel vm1, $0x800000, v48;
	[tilespmem:$0x9750] =	vst v3  }
0x100: {  	v61 =	vld [tilespmem:$0x87F0];
	vm7 =	vlt.s32 v56, v1;
	v7 =	vnsel vm8, $0x800000, v49;
	vm0 =	vmand vm9, vm10;
	[tilespmem:$0x9760] =	vst v5  }
0x101: {  	vm1 =	vmand vm11, vm12;
	vm15 =	vmand vm13, vm14;
	v3 =	vnsel vm0, $0x800000, v52;
	[tilespmem:$0x9770] =	vst v7  }
0x102: {  	vm8 =	vge.s32 v57, v0;
	vm9 =	vlt.s32 v57, v1;
	v58 =	vnsel vm1, $0x800000, v53;
	[tilespmem:$0x9780] =	vst v3  }
0x103: {  	vm11 =	vge.s32 v59, v0;
	v60 =	vnsel vm15, $0x800000, v54;
	vm0 =	vmand vm4, vm5;
	[tilespmem:$0x9790] =	vst v58  }
0x104: {  	vm12 =	vlt.s32 v59, v1;
	vm1 =	vmand vm6, vm7;
	v3 =	vnsel vm0, $0x800000, v55;
	[tilespmem:$0x97A0] =	vst v60  }
0x105: {  	vm13 =	vge.s32 v61, v0;
	vm10 =	vmand vm8, vm9;
	v62 =	vnsel vm1, $0x800000, v56;
	[tilespmem:$0x97B0] =	vst v3  }
0x106: {  	vm14 =	vlt.s32 v61, v1;
	vm0 =	vmand vm11, vm12;
	v3 =	vnsel vm10, $0x800000, v57;
	[tilespmem:$0x97C0] =	vst v62  }
0x107: {  	vm15 =	vmand vm13, vm14;
	v63 =	vnsel vm0, $0x800000, v59;
	[tilespmem:$0x97D0] =	vst v3  }
0x108: {  	p0 =	sne.s32 s24, $0x1;
	[tilespmem:$0x97E0] =	vst v63;
	v3 =	vnsel vm15, $0x800000, v61  }
.Ltmp4:
0x109: {  	[tilespmem:$0x97F0] =	vst v3;
	(pc) =	sbr.rel @p0 .LBB2_4-.Ltmp4, $4  }
0x10a: {  	[hbm4b:s4+s20] =	stream.indirect.scatter [tilespmem:s19], [sflag:$0x1], $0x1, s21, s20, $0xb8;
	[tilespmem:$0x9880] =	vst v63  }
0x10b: {  	_ =	swait.ge [sflag:s17], $0x800  }
0x10c: {  	[sflag:s17] =	ssyncset.done $0x0  }
0x10d: {  	s23 =	sadd.s32 $0x800, s23;
	s24 =	sadd.s32 $0xFFFFFFFF, s24;
	[sflag:s17] =	ssyncadd.s32 $0xFFFFF800  }
.Ltmp5:
0x10e: {  	_ = 	snop;
	(pc) =	sbr.rel .LBB2_5-.Ltmp5, $1  }
0x10f: {  	_ =	sdelay $0x3  }
.LBB2_6:
0x110: {  	_ =	sfence.sel $0x180000  }
0x111: {  	[bflag:$0x0] =	sbarrier.arrive $0xFFFF  }
0x112: {  	p0 =	sne.s32 s0, $0x0;
	_ =	strace $0x90000047  }
0x113: {  	s0 =	sadd.s32 @!p0 $0x100000, s3;
	[bflag:$0x2] =	sbarrier.arrive $0xFFFF  }
0x114: {  	[sflag:s0] =	ssyncadd.tile.s32 @!p0 $0x1;
	_ =	shalt  }
.Lfunc_end2:
_tile_overlayer_lowered:
.L_overlay_start_2:
0x115: {  	(tag) =	ssettag $0x2  }
0x116: {  	s0 =	rddreg [dreg:$0x0];
	s2 =	stileid.u32  }
0x117: {  	s1 =	rddreg [dreg:$0x1];
	p0 =	sne.s32 s2, $0x0  }
0x118: {  	s3 =	rddreg [dreg:$0x2];
	[bflag:$0x3] =	sbarrier.arrive $0xFFFF;
	s2 =	simm.s32 @!p0 $0x1C01  }
0x119: {  	[timem:s3], [sflag:s2] =	dma.local @!p0 [hbm:s0], s1  }
0x11a: {  	s0 =	simm.s32 @!p0 $0x1  }
0x11b: {  	_ =	swait.ge @!p0 [sflag:s0], s1  }
0x11c: {  	s1 =	ssub.s32 @!p0 $0x0, s1;
	[sflag:s0] =	ssyncset.done @!p0 $0x0  }
0x11d: {  	[sflag:s0] =	ssyncadd.s32 @!p0 s1  }
0x11e: {  	[bflag:$0x3] =	sbarrier.arrive $0xFFFF  }
0x11f: {  	_ =	shalt  }

</sc_bundles>
